<compile_context>
chip_gen: v7x
topology: tpu7x:2x2x1
jax: 0.10.2.dev20260603
libtpu: 0.0.44.dev20260713+nightly
codegen_flags: <defaults>
</compile_context>

<pallas_src>
import jax
import jax.numpy as jnp
from jax import lax
from jax.experimental import pallas as pl
from jax.experimental.pallas import tpu as pltpu
from jax.experimental.pallas import tpu_sc as plsc

_BINWIDTHS = (100, 200, 500, 1000, 2000, 5000)
_CUMSTARTS = (0, 2001, 3002, 3403, 3604, 3705)
_NBINS_TOTAL = 3746
_N_REGIONS = 64
_N_EMB = 100
_N_FRAG = 32768
_N_SLOT = 16

_N_TILES = 32
_FRAGS_PER_TILE = _N_FRAG // _N_TILES
_CHUNK = 16
_N_CHUNK = _FRAGS_PER_TILE // _CHUNK
_ROWS_PER_CHUNK = 24 * _CHUNK

_ROW_PAD = 128

_OFFS = (0, 16, 32, 48, 64, 80, 84)


def _body(w2, coords_t, ipad, regs, out, coords0_vm, coords1_vm, ip_vm,
          reg_vm, idx_a, idx_b, alpha_a, alpha_b, rows_a, rows_b, ostage_a,
          ostage_b, sem_a, sem_b, sem_oa, sem_ob):
    wid = lax.axis_index("s") * 2 + lax.axis_index("c")
    tb = wid * _FRAGS_PER_TILE

    pltpu.sync_copy(coords_t.at[0, pl.ds(tb, _FRAGS_PER_TILE)], coords0_vm)
    pltpu.sync_copy(coords_t.at[1, pl.ds(tb, _FRAGS_PER_TILE)], coords1_vm)
    pltpu.sync_copy(ipad, ip_vm)
    pltpu.sync_copy(regs, reg_vm)

    iota = lax.iota(jnp.int32, 16)

    def phase1(n, idx_vm, alpha_vm):
        fv = tb + n * _CHUNK + iota
        s = jnp.zeros((16,), jnp.int32)
        for j in range(1, 17):
            bj = plsc.load_gather(ip_vm, [jnp.full((16,), j, jnp.int32)])
            s = s + (fv >= bj).astype(jnp.int32)
        slot = jnp.clip(s, 0, _N_SLOT - 1)
        reg = plsc.load_gather(reg_vm, [slot])
        base = reg * _NBINS_TOTAL
        for c in range(2):
            cvm = coords0_vm if c == 0 else coords1_vm
            cv = cvm[pl.ds(n * _CHUNK, _CHUNK)]
            u = jnp.clip(cv, -100000, 99999) + 100000
            for b in range(6):
                bw = _BINWIDTHS[b]
                k = b * 2 + c
                q = lax.div(u, jnp.int32(bw))
                cum0 = jnp.clip(q + _CUMSTARTS[b], 0, _NBINS_TOTAL - 1)
                cum1 = jnp.minimum(cum0 + 1, _NBINS_TOTAL - 1)
                idx_vm[pl.ds(32 * k, 16)] = base + cum0
                idx_vm[pl.ds(32 * k + 16, 16)] = base + cum1
                rem = u - q * jnp.int32(bw)
                alpha_vm[pl.ds(k * 16, 16)] = (
                    rem.astype(jnp.float32) * jnp.float32(1.0 / bw))

    def issue(idx_vm, rows_vm, sem):
        for j in range(3):
            pltpu.async_copy(w2.at[idx_vm.at[pl.ds(j * 128, 128)]],
                             rows_vm.at[pl.ds(j * 128, 128)], sem)

    def drain(idx_vm, rows_vm, sem):
        for j in range(3):
            pltpu.make_async_copy(w2.at[idx_vm.at[pl.ds(j * 128, 128)]],
                                  rows_vm.at[pl.ds(j * 128, 128)],
                                  sem).wait()

    def out_ref(n):
        return out.at[pl.ds((tb + n * _CHUNK) * _N_EMB, _CHUNK * _N_EMB)]

    def phase3(n, alpha_vm, rows_vm, ostage_vm, osem):
        def fbody(f, carry):
            af = plsc.load_gather(alpha_vm, [f + 16 * iota])
            accs = None
            for k in range(12):
                a = af.at[jnp.full((16,), k, jnp.int32)].get(
                    mode="promise_in_bounds")
                r0 = 32 * k + f
                r1 = r0 + 16
                news = []
                for v, off in enumerate(_OFFS):
                    w0 = rows_vm[r0, pl.ds(off, 16)]
                    w1 = rows_vm[r1, pl.ds(off, 16)]
                    t = (w1 - w0) * a + w0
                    news.append(t if accs is None else accs[v] + t)
                accs = news
            for v, off in enumerate(_OFFS):
                ostage_vm[pl.ds(f * _N_EMB + off, 16)] = accs[v]
            return carry

        lax.fori_loop(0, _CHUNK, fbody, 0, unroll=False)
        pltpu.async_copy(ostage_vm, out_ref(n), osem)

    def odrain(n, ostage_vm, osem):
        pltpu.make_async_copy(ostage_vm, out_ref(n), osem).wait()

    phase1(0, idx_a, alpha_a)
    issue(idx_a, rows_a, sem_a)

    def pair(i, carry):
        n0 = 2 * i
        phase1(n0 + 1, idx_b, alpha_b)
        issue(idx_b, rows_b, sem_b)
        drain(idx_a, rows_a, sem_a)

        @pl.when(i > 0)
        def _():
            odrain(n0 - 2, ostage_a, sem_oa)

        phase3(n0, alpha_a, rows_a, ostage_a, sem_oa)

        @pl.when(i < _N_CHUNK // 2 - 1)
        def _():
            phase1(n0 + 2, idx_a, alpha_a)
            issue(idx_a, rows_a, sem_a)

        drain(idx_b, rows_b, sem_b)

        @pl.when(i > 0)
        def _():
            odrain(n0 - 1, ostage_b, sem_ob)

        phase3(n0 + 1, alpha_b, rows_b, ostage_b, sem_ob)
        return carry

    lax.fori_loop(0, _N_CHUNK // 2, pair, 0, unroll=False)
    odrain(_N_CHUNK - 2, ostage_a, sem_oa)
    odrain(_N_CHUNK - 1, ostage_b, sem_ob)


def kernel(coordinates, indptr, regions_oi, W):
    coords_t = coordinates.T
    w2 = jnp.pad(W.reshape(_N_REGIONS * _NBINS_TOTAL, _N_EMB),
                 ((0, 0), (0, _ROW_PAD - _N_EMB)))
    ipad = jnp.concatenate(
        [indptr.astype(jnp.int32), jnp.zeros((7,), jnp.int32)])
    mesh = plsc.VectorSubcoreMesh(core_axis_name="c", subcore_axis_name="s",
                                  num_cores=2, num_subcores=16)
    run = pl.kernel(
        _body,
        out_type=jax.ShapeDtypeStruct((_N_FRAG * _N_EMB,), jnp.float32),
        mesh=mesh,
        compiler_params=pltpu.CompilerParams(needs_layout_passes=False,
                                             use_tc_tiling_on_sc=True),
        scratch_types=[
            pltpu.VMEM((_FRAGS_PER_TILE,), jnp.int32),
            pltpu.VMEM((_FRAGS_PER_TILE,), jnp.int32),
            pltpu.VMEM((24,), jnp.int32),
            pltpu.VMEM((16,), jnp.int32),
            pltpu.VMEM((_ROWS_PER_CHUNK,), jnp.int32),
            pltpu.VMEM((_ROWS_PER_CHUNK,), jnp.int32),
            pltpu.VMEM((256,), jnp.float32),
            pltpu.VMEM((256,), jnp.float32),
            pltpu.VMEM((_ROWS_PER_CHUNK, _ROW_PAD), jnp.float32),
            pltpu.VMEM((_ROWS_PER_CHUNK, _ROW_PAD), jnp.float32),
            pltpu.VMEM((_CHUNK * _N_EMB,), jnp.float32),
            pltpu.VMEM((_CHUNK * _N_EMB,), jnp.float32),
            pltpu.SemaphoreType.DMA,
            pltpu.SemaphoreType.DMA,
            pltpu.SemaphoreType.DMA,
            pltpu.SemaphoreType.DMA,
        ],
    )
    out = run(w2, coords_t, ipad, regions_oi)
    return out.reshape(_N_FRAG, _N_EMB)

# --- scband reference (transcript-rebuilt; emitter-appended) ---
"""Pipeline reference for scband-multi-spline-binary-encoding-84645215469599 (READ-ONLY COPY).

The authoritative reference and input builder live on the scoring server;
editing this copy changes nothing except your own understanding.
"""

import jax, jax.numpy as jnp
import numpy as np

BINWIDTHS = np.array([100, 200, 500, 1000, 2000, 5000], dtype=np.int32)
WINDOW = (-100000, 100000)
BINSHIFTS = (WINDOW[0] // BINWIDTHS).astype(np.int32)
NBINS = ((WINDOW[1] - WINDOW[0]) // BINWIDTHS + 1).astype(np.int32)
BINCUMSTARTS = np.concatenate([[0], np.cumsum(NBINS)[:-1]]).astype(np.int32)
NBINS_TOTAL = int(NBINS.sum())  # 3746
N_REGIONS = 64
N_EMB = 100
N_FRAGMENTS = 32768
B_REGIONS = 16


def setup_inputs(seed: int = 0) -> dict:
    key = jax.random.key(seed)
    k1, k2, k3, k4 = jax.random.split(key, 4)
    coordinates = jax.random.randint(k1, (N_FRAGMENTS, 2), WINDOW[0], WINDOW[1], dtype=jnp.int32)
    inner = jnp.sort(jax.random.randint(k2, (B_REGIONS - 1,), 0, N_FRAGMENTS + 1, dtype=jnp.int32))
    indptr = jnp.concatenate([jnp.zeros((1,), jnp.int32), inner, jnp.full((1,), N_FRAGMENTS, jnp.int32)])
    regions_oi = jax.random.randint(k3, (B_REGIONS,), 0, N_REGIONS, dtype=jnp.int32)
    W = jax.random.normal(k4, (N_REGIONS, NBINS_TOTAL, N_EMB), dtype=jnp.float32) * 0.02
    return {"coordinates": coordinates, "indptr": indptr, "regions_oi": regions_oi, "W": W}


def _forward(W, coordinates, indptr, regions_oi):
    bw = jnp.asarray(BINWIDTHS)
    shifts = jnp.asarray(BINSHIFTS)
    cumstarts = jnp.asarray(BINCUMSTARTS)
    coords = jnp.clip(coordinates, WINDOW[0], WINDOW[1] - 1)
    # cumidxs: [N, 6, 2] int; alphas: [N, 6, 2] float
    cumidxs = (coords[None, :, :] // bw[:, None, None]
               - shifts[:, None, None]
               + cumstarts[:, None, None]).transpose(1, 0, 2)
    alphas = ((coords[None, :, :] % bw[:, None, None]) / bw[:, None, None]).astype(jnp.float32).transpose(1, 0, 2)
    frag_ids = jnp.arange(N_FRAGMENTS, dtype=jnp.int32)
    slot = jnp.searchsorted(indptr, frag_ids, side='right') - 1
    slot = jnp.clip(slot, 0, regions_oi.shape[0] - 1)
    ix = jnp.take(regions_oi, slot)
    w0 = W[ix[:, None, None], jnp.clip(cumidxs, 0, NBINS_TOTAL - 1), :]
    w1 = W[ix[:, None, None], jnp.clip(cumidxs + 1, 0, NBINS_TOTAL - 1), :]
    out = jnp.einsum('fbcd,fbc->fd', w0, 1.0 - alphas) + jnp.einsum('fbcd,fbc->fd', w1, alphas)
    return out


def reference(coordinates, indptr, regions_oi, W):
    return _forward(W, coordinates, indptr, regions_oi)

if __name__ == "__main__":
    import jax
    _d = setup_inputs()
    print(jax.jit(kernel)(*tuple(_d.values())))

</pallas_src>

<mosaic_0001>
#map = affine_map<(d0, d1) -> (0, 0)>
#map1 = affine_map<(d0, d1) -> (0)>
module attributes {stable_mosaic.version = 14 : i64} {
  func.func @_body(%arg0: i32, %arg1: i32, %arg2: memref<239744x128xf32, #tpu.memory_space<hbm>>, %arg3: memref<2x32768xi32, #tpu.memory_space<hbm>>, %arg4: memref<24xi32, #tpu.memory_space<hbm>>, %arg5: memref<16xi32, #tpu.memory_space<hbm>>, %arg6: memref<3276800xf32, #tpu.memory_space<hbm>>, %arg7: memref<1024xi32, #tpu.memory_space<vmem>>, %arg8: memref<1024xi32, #tpu.memory_space<vmem>>, %arg9: memref<24xi32, #tpu.memory_space<vmem>>, %arg10: memref<16xi32, #tpu.memory_space<vmem>>, %arg11: memref<384xi32, #tpu.memory_space<vmem>>, %arg12: memref<384xi32, #tpu.memory_space<vmem>>, %arg13: memref<256xf32, #tpu.memory_space<vmem>>, %arg14: memref<256xf32, #tpu.memory_space<vmem>>, %arg15: memref<384x128xf32, #tpu.memory_space<vmem>>, %arg16: memref<384x128xf32, #tpu.memory_space<vmem>>, %arg17: memref<1600xf32, #tpu.memory_space<vmem>>, %arg18: memref<1600xf32, #tpu.memory_space<vmem>>, %arg19: memref<!tpu.dma_semaphore, #tpu.memory_space<semaphore_mem>>, %arg20: memref<!tpu.dma_semaphore, #tpu.memory_space<semaphore_mem>>, %arg21: memref<!tpu.dma_semaphore, #tpu.memory_space<semaphore_mem>>, %arg22: memref<!tpu.dma_semaphore, #tpu.memory_space<semaphore_mem>>) attributes {dimension_semantics = [#tpu.dimension_semantics<core_parallel>, #tpu.dimension_semantics<subcore_parallel>], iteration_bounds = array<i64: 2, 16>, scalar_prefetch = 0 : i64, scratch_operands = 16 : i64, tpu.core_type = #tpu.core_type<sc_vector_subcore>, window_params = [{transform_indices = #map}, {transform_indices = #map}, {transform_indices = #map1}, {transform_indices = #map1}, {transform_indices = #map1}]} {
    %mul3A = arith.constant 2 : i32
    %mul3A_0 = arith.muli %arg1, %mul3A : i32
    %add3A = arith.addi %mul3A_0, %arg0 : i32
    %mul3A_1 = arith.constant 1024 : i32
    %mul3A_2 = arith.muli %add3A, %mul3A_1 : i32
    %run_scoped3A = arith.constant 0 : i32
    "tpu.region"() ({
      %run_scoped3A_574 = tpu.sem_alloc : memref<!tpu.dma_semaphore, #tpu.memory_space<semaphore_mem>>
      %dma_start3A_575 = tpu.memref_slice %arg3[%run_scoped3A, %mul3A_2] : memref<2x32768xi32, #tpu.memory_space<hbm>> -> memref<1x1024xi32, #tpu.memory_space<hbm>>
      %dma_start3A_576 = tpu.memref_squeeze %dma_start3A_575 : memref<1x1024xi32, #tpu.memory_space<hbm>> -> memref<1024xi32, #tpu.memory_space<hbm>>
      %dma_start3A_577 = tpu.memref_slice %arg3[%run_scoped3A, %mul3A_2] : memref<2x32768xi32, #tpu.memory_space<hbm>> -> memref<1x1024xi32, #tpu.memory_space<hbm>>
      %dma_start3A_578 = tpu.memref_squeeze %dma_start3A_577 : memref<1x1024xi32, #tpu.memory_space<hbm>> -> memref<1024xi32, #tpu.memory_space<hbm>>
      tpu.enqueue_dma source(%dma_start3A_578 : memref<1024xi32, #tpu.memory_space<hbm>>) target(%arg7 : memref<1024xi32, #tpu.memory_space<vmem>>) target_semaphore(%run_scoped3A_574 : memref<!tpu.dma_semaphore, #tpu.memory_space<semaphore_mem>>)
      %dma_wait3A_579 = tpu.memref_slice %arg3[%run_scoped3A, %mul3A_2] : memref<2x32768xi32, #tpu.memory_space<hbm>> -> memref<1x1024xi32, #tpu.memory_space<hbm>>
      %dma_wait3A_580 = tpu.memref_squeeze %dma_wait3A_579 : memref<1x1024xi32, #tpu.memory_space<hbm>> -> memref<1024xi32, #tpu.memory_space<hbm>>
      %dma_wait3A_581 = tpu.memref_slice %arg3[%run_scoped3A, %mul3A_2] : memref<2x32768xi32, #tpu.memory_space<hbm>> -> memref<1x1024xi32, #tpu.memory_space<hbm>>
      %dma_wait3A_582 = tpu.memref_squeeze %dma_wait3A_581 : memref<1x1024xi32, #tpu.memory_space<hbm>> -> memref<1024xi32, #tpu.memory_space<hbm>>
      tpu.wait_dma2 semaphore(%run_scoped3A_574 : memref<!tpu.dma_semaphore, #tpu.memory_space<semaphore_mem>>) src(%dma_wait3A_582 : memref<1024xi32, #tpu.memory_space<hbm>>) dst(%arg7 : memref<1024xi32, #tpu.memory_space<vmem>>)
      tpu.yield
    }) : () -> ()
    %run_scoped3A_3 = arith.constant 1 : i32
    "tpu.region"() ({
      %run_scoped3A_574 = tpu.sem_alloc : memref<!tpu.dma_semaphore, #tpu.memory_space<semaphore_mem>>
      %dma_start3A_575 = tpu.memref_slice %arg3[%run_scoped3A_3, %mul3A_2] : memref<2x32768xi32, #tpu.memory_space<hbm>> -> memref<1x1024xi32, #tpu.memory_space<hbm>>
      %dma_start3A_576 = tpu.memref_squeeze %dma_start3A_575 : memref<1x1024xi32, #tpu.memory_space<hbm>> -> memref<1024xi32, #tpu.memory_space<hbm>>
      %dma_start3A_577 = tpu.memref_slice %arg3[%run_scoped3A_3, %mul3A_2] : memref<2x32768xi32, #tpu.memory_space<hbm>> -> memref<1x1024xi32, #tpu.memory_space<hbm>>
      %dma_start3A_578 = tpu.memref_squeeze %dma_start3A_577 : memref<1x1024xi32, #tpu.memory_space<hbm>> -> memref<1024xi32, #tpu.memory_space<hbm>>
      tpu.enqueue_dma source(%dma_start3A_578 : memref<1024xi32, #tpu.memory_space<hbm>>) target(%arg8 : memref<1024xi32, #tpu.memory_space<vmem>>) target_semaphore(%run_scoped3A_574 : memref<!tpu.dma_semaphore, #tpu.memory_space<semaphore_mem>>)
      %dma_wait3A_579 = tpu.memref_slice %arg3[%run_scoped3A_3, %mul3A_2] : memref<2x32768xi32, #tpu.memory_space<hbm>> -> memref<1x1024xi32, #tpu.memory_space<hbm>>
      %dma_wait3A_580 = tpu.memref_squeeze %dma_wait3A_579 : memref<1x1024xi32, #tpu.memory_space<hbm>> -> memref<1024xi32, #tpu.memory_space<hbm>>
      %dma_wait3A_581 = tpu.memref_slice %arg3[%run_scoped3A_3, %mul3A_2] : memref<2x32768xi32, #tpu.memory_space<hbm>> -> memref<1x1024xi32, #tpu.memory_space<hbm>>
      %dma_wait3A_582 = tpu.memref_squeeze %dma_wait3A_581 : memref<1x1024xi32, #tpu.memory_space<hbm>> -> memref<1024xi32, #tpu.memory_space<hbm>>
      tpu.wait_dma2 semaphore(%run_scoped3A_574 : memref<!tpu.dma_semaphore, #tpu.memory_space<semaphore_mem>>) src(%dma_wait3A_582 : memref<1024xi32, #tpu.memory_space<hbm>>) dst(%arg8 : memref<1024xi32, #tpu.memory_space<vmem>>)
      tpu.yield
    }) : () -> ()
    "tpu.region"() ({
      %run_scoped3A_574 = tpu.sem_alloc : memref<!tpu.dma_semaphore, #tpu.memory_space<semaphore_mem>>
      tpu.enqueue_dma source(%arg4 : memref<24xi32, #tpu.memory_space<hbm>>) target(%arg9 : memref<24xi32, #tpu.memory_space<vmem>>) target_semaphore(%run_scoped3A_574 : memref<!tpu.dma_semaphore, #tpu.memory_space<semaphore_mem>>)
      tpu.wait_dma2 semaphore(%run_scoped3A_574 : memref<!tpu.dma_semaphore, #tpu.memory_space<semaphore_mem>>) src(%arg4 : memref<24xi32, #tpu.memory_space<hbm>>) dst(%arg9 : memref<24xi32, #tpu.memory_space<vmem>>)
      tpu.yield
    }) : () -> ()
    "tpu.region"() ({
      %run_scoped3A_574 = tpu.sem_alloc : memref<!tpu.dma_semaphore, #tpu.memory_space<semaphore_mem>>
      tpu.enqueue_dma source(%arg5 : memref<16xi32, #tpu.memory_space<hbm>>) target(%arg10 : memref<16xi32, #tpu.memory_space<vmem>>) target_semaphore(%run_scoped3A_574 : memref<!tpu.dma_semaphore, #tpu.memory_space<semaphore_mem>>)
      tpu.wait_dma2 semaphore(%run_scoped3A_574 : memref<!tpu.dma_semaphore, #tpu.memory_space<semaphore_mem>>) src(%arg5 : memref<16xi32, #tpu.memory_space<hbm>>) dst(%arg10 : memref<16xi32, #tpu.memory_space<vmem>>)
      tpu.yield
    }) : () -> ()
    %iota3A = tpu.iota {dimensions = array<i32: 0>} : vector<16xi32>
    %add3A_4 = arith.constant 0 : i32
    %add3A_5 = arith.addi %mul3A_2, %add3A_4 : i32
    %add3A_6 = vector.broadcast %add3A_5 : i32 to vector<16xi32>
    %add3A_7 = arith.addi %add3A_6, %iota3A : vector<16xi32>
    %broadcast_in_dim3A = arith.constant 0 : i32
    %broadcast_in_dim3A_8 = vector.broadcast %broadcast_in_dim3A : i32 to vector<16xi32>
    %broadcast_in_dim3A_9 = arith.constant 1 : i32
    %broadcast_in_dim3A_10 = vector.broadcast %broadcast_in_dim3A_9 : i32 to vector<16xi32>
    %gather3A = tpu.vector_load_idx %arg9[%broadcast_in_dim3A_10] : memref<24xi32, #tpu.memory_space<vmem>>[vector<16xi32>], vector<16xi32>,
    %ge3A = arith.cmpi sge, %add3A_7, %gather3A : vector<16xi32>
    %convert_element_type3A = arith.extui %ge3A : vector<16xi1> to vector<16xi32>
    %add3A_11 = arith.addi %broadcast_in_dim3A_8, %convert_element_type3A : vector<16xi32>
    %broadcast_in_dim3A_12 = arith.constant 2 : i32
    %broadcast_in_dim3A_13 = vector.broadcast %broadcast_in_dim3A_12 : i32 to vector<16xi32>
    %gather3A_14 = tpu.vector_load_idx %arg9[%broadcast_in_dim3A_13] : memref<24xi32, #tpu.memory_space<vmem>>[vector<16xi32>], vector<16xi32>,
    %ge3A_15 = arith.cmpi sge, %add3A_7, %gather3A_14 : vector<16xi32>
    %convert_element_type3A_16 = arith.extui %ge3A_15 : vector<16xi1> to vector<16xi32>
    %add3A_17 = arith.addi %add3A_11, %convert_element_type3A_16 : vector<16xi32>
    %broadcast_in_dim3A_18 = arith.constant 3 : i32
    %broadcast_in_dim3A_19 = vector.broadcast %broadcast_in_dim3A_18 : i32 to vector<16xi32>
    %gather3A_20 = tpu.vector_load_idx %arg9[%broadcast_in_dim3A_19] : memref<24xi32, #tpu.memory_space<vmem>>[vector<16xi32>], vector<16xi32>,
    %ge3A_21 = arith.cmpi sge, %add3A_7, %gather3A_20 : vector<16xi32>
    %convert_element_type3A_22 = arith.extui %ge3A_21 : vector<16xi1> to vector<16xi32>
    %add3A_23 = arith.addi %add3A_17, %convert_element_type3A_22 : vector<16xi32>
    %broadcast_in_dim3A_24 = arith.constant 4 : i32
    %broadcast_in_dim3A_25 = vector.broadcast %broadcast_in_dim3A_24 : i32 to vector<16xi32>
    %gather3A_26 = tpu.vector_load_idx %arg9[%broadcast_in_dim3A_25] : memref<24xi32, #tpu.memory_space<vmem>>[vector<16xi32>], vector<16xi32>,
    %ge3A_27 = arith.cmpi sge, %add3A_7, %gather3A_26 : vector<16xi32>
    %convert_element_type3A_28 = arith.extui %ge3A_27 : vector<16xi1> to vector<16xi32>
    %add3A_29 = arith.addi %add3A_23, %convert_element_type3A_28 : vector<16xi32>
    %broadcast_in_dim3A_30 = arith.constant 5 : i32
    %broadcast_in_dim3A_31 = vector.broadcast %broadcast_in_dim3A_30 : i32 to vector<16xi32>
    %gather3A_32 = tpu.vector_load_idx %arg9[%broadcast_in_dim3A_31] : memref<24xi32, #tpu.memory_space<vmem>>[vector<16xi32>], vector<16xi32>,
    %ge3A_33 = arith.cmpi sge, %add3A_7, %gather3A_32 : vector<16xi32>
    %convert_element_type3A_34 = arith.extui %ge3A_33 : vector<16xi1> to vector<16xi32>
    %add3A_35 = arith.addi %add3A_29, %convert_element_type3A_34 : vector<16xi32>
    %broadcast_in_dim3A_36 = arith.constant 6 : i32
    %broadcast_in_dim3A_37 = vector.broadcast %broadcast_in_dim3A_36 : i32 to vector<16xi32>
    %gather3A_38 = tpu.vector_load_idx %arg9[%broadcast_in_dim3A_37] : memref<24xi32, #tpu.memory_space<vmem>>[vector<16xi32>], vector<16xi32>,
    %ge3A_39 = arith.cmpi sge, %add3A_7, %gather3A_38 : vector<16xi32>
    %convert_element_type3A_40 = arith.extui %ge3A_39 : vector<16xi1> to vector<16xi32>
    %add3A_41 = arith.addi %add3A_35, %convert_element_type3A_40 : vector<16xi32>
    %broadcast_in_dim3A_42 = arith.constant 7 : i32
    %broadcast_in_dim3A_43 = vector.broadcast %broadcast_in_dim3A_42 : i32 to vector<16xi32>
    %gather3A_44 = tpu.vector_load_idx %arg9[%broadcast_in_dim3A_43] : memref<24xi32, #tpu.memory_space<vmem>>[vector<16xi32>], vector<16xi32>,
    %ge3A_45 = arith.cmpi sge, %add3A_7, %gather3A_44 : vector<16xi32>
    %convert_element_type3A_46 = arith.extui %ge3A_45 : vector<16xi1> to vector<16xi32>
    %add3A_47 = arith.addi %add3A_41, %convert_element_type3A_46 : vector<16xi32>
    %broadcast_in_dim3A_48 = arith.constant 8 : i32
    %broadcast_in_dim3A_49 = vector.broadcast %broadcast_in_dim3A_48 : i32 to vector<16xi32>
    %gather3A_50 = tpu.vector_load_idx %arg9[%broadcast_in_dim3A_49] : memref<24xi32, #tpu.memory_space<vmem>>[vector<16xi32>], vector<16xi32>,
    %ge3A_51 = arith.cmpi sge, %add3A_7, %gather3A_50 : vector<16xi32>
    %convert_element_type3A_52 = arith.extui %ge3A_51 : vector<16xi1> to vector<16xi32>
    %add3A_53 = arith.addi %add3A_47, %convert_element_type3A_52 : vector<16xi32>
    %broadcast_in_dim3A_54 = arith.constant 9 : i32
    %broadcast_in_dim3A_55 = vector.broadcast %broadcast_in_dim3A_54 : i32 to vector<16xi32>
    %gather3A_56 = tpu.vector_load_idx %arg9[%broadcast_in_dim3A_55] : memref<24xi32, #tpu.memory_space<vmem>>[vector<16xi32>], vector<16xi32>,
    %ge3A_57 = arith.cmpi sge, %add3A_7, %gather3A_56 : vector<16xi32>
    %convert_element_type3A_58 = arith.extui %ge3A_57 : vector<16xi1> to vector<16xi32>
    %add3A_59 = arith.addi %add3A_53, %convert_element_type3A_58 : vector<16xi32>
    %broadcast_in_dim3A_60 = arith.constant 10 : i32
    %broadcast_in_dim3A_61 = vector.broadcast %broadcast_in_dim3A_60 : i32 to vector<16xi32>
    %gather3A_62 = tpu.vector_load_idx %arg9[%broadcast_in_dim3A_61] : memref<24xi32, #tpu.memory_space<vmem>>[vector<16xi32>], vector<16xi32>,
    %ge3A_63 = arith.cmpi sge, %add3A_7, %gather3A_62 : vector<16xi32>
    %convert_element_type3A_64 = arith.extui %ge3A_63 : vector<16xi1> to vector<16xi32>
    %add3A_65 = arith.addi %add3A_59, %convert_element_type3A_64 : vector<16xi32>
    %broadcast_in_dim3A_66 = arith.constant 11 : i32
    %broadcast_in_dim3A_67 = vector.broadcast %broadcast_in_dim3A_66 : i32 to vector<16xi32>
    %gather3A_68 = tpu.vector_load_idx %arg9[%broadcast_in_dim3A_67] : memref<24xi32, #tpu.memory_space<vmem>>[vector<16xi32>], vector<16xi32>,
    %ge3A_69 = arith.cmpi sge, %add3A_7, %gather3A_68 : vector<16xi32>
    %convert_element_type3A_70 = arith.extui %ge3A_69 : vector<16xi1> to vector<16xi32>
    %add3A_71 = arith.addi %add3A_65, %convert_element_type3A_70 : vector<16xi32>
    %broadcast_in_dim3A_72 = arith.constant 12 : i32
    %broadcast_in_dim3A_73 = vector.broadcast %broadcast_in_dim3A_72 : i32 to vector<16xi32>
    %gather3A_74 = tpu.vector_load_idx %arg9[%broadcast_in_dim3A_73] : memref<24xi32, #tpu.memory_space<vmem>>[vector<16xi32>], vector<16xi32>,
    %ge3A_75 = arith.cmpi sge, %add3A_7, %gather3A_74 : vector<16xi32>
    %convert_element_type3A_76 = arith.extui %ge3A_75 : vector<16xi1> to vector<16xi32>
    %add3A_77 = arith.addi %add3A_71, %convert_element_type3A_76 : vector<16xi32>
    %broadcast_in_dim3A_78 = arith.constant 13 : i32
    %broadcast_in_dim3A_79 = vector.broadcast %broadcast_in_dim3A_78 : i32 to vector<16xi32>
    %gather3A_80 = tpu.vector_load_idx %arg9[%broadcast_in_dim3A_79] : memref<24xi32, #tpu.memory_space<vmem>>[vector<16xi32>], vector<16xi32>,
    %ge3A_81 = arith.cmpi sge, %add3A_7, %gather3A_80 : vector<16xi32>
    %convert_element_type3A_82 = arith.extui %ge3A_81 : vector<16xi1> to vector<16xi32>
    %add3A_83 = arith.addi %add3A_77, %convert_element_type3A_82 : vector<16xi32>
    %broadcast_in_dim3A_84 = arith.constant 14 : i32
    %broadcast_in_dim3A_85 = vector.broadcast %broadcast_in_dim3A_84 : i32 to vector<16xi32>
    %gather3A_86 = tpu.vector_load_idx %arg9[%broadcast_in_dim3A_85] : memref<24xi32, #tpu.memory_space<vmem>>[vector<16xi32>], vector<16xi32>,
    %ge3A_87 = arith.cmpi sge, %add3A_7, %gather3A_86 : vector<16xi32>
    %convert_element_type3A_88 = arith.extui %ge3A_87 : vector<16xi1> to vector<16xi32>
    %add3A_89 = arith.addi %add3A_83, %convert_element_type3A_88 : vector<16xi32>
    %broadcast_in_dim3A_90 = arith.constant 15 : i32
    %broadcast_in_dim3A_91 = vector.broadcast %broadcast_in_dim3A_90 : i32 to vector<16xi32>
    %gather3A_92 = tpu.vector_load_idx %arg9[%broadcast_in_dim3A_91] : memref<24xi32, #tpu.memory_space<vmem>>[vector<16xi32>], vector<16xi32>,
    %ge3A_93 = arith.cmpi sge, %add3A_7, %gather3A_92 : vector<16xi32>
    %convert_element_type3A_94 = arith.extui %ge3A_93 : vector<16xi1> to vector<16xi32>
    %add3A_95 = arith.addi %add3A_89, %convert_element_type3A_94 : vector<16xi32>
    %broadcast_in_dim3A_96 = arith.constant 16 : i32
    %broadcast_in_dim3A_97 = vector.broadcast %broadcast_in_dim3A_96 : i32 to vector<16xi32>
    %gather3A_98 = tpu.vector_load_idx %arg9[%broadcast_in_dim3A_97] : memref<24xi32, #tpu.memory_space<vmem>>[vector<16xi32>], vector<16xi32>,
    %ge3A_99 = arith.cmpi sge, %add3A_7, %gather3A_98 : vector<16xi32>
    %convert_element_type3A_100 = arith.extui %ge3A_99 : vector<16xi1> to vector<16xi32>
    %add3A_101 = arith.addi %add3A_95, %convert_element_type3A_100 : vector<16xi32>
    %jit3A = arith.constant 0 : i32
    %jit3A_102 = arith.constant 15 : i32
    %max3A = vector.broadcast %jit3A : i32 to vector<16xi32>
    %max3A_103 = arith.maxsi %max3A, %add3A_101 : vector<16xi32>
    %min3A = vector.broadcast %jit3A_102 : i32 to vector<16xi32>
    %min3A_104 = arith.minsi %min3A, %max3A_103 : vector<16xi32>
    %gather3A_105 = tpu.vector_load_idx %arg10[%min3A_104] : memref<16xi32, #tpu.memory_space<vmem>>[vector<16xi32>], vector<16xi32>,
    %mul3A_106 = arith.constant 3746 : i32
    %mul3A_107 = vector.broadcast %mul3A_106 : i32 to vector<16xi32>
    %mul3A_108 = arith.muli %gather3A_105, %mul3A_107 : vector<16xi32>
    %get3A = arith.constant 0 : index
    %get3A_109 = tpu.vector_load %arg7[%get3A] {strides = array<i32>} : memref<1024xi32, #tpu.memory_space<vmem>>, vector<16xi32>,
    %jit3A_110 = arith.constant -100000 : i32
    %jit3A_111 = arith.constant 99999 : i32
    %max3A_112 = vector.broadcast %jit3A_110 : i32 to vector<16xi32>
    %max3A_113 = arith.maxsi %max3A_112, %get3A_109 : vector<16xi32>
    %min3A_114 = vector.broadcast %jit3A_111 : i32 to vector<16xi32>
    %min3A_115 = arith.minsi %min3A_114, %max3A_113 : vector<16xi32>
    %add3A_116 = arith.constant 100000 : i32
    %add3A_117 = vector.broadcast %add3A_116 : i32 to vector<16xi32>
    %add3A_118 = arith.addi %min3A_115, %add3A_117 : vector<16xi32>
    %div3A = arith.constant 100 : i32
    %div3A_119 = vector.broadcast %div3A : i32 to vector<16xi32>
    %div3A_120 = arith.divsi %add3A_118, %div3A_119 : vector<16xi32>
    %add3A_121 = arith.constant 0 : i32
    %add3A_122 = vector.broadcast %add3A_121 : i32 to vector<16xi32>
    %add3A_123 = arith.addi %div3A_120, %add3A_122 : vector<16xi32>
    %jit3A_124 = arith.constant 0 : i32
    %jit3A_125 = arith.constant 3745 : i32
    %max3A_126 = vector.broadcast %jit3A_124 : i32 to vector<16xi32>
    %max3A_127 = arith.maxsi %max3A_126, %add3A_123 : vector<16xi32>
    %min3A_128 = vector.broadcast %jit3A_125 : i32 to vector<16xi32>
    %min3A_129 = arith.minsi %min3A_128, %max3A_127 : vector<16xi32>
    %add3A_130 = arith.constant 1 : i32
    %add3A_131 = vector.broadcast %add3A_130 : i32 to vector<16xi32>
    %add3A_132 = arith.addi %min3A_129, %add3A_131 : vector<16xi32>
    %min3A_133 = arith.constant 3745 : i32
    %min3A_134 = vector.broadcast %min3A_133 : i32 to vector<16xi32>
    %min3A_135 = arith.minsi %add3A_132, %min3A_134 : vector<16xi32>
    %add3A_136 = arith.addi %mul3A_108, %min3A_129 : vector<16xi32>
    %swap3A = arith.constant 0 : index
    %swap3A_137 = tpu.vector_load %arg11[%swap3A] {strides = array<i32>} : memref<384xi32, #tpu.memory_space<vmem>>, vector<16xi32>,
    tpu.vector_store %arg11[%swap3A], %add3A_136 {strides = array<i32>} : memref<384xi32, #tpu.memory_space<vmem>>, vector<16xi32>,
    %add3A_138 = arith.addi %mul3A_108, %min3A_135 : vector<16xi32>
    %swap3A_139 = arith.constant 16 : index
    %swap3A_140 = tpu.vector_load %arg11[%swap3A_139] {strides = array<i32>} : memref<384xi32, #tpu.memory_space<vmem>>, vector<16xi32>,
    tpu.vector_store %arg11[%swap3A_139], %add3A_138 {strides = array<i32>} : memref<384xi32, #tpu.memory_space<vmem>>, vector<16xi32>,
    %mul3A_141 = arith.constant 100 : i32
    %mul3A_142 = vector.broadcast %mul3A_141 : i32 to vector<16xi32>
    %mul3A_143 = arith.muli %div3A_120, %mul3A_142 : vector<16xi32>
    %sub3A = arith.subi %add3A_118, %mul3A_143 : vector<16xi32>
    %convert_element_type3A_144 = arith.sitofp %sub3A : vector<16xi32> to vector<16xf32>
    %mul3A_145 = arith.constant 0.00999999977 : f32
    %mul3A_146 = vector.broadcast %mul3A_145 : f32 to vector<16xf32>
    %mul3A_147 = arith.mulf %convert_element_type3A_144, %mul3A_146 : vector<16xf32>
    %swap3A_148 = arith.constant 0 : index
    %swap3A_149 = tpu.vector_load %arg13[%swap3A_148] {strides = array<i32>} : memref<256xf32, #tpu.memory_space<vmem>>, vector<16xf32>,
    tpu.vector_store %arg13[%swap3A_148], %mul3A_147 {strides = array<i32>} : memref<256xf32, #tpu.memory_space<vmem>>, vector<16xf32>,
    %div3A_150 = arith.constant 200 : i32
    %div3A_151 = vector.broadcast %div3A_150 : i32 to vector<16xi32>
    %div3A_152 = arith.divsi %add3A_118, %div3A_151 : vector<16xi32>
    %add3A_153 = arith.constant 2001 : i32
    %add3A_154 = vector.broadcast %add3A_153 : i32 to vector<16xi32>
    %add3A_155 = arith.addi %div3A_152, %add3A_154 : vector<16xi32>
    %jit3A_156 = arith.constant 0 : i32
    %jit3A_157 = arith.constant 3745 : i32
    %max3A_158 = vector.broadcast %jit3A_156 : i32 to vector<16xi32>
    %max3A_159 = arith.maxsi %max3A_158, %add3A_155 : vector<16xi32>
    %min3A_160 = vector.broadcast %jit3A_157 : i32 to vector<16xi32>
    %min3A_161 = arith.minsi %min3A_160, %max3A_159 : vector<16xi32>
    %add3A_162 = arith.constant 1 : i32
    %add3A_163 = vector.broadcast %add3A_162 : i32 to vector<16xi32>
    %add3A_164 = arith.addi %min3A_161, %add3A_163 : vector<16xi32>
    %min3A_165 = arith.constant 3745 : i32
    %min3A_166 = vector.broadcast %min3A_165 : i32 to vector<16xi32>
    %min3A_167 = arith.minsi %add3A_164, %min3A_166 : vector<16xi32>
    %add3A_168 = arith.addi %mul3A_108, %min3A_161 : vector<16xi32>
    %swap3A_169 = arith.constant 64 : index
    %swap3A_170 = tpu.vector_load %arg11[%swap3A_169] {strides = array<i32>} : memref<384xi32, #tpu.memory_space<vmem>>, vector<16xi32>,
    tpu.vector_store %arg11[%swap3A_169], %add3A_168 {strides = array<i32>} : memref<384xi32, #tpu.memory_space<vmem>>, vector<16xi32>,
    %add3A_171 = arith.addi %mul3A_108, %min3A_167 : vector<16xi32>
    %swap3A_172 = arith.constant 80 : index
    %swap3A_173 = tpu.vector_load %arg11[%swap3A_172] {strides = array<i32>} : memref<384xi32, #tpu.memory_space<vmem>>, vector<16xi32>,
    tpu.vector_store %arg11[%swap3A_172], %add3A_171 {strides = array<i32>} : memref<384xi32, #tpu.memory_space<vmem>>, vector<16xi32>,
    %mul3A_174 = arith.constant 200 : i32
    %mul3A_175 = vector.broadcast %mul3A_174 : i32 to vector<16xi32>
    %mul3A_176 = arith.muli %div3A_152, %mul3A_175 : vector<16xi32>
    %sub3A_177 = arith.subi %add3A_118, %mul3A_176 : vector<16xi32>
    %convert_element_type3A_178 = arith.sitofp %sub3A_177 : vector<16xi32> to vector<16xf32>
    %mul3A_179 = arith.constant 5.000000e-03 : f32
    %mul3A_180 = vector.broadcast %mul3A_179 : f32 to vector<16xf32>
    %mul3A_181 = arith.mulf %convert_element_type3A_178, %mul3A_180 : vector<16xf32>
    %swap3A_182 = arith.constant 32 : index
    %swap3A_183 = tpu.vector_load %arg13[%swap3A_182] {strides = array<i32>} : memref<256xf32, #tpu.memory_space<vmem>>, vector<16xf32>,
    tpu.vector_store %arg13[%swap3A_182], %mul3A_181 {strides = array<i32>} : memref<256xf32, #tpu.memory_space<vmem>>, vector<16xf32>,
    %div3A_184 = arith.constant 500 : i32
    %div3A_185 = vector.broadcast %div3A_184 : i32 to vector<16xi32>
    %div3A_186 = arith.divsi %add3A_118, %div3A_185 : vector<16xi32>
    %add3A_187 = arith.constant 3002 : i32
    %add3A_188 = vector.broadcast %add3A_187 : i32 to vector<16xi32>
    %add3A_189 = arith.addi %div3A_186, %add3A_188 : vector<16xi32>
    %jit3A_190 = arith.constant 0 : i32
    %jit3A_191 = arith.constant 3745 : i32
    %max3A_192 = vector.broadcast %jit3A_190 : i32 to vector<16xi32>
    %max3A_193 = arith.maxsi %max3A_192, %add3A_189 : vector<16xi32>
    %min3A_194 = vector.broadcast %jit3A_191 : i32 to vector<16xi32>
    %min3A_195 = arith.minsi %min3A_194, %max3A_193 : vector<16xi32>
    %add3A_196 = arith.constant 1 : i32
    %add3A_197 = vector.broadcast %add3A_196 : i32 to vector<16xi32>
    %add3A_198 = arith.addi %min3A_195, %add3A_197 : vector<16xi32>
    %min3A_199 = arith.constant 3745 : i32
    %min3A_200 = vector.broadcast %min3A_199 : i32 to vector<16xi32>
    %min3A_201 = arith.minsi %add3A_198, %min3A_200 : vector<16xi32>
    %add3A_202 = arith.addi %mul3A_108, %min3A_195 : vector<16xi32>
    %swap3A_203 = arith.constant 128 : index
    %swap3A_204 = tpu.vector_load %arg11[%swap3A_203] {strides = array<i32>} : memref<384xi32, #tpu.memory_space<vmem>>, vector<16xi32>,
    tpu.vector_store %arg11[%swap3A_203], %add3A_202 {strides = array<i32>} : memref<384xi32, #tpu.memory_space<vmem>>, vector<16xi32>,
    %add3A_205 = arith.addi %mul3A_108, %min3A_201 : vector<16xi32>
    %swap3A_206 = arith.constant 144 : index
    %swap3A_207 = tpu.vector_load %arg11[%swap3A_206] {strides = array<i32>} : memref<384xi32, #tpu.memory_space<vmem>>, vector<16xi32>,
    tpu.vector_store %arg11[%swap3A_206], %add3A_205 {strides = array<i32>} : memref<384xi32, #tpu.memory_space<vmem>>, vector<16xi32>,
    %mul3A_208 = arith.constant 500 : i32
    %mul3A_209 = vector.broadcast %mul3A_208 : i32 to vector<16xi32>
    %mul3A_210 = arith.muli %div3A_186, %mul3A_209 : vector<16xi32>
    %sub3A_211 = arith.subi %add3A_118, %mul3A_210 : vector<16xi32>
    %convert_element_type3A_212 = arith.sitofp %sub3A_211 : vector<16xi32> to vector<16xf32>
    %mul3A_213 = arith.constant 2.000000e-03 : f32
    %mul3A_214 = vector.broadcast %mul3A_213 : f32 to vector<16xf32>
    %mul3A_215 = arith.mulf %convert_element_type3A_212, %mul3A_214 : vector<16xf32>
    %swap3A_216 = arith.constant 64 : index
    %swap3A_217 = tpu.vector_load %arg13[%swap3A_216] {strides = array<i32>} : memref<256xf32, #tpu.memory_space<vmem>>, vector<16xf32>,
    tpu.vector_store %arg13[%swap3A_216], %mul3A_215 {strides = array<i32>} : memref<256xf32, #tpu.memory_space<vmem>>, vector<16xf32>,
    %div3A_218 = arith.constant 1000 : i32
    %div3A_219 = vector.broadcast %div3A_218 : i32 to vector<16xi32>
    %div3A_220 = arith.divsi %add3A_118, %div3A_219 : vector<16xi32>
    %add3A_221 = arith.constant 3403 : i32
    %add3A_222 = vector.broadcast %add3A_221 : i32 to vector<16xi32>
    %add3A_223 = arith.addi %div3A_220, %add3A_222 : vector<16xi32>
    %jit3A_224 = arith.constant 0 : i32
    %jit3A_225 = arith.constant 3745 : i32
    %max3A_226 = vector.broadcast %jit3A_224 : i32 to vector<16xi32>
    %max3A_227 = arith.maxsi %max3A_226, %add3A_223 : vector<16xi32>
    %min3A_228 = vector.broadcast %jit3A_225 : i32 to vector<16xi32>
    %min3A_229 = arith.minsi %min3A_228, %max3A_227 : vector<16xi32>
    %add3A_230 = arith.constant 1 : i32
    %add3A_231 = vector.broadcast %add3A_230 : i32 to vector<16xi32>
    %add3A_232 = arith.addi %min3A_229, %add3A_231 : vector<16xi32>
    %min3A_233 = arith.constant 3745 : i32
    %min3A_234 = vector.broadcast %min3A_233 : i32 to vector<16xi32>
    %min3A_235 = arith.minsi %add3A_232, %min3A_234 : vector<16xi32>
    %add3A_236 = arith.addi %mul3A_108, %min3A_229 : vector<16xi32>
    %swap3A_237 = arith.constant 192 : index
    %swap3A_238 = tpu.vector_load %arg11[%swap3A_237] {strides = array<i32>} : memref<384xi32, #tpu.memory_space<vmem>>, vector<16xi32>,
    tpu.vector_store %arg11[%swap3A_237], %add3A_236 {strides = array<i32>} : memref<384xi32, #tpu.memory_space<vmem>>, vector<16xi32>,
    %add3A_239 = arith.addi %mul3A_108, %min3A_235 : vector<16xi32>
    %swap3A_240 = arith.constant 208 : index
    %swap3A_241 = tpu.vector_load %arg11[%swap3A_240] {strides = array<i32>} : memref<384xi32, #tpu.memory_space<vmem>>, vector<16xi32>,
    tpu.vector_store %arg11[%swap3A_240], %add3A_239 {strides = array<i32>} : memref<384xi32, #tpu.memory_space<vmem>>, vector<16xi32>,
    %mul3A_242 = arith.constant 1000 : i32
    %mul3A_243 = vector.broadcast %mul3A_242 : i32 to vector<16xi32>
    %mul3A_244 = arith.muli %div3A_220, %mul3A_243 : vector<16xi32>
    %sub3A_245 = arith.subi %add3A_118, %mul3A_244 : vector<16xi32>
    %convert_element_type3A_246 = arith.sitofp %sub3A_245 : vector<16xi32> to vector<16xf32>
    %mul3A_247 = arith.constant 1.000000e-03 : f32
    %mul3A_248 = vector.broadcast %mul3A_247 : f32 to vector<16xf32>
    %mul3A_249 = arith.mulf %convert_element_type3A_246, %mul3A_248 : vector<16xf32>
    %swap3A_250 = arith.constant 96 : index
    %swap3A_251 = tpu.vector_load %arg13[%swap3A_250] {strides = array<i32>} : memref<256xf32, #tpu.memory_space<vmem>>, vector<16xf32>,
    tpu.vector_store %arg13[%swap3A_250], %mul3A_249 {strides = array<i32>} : memref<256xf32, #tpu.memory_space<vmem>>, vector<16xf32>,
    %div3A_252 = arith.constant 2000 : i32
    %div3A_253 = vector.broadcast %div3A_252 : i32 to vector<16xi32>
    %div3A_254 = arith.divsi %add3A_118, %div3A_253 : vector<16xi32>
    %add3A_255 = arith.constant 3604 : i32
    %add3A_256 = vector.broadcast %add3A_255 : i32 to vector<16xi32>
    %add3A_257 = arith.addi %div3A_254, %add3A_256 : vector<16xi32>
    %jit3A_258 = arith.constant 0 : i32
    %jit3A_259 = arith.constant 3745 : i32
    %max3A_260 = vector.broadcast %jit3A_258 : i32 to vector<16xi32>
    %max3A_261 = arith.maxsi %max3A_260, %add3A_257 : vector<16xi32>
    %min3A_262 = vector.broadcast %jit3A_259 : i32 to vector<16xi32>
    %min3A_263 = arith.minsi %min3A_262, %max3A_261 : vector<16xi32>
    %add3A_264 = arith.constant 1 : i32
    %add3A_265 = vector.broadcast %add3A_264 : i32 to vector<16xi32>
    %add3A_266 = arith.addi %min3A_263, %add3A_265 : vector<16xi32>
    %min3A_267 = arith.constant 3745 : i32
    %min3A_268 = vector.broadcast %min3A_267 : i32 to vector<16xi32>
    %min3A_269 = arith.minsi %add3A_266, %min3A_268 : vector<16xi32>
    %add3A_270 = arith.addi %mul3A_108, %min3A_263 : vector<16xi32>
    %swap3A_271 = arith.constant 256 : index
    %swap3A_272 = tpu.vector_load %arg11[%swap3A_271] {strides = array<i32>} : memref<384xi32, #tpu.memory_space<vmem>>, vector<16xi32>,
    tpu.vector_store %arg11[%swap3A_271], %add3A_270 {strides = array<i32>} : memref<384xi32, #tpu.memory_space<vmem>>, vector<16xi32>,
    %add3A_273 = arith.addi %mul3A_108, %min3A_269 : vector<16xi32>
    %swap3A_274 = arith.constant 272 : index
    %swap3A_275 = tpu.vector_load %arg11[%swap3A_274] {strides = array<i32>} : memref<384xi32, #tpu.memory_space<vmem>>, vector<16xi32>,
    tpu.vector_store %arg11[%swap3A_274], %add3A_273 {strides = array<i32>} : memref<384xi32, #tpu.memory_space<vmem>>, vector<16xi32>,
    %mul3A_276 = arith.constant 2000 : i32
    %mul3A_277 = vector.broadcast %mul3A_276 : i32 to vector<16xi32>
    %mul3A_278 = arith.muli %div3A_254, %mul3A_277 : vector<16xi32>
    %sub3A_279 = arith.subi %add3A_118, %mul3A_278 : vector<16xi32>
    %convert_element_type3A_280 = arith.sitofp %sub3A_279 : vector<16xi32> to vector<16xf32>
    %mul3A_281 = arith.constant 5.000000e-04 : f32
    %mul3A_282 = vector.broadcast %mul3A_281 : f32 to vector<16xf32>
    %mul3A_283 = arith.mulf %convert_element_type3A_280, %mul3A_282 : vector<16xf32>
    %swap3A_284 = arith.constant 128 : index
    %swap3A_285 = tpu.vector_load %arg13[%swap3A_284] {strides = array<i32>} : memref<256xf32, #tpu.memory_space<vmem>>, vector<16xf32>,
    tpu.vector_store %arg13[%swap3A_284], %mul3A_283 {strides = array<i32>} : memref<256xf32, #tpu.memory_space<vmem>>, vector<16xf32>,
    %div3A_286 = arith.constant 5000 : i32
    %div3A_287 = vector.broadcast %div3A_286 : i32 to vector<16xi32>
    %div3A_288 = arith.divsi %add3A_118, %div3A_287 : vector<16xi32>
    %add3A_289 = arith.constant 3705 : i32
    %add3A_290 = vector.broadcast %add3A_289 : i32 to vector<16xi32>
    %add3A_291 = arith.addi %div3A_288, %add3A_290 : vector<16xi32>
    %jit3A_292 = arith.constant 0 : i32
    %jit3A_293 = arith.constant 3745 : i32
    %max3A_294 = vector.broadcast %jit3A_292 : i32 to vector<16xi32>
    %max3A_295 = arith.maxsi %max3A_294, %add3A_291 : vector<16xi32>
    %min3A_296 = vector.broadcast %jit3A_293 : i32 to vector<16xi32>
    %min3A_297 = arith.minsi %min3A_296, %max3A_295 : vector<16xi32>
    %add3A_298 = arith.constant 1 : i32
    %add3A_299 = vector.broadcast %add3A_298 : i32 to vector<16xi32>
    %add3A_300 = arith.addi %min3A_297, %add3A_299 : vector<16xi32>
    %min3A_301 = arith.constant 3745 : i32
    %min3A_302 = vector.broadcast %min3A_301 : i32 to vector<16xi32>
    %min3A_303 = arith.minsi %add3A_300, %min3A_302 : vector<16xi32>
    %add3A_304 = arith.addi %mul3A_108, %min3A_297 : vector<16xi32>
    %swap3A_305 = arith.constant 320 : index
    %swap3A_306 = tpu.vector_load %arg11[%swap3A_305] {strides = array<i32>} : memref<384xi32, #tpu.memory_space<vmem>>, vector<16xi32>,
    tpu.vector_store %arg11[%swap3A_305], %add3A_304 {strides = array<i32>} : memref<384xi32, #tpu.memory_space<vmem>>, vector<16xi32>,
    %add3A_307 = arith.addi %mul3A_108, %min3A_303 : vector<16xi32>
    %swap3A_308 = arith.constant 336 : index
    %swap3A_309 = tpu.vector_load %arg11[%swap3A_308] {strides = array<i32>} : memref<384xi32, #tpu.memory_space<vmem>>, vector<16xi32>,
    tpu.vector_store %arg11[%swap3A_308], %add3A_307 {strides = array<i32>} : memref<384xi32, #tpu.memory_space<vmem>>, vector<16xi32>,
    %mul3A_310 = arith.constant 5000 : i32
    %mul3A_311 = vector.broadcast %mul3A_310 : i32 to vector<16xi32>
    %mul3A_312 = arith.muli %div3A_288, %mul3A_311 : vector<16xi32>
    %sub3A_313 = arith.subi %add3A_118, %mul3A_312 : vector<16xi32>
    %convert_element_type3A_314 = arith.sitofp %sub3A_313 : vector<16xi32> to vector<16xf32>
    %mul3A_315 = arith.constant 2.000000e-04 : f32
    %mul3A_316 = vector.broadcast %mul3A_315 : f32 to vector<16xf32>
    %mul3A_317 = arith.mulf %convert_element_type3A_314, %mul3A_316 : vector<16xf32>
    %swap3A_318 = arith.constant 160 : index
    %swap3A_319 = tpu.vector_load %arg13[%swap3A_318] {strides = array<i32>} : memref<256xf32, #tpu.memory_space<vmem>>, vector<16xf32>,
    tpu.vector_store %arg13[%swap3A_318], %mul3A_317 {strides = array<i32>} : memref<256xf32, #tpu.memory_space<vmem>>, vector<16xf32>,
    %get3A_320 = arith.constant 0 : index
    %get3A_321 = tpu.vector_load %arg8[%get3A_320] {strides = array<i32>} : memref<1024xi32, #tpu.memory_space<vmem>>, vector<16xi32>,
    %jit3A_322 = arith.constant -100000 : i32
    %jit3A_323 = arith.constant 99999 : i32
    %max3A_324 = vector.broadcast %jit3A_322 : i32 to vector<16xi32>
    %max3A_325 = arith.maxsi %max3A_324, %get3A_321 : vector<16xi32>
    %min3A_326 = vector.broadcast %jit3A_323 : i32 to vector<16xi32>
    %min3A_327 = arith.minsi %min3A_326, %max3A_325 : vector<16xi32>
    %add3A_328 = arith.constant 100000 : i32
    %add3A_329 = vector.broadcast %add3A_328 : i32 to vector<16xi32>
    %add3A_330 = arith.addi %min3A_327, %add3A_329 : vector<16xi32>
    %div3A_331 = arith.constant 100 : i32
    %div3A_332 = vector.broadcast %div3A_331 : i32 to vector<16xi32>
    %div3A_333 = arith.divsi %add3A_330, %div3A_332 : vector<16xi32>
    %add3A_334 = arith.constant 0 : i32
    %add3A_335 = vector.broadcast %add3A_334 : i32 to vector<16xi32>
    %add3A_336 = arith.addi %div3A_333, %add3A_335 : vector<16xi32>
    %jit3A_337 = arith.constant 0 : i32
    %jit3A_338 = arith.constant 3745 : i32
    %max3A_339 = vector.broadcast %jit3A_337 : i32 to vector<16xi32>
    %max3A_340 = arith.maxsi %max3A_339, %add3A_336 : vector<16xi32>
    %min3A_341 = vector.broadcast %jit3A_338 : i32 to vector<16xi32>
    %min3A_342 = arith.minsi %min3A_341, %max3A_340 : vector<16xi32>
    %add3A_343 = arith.constant 1 : i32
    %add3A_344 = vector.broadcast %add3A_343 : i32 to vector<16xi32>
    %add3A_345 = arith.addi %min3A_342, %add3A_344 : vector<16xi32>
    %min3A_346 = arith.constant 3745 : i32
    %min3A_347 = vector.broadcast %min3A_346 : i32 to vector<16xi32>
    %min3A_348 = arith.minsi %add3A_345, %min3A_347 : vector<16xi32>
    %add3A_349 = arith.addi %mul3A_108, %min3A_342 : vector<16xi32>
    %swap3A_350 = arith.constant 32 : index
    %swap3A_351 = tpu.vector_load %arg11[%swap3A_350] {strides = array<i32>} : memref<384xi32, #tpu.memory_space<vmem>>, vector<16xi32>,
    tpu.vector_store %arg11[%swap3A_350], %add3A_349 {strides = array<i32>} : memref<384xi32, #tpu.memory_space<vmem>>, vector<16xi32>,
    %add3A_352 = arith.addi %mul3A_108, %min3A_348 : vector<16xi32>
    %swap3A_353 = arith.constant 48 : index
    %swap3A_354 = tpu.vector_load %arg11[%swap3A_353] {strides = array<i32>} : memref<384xi32, #tpu.memory_space<vmem>>, vector<16xi32>,
    tpu.vector_store %arg11[%swap3A_353], %add3A_352 {strides = array<i32>} : memref<384xi32, #tpu.memory_space<vmem>>, vector<16xi32>,
    %mul3A_355 = arith.constant 100 : i32
    %mul3A_356 = vector.broadcast %mul3A_355 : i32 to vector<16xi32>
    %mul3A_357 = arith.muli %div3A_333, %mul3A_356 : vector<16xi32>
    %sub3A_358 = arith.subi %add3A_330, %mul3A_357 : vector<16xi32>
    %convert_element_type3A_359 = arith.sitofp %sub3A_358 : vector<16xi32> to vector<16xf32>
    %mul3A_360 = arith.constant 0.00999999977 : f32
    %mul3A_361 = vector.broadcast %mul3A_360 : f32 to vector<16xf32>
    %mul3A_362 = arith.mulf %convert_element_type3A_359, %mul3A_361 : vector<16xf32>
    %swap3A_363 = arith.constant 16 : index
    %swap3A_364 = tpu.vector_load %arg13[%swap3A_363] {strides = array<i32>} : memref<256xf32, #tpu.memory_space<vmem>>, vector<16xf32>,
    tpu.vector_store %arg13[%swap3A_363], %mul3A_362 {strides = array<i32>} : memref<256xf32, #tpu.memory_space<vmem>>, vector<16xf32>,
    %div3A_365 = arith.constant 200 : i32
    %div3A_366 = vector.broadcast %div3A_365 : i32 to vector<16xi32>
    %div3A_367 = arith.divsi %add3A_330, %div3A_366 : vector<16xi32>
    %add3A_368 = arith.constant 2001 : i32
    %add3A_369 = vector.broadcast %add3A_368 : i32 to vector<16xi32>
    %add3A_370 = arith.addi %div3A_367, %add3A_369 : vector<16xi32>
    %jit3A_371 = arith.constant 0 : i32
    %jit3A_372 = arith.constant 3745 : i32
    %max3A_373 = vector.broadcast %jit3A_371 : i32 to vector<16xi32>
    %max3A_374 = arith.maxsi %max3A_373, %add3A_370 : vector<16xi32>
    %min3A_375 = vector.broadcast %jit3A_372 : i32 to vector<16xi32>
    %min3A_376 = arith.minsi %min3A_375, %max3A_374 : vector<16xi32>
    %add3A_377 = arith.constant 1 : i32
    %add3A_378 = vector.broadcast %add3A_377 : i32 to vector<16xi32>
    %add3A_379 = arith.addi %min3A_376, %add3A_378 : vector<16xi32>
    %min3A_380 = arith.constant 3745 : i32
    %min3A_381 = vector.broadcast %min3A_380 : i32 to vector<16xi32>
    %min3A_382 = arith.minsi %add3A_379, %min3A_381 : vector<16xi32>
    %add3A_383 = arith.addi %mul3A_108, %min3A_376 : vector<16xi32>
    %swap3A_384 = arith.constant 96 : index
    %swap3A_385 = tpu.vector_load %arg11[%swap3A_384] {strides = array<i32>} : memref<384xi32, #tpu.memory_space<vmem>>, vector<16xi32>,
    tpu.vector_store %arg11[%swap3A_384], %add3A_383 {strides = array<i32>} : memref<384xi32, #tpu.memory_space<vmem>>, vector<16xi32>,
    %add3A_386 = arith.addi %mul3A_108, %min3A_382 : vector<16xi32>
    %swap3A_387 = arith.constant 112 : index
    %swap3A_388 = tpu.vector_load %arg11[%swap3A_387] {strides = array<i32>} : memref<384xi32, #tpu.memory_space<vmem>>, vector<16xi32>,
    tpu.vector_store %arg11[%swap3A_387], %add3A_386 {strides = array<i32>} : memref<384xi32, #tpu.memory_space<vmem>>, vector<16xi32>,
    %mul3A_389 = arith.constant 200 : i32
    %mul3A_390 = vector.broadcast %mul3A_389 : i32 to vector<16xi32>
    %mul3A_391 = arith.muli %div3A_367, %mul3A_390 : vector<16xi32>
    %sub3A_392 = arith.subi %add3A_330, %mul3A_391 : vector<16xi32>
    %convert_element_type3A_393 = arith.sitofp %sub3A_392 : vector<16xi32> to vector<16xf32>
    %mul3A_394 = arith.constant 5.000000e-03 : f32
    %mul3A_395 = vector.broadcast %mul3A_394 : f32 to vector<16xf32>
    %mul3A_396 = arith.mulf %convert_element_type3A_393, %mul3A_395 : vector<16xf32>
    %swap3A_397 = arith.constant 48 : index
    %swap3A_398 = tpu.vector_load %arg13[%swap3A_397] {strides = array<i32>} : memref<256xf32, #tpu.memory_space<vmem>>, vector<16xf32>,
    tpu.vector_store %arg13[%swap3A_397], %mul3A_396 {strides = array<i32>} : memref<256xf32, #tpu.memory_space<vmem>>, vector<16xf32>,
    %div3A_399 = arith.constant 500 : i32
    %div3A_400 = vector.broadcast %div3A_399 : i32 to vector<16xi32>
    %div3A_401 = arith.divsi %add3A_330, %div3A_400 : vector<16xi32>
    %add3A_402 = arith.constant 3002 : i32
    %add3A_403 = vector.broadcast %add3A_402 : i32 to vector<16xi32>
    %add3A_404 = arith.addi %div3A_401, %add3A_403 : vector<16xi32>
    %jit3A_405 = arith.constant 0 : i32
    %jit3A_406 = arith.constant 3745 : i32
    %max3A_407 = vector.broadcast %jit3A_405 : i32 to vector<16xi32>
    %max3A_408 = arith.maxsi %max3A_407, %add3A_404 : vector<16xi32>
    %min3A_409 = vector.broadcast %jit3A_406 : i32 to vector<16xi32>
    %min3A_410 = arith.minsi %min3A_409, %max3A_408 : vector<16xi32>
    %add3A_411 = arith.constant 1 : i32
    %add3A_412 = vector.broadcast %add3A_411 : i32 to vector<16xi32>
    %add3A_413 = arith.addi %min3A_410, %add3A_412 : vector<16xi32>
    %min3A_414 = arith.constant 3745 : i32
    %min3A_415 = vector.broadcast %min3A_414 : i32 to vector<16xi32>
    %min3A_416 = arith.minsi %add3A_413, %min3A_415 : vector<16xi32>
    %add3A_417 = arith.addi %mul3A_108, %min3A_410 : vector<16xi32>
    %swap3A_418 = arith.constant 160 : index
    %swap3A_419 = tpu.vector_load %arg11[%swap3A_418] {strides = array<i32>} : memref<384xi32, #tpu.memory_space<vmem>>, vector<16xi32>,
    tpu.vector_store %arg11[%swap3A_418], %add3A_417 {strides = array<i32>} : memref<384xi32, #tpu.memory_space<vmem>>, vector<16xi32>,
    %add3A_420 = arith.addi %mul3A_108, %min3A_416 : vector<16xi32>
    %swap3A_421 = arith.constant 176 : index
    %swap3A_422 = tpu.vector_load %arg11[%swap3A_421] {strides = array<i32>} : memref<384xi32, #tpu.memory_space<vmem>>, vector<16xi32>,
    tpu.vector_store %arg11[%swap3A_421], %add3A_420 {strides = array<i32>} : memref<384xi32, #tpu.memory_space<vmem>>, vector<16xi32>,
    %mul3A_423 = arith.constant 500 : i32
    %mul3A_424 = vector.broadcast %mul3A_423 : i32 to vector<16xi32>
    %mul3A_425 = arith.muli %div3A_401, %mul3A_424 : vector<16xi32>
    %sub3A_426 = arith.subi %add3A_330, %mul3A_425 : vector<16xi32>
    %convert_element_type3A_427 = arith.sitofp %sub3A_426 : vector<16xi32> to vector<16xf32>
    %mul3A_428 = arith.constant 2.000000e-03 : f32
    %mul3A_429 = vector.broadcast %mul3A_428 : f32 to vector<16xf32>
    %mul3A_430 = arith.mulf %convert_element_type3A_427, %mul3A_429 : vector<16xf32>
    %swap3A_431 = arith.constant 80 : index
    %swap3A_432 = tpu.vector_load %arg13[%swap3A_431] {strides = array<i32>} : memref<256xf32, #tpu.memory_space<vmem>>, vector<16xf32>,
    tpu.vector_store %arg13[%swap3A_431], %mul3A_430 {strides = array<i32>} : memref<256xf32, #tpu.memory_space<vmem>>, vector<16xf32>,
    %div3A_433 = arith.constant 1000 : i32
    %div3A_434 = vector.broadcast %div3A_433 : i32 to vector<16xi32>
    %div3A_435 = arith.divsi %add3A_330, %div3A_434 : vector<16xi32>
    %add3A_436 = arith.constant 3403 : i32
    %add3A_437 = vector.broadcast %add3A_436 : i32 to vector<16xi32>
    %add3A_438 = arith.addi %div3A_435, %add3A_437 : vector<16xi32>
    %jit3A_439 = arith.constant 0 : i32
    %jit3A_440 = arith.constant 3745 : i32
    %max3A_441 = vector.broadcast %jit3A_439 : i32 to vector<16xi32>
    %max3A_442 = arith.maxsi %max3A_441, %add3A_438 : vector<16xi32>
    %min3A_443 = vector.broadcast %jit3A_440 : i32 to vector<16xi32>
    %min3A_444 = arith.minsi %min3A_443, %max3A_442 : vector<16xi32>
    %add3A_445 = arith.constant 1 : i32
    %add3A_446 = vector.broadcast %add3A_445 : i32 to vector<16xi32>
    %add3A_447 = arith.addi %min3A_444, %add3A_446 : vector<16xi32>
    %min3A_448 = arith.constant 3745 : i32
    %min3A_449 = vector.broadcast %min3A_448 : i32 to vector<16xi32>
    %min3A_450 = arith.minsi %add3A_447, %min3A_449 : vector<16xi32>
    %add3A_451 = arith.addi %mul3A_108, %min3A_444 : vector<16xi32>
    %swap3A_452 = arith.constant 224 : index
    %swap3A_453 = tpu.vector_load %arg11[%swap3A_452] {strides = array<i32>} : memref<384xi32, #tpu.memory_space<vmem>>, vector<16xi32>,
    tpu.vector_store %arg11[%swap3A_452], %add3A_451 {strides = array<i32>} : memref<384xi32, #tpu.memory_space<vmem>>, vector<16xi32>,
    %add3A_454 = arith.addi %mul3A_108, %min3A_450 : vector<16xi32>
    %swap3A_455 = arith.constant 240 : index
    %swap3A_456 = tpu.vector_load %arg11[%swap3A_455] {strides = array<i32>} : memref<384xi32, #tpu.memory_space<vmem>>, vector<16xi32>,
    tpu.vector_store %arg11[%swap3A_455], %add3A_454 {strides = array<i32>} : memref<384xi32, #tpu.memory_space<vmem>>, vector<16xi32>,
    %mul3A_457 = arith.constant 1000 : i32
    %mul3A_458 = vector.broadcast %mul3A_457 : i32 to vector<16xi32>
    %mul3A_459 = arith.muli %div3A_435, %mul3A_458 : vector<16xi32>
    %sub3A_460 = arith.subi %add3A_330, %mul3A_459 : vector<16xi32>
    %convert_element_type3A_461 = arith.sitofp %sub3A_460 : vector<16xi32> to vector<16xf32>
    %mul3A_462 = arith.constant 1.000000e-03 : f32
    %mul3A_463 = vector.broadcast %mul3A_462 : f32 to vector<16xf32>
    %mul3A_464 = arith.mulf %convert_element_type3A_461, %mul3A_463 : vector<16xf32>
    %swap3A_465 = arith.constant 112 : index
    %swap3A_466 = tpu.vector_load %arg13[%swap3A_465] {strides = array<i32>} : memref<256xf32, #tpu.memory_space<vmem>>, vector<16xf32>,
    tpu.vector_store %arg13[%swap3A_465], %mul3A_464 {strides = array<i32>} : memref<256xf32, #tpu.memory_space<vmem>>, vector<16xf32>,
    %div3A_467 = arith.constant 2000 : i32
    %div3A_468 = vector.broadcast %div3A_467 : i32 to vector<16xi32>
    %div3A_469 = arith.divsi %add3A_330, %div3A_468 : vector<16xi32>
    %add3A_470 = arith.constant 3604 : i32
    %add3A_471 = vector.broadcast %add3A_470 : i32 to vector<16xi32>
    %add3A_472 = arith.addi %div3A_469, %add3A_471 : vector<16xi32>
    %jit3A_473 = arith.constant 0 : i32
    %jit3A_474 = arith.constant 3745 : i32
    %max3A_475 = vector.broadcast %jit3A_473 : i32 to vector<16xi32>
    %max3A_476 = arith.maxsi %max3A_475, %add3A_472 : vector<16xi32>
    %min3A_477 = vector.broadcast %jit3A_474 : i32 to vector<16xi32>
    %min3A_478 = arith.minsi %min3A_477, %max3A_476 : vector<16xi32>
    %add3A_479 = arith.constant 1 : i32
    %add3A_480 = vector.broadcast %add3A_479 : i32 to vector<16xi32>
    %add3A_481 = arith.addi %min3A_478, %add3A_480 : vector<16xi32>
    %min3A_482 = arith.constant 3745 : i32
    %min3A_483 = vector.broadcast %min3A_482 : i32 to vector<16xi32>
    %min3A_484 = arith.minsi %add3A_481, %min3A_483 : vector<16xi32>
    %add3A_485 = arith.addi %mul3A_108, %min3A_478 : vector<16xi32>
    %swap3A_486 = arith.constant 288 : index
    %swap3A_487 = tpu.vector_load %arg11[%swap3A_486] {strides = array<i32>} : memref<384xi32, #tpu.memory_space<vmem>>, vector<16xi32>,
    tpu.vector_store %arg11[%swap3A_486], %add3A_485 {strides = array<i32>} : memref<384xi32, #tpu.memory_space<vmem>>, vector<16xi32>,
    %add3A_488 = arith.addi %mul3A_108, %min3A_484 : vector<16xi32>
    %swap3A_489 = arith.constant 304 : index
    %swap3A_490 = tpu.vector_load %arg11[%swap3A_489] {strides = array<i32>} : memref<384xi32, #tpu.memory_space<vmem>>, vector<16xi32>,
    tpu.vector_store %arg11[%swap3A_489], %add3A_488 {strides = array<i32>} : memref<384xi32, #tpu.memory_space<vmem>>, vector<16xi32>,
    %mul3A_491 = arith.constant 2000 : i32
    %mul3A_492 = vector.broadcast %mul3A_491 : i32 to vector<16xi32>
    %mul3A_493 = arith.muli %div3A_469, %mul3A_492 : vector<16xi32>
    %sub3A_494 = arith.subi %add3A_330, %mul3A_493 : vector<16xi32>
    %convert_element_type3A_495 = arith.sitofp %sub3A_494 : vector<16xi32> to vector<16xf32>
    %mul3A_496 = arith.constant 5.000000e-04 : f32
    %mul3A_497 = vector.broadcast %mul3A_496 : f32 to vector<16xf32>
    %mul3A_498 = arith.mulf %convert_element_type3A_495, %mul3A_497 : vector<16xf32>
    %swap3A_499 = arith.constant 144 : index
    %swap3A_500 = tpu.vector_load %arg13[%swap3A_499] {strides = array<i32>} : memref<256xf32, #tpu.memory_space<vmem>>, vector<16xf32>,
    tpu.vector_store %arg13[%swap3A_499], %mul3A_498 {strides = array<i32>} : memref<256xf32, #tpu.memory_space<vmem>>, vector<16xf32>,
    %div3A_501 = arith.constant 5000 : i32
    %div3A_502 = vector.broadcast %div3A_501 : i32 to vector<16xi32>
    %div3A_503 = arith.divsi %add3A_330, %div3A_502 : vector<16xi32>
    %add3A_504 = arith.constant 3705 : i32
    %add3A_505 = vector.broadcast %add3A_504 : i32 to vector<16xi32>
    %add3A_506 = arith.addi %div3A_503, %add3A_505 : vector<16xi32>
    %jit3A_507 = arith.constant 0 : i32
    %jit3A_508 = arith.constant 3745 : i32
    %max3A_509 = vector.broadcast %jit3A_507 : i32 to vector<16xi32>
    %max3A_510 = arith.maxsi %max3A_509, %add3A_506 : vector<16xi32>
    %min3A_511 = vector.broadcast %jit3A_508 : i32 to vector<16xi32>
    %min3A_512 = arith.minsi %min3A_511, %max3A_510 : vector<16xi32>
    %add3A_513 = arith.constant 1 : i32
    %add3A_514 = vector.broadcast %add3A_513 : i32 to vector<16xi32>
    %add3A_515 = arith.addi %min3A_512, %add3A_514 : vector<16xi32>
    %min3A_516 = arith.constant 3745 : i32
    %min3A_517 = vector.broadcast %min3A_516 : i32 to vector<16xi32>
    %min3A_518 = arith.minsi %add3A_515, %min3A_517 : vector<16xi32>
    %add3A_519 = arith.addi %mul3A_108, %min3A_512 : vector<16xi32>
    %swap3A_520 = arith.constant 352 : index
    %swap3A_521 = tpu.vector_load %arg11[%swap3A_520] {strides = array<i32>} : memref<384xi32, #tpu.memory_space<vmem>>, vector<16xi32>,
    tpu.vector_store %arg11[%swap3A_520], %add3A_519 {strides = array<i32>} : memref<384xi32, #tpu.memory_space<vmem>>, vector<16xi32>,
    %add3A_522 = arith.addi %mul3A_108, %min3A_518 : vector<16xi32>
    %swap3A_523 = arith.constant 368 : index
    %swap3A_524 = tpu.vector_load %arg11[%swap3A_523] {strides = array<i32>} : memref<384xi32, #tpu.memory_space<vmem>>, vector<16xi32>,
    tpu.vector_store %arg11[%swap3A_523], %add3A_522 {strides = array<i32>} : memref<384xi32, #tpu.memory_space<vmem>>, vector<16xi32>,
    %mul3A_525 = arith.constant 5000 : i32
    %mul3A_526 = vector.broadcast %mul3A_525 : i32 to vector<16xi32>
    %mul3A_527 = arith.muli %div3A_503, %mul3A_526 : vector<16xi32>
    %sub3A_528 = arith.subi %add3A_330, %mul3A_527 : vector<16xi32>
    %convert_element_type3A_529 = arith.sitofp %sub3A_528 : vector<16xi32> to vector<16xf32>
    %mul3A_530 = arith.constant 2.000000e-04 : f32
    %mul3A_531 = vector.broadcast %mul3A_530 : f32 to vector<16xf32>
    %mul3A_532 = arith.mulf %convert_element_type3A_529, %mul3A_531 : vector<16xf32>
    %swap3A_533 = arith.constant 176 : index
    %swap3A_534 = tpu.vector_load %arg13[%swap3A_533] {strides = array<i32>} : memref<256xf32, #tpu.memory_space<vmem>>, vector<16xf32>,
    tpu.vector_store %arg13[%swap3A_533], %mul3A_532 {strides = array<i32>} : memref<256xf32, #tpu.memory_space<vmem>>, vector<16xf32>,
    %dma_start3A = arith.constant 0 : i32
    %dma_start3A_535 = arith.constant 0 : i32
    %dma_start3A_536 = tpu.memref_slice %arg15[%dma_start3A, %dma_start3A_535] : memref<384x128xf32, #tpu.memory_space<vmem>> -> memref<128x128xf32, #tpu.memory_space<vmem>>
    %dma_start3A_537 = arith.constant 0 : i32
    %dma_start3A_538 = tpu.memref_slice %arg11[%dma_start3A_537] : memref<384xi32, #tpu.memory_space<vmem>> -> memref<128xi32, #tpu.memory_space<vmem>>
    %dma_start3A_539 = arith.constant 0 : i32
    %dma_start3A_540 = arith.constant 0 : i32
    %dma_start3A_541 = tpu.memref_slice %arg2[%dma_start3A_539, %dma_start3A_540] : memref<239744x128xf32, #tpu.memory_space<hbm>> -> memref<239744x128xf32, #tpu.memory_space<hbm>>
    tpu.enqueue_indirect_dma source(%dma_start3A_541 : memref<239744x128xf32, #tpu.memory_space<hbm>>) target(%dma_start3A_536 : memref<128x128xf32, #tpu.memory_space<vmem>>) offsets(%dma_start3A_538 : memref<128xi32, #tpu.memory_space<vmem>>) semaphore(%arg19 : memref<!tpu.dma_semaphore, #tpu.memory_space<semaphore_mem>>)
    %dma_start3A_542 = arith.constant 128 : i32
    %dma_start3A_543 = arith.constant 0 : i32
    %dma_start3A_544 = tpu.memref_slice %arg15[%dma_start3A_542, %dma_start3A_543] : memref<384x128xf32, #tpu.memory_space<vmem>> -> memref<128x128xf32, #tpu.memory_space<vmem>>
    %dma_start3A_545 = arith.constant 128 : i32
    %dma_start3A_546 = tpu.memref_slice %arg11[%dma_start3A_545] : memref<384xi32, #tpu.memory_space<vmem>> -> memref<128xi32, #tpu.memory_space<vmem>>
    %dma_start3A_547 = arith.constant 0 : i32
    %dma_start3A_548 = arith.constant 0 : i32
    %dma_start3A_549 = tpu.memref_slice %arg2[%dma_start3A_547, %dma_start3A_548] : memref<239744x128xf32, #tpu.memory_space<hbm>> -> memref<239744x128xf32, #tpu.memory_space<hbm>>
    tpu.enqueue_indirect_dma source(%dma_start3A_549 : memref<239744x128xf32, #tpu.memory_space<hbm>>) target(%dma_start3A_544 : memref<128x128xf32, #tpu.memory_space<vmem>>) offsets(%dma_start3A_546 : memref<128xi32, #tpu.memory_space<vmem>>) semaphore(%arg19 : memref<!tpu.dma_semaphore, #tpu.memory_space<semaphore_mem>>)
    %dma_start3A_550 = arith.constant 256 : i32
    %dma_start3A_551 = arith.constant 0 : i32
    %dma_start3A_552 = tpu.memref_slice %arg15[%dma_start3A_550, %dma_start3A_551] : memref<384x128xf32, #tpu.memory_space<vmem>> -> memref<128x128xf32, #tpu.memory_space<vmem>>
    %dma_start3A_553 = arith.constant 256 : i32
    %dma_start3A_554 = tpu.memref_slice %arg11[%dma_start3A_553] : memref<384xi32, #tpu.memory_space<vmem>> -> memref<128xi32, #tpu.memory_space<vmem>>
    %dma_start3A_555 = arith.constant 0 : i32
    %dma_start3A_556 = arith.constant 0 : i32
    %dma_start3A_557 = tpu.memref_slice %arg2[%dma_start3A_555, %dma_start3A_556] : memref<239744x128xf32, #tpu.memory_space<hbm>> -> memref<239744x128xf32, #tpu.memory_space<hbm>>
    tpu.enqueue_indirect_dma source(%dma_start3A_557 : memref<239744x128xf32, #tpu.memory_space<hbm>>) target(%dma_start3A_552 : memref<128x128xf32, #tpu.memory_space<vmem>>) offsets(%dma_start3A_554 : memref<128xi32, #tpu.memory_space<vmem>>) semaphore(%arg19 : memref<!tpu.dma_semaphore, #tpu.memory_space<semaphore_mem>>)
    %scan3A = arith.constant 0 : i32
    %scan3A_558 = arith.constant 0 : i32
    %scan3A_559 = arith.constant 32 : i32
    %scan3A_560 = arith.addi %scan3A_558, %scan3A_559 : i32
    %scan3A_561 = arith.constant 1 : i32
    scf.for %scan3A_574 = %scan3A_558 to %scan3A_560 step %scan3A_561  : i32 {
      %mul3A_575 = arith.constant 2 : i32
      %mul3A_576 = arith.muli %mul3A_575, %scan3A_574 : i32
      %add3A_577 = arith.constant 1 : i32
      %add3A_578 = arith.addi %mul3A_576, %add3A_577 : i32
      %mul3A_579 = arith.constant 16 : i32
      %mul3A_580 = arith.muli %add3A_578, %mul3A_579 : i32
      %add3A_581 = arith.addi %mul3A_2, %mul3A_580 : i32
      %add3A_582 = vector.broadcast %add3A_581 : i32 to vector<16xi32>
      %add3A_583 = arith.addi %add3A_582, %iota3A : vector<16xi32>
      %broadcast_in_dim3A_584 = arith.constant 0 : i32
      %broadcast_in_dim3A_585 = vector.broadcast %broadcast_in_dim3A_584 : i32 to vector<16xi32>
      %broadcast_in_dim3A_586 = arith.constant 1 : i32
      %broadcast_in_dim3A_587 = vector.broadcast %broadcast_in_dim3A_586 : i32 to vector<16xi32>
      %gather3A_588 = tpu.vector_load_idx %arg9[%broadcast_in_dim3A_587] : memref<24xi32, #tpu.memory_space<vmem>>[vector<16xi32>], vector<16xi32>,
      %ge3A_589 = arith.cmpi sge, %add3A_583, %gather3A_588 : vector<16xi32>
      %convert_element_type3A_590 = arith.extui %ge3A_589 : vector<16xi1> to vector<16xi32>
      %add3A_591 = arith.addi %broadcast_in_dim3A_585, %convert_element_type3A_590 : vector<16xi32>
      %broadcast_in_dim3A_592 = arith.constant 2 : i32
      %broadcast_in_dim3A_593 = vector.broadcast %broadcast_in_dim3A_592 : i32 to vector<16xi32>
      %gather3A_594 = tpu.vector_load_idx %arg9[%broadcast_in_dim3A_593] : memref<24xi32, #tpu.memory_space<vmem>>[vector<16xi32>], vector<16xi32>,
      %ge3A_595 = arith.cmpi sge, %add3A_583, %gather3A_594 : vector<16xi32>
      %convert_element_type3A_596 = arith.extui %ge3A_595 : vector<16xi1> to vector<16xi32>
      %add3A_597 = arith.addi %add3A_591, %convert_element_type3A_596 : vector<16xi32>
      %broadcast_in_dim3A_598 = arith.constant 3 : i32
      %broadcast_in_dim3A_599 = vector.broadcast %broadcast_in_dim3A_598 : i32 to vector<16xi32>
      %gather3A_600 = tpu.vector_load_idx %arg9[%broadcast_in_dim3A_599] : memref<24xi32, #tpu.memory_space<vmem>>[vector<16xi32>], vector<16xi32>,
      %ge3A_601 = arith.cmpi sge, %add3A_583, %gather3A_600 : vector<16xi32>
      %convert_element_type3A_602 = arith.extui %ge3A_601 : vector<16xi1> to vector<16xi32>
      %add3A_603 = arith.addi %add3A_597, %convert_element_type3A_602 : vector<16xi32>
      %broadcast_in_dim3A_604 = arith.constant 4 : i32
      %broadcast_in_dim3A_605 = vector.broadcast %broadcast_in_dim3A_604 : i32 to vector<16xi32>
      %gather3A_606 = tpu.vector_load_idx %arg9[%broadcast_in_dim3A_605] : memref<24xi32, #tpu.memory_space<vmem>>[vector<16xi32>], vector<16xi32>,
      %ge3A_607 = arith.cmpi sge, %add3A_583, %gather3A_606 : vector<16xi32>
      %convert_element_type3A_608 = arith.extui %ge3A_607 : vector<16xi1> to vector<16xi32>
      %add3A_609 = arith.addi %add3A_603, %convert_element_type3A_608 : vector<16xi32>
      %broadcast_in_dim3A_610 = arith.constant 5 : i32
      %broadcast_in_dim3A_611 = vector.broadcast %broadcast_in_dim3A_610 : i32 to vector<16xi32>
      %gather3A_612 = tpu.vector_load_idx %arg9[%broadcast_in_dim3A_611] : memref<24xi32, #tpu.memory_space<vmem>>[vector<16xi32>], vector<16xi32>,
      %ge3A_613 = arith.cmpi sge, %add3A_583, %gather3A_612 : vector<16xi32>
      %convert_element_type3A_614 = arith.extui %ge3A_613 : vector<16xi1> to vector<16xi32>
      %add3A_615 = arith.addi %add3A_609, %convert_element_type3A_614 : vector<16xi32>
      %broadcast_in_dim3A_616 = arith.constant 6 : i32
      %broadcast_in_dim3A_617 = vector.broadcast %broadcast_in_dim3A_616 : i32 to vector<16xi32>
      %gather3A_618 = tpu.vector_load_idx %arg9[%broadcast_in_dim3A_617] : memref<24xi32, #tpu.memory_space<vmem>>[vector<16xi32>], vector<16xi32>,
      %ge3A_619 = arith.cmpi sge, %add3A_583, %gather3A_618 : vector<16xi32>
      %convert_element_type3A_620 = arith.extui %ge3A_619 : vector<16xi1> to vector<16xi32>
      %add3A_621 = arith.addi %add3A_615, %convert_element_type3A_620 : vector<16xi32>
      %broadcast_in_dim3A_622 = arith.constant 7 : i32
      %broadcast_in_dim3A_623 = vector.broadcast %broadcast_in_dim3A_622 : i32 to vector<16xi32>
      %gather3A_624 = tpu.vector_load_idx %arg9[%broadcast_in_dim3A_623] : memref<24xi32, #tpu.memory_space<vmem>>[vector<16xi32>], vector<16xi32>,
      %ge3A_625 = arith.cmpi sge, %add3A_583, %gather3A_624 : vector<16xi32>
      %convert_element_type3A_626 = arith.extui %ge3A_625 : vector<16xi1> to vector<16xi32>
      %add3A_627 = arith.addi %add3A_621, %convert_element_type3A_626 : vector<16xi32>
      %broadcast_in_dim3A_628 = arith.constant 8 : i32
      %broadcast_in_dim3A_629 = vector.broadcast %broadcast_in_dim3A_628 : i32 to vector<16xi32>
      %gather3A_630 = tpu.vector_load_idx %arg9[%broadcast_in_dim3A_629] : memref<24xi32, #tpu.memory_space<vmem>>[vector<16xi32>], vector<16xi32>,
      %ge3A_631 = arith.cmpi sge, %add3A_583, %gather3A_630 : vector<16xi32>
      %convert_element_type3A_632 = arith.extui %ge3A_631 : vector<16xi1> to vector<16xi32>
      %add3A_633 = arith.addi %add3A_627, %convert_element_type3A_632 : vector<16xi32>
      %broadcast_in_dim3A_634 = arith.constant 9 : i32
      %broadcast_in_dim3A_635 = vector.broadcast %broadcast_in_dim3A_634 : i32 to vector<16xi32>
      %gather3A_636 = tpu.vector_load_idx %arg9[%broadcast_in_dim3A_635] : memref<24xi32, #tpu.memory_space<vmem>>[vector<16xi32>], vector<16xi32>,
      %ge3A_637 = arith.cmpi sge, %add3A_583, %gather3A_636 : vector<16xi32>
      %convert_element_type3A_638 = arith.extui %ge3A_637 : vector<16xi1> to vector<16xi32>
      %add3A_639 = arith.addi %add3A_633, %convert_element_type3A_638 : vector<16xi32>
      %broadcast_in_dim3A_640 = arith.constant 10 : i32
      %broadcast_in_dim3A_641 = vector.broadcast %broadcast_in_dim3A_640 : i32 to vector<16xi32>
      %gather3A_642 = tpu.vector_load_idx %arg9[%broadcast_in_dim3A_641] : memref<24xi32, #tpu.memory_space<vmem>>[vector<16xi32>], vector<16xi32>,
      %ge3A_643 = arith.cmpi sge, %add3A_583, %gather3A_642 : vector<16xi32>
      %convert_element_type3A_644 = arith.extui %ge3A_643 : vector<16xi1> to vector<16xi32>
      %add3A_645 = arith.addi %add3A_639, %convert_element_type3A_644 : vector<16xi32>
      %broadcast_in_dim3A_646 = arith.constant 11 : i32
      %broadcast_in_dim3A_647 = vector.broadcast %broadcast_in_dim3A_646 : i32 to vector<16xi32>
      %gather3A_648 = tpu.vector_load_idx %arg9[%broadcast_in_dim3A_647] : memref<24xi32, #tpu.memory_space<vmem>>[vector<16xi32>], vector<16xi32>,
      %ge3A_649 = arith.cmpi sge, %add3A_583, %gather3A_648 : vector<16xi32>
      %convert_element_type3A_650 = arith.extui %ge3A_649 : vector<16xi1> to vector<16xi32>
      %add3A_651 = arith.addi %add3A_645, %convert_element_type3A_650 : vector<16xi32>
      %broadcast_in_dim3A_652 = arith.constant 12 : i32
      %broadcast_in_dim3A_653 = vector.broadcast %broadcast_in_dim3A_652 : i32 to vector<16xi32>
      %gather3A_654 = tpu.vector_load_idx %arg9[%broadcast_in_dim3A_653] : memref<24xi32, #tpu.memory_space<vmem>>[vector<16xi32>], vector<16xi32>,
      %ge3A_655 = arith.cmpi sge, %add3A_583, %gather3A_654 : vector<16xi32>
      %convert_element_type3A_656 = arith.extui %ge3A_655 : vector<16xi1> to vector<16xi32>
      %add3A_657 = arith.addi %add3A_651, %convert_element_type3A_656 : vector<16xi32>
      %broadcast_in_dim3A_658 = arith.constant 13 : i32
      %broadcast_in_dim3A_659 = vector.broadcast %broadcast_in_dim3A_658 : i32 to vector<16xi32>
      %gather3A_660 = tpu.vector_load_idx %arg9[%broadcast_in_dim3A_659] : memref<24xi32, #tpu.memory_space<vmem>>[vector<16xi32>], vector<16xi32>,
      %ge3A_661 = arith.cmpi sge, %add3A_583, %gather3A_660 : vector<16xi32>
      %convert_element_type3A_662 = arith.extui %ge3A_661 : vector<16xi1> to vector<16xi32>
      %add3A_663 = arith.addi %add3A_657, %convert_element_type3A_662 : vector<16xi32>
      %broadcast_in_dim3A_664 = arith.constant 14 : i32
      %broadcast_in_dim3A_665 = vector.broadcast %broadcast_in_dim3A_664 : i32 to vector<16xi32>
      %gather3A_666 = tpu.vector_load_idx %arg9[%broadcast_in_dim3A_665] : memref<24xi32, #tpu.memory_space<vmem>>[vector<16xi32>], vector<16xi32>,
      %ge3A_667 = arith.cmpi sge, %add3A_583, %gather3A_666 : vector<16xi32>
      %convert_element_type3A_668 = arith.extui %ge3A_667 : vector<16xi1> to vector<16xi32>
      %add3A_669 = arith.addi %add3A_663, %convert_element_type3A_668 : vector<16xi32>
      %broadcast_in_dim3A_670 = arith.constant 15 : i32
      %broadcast_in_dim3A_671 = vector.broadcast %broadcast_in_dim3A_670 : i32 to vector<16xi32>
      %gather3A_672 = tpu.vector_load_idx %arg9[%broadcast_in_dim3A_671] : memref<24xi32, #tpu.memory_space<vmem>>[vector<16xi32>], vector<16xi32>,
      %ge3A_673 = arith.cmpi sge, %add3A_583, %gather3A_672 : vector<16xi32>
      %convert_element_type3A_674 = arith.extui %ge3A_673 : vector<16xi1> to vector<16xi32>
      %add3A_675 = arith.addi %add3A_669, %convert_element_type3A_674 : vector<16xi32>
      %broadcast_in_dim3A_676 = arith.constant 16 : i32
      %broadcast_in_dim3A_677 = vector.broadcast %broadcast_in_dim3A_676 : i32 to vector<16xi32>
      %gather3A_678 = tpu.vector_load_idx %arg9[%broadcast_in_dim3A_677] : memref<24xi32, #tpu.memory_space<vmem>>[vector<16xi32>], vector<16xi32>,
      %ge3A_679 = arith.cmpi sge, %add3A_583, %gather3A_678 : vector<16xi32>
      %convert_element_type3A_680 = arith.extui %ge3A_679 : vector<16xi1> to vector<16xi32>
      %add3A_681 = arith.addi %add3A_675, %convert_element_type3A_680 : vector<16xi32>
      %jit3A_682 = arith.constant 0 : i32
      %jit3A_683 = arith.constant 15 : i32
      %max3A_684 = vector.broadcast %jit3A_682 : i32 to vector<16xi32>
      %max3A_685 = arith.maxsi %max3A_684, %add3A_681 : vector<16xi32>
      %min3A_686 = vector.broadcast %jit3A_683 : i32 to vector<16xi32>
      %min3A_687 = arith.minsi %min3A_686, %max3A_685 : vector<16xi32>
      %gather3A_688 = tpu.vector_load_idx %arg10[%min3A_687] : memref<16xi32, #tpu.memory_space<vmem>>[vector<16xi32>], vector<16xi32>,
      %mul3A_689 = arith.constant 3746 : i32
      %mul3A_690 = vector.broadcast %mul3A_689 : i32 to vector<16xi32>
      %mul3A_691 = arith.muli %gather3A_688, %mul3A_690 : vector<16xi32>
      %mul3A_692 = arith.constant 16 : i32
      %mul3A_693 = arith.muli %add3A_578, %mul3A_692 : i32
      %get3A_694 = arith.index_cast %mul3A_693 : i32 to index
      %get3A_695 = tpu.vector_load %arg7[%get3A_694] {strides = array<i32>} : memref<1024xi32, #tpu.memory_space<vmem>>, vector<16xi32>,
      %jit3A_696 = arith.constant -100000 : i32
      %jit3A_697 = arith.constant 99999 : i32
      %max3A_698 = vector.broadcast %jit3A_696 : i32 to vector<16xi32>
      %max3A_699 = arith.maxsi %max3A_698, %get3A_695 : vector<16xi32>
      %min3A_700 = vector.broadcast %jit3A_697 : i32 to vector<16xi32>
      %min3A_701 = arith.minsi %min3A_700, %max3A_699 : vector<16xi32>
      %add3A_702 = arith.constant 100000 : i32
      %add3A_703 = vector.broadcast %add3A_702 : i32 to vector<16xi32>
      %add3A_704 = arith.addi %min3A_701, %add3A_703 : vector<16xi32>
      %div3A_705 = arith.constant 100 : i32
      %div3A_706 = vector.broadcast %div3A_705 : i32 to vector<16xi32>
      %div3A_707 = arith.divsi %add3A_704, %div3A_706 : vector<16xi32>
      %add3A_708 = arith.constant 0 : i32
      %add3A_709 = vector.broadcast %add3A_708 : i32 to vector<16xi32>
      %add3A_710 = arith.addi %div3A_707, %add3A_709 : vector<16xi32>
      %jit3A_711 = arith.constant 0 : i32
      %jit3A_712 = arith.constant 3745 : i32
      %max3A_713 = vector.broadcast %jit3A_711 : i32 to vector<16xi32>
      %max3A_714 = arith.maxsi %max3A_713, %add3A_710 : vector<16xi32>
      %min3A_715 = vector.broadcast %jit3A_712 : i32 to vector<16xi32>
      %min3A_716 = arith.minsi %min3A_715, %max3A_714 : vector<16xi32>
      %add3A_717 = arith.constant 1 : i32
      %add3A_718 = vector.broadcast %add3A_717 : i32 to vector<16xi32>
      %add3A_719 = arith.addi %min3A_716, %add3A_718 : vector<16xi32>
      %min3A_720 = arith.constant 3745 : i32
      %min3A_721 = vector.broadcast %min3A_720 : i32 to vector<16xi32>
      %min3A_722 = arith.minsi %add3A_719, %min3A_721 : vector<16xi32>
      %add3A_723 = arith.addi %mul3A_691, %min3A_716 : vector<16xi32>
      %swap3A_724 = arith.constant 0 : index
      %swap3A_725 = tpu.vector_load %arg12[%swap3A_724] {strides = array<i32>} : memref<384xi32, #tpu.memory_space<vmem>>, vector<16xi32>,
      tpu.vector_store %arg12[%swap3A_724], %add3A_723 {strides = array<i32>} : memref<384xi32, #tpu.memory_space<vmem>>, vector<16xi32>,
      %add3A_726 = arith.addi %mul3A_691, %min3A_722 : vector<16xi32>
      %swap3A_727 = arith.constant 16 : index
      %swap3A_728 = tpu.vector_load %arg12[%swap3A_727] {strides = array<i32>} : memref<384xi32, #tpu.memory_space<vmem>>, vector<16xi32>,
      tpu.vector_store %arg12[%swap3A_727], %add3A_726 {strides = array<i32>} : memref<384xi32, #tpu.memory_space<vmem>>, vector<16xi32>,
      %mul3A_729 = arith.constant 100 : i32
      %mul3A_730 = vector.broadcast %mul3A_729 : i32 to vector<16xi32>
      %mul3A_731 = arith.muli %div3A_707, %mul3A_730 : vector<16xi32>
      %sub3A_732 = arith.subi %add3A_704, %mul3A_731 : vector<16xi32>
      %convert_element_type3A_733 = arith.sitofp %sub3A_732 : vector<16xi32> to vector<16xf32>
      %mul3A_734 = arith.constant 0.00999999977 : f32
      %mul3A_735 = vector.broadcast %mul3A_734 : f32 to vector<16xf32>
      %mul3A_736 = arith.mulf %convert_element_type3A_733, %mul3A_735 : vector<16xf32>
      %swap3A_737 = arith.constant 0 : index
      %swap3A_738 = tpu.vector_load %arg14[%swap3A_737] {strides = array<i32>} : memref<256xf32, #tpu.memory_space<vmem>>, vector<16xf32>,
      tpu.vector_store %arg14[%swap3A_737], %mul3A_736 {strides = array<i32>} : memref<256xf32, #tpu.memory_space<vmem>>, vector<16xf32>,
      %div3A_739 = arith.constant 200 : i32
      %div3A_740 = vector.broadcast %div3A_739 : i32 to vector<16xi32>
      %div3A_741 = arith.divsi %add3A_704, %div3A_740 : vector<16xi32>
      %add3A_742 = arith.constant 2001 : i32
      %add3A_743 = vector.broadcast %add3A_742 : i32 to vector<16xi32>
      %add3A_744 = arith.addi %div3A_741, %add3A_743 : vector<16xi32>
      %jit3A_745 = arith.constant 0 : i32
      %jit3A_746 = arith.constant 3745 : i32
      %max3A_747 = vector.broadcast %jit3A_745 : i32 to vector<16xi32>
      %max3A_748 = arith.maxsi %max3A_747, %add3A_744 : vector<16xi32>
      %min3A_749 = vector.broadcast %jit3A_746 : i32 to vector<16xi32>
      %min3A_750 = arith.minsi %min3A_749, %max3A_748 : vector<16xi32>
      %add3A_751 = arith.constant 1 : i32
      %add3A_752 = vector.broadcast %add3A_751 : i32 to vector<16xi32>
      %add3A_753 = arith.addi %min3A_750, %add3A_752 : vector<16xi32>
      %min3A_754 = arith.constant 3745 : i32
      %min3A_755 = vector.broadcast %min3A_754 : i32 to vector<16xi32>
      %min3A_756 = arith.minsi %add3A_753, %min3A_755 : vector<16xi32>
      %add3A_757 = arith.addi %mul3A_691, %min3A_750 : vector<16xi32>
      %swap3A_758 = arith.constant 64 : index
      %swap3A_759 = tpu.vector_load %arg12[%swap3A_758] {strides = array<i32>} : memref<384xi32, #tpu.memory_space<vmem>>, vector<16xi32>,
      tpu.vector_store %arg12[%swap3A_758], %add3A_757 {strides = array<i32>} : memref<384xi32, #tpu.memory_space<vmem>>, vector<16xi32>,
      %add3A_760 = arith.addi %mul3A_691, %min3A_756 : vector<16xi32>
      %swap3A_761 = arith.constant 80 : index
      %swap3A_762 = tpu.vector_load %arg12[%swap3A_761] {strides = array<i32>} : memref<384xi32, #tpu.memory_space<vmem>>, vector<16xi32>,
      tpu.vector_store %arg12[%swap3A_761], %add3A_760 {strides = array<i32>} : memref<384xi32, #tpu.memory_space<vmem>>, vector<16xi32>,
      %mul3A_763 = arith.constant 200 : i32
      %mul3A_764 = vector.broadcast %mul3A_763 : i32 to vector<16xi32>
      %mul3A_765 = arith.muli %div3A_741, %mul3A_764 : vector<16xi32>
      %sub3A_766 = arith.subi %add3A_704, %mul3A_765 : vector<16xi32>
      %convert_element_type3A_767 = arith.sitofp %sub3A_766 : vector<16xi32> to vector<16xf32>
      %mul3A_768 = arith.constant 5.000000e-03 : f32
      %mul3A_769 = vector.broadcast %mul3A_768 : f32 to vector<16xf32>
      %mul3A_770 = arith.mulf %convert_element_type3A_767, %mul3A_769 : vector<16xf32>
      %swap3A_771 = arith.constant 32 : index
      %swap3A_772 = tpu.vector_load %arg14[%swap3A_771] {strides = array<i32>} : memref<256xf32, #tpu.memory_space<vmem>>, vector<16xf32>,
      tpu.vector_store %arg14[%swap3A_771], %mul3A_770 {strides = array<i32>} : memref<256xf32, #tpu.memory_space<vmem>>, vector<16xf32>,
      %div3A_773 = arith.constant 500 : i32
      %div3A_774 = vector.broadcast %div3A_773 : i32 to vector<16xi32>
      %div3A_775 = arith.divsi %add3A_704, %div3A_774 : vector<16xi32>
      %add3A_776 = arith.constant 3002 : i32
      %add3A_777 = vector.broadcast %add3A_776 : i32 to vector<16xi32>
      %add3A_778 = arith.addi %div3A_775, %add3A_777 : vector<16xi32>
      %jit3A_779 = arith.constant 0 : i32
      %jit3A_780 = arith.constant 3745 : i32
      %max3A_781 = vector.broadcast %jit3A_779 : i32 to vector<16xi32>
      %max3A_782 = arith.maxsi %max3A_781, %add3A_778 : vector<16xi32>
      %min3A_783 = vector.broadcast %jit3A_780 : i32 to vector<16xi32>
      %min3A_784 = arith.minsi %min3A_783, %max3A_782 : vector<16xi32>
      %add3A_785 = arith.constant 1 : i32
      %add3A_786 = vector.broadcast %add3A_785 : i32 to vector<16xi32>
      %add3A_787 = arith.addi %min3A_784, %add3A_786 : vector<16xi32>
      %min3A_788 = arith.constant 3745 : i32
      %min3A_789 = vector.broadcast %min3A_788 : i32 to vector<16xi32>
      %min3A_790 = arith.minsi %add3A_787, %min3A_789 : vector<16xi32>
      %add3A_791 = arith.addi %mul3A_691, %min3A_784 : vector<16xi32>
      %swap3A_792 = arith.constant 128 : index
      %swap3A_793 = tpu.vector_load %arg12[%swap3A_792] {strides = array<i32>} : memref<384xi32, #tpu.memory_space<vmem>>, vector<16xi32>,
      tpu.vector_store %arg12[%swap3A_792], %add3A_791 {strides = array<i32>} : memref<384xi32, #tpu.memory_space<vmem>>, vector<16xi32>,
      %add3A_794 = arith.addi %mul3A_691, %min3A_790 : vector<16xi32>
      %swap3A_795 = arith.constant 144 : index
      %swap3A_796 = tpu.vector_load %arg12[%swap3A_795] {strides = array<i32>} : memref<384xi32, #tpu.memory_space<vmem>>, vector<16xi32>,
      tpu.vector_store %arg12[%swap3A_795], %add3A_794 {strides = array<i32>} : memref<384xi32, #tpu.memory_space<vmem>>, vector<16xi32>,
      %mul3A_797 = arith.constant 500 : i32
      %mul3A_798 = vector.broadcast %mul3A_797 : i32 to vector<16xi32>
      %mul3A_799 = arith.muli %div3A_775, %mul3A_798 : vector<16xi32>
      %sub3A_800 = arith.subi %add3A_704, %mul3A_799 : vector<16xi32>
      %convert_element_type3A_801 = arith.sitofp %sub3A_800 : vector<16xi32> to vector<16xf32>
      %mul3A_802 = arith.constant 2.000000e-03 : f32
      %mul3A_803 = vector.broadcast %mul3A_802 : f32 to vector<16xf32>
      %mul3A_804 = arith.mulf %convert_element_type3A_801, %mul3A_803 : vector<16xf32>
      %swap3A_805 = arith.constant 64 : index
      %swap3A_806 = tpu.vector_load %arg14[%swap3A_805] {strides = array<i32>} : memref<256xf32, #tpu.memory_space<vmem>>, vector<16xf32>,
      tpu.vector_store %arg14[%swap3A_805], %mul3A_804 {strides = array<i32>} : memref<256xf32, #tpu.memory_space<vmem>>, vector<16xf32>,
      %div3A_807 = arith.constant 1000 : i32
      %div3A_808 = vector.broadcast %div3A_807 : i32 to vector<16xi32>
      %div3A_809 = arith.divsi %add3A_704, %div3A_808 : vector<16xi32>
      %add3A_810 = arith.constant 3403 : i32
      %add3A_811 = vector.broadcast %add3A_810 : i32 to vector<16xi32>
      %add3A_812 = arith.addi %div3A_809, %add3A_811 : vector<16xi32>
      %jit3A_813 = arith.constant 0 : i32
      %jit3A_814 = arith.constant 3745 : i32
      %max3A_815 = vector.broadcast %jit3A_813 : i32 to vector<16xi32>
      %max3A_816 = arith.maxsi %max3A_815, %add3A_812 : vector<16xi32>
      %min3A_817 = vector.broadcast %jit3A_814 : i32 to vector<16xi32>
      %min3A_818 = arith.minsi %min3A_817, %max3A_816 : vector<16xi32>
      %add3A_819 = arith.constant 1 : i32
      %add3A_820 = vector.broadcast %add3A_819 : i32 to vector<16xi32>
      %add3A_821 = arith.addi %min3A_818, %add3A_820 : vector<16xi32>
      %min3A_822 = arith.constant 3745 : i32
      %min3A_823 = vector.broadcast %min3A_822 : i32 to vector<16xi32>
      %min3A_824 = arith.minsi %add3A_821, %min3A_823 : vector<16xi32>
      %add3A_825 = arith.addi %mul3A_691, %min3A_818 : vector<16xi32>
      %swap3A_826 = arith.constant 192 : index
      %swap3A_827 = tpu.vector_load %arg12[%swap3A_826] {strides = array<i32>} : memref<384xi32, #tpu.memory_space<vmem>>, vector<16xi32>,
      tpu.vector_store %arg12[%swap3A_826], %add3A_825 {strides = array<i32>} : memref<384xi32, #tpu.memory_space<vmem>>, vector<16xi32>,
      %add3A_828 = arith.addi %mul3A_691, %min3A_824 : vector<16xi32>
      %swap3A_829 = arith.constant 208 : index
      %swap3A_830 = tpu.vector_load %arg12[%swap3A_829] {strides = array<i32>} : memref<384xi32, #tpu.memory_space<vmem>>, vector<16xi32>,
      tpu.vector_store %arg12[%swap3A_829], %add3A_828 {strides = array<i32>} : memref<384xi32, #tpu.memory_space<vmem>>, vector<16xi32>,
      %mul3A_831 = arith.constant 1000 : i32
      %mul3A_832 = vector.broadcast %mul3A_831 : i32 to vector<16xi32>
      %mul3A_833 = arith.muli %div3A_809, %mul3A_832 : vector<16xi32>
      %sub3A_834 = arith.subi %add3A_704, %mul3A_833 : vector<16xi32>
      %convert_element_type3A_835 = arith.sitofp %sub3A_834 : vector<16xi32> to vector<16xf32>
      %mul3A_836 = arith.constant 1.000000e-03 : f32
      %mul3A_837 = vector.broadcast %mul3A_836 : f32 to vector<16xf32>
      %mul3A_838 = arith.mulf %convert_element_type3A_835, %mul3A_837 : vector<16xf32>
      %swap3A_839 = arith.constant 96 : index
      %swap3A_840 = tpu.vector_load %arg14[%swap3A_839] {strides = array<i32>} : memref<256xf32, #tpu.memory_space<vmem>>, vector<16xf32>,
      tpu.vector_store %arg14[%swap3A_839], %mul3A_838 {strides = array<i32>} : memref<256xf32, #tpu.memory_space<vmem>>, vector<16xf32>,
      %div3A_841 = arith.constant 2000 : i32
      %div3A_842 = vector.broadcast %div3A_841 : i32 to vector<16xi32>
      %div3A_843 = arith.divsi %add3A_704, %div3A_842 : vector<16xi32>
      %add3A_844 = arith.constant 3604 : i32
      %add3A_845 = vector.broadcast %add3A_844 : i32 to vector<16xi32>
      %add3A_846 = arith.addi %div3A_843, %add3A_845 : vector<16xi32>
      %jit3A_847 = arith.constant 0 : i32
      %jit3A_848 = arith.constant 3745 : i32
      %max3A_849 = vector.broadcast %jit3A_847 : i32 to vector<16xi32>
      %max3A_850 = arith.maxsi %max3A_849, %add3A_846 : vector<16xi32>
      %min3A_851 = vector.broadcast %jit3A_848 : i32 to vector<16xi32>
      %min3A_852 = arith.minsi %min3A_851, %max3A_850 : vector<16xi32>
      %add3A_853 = arith.constant 1 : i32
      %add3A_854 = vector.broadcast %add3A_853 : i32 to vector<16xi32>
      %add3A_855 = arith.addi %min3A_852, %add3A_854 : vector<16xi32>
      %min3A_856 = arith.constant 3745 : i32
      %min3A_857 = vector.broadcast %min3A_856 : i32 to vector<16xi32>
      %min3A_858 = arith.minsi %add3A_855, %min3A_857 : vector<16xi32>
      %add3A_859 = arith.addi %mul3A_691, %min3A_852 : vector<16xi32>
      %swap3A_860 = arith.constant 256 : index
      %swap3A_861 = tpu.vector_load %arg12[%swap3A_860] {strides = array<i32>} : memref<384xi32, #tpu.memory_space<vmem>>, vector<16xi32>,
      tpu.vector_store %arg12[%swap3A_860], %add3A_859 {strides = array<i32>} : memref<384xi32, #tpu.memory_space<vmem>>, vector<16xi32>,
      %add3A_862 = arith.addi %mul3A_691, %min3A_858 : vector<16xi32>
      %swap3A_863 = arith.constant 272 : index
      %swap3A_864 = tpu.vector_load %arg12[%swap3A_863] {strides = array<i32>} : memref<384xi32, #tpu.memory_space<vmem>>, vector<16xi32>,
      tpu.vector_store %arg12[%swap3A_863], %add3A_862 {strides = array<i32>} : memref<384xi32, #tpu.memory_space<vmem>>, vector<16xi32>,
      %mul3A_865 = arith.constant 2000 : i32
      %mul3A_866 = vector.broadcast %mul3A_865 : i32 to vector<16xi32>
      %mul3A_867 = arith.muli %div3A_843, %mul3A_866 : vector<16xi32>
      %sub3A_868 = arith.subi %add3A_704, %mul3A_867 : vector<16xi32>
      %convert_element_type3A_869 = arith.sitofp %sub3A_868 : vector<16xi32> to vector<16xf32>
      %mul3A_870 = arith.constant 5.000000e-04 : f32
      %mul3A_871 = vector.broadcast %mul3A_870 : f32 to vector<16xf32>
      %mul3A_872 = arith.mulf %convert_element_type3A_869, %mul3A_871 : vector<16xf32>
      %swap3A_873 = arith.constant 128 : index
      %swap3A_874 = tpu.vector_load %arg14[%swap3A_873] {strides = array<i32>} : memref<256xf32, #tpu.memory_space<vmem>>, vector<16xf32>,
      tpu.vector_store %arg14[%swap3A_873], %mul3A_872 {strides = array<i32>} : memref<256xf32, #tpu.memory_space<vmem>>, vector<16xf32>,
      %div3A_875 = arith.constant 5000 : i32
      %div3A_876 = vector.broadcast %div3A_875 : i32 to vector<16xi32>
      %div3A_877 = arith.divsi %add3A_704, %div3A_876 : vector<16xi32>
      %add3A_878 = arith.constant 3705 : i32
      %add3A_879 = vector.broadcast %add3A_878 : i32 to vector<16xi32>
      %add3A_880 = arith.addi %div3A_877, %add3A_879 : vector<16xi32>
      %jit3A_881 = arith.constant 0 : i32
      %jit3A_882 = arith.constant 3745 : i32
      %max3A_883 = vector.broadcast %jit3A_881 : i32 to vector<16xi32>
      %max3A_884 = arith.maxsi %max3A_883, %add3A_880 : vector<16xi32>
      %min3A_885 = vector.broadcast %jit3A_882 : i32 to vector<16xi32>
      %min3A_886 = arith.minsi %min3A_885, %max3A_884 : vector<16xi32>
      %add3A_887 = arith.constant 1 : i32
      %add3A_888 = vector.broadcast %add3A_887 : i32 to vector<16xi32>
      %add3A_889 = arith.addi %min3A_886, %add3A_888 : vector<16xi32>
      %min3A_890 = arith.constant 3745 : i32
      %min3A_891 = vector.broadcast %min3A_890 : i32 to vector<16xi32>
      %min3A_892 = arith.minsi %add3A_889, %min3A_891 : vector<16xi32>
      %add3A_893 = arith.addi %mul3A_691, %min3A_886 : vector<16xi32>
      %swap3A_894 = arith.constant 320 : index
      %swap3A_895 = tpu.vector_load %arg12[%swap3A_894] {strides = array<i32>} : memref<384xi32, #tpu.memory_space<vmem>>, vector<16xi32>,
      tpu.vector_store %arg12[%swap3A_894], %add3A_893 {strides = array<i32>} : memref<384xi32, #tpu.memory_space<vmem>>, vector<16xi32>,
      %add3A_896 = arith.addi %mul3A_691, %min3A_892 : vector<16xi32>
      %swap3A_897 = arith.constant 336 : index
      %swap3A_898 = tpu.vector_load %arg12[%swap3A_897] {strides = array<i32>} : memref<384xi32, #tpu.memory_space<vmem>>, vector<16xi32>,
      tpu.vector_store %arg12[%swap3A_897], %add3A_896 {strides = array<i32>} : memref<384xi32, #tpu.memory_space<vmem>>, vector<16xi32>,
      %mul3A_899 = arith.constant 5000 : i32
      %mul3A_900 = vector.broadcast %mul3A_899 : i32 to vector<16xi32>
      %mul3A_901 = arith.muli %div3A_877, %mul3A_900 : vector<16xi32>
      %sub3A_902 = arith.subi %add3A_704, %mul3A_901 : vector<16xi32>
      %convert_element_type3A_903 = arith.sitofp %sub3A_902 : vector<16xi32> to vector<16xf32>
      %mul3A_904 = arith.constant 2.000000e-04 : f32
      %mul3A_905 = vector.broadcast %mul3A_904 : f32 to vector<16xf32>
      %mul3A_906 = arith.mulf %convert_element_type3A_903, %mul3A_905 : vector<16xf32>
      %swap3A_907 = arith.constant 160 : index
      %swap3A_908 = tpu.vector_load %arg14[%swap3A_907] {strides = array<i32>} : memref<256xf32, #tpu.memory_space<vmem>>, vector<16xf32>,
      tpu.vector_store %arg14[%swap3A_907], %mul3A_906 {strides = array<i32>} : memref<256xf32, #tpu.memory_space<vmem>>, vector<16xf32>,
      %mul3A_909 = arith.constant 16 : i32
      %mul3A_910 = arith.muli %add3A_578, %mul3A_909 : i32
      %get3A_911 = arith.index_cast %mul3A_910 : i32 to index
      %get3A_912 = tpu.vector_load %arg8[%get3A_911] {strides = array<i32>} : memref<1024xi32, #tpu.memory_space<vmem>>, vector<16xi32>,
      %jit3A_913 = arith.constant -100000 : i32
      %jit3A_914 = arith.constant 99999 : i32
      %max3A_915 = vector.broadcast %jit3A_913 : i32 to vector<16xi32>
      %max3A_916 = arith.maxsi %max3A_915, %get3A_912 : vector<16xi32>
      %min3A_917 = vector.broadcast %jit3A_914 : i32 to vector<16xi32>
      %min3A_918 = arith.minsi %min3A_917, %max3A_916 : vector<16xi32>
      %add3A_919 = arith.constant 100000 : i32
      %add3A_920 = vector.broadcast %add3A_919 : i32 to vector<16xi32>
      %add3A_921 = arith.addi %min3A_918, %add3A_920 : vector<16xi32>
      %div3A_922 = arith.constant 100 : i32
      %div3A_923 = vector.broadcast %div3A_922 : i32 to vector<16xi32>
      %div3A_924 = arith.divsi %add3A_921, %div3A_923 : vector<16xi32>
      %add3A_925 = arith.constant 0 : i32
      %add3A_926 = vector.broadcast %add3A_925 : i32 to vector<16xi32>
      %add3A_927 = arith.addi %div3A_924, %add3A_926 : vector<16xi32>
      %jit3A_928 = arith.constant 0 : i32
      %jit3A_929 = arith.constant 3745 : i32
      %max3A_930 = vector.broadcast %jit3A_928 : i32 to vector<16xi32>
      %max3A_931 = arith.maxsi %max3A_930, %add3A_927 : vector<16xi32>
      %min3A_932 = vector.broadcast %jit3A_929 : i32 to vector<16xi32>
      %min3A_933 = arith.minsi %min3A_932, %max3A_931 : vector<16xi32>
      %add3A_934 = arith.constant 1 : i32
      %add3A_935 = vector.broadcast %add3A_934 : i32 to vector<16xi32>
      %add3A_936 = arith.addi %min3A_933, %add3A_935 : vector<16xi32>
      %min3A_937 = arith.constant 3745 : i32
      %min3A_938 = vector.broadcast %min3A_937 : i32 to vector<16xi32>
      %min3A_939 = arith.minsi %add3A_936, %min3A_938 : vector<16xi32>
      %add3A_940 = arith.addi %mul3A_691, %min3A_933 : vector<16xi32>
      %swap3A_941 = arith.constant 32 : index
      %swap3A_942 = tpu.vector_load %arg12[%swap3A_941] {strides = array<i32>} : memref<384xi32, #tpu.memory_space<vmem>>, vector<16xi32>,
      tpu.vector_store %arg12[%swap3A_941], %add3A_940 {strides = array<i32>} : memref<384xi32, #tpu.memory_space<vmem>>, vector<16xi32>,
      %add3A_943 = arith.addi %mul3A_691, %min3A_939 : vector<16xi32>
      %swap3A_944 = arith.constant 48 : index
      %swap3A_945 = tpu.vector_load %arg12[%swap3A_944] {strides = array<i32>} : memref<384xi32, #tpu.memory_space<vmem>>, vector<16xi32>,
      tpu.vector_store %arg12[%swap3A_944], %add3A_943 {strides = array<i32>} : memref<384xi32, #tpu.memory_space<vmem>>, vector<16xi32>,
      %mul3A_946 = arith.constant 100 : i32
      %mul3A_947 = vector.broadcast %mul3A_946 : i32 to vector<16xi32>
      %mul3A_948 = arith.muli %div3A_924, %mul3A_947 : vector<16xi32>
      %sub3A_949 = arith.subi %add3A_921, %mul3A_948 : vector<16xi32>
      %convert_element_type3A_950 = arith.sitofp %sub3A_949 : vector<16xi32> to vector<16xf32>
      %mul3A_951 = arith.constant 0.00999999977 : f32
      %mul3A_952 = vector.broadcast %mul3A_951 : f32 to vector<16xf32>
      %mul3A_953 = arith.mulf %convert_element_type3A_950, %mul3A_952 : vector<16xf32>
      %swap3A_954 = arith.constant 16 : index
      %swap3A_955 = tpu.vector_load %arg14[%swap3A_954] {strides = array<i32>} : memref<256xf32, #tpu.memory_space<vmem>>, vector<16xf32>,
      tpu.vector_store %arg14[%swap3A_954], %mul3A_953 {strides = array<i32>} : memref<256xf32, #tpu.memory_space<vmem>>, vector<16xf32>,
      %div3A_956 = arith.constant 200 : i32
      %div3A_957 = vector.broadcast %div3A_956 : i32 to vector<16xi32>
      %div3A_958 = arith.divsi %add3A_921, %div3A_957 : vector<16xi32>
      %add3A_959 = arith.constant 2001 : i32
      %add3A_960 = vector.broadcast %add3A_959 : i32 to vector<16xi32>
      %add3A_961 = arith.addi %div3A_958, %add3A_960 : vector<16xi32>
      %jit3A_962 = arith.constant 0 : i32
      %jit3A_963 = arith.constant 3745 : i32
      %max3A_964 = vector.broadcast %jit3A_962 : i32 to vector<16xi32>
      %max3A_965 = arith.maxsi %max3A_964, %add3A_961 : vector<16xi32>
      %min3A_966 = vector.broadcast %jit3A_963 : i32 to vector<16xi32>
      %min3A_967 = arith.minsi %min3A_966, %max3A_965 : vector<16xi32>
      %add3A_968 = arith.constant 1 : i32
      %add3A_969 = vector.broadcast %add3A_968 : i32 to vector<16xi32>
      %add3A_970 = arith.addi %min3A_967, %add3A_969 : vector<16xi32>
      %min3A_971 = arith.constant 3745 : i32
      %min3A_972 = vector.broadcast %min3A_971 : i32 to vector<16xi32>
      %min3A_973 = arith.minsi %add3A_970, %min3A_972 : vector<16xi32>
      %add3A_974 = arith.addi %mul3A_691, %min3A_967 : vector<16xi32>
      %swap3A_975 = arith.constant 96 : index
      %swap3A_976 = tpu.vector_load %arg12[%swap3A_975] {strides = array<i32>} : memref<384xi32, #tpu.memory_space<vmem>>, vector<16xi32>,
      tpu.vector_store %arg12[%swap3A_975], %add3A_974 {strides = array<i32>} : memref<384xi32, #tpu.memory_space<vmem>>, vector<16xi32>,
      %add3A_977 = arith.addi %mul3A_691, %min3A_973 : vector<16xi32>
      %swap3A_978 = arith.constant 112 : index
      %swap3A_979 = tpu.vector_load %arg12[%swap3A_978] {strides = array<i32>} : memref<384xi32, #tpu.memory_space<vmem>>, vector<16xi32>,
      tpu.vector_store %arg12[%swap3A_978], %add3A_977 {strides = array<i32>} : memref<384xi32, #tpu.memory_space<vmem>>, vector<16xi32>,
      %mul3A_980 = arith.constant 200 : i32
      %mul3A_981 = vector.broadcast %mul3A_980 : i32 to vector<16xi32>
      %mul3A_982 = arith.muli %div3A_958, %mul3A_981 : vector<16xi32>
      %sub3A_983 = arith.subi %add3A_921, %mul3A_982 : vector<16xi32>
      %convert_element_type3A_984 = arith.sitofp %sub3A_983 : vector<16xi32> to vector<16xf32>
      %mul3A_985 = arith.constant 5.000000e-03 : f32
      %mul3A_986 = vector.broadcast %mul3A_985 : f32 to vector<16xf32>
      %mul3A_987 = arith.mulf %convert_element_type3A_984, %mul3A_986 : vector<16xf32>
      %swap3A_988 = arith.constant 48 : index
      %swap3A_989 = tpu.vector_load %arg14[%swap3A_988] {strides = array<i32>} : memref<256xf32, #tpu.memory_space<vmem>>, vector<16xf32>,
      tpu.vector_store %arg14[%swap3A_988], %mul3A_987 {strides = array<i32>} : memref<256xf32, #tpu.memory_space<vmem>>, vector<16xf32>,
      %div3A_990 = arith.constant 500 : i32
      %div3A_991 = vector.broadcast %div3A_990 : i32 to vector<16xi32>
      %div3A_992 = arith.divsi %add3A_921, %div3A_991 : vector<16xi32>
      %add3A_993 = arith.constant 3002 : i32
      %add3A_994 = vector.broadcast %add3A_993 : i32 to vector<16xi32>
      %add3A_995 = arith.addi %div3A_992, %add3A_994 : vector<16xi32>
      %jit3A_996 = arith.constant 0 : i32
      %jit3A_997 = arith.constant 3745 : i32
      %max3A_998 = vector.broadcast %jit3A_996 : i32 to vector<16xi32>
      %max3A_999 = arith.maxsi %max3A_998, %add3A_995 : vector<16xi32>
      %min3A_1000 = vector.broadcast %jit3A_997 : i32 to vector<16xi32>
      %min3A_1001 = arith.minsi %min3A_1000, %max3A_999 : vector<16xi32>
      %add3A_1002 = arith.constant 1 : i32
      %add3A_1003 = vector.broadcast %add3A_1002 : i32 to vector<16xi32>
      %add3A_1004 = arith.addi %min3A_1001, %add3A_1003 : vector<16xi32>
      %min3A_1005 = arith.constant 3745 : i32
      %min3A_1006 = vector.broadcast %min3A_1005 : i32 to vector<16xi32>
      %min3A_1007 = arith.minsi %add3A_1004, %min3A_1006 : vector<16xi32>
      %add3A_1008 = arith.addi %mul3A_691, %min3A_1001 : vector<16xi32>
      %swap3A_1009 = arith.constant 160 : index
      %swap3A_1010 = tpu.vector_load %arg12[%swap3A_1009] {strides = array<i32>} : memref<384xi32, #tpu.memory_space<vmem>>, vector<16xi32>,
      tpu.vector_store %arg12[%swap3A_1009], %add3A_1008 {strides = array<i32>} : memref<384xi32, #tpu.memory_space<vmem>>, vector<16xi32>,
      %add3A_1011 = arith.addi %mul3A_691, %min3A_1007 : vector<16xi32>
      %swap3A_1012 = arith.constant 176 : index
      %swap3A_1013 = tpu.vector_load %arg12[%swap3A_1012] {strides = array<i32>} : memref<384xi32, #tpu.memory_space<vmem>>, vector<16xi32>,
      tpu.vector_store %arg12[%swap3A_1012], %add3A_1011 {strides = array<i32>} : memref<384xi32, #tpu.memory_space<vmem>>, vector<16xi32>,
      %mul3A_1014 = arith.constant 500 : i32
      %mul3A_1015 = vector.broadcast %mul3A_1014 : i32 to vector<16xi32>
      %mul3A_1016 = arith.muli %div3A_992, %mul3A_1015 : vector<16xi32>
      %sub3A_1017 = arith.subi %add3A_921, %mul3A_1016 : vector<16xi32>
      %convert_element_type3A_1018 = arith.sitofp %sub3A_1017 : vector<16xi32> to vector<16xf32>
      %mul3A_1019 = arith.constant 2.000000e-03 : f32
      %mul3A_1020 = vector.broadcast %mul3A_1019 : f32 to vector<16xf32>
      %mul3A_1021 = arith.mulf %convert_element_type3A_1018, %mul3A_1020 : vector<16xf32>
      %swap3A_1022 = arith.constant 80 : index
      %swap3A_1023 = tpu.vector_load %arg14[%swap3A_1022] {strides = array<i32>} : memref<256xf32, #tpu.memory_space<vmem>>, vector<16xf32>,
      tpu.vector_store %arg14[%swap3A_1022], %mul3A_1021 {strides = array<i32>} : memref<256xf32, #tpu.memory_space<vmem>>, vector<16xf32>,
      %div3A_1024 = arith.constant 1000 : i32
      %div3A_1025 = vector.broadcast %div3A_1024 : i32 to vector<16xi32>
      %div3A_1026 = arith.divsi %add3A_921, %div3A_1025 : vector<16xi32>
      %add3A_1027 = arith.constant 3403 : i32
      %add3A_1028 = vector.broadcast %add3A_1027 : i32 to vector<16xi32>
      %add3A_1029 = arith.addi %div3A_1026, %add3A_1028 : vector<16xi32>
      %jit3A_1030 = arith.constant 0 : i32
      %jit3A_1031 = arith.constant 3745 : i32
      %max3A_1032 = vector.broadcast %jit3A_1030 : i32 to vector<16xi32>
      %max3A_1033 = arith.maxsi %max3A_1032, %add3A_1029 : vector<16xi32>
      %min3A_1034 = vector.broadcast %jit3A_1031 : i32 to vector<16xi32>
      %min3A_1035 = arith.minsi %min3A_1034, %max3A_1033 : vector<16xi32>
      %add3A_1036 = arith.constant 1 : i32
      %add3A_1037 = vector.broadcast %add3A_1036 : i32 to vector<16xi32>
      %add3A_1038 = arith.addi %min3A_1035, %add3A_1037 : vector<16xi32>
      %min3A_1039 = arith.constant 3745 : i32
      %min3A_1040 = vector.broadcast %min3A_1039 : i32 to vector<16xi32>
      %min3A_1041 = arith.minsi %add3A_1038, %min3A_1040 : vector<16xi32>
      %add3A_1042 = arith.addi %mul3A_691, %min3A_1035 : vector<16xi32>
      %swap3A_1043 = arith.constant 224 : index
      %swap3A_1044 = tpu.vector_load %arg12[%swap3A_1043] {strides = array<i32>} : memref<384xi32, #tpu.memory_space<vmem>>, vector<16xi32>,
      tpu.vector_store %arg12[%swap3A_1043], %add3A_1042 {strides = array<i32>} : memref<384xi32, #tpu.memory_space<vmem>>, vector<16xi32>,
      %add3A_1045 = arith.addi %mul3A_691, %min3A_1041 : vector<16xi32>
      %swap3A_1046 = arith.constant 240 : index
      %swap3A_1047 = tpu.vector_load %arg12[%swap3A_1046] {strides = array<i32>} : memref<384xi32, #tpu.memory_space<vmem>>, vector<16xi32>,
      tpu.vector_store %arg12[%swap3A_1046], %add3A_1045 {strides = array<i32>} : memref<384xi32, #tpu.memory_space<vmem>>, vector<16xi32>,
      %mul3A_1048 = arith.constant 1000 : i32
      %mul3A_1049 = vector.broadcast %mul3A_1048 : i32 to vector<16xi32>
      %mul3A_1050 = arith.muli %div3A_1026, %mul3A_1049 : vector<16xi32>
      %sub3A_1051 = arith.subi %add3A_921, %mul3A_1050 : vector<16xi32>
      %convert_element_type3A_1052 = arith.sitofp %sub3A_1051 : vector<16xi32> to vector<16xf32>
      %mul3A_1053 = arith.constant 1.000000e-03 : f32
      %mul3A_1054 = vector.broadcast %mul3A_1053 : f32 to vector<16xf32>
      %mul3A_1055 = arith.mulf %convert_element_type3A_1052, %mul3A_1054 : vector<16xf32>
      %swap3A_1056 = arith.constant 112 : index
      %swap3A_1057 = tpu.vector_load %arg14[%swap3A_1056] {strides = array<i32>} : memref<256xf32, #tpu.memory_space<vmem>>, vector<16xf32>,
      tpu.vector_store %arg14[%swap3A_1056], %mul3A_1055 {strides = array<i32>} : memref<256xf32, #tpu.memory_space<vmem>>, vector<16xf32>,
      %div3A_1058 = arith.constant 2000 : i32
      %div3A_1059 = vector.broadcast %div3A_1058 : i32 to vector<16xi32>
      %div3A_1060 = arith.divsi %add3A_921, %div3A_1059 : vector<16xi32>
      %add3A_1061 = arith.constant 3604 : i32
      %add3A_1062 = vector.broadcast %add3A_1061 : i32 to vector<16xi32>
      %add3A_1063 = arith.addi %div3A_1060, %add3A_1062 : vector<16xi32>
      %jit3A_1064 = arith.constant 0 : i32
      %jit3A_1065 = arith.constant 3745 : i32
      %max3A_1066 = vector.broadcast %jit3A_1064 : i32 to vector<16xi32>
      %max3A_1067 = arith.maxsi %max3A_1066, %add3A_1063 : vector<16xi32>
      %min3A_1068 = vector.broadcast %jit3A_1065 : i32 to vector<16xi32>
      %min3A_1069 = arith.minsi %min3A_1068, %max3A_1067 : vector<16xi32>
      %add3A_1070 = arith.constant 1 : i32
      %add3A_1071 = vector.broadcast %add3A_1070 : i32 to vector<16xi32>
      %add3A_1072 = arith.addi %min3A_1069, %add3A_1071 : vector<16xi32>
      %min3A_1073 = arith.constant 3745 : i32
      %min3A_1074 = vector.broadcast %min3A_1073 : i32 to vector<16xi32>
      %min3A_1075 = arith.minsi %add3A_1072, %min3A_1074 : vector<16xi32>
      %add3A_1076 = arith.addi %mul3A_691, %min3A_1069 : vector<16xi32>
      %swap3A_1077 = arith.constant 288 : index
      %swap3A_1078 = tpu.vector_load %arg12[%swap3A_1077] {strides = array<i32>} : memref<384xi32, #tpu.memory_space<vmem>>, vector<16xi32>,
      tpu.vector_store %arg12[%swap3A_1077], %add3A_1076 {strides = array<i32>} : memref<384xi32, #tpu.memory_space<vmem>>, vector<16xi32>,
      %add3A_1079 = arith.addi %mul3A_691, %min3A_1075 : vector<16xi32>
      %swap3A_1080 = arith.constant 304 : index
      %swap3A_1081 = tpu.vector_load %arg12[%swap3A_1080] {strides = array<i32>} : memref<384xi32, #tpu.memory_space<vmem>>, vector<16xi32>,
      tpu.vector_store %arg12[%swap3A_1080], %add3A_1079 {strides = array<i32>} : memref<384xi32, #tpu.memory_space<vmem>>, vector<16xi32>,
      %mul3A_1082 = arith.constant 2000 : i32
      %mul3A_1083 = vector.broadcast %mul3A_1082 : i32 to vector<16xi32>
      %mul3A_1084 = arith.muli %div3A_1060, %mul3A_1083 : vector<16xi32>
      %sub3A_1085 = arith.subi %add3A_921, %mul3A_1084 : vector<16xi32>
      %convert_element_type3A_1086 = arith.sitofp %sub3A_1085 : vector<16xi32> to vector<16xf32>
      %mul3A_1087 = arith.constant 5.000000e-04 : f32
      %mul3A_1088 = vector.broadcast %mul3A_1087 : f32 to vector<16xf32>
      %mul3A_1089 = arith.mulf %convert_element_type3A_1086, %mul3A_1088 : vector<16xf32>
      %swap3A_1090 = arith.constant 144 : index
      %swap3A_1091 = tpu.vector_load %arg14[%swap3A_1090] {strides = array<i32>} : memref<256xf32, #tpu.memory_space<vmem>>, vector<16xf32>,
      tpu.vector_store %arg14[%swap3A_1090], %mul3A_1089 {strides = array<i32>} : memref<256xf32, #tpu.memory_space<vmem>>, vector<16xf32>,
      %div3A_1092 = arith.constant 5000 : i32
      %div3A_1093 = vector.broadcast %div3A_1092 : i32 to vector<16xi32>
      %div3A_1094 = arith.divsi %add3A_921, %div3A_1093 : vector<16xi32>
      %add3A_1095 = arith.constant 3705 : i32
      %add3A_1096 = vector.broadcast %add3A_1095 : i32 to vector<16xi32>
      %add3A_1097 = arith.addi %div3A_1094, %add3A_1096 : vector<16xi32>
      %jit3A_1098 = arith.constant 0 : i32
      %jit3A_1099 = arith.constant 3745 : i32
      %max3A_1100 = vector.broadcast %jit3A_1098 : i32 to vector<16xi32>
      %max3A_1101 = arith.maxsi %max3A_1100, %add3A_1097 : vector<16xi32>
      %min3A_1102 = vector.broadcast %jit3A_1099 : i32 to vector<16xi32>
      %min3A_1103 = arith.minsi %min3A_1102, %max3A_1101 : vector<16xi32>
      %add3A_1104 = arith.constant 1 : i32
      %add3A_1105 = vector.broadcast %add3A_1104 : i32 to vector<16xi32>
      %add3A_1106 = arith.addi %min3A_1103, %add3A_1105 : vector<16xi32>
      %min3A_1107 = arith.constant 3745 : i32
      %min3A_1108 = vector.broadcast %min3A_1107 : i32 to vector<16xi32>
      %min3A_1109 = arith.minsi %add3A_1106, %min3A_1108 : vector<16xi32>
      %add3A_1110 = arith.addi %mul3A_691, %min3A_1103 : vector<16xi32>
      %swap3A_1111 = arith.constant 352 : index
      %swap3A_1112 = tpu.vector_load %arg12[%swap3A_1111] {strides = array<i32>} : memref<384xi32, #tpu.memory_space<vmem>>, vector<16xi32>,
      tpu.vector_store %arg12[%swap3A_1111], %add3A_1110 {strides = array<i32>} : memref<384xi32, #tpu.memory_space<vmem>>, vector<16xi32>,
      %add3A_1113 = arith.addi %mul3A_691, %min3A_1109 : vector<16xi32>
      %swap3A_1114 = arith.constant 368 : index
      %swap3A_1115 = tpu.vector_load %arg12[%swap3A_1114] {strides = array<i32>} : memref<384xi32, #tpu.memory_space<vmem>>, vector<16xi32>,
      tpu.vector_store %arg12[%swap3A_1114], %add3A_1113 {strides = array<i32>} : memref<384xi32, #tpu.memory_space<vmem>>, vector<16xi32>,
      %mul3A_1116 = arith.constant 5000 : i32
      %mul3A_1117 = vector.broadcast %mul3A_1116 : i32 to vector<16xi32>
      %mul3A_1118 = arith.muli %div3A_1094, %mul3A_1117 : vector<16xi32>
      %sub3A_1119 = arith.subi %add3A_921, %mul3A_1118 : vector<16xi32>
      %convert_element_type3A_1120 = arith.sitofp %sub3A_1119 : vector<16xi32> to vector<16xf32>
      %mul3A_1121 = arith.constant 2.000000e-04 : f32
      %mul3A_1122 = vector.broadcast %mul3A_1121 : f32 to vector<16xf32>
      %mul3A_1123 = arith.mulf %convert_element_type3A_1120, %mul3A_1122 : vector<16xf32>
      %swap3A_1124 = arith.constant 176 : index
      %swap3A_1125 = tpu.vector_load %arg14[%swap3A_1124] {strides = array<i32>} : memref<256xf32, #tpu.memory_space<vmem>>, vector<16xf32>,
      tpu.vector_store %arg14[%swap3A_1124], %mul3A_1123 {strides = array<i32>} : memref<256xf32, #tpu.memory_space<vmem>>, vector<16xf32>,
      %dma_start3A_1126 = arith.constant 0 : i32
      %dma_start3A_1127 = arith.constant 0 : i32
      %dma_start3A_1128 = tpu.memref_slice %arg16[%dma_start3A_1126, %dma_start3A_1127] : memref<384x128xf32, #tpu.memory_space<vmem>> -> memref<128x128xf32, #tpu.memory_space<vmem>>
      %dma_start3A_1129 = arith.constant 0 : i32
      %dma_start3A_1130 = tpu.memref_slice %arg12[%dma_start3A_1129] : memref<384xi32, #tpu.memory_space<vmem>> -> memref<128xi32, #tpu.memory_space<vmem>>
      %dma_start3A_1131 = arith.constant 0 : i32
      %dma_start3A_1132 = arith.constant 0 : i32
      %dma_start3A_1133 = tpu.memref_slice %arg2[%dma_start3A_1131, %dma_start3A_1132] : memref<239744x128xf32, #tpu.memory_space<hbm>> -> memref<239744x128xf32, #tpu.memory_space<hbm>>
      tpu.enqueue_indirect_dma source(%dma_start3A_1133 : memref<239744x128xf32, #tpu.memory_space<hbm>>) target(%dma_start3A_1128 : memref<128x128xf32, #tpu.memory_space<vmem>>) offsets(%dma_start3A_1130 : memref<128xi32, #tpu.memory_space<vmem>>) semaphore(%arg20 : memref<!tpu.dma_semaphore, #tpu.memory_space<semaphore_mem>>)
      %dma_start3A_1134 = arith.constant 128 : i32
      %dma_start3A_1135 = arith.constant 0 : i32
      %dma_start3A_1136 = tpu.memref_slice %arg16[%dma_start3A_1134, %dma_start3A_1135] : memref<384x128xf32, #tpu.memory_space<vmem>> -> memref<128x128xf32, #tpu.memory_space<vmem>>
      %dma_start3A_1137 = arith.constant 128 : i32
      %dma_start3A_1138 = tpu.memref_slice %arg12[%dma_start3A_1137] : memref<384xi32, #tpu.memory_space<vmem>> -> memref<128xi32, #tpu.memory_space<vmem>>
      %dma_start3A_1139 = arith.constant 0 : i32
      %dma_start3A_1140 = arith.constant 0 : i32
      %dma_start3A_1141 = tpu.memref_slice %arg2[%dma_start3A_1139, %dma_start3A_1140] : memref<239744x128xf32, #tpu.memory_space<hbm>> -> memref<239744x128xf32, #tpu.memory_space<hbm>>
      tpu.enqueue_indirect_dma source(%dma_start3A_1141 : memref<239744x128xf32, #tpu.memory_space<hbm>>) target(%dma_start3A_1136 : memref<128x128xf32, #tpu.memory_space<vmem>>) offsets(%dma_start3A_1138 : memref<128xi32, #tpu.memory_space<vmem>>) semaphore(%arg20 : memref<!tpu.dma_semaphore, #tpu.memory_space<semaphore_mem>>)
      %dma_start3A_1142 = arith.constant 256 : i32
      %dma_start3A_1143 = arith.constant 0 : i32
      %dma_start3A_1144 = tpu.memref_slice %arg16[%dma_start3A_1142, %dma_start3A_1143] : memref<384x128xf32, #tpu.memory_space<vmem>> -> memref<128x128xf32, #tpu.memory_space<vmem>>
      %dma_start3A_1145 = arith.constant 256 : i32
      %dma_start3A_1146 = tpu.memref_slice %arg12[%dma_start3A_1145] : memref<384xi32, #tpu.memory_space<vmem>> -> memref<128xi32, #tpu.memory_space<vmem>>
      %dma_start3A_1147 = arith.constant 0 : i32
      %dma_start3A_1148 = arith.constant 0 : i32
      %dma_start3A_1149 = tpu.memref_slice %arg2[%dma_start3A_1147, %dma_start3A_1148] : memref<239744x128xf32, #tpu.memory_space<hbm>> -> memref<239744x128xf32, #tpu.memory_space<hbm>>
      tpu.enqueue_indirect_dma source(%dma_start3A_1149 : memref<239744x128xf32, #tpu.memory_space<hbm>>) target(%dma_start3A_1144 : memref<128x128xf32, #tpu.memory_space<vmem>>) offsets(%dma_start3A_1146 : memref<128xi32, #tpu.memory_space<vmem>>) semaphore(%arg20 : memref<!tpu.dma_semaphore, #tpu.memory_space<semaphore_mem>>)
      %dma_wait3A_1150 = arith.constant 0 : i32
      %dma_wait3A_1151 = arith.constant 0 : i32
      %dma_wait3A_1152 = tpu.memref_slice %arg15[%dma_wait3A_1150, %dma_wait3A_1151] : memref<384x128xf32, #tpu.memory_space<vmem>> -> memref<128x128xf32, #tpu.memory_space<vmem>>
      %dma_wait3A_1153 = arith.constant 0 : i32
      %dma_wait3A_1154 = tpu.memref_slice %arg11[%dma_wait3A_1153] : memref<384xi32, #tpu.memory_space<vmem>> -> memref<128xi32, #tpu.memory_space<vmem>>
      %dma_wait3A_1155 = arith.constant 0 : i32
      %dma_wait3A_1156 = arith.constant 0 : i32
      %dma_wait3A_1157 = tpu.memref_slice %arg2[%dma_wait3A_1155, %dma_wait3A_1156] : memref<239744x128xf32, #tpu.memory_space<hbm>> -> memref<239744x128xf32, #tpu.memory_space<hbm>>
      tpu.wait_indirect_dma semaphore(%arg19 : memref<!tpu.dma_semaphore, #tpu.memory_space<semaphore_mem>>) src(%dma_wait3A_1157 : memref<239744x128xf32, #tpu.memory_space<hbm>>) dst(%dma_wait3A_1152 : memref<128x128xf32, #tpu.memory_space<vmem>>)
      %dma_wait3A_1158 = arith.constant 128 : i32
      %dma_wait3A_1159 = arith.constant 0 : i32
      %dma_wait3A_1160 = tpu.memref_slice %arg15[%dma_wait3A_1158, %dma_wait3A_1159] : memref<384x128xf32, #tpu.memory_space<vmem>> -> memref<128x128xf32, #tpu.memory_space<vmem>>
      %dma_wait3A_1161 = arith.constant 128 : i32
      %dma_wait3A_1162 = tpu.memref_slice %arg11[%dma_wait3A_1161] : memref<384xi32, #tpu.memory_space<vmem>> -> memref<128xi32, #tpu.memory_space<vmem>>
      %dma_wait3A_1163 = arith.constant 0 : i32
      %dma_wait3A_1164 = arith.constant 0 : i32
      %dma_wait3A_1165 = tpu.memref_slice %arg2[%dma_wait3A_1163, %dma_wait3A_1164] : memref<239744x128xf32, #tpu.memory_space<hbm>> -> memref<239744x128xf32, #tpu.memory_space<hbm>>
      tpu.wait_indirect_dma semaphore(%arg19 : memref<!tpu.dma_semaphore, #tpu.memory_space<semaphore_mem>>) src(%dma_wait3A_1165 : memref<239744x128xf32, #tpu.memory_space<hbm>>) dst(%dma_wait3A_1160 : memref<128x128xf32, #tpu.memory_space<vmem>>)
      %dma_wait3A_1166 = arith.constant 256 : i32
      %dma_wait3A_1167 = arith.constant 0 : i32
      %dma_wait3A_1168 = tpu.memref_slice %arg15[%dma_wait3A_1166, %dma_wait3A_1167] : memref<384x128xf32, #tpu.memory_space<vmem>> -> memref<128x128xf32, #tpu.memory_space<vmem>>
      %dma_wait3A_1169 = arith.constant 256 : i32
      %dma_wait3A_1170 = tpu.memref_slice %arg11[%dma_wait3A_1169] : memref<384xi32, #tpu.memory_space<vmem>> -> memref<128xi32, #tpu.memory_space<vmem>>
      %dma_wait3A_1171 = arith.constant 0 : i32
      %dma_wait3A_1172 = arith.constant 0 : i32
      %dma_wait3A_1173 = tpu.memref_slice %arg2[%dma_wait3A_1171, %dma_wait3A_1172] : memref<239744x128xf32, #tpu.memory_space<hbm>> -> memref<239744x128xf32, #tpu.memory_space<hbm>>
      tpu.wait_indirect_dma semaphore(%arg19 : memref<!tpu.dma_semaphore, #tpu.memory_space<semaphore_mem>>) src(%dma_wait3A_1173 : memref<239744x128xf32, #tpu.memory_space<hbm>>) dst(%dma_wait3A_1168 : memref<128x128xf32, #tpu.memory_space<vmem>>)
      %gt3A = arith.constant 0 : i32
      %gt3A_1174 = arith.cmpi sgt, %scan3A_574, %gt3A : i32
      %convert_element_type3A_1175 = arith.extui %gt3A_1174 : i1 to i32
      %cond3A = arith.constant 0 : i32
      %cond3A_1176 = arith.cmpi ne, %convert_element_type3A_1175, %cond3A : i32
      scf.if %cond3A_1176 {
        %sub3A_1238 = arith.constant 2 : i32
        %sub3A_1239 = arith.subi %mul3A_576, %sub3A_1238 : i32
        %mul3A_1240 = arith.constant 16 : i32
        %mul3A_1241 = arith.muli %sub3A_1239, %mul3A_1240 : i32
        %add3A_1242 = arith.addi %mul3A_2, %mul3A_1241 : i32
        %mul3A_1243 = arith.constant 100 : i32
        %mul3A_1244 = arith.muli %add3A_1242, %mul3A_1243 : i32
        %dma_wait3A_1245 = tpu.memref_slice %arg6[%mul3A_1244] : memref<3276800xf32, #tpu.memory_space<hbm>> -> memref<1600xf32, #tpu.memory_space<hbm>>
        %dma_wait3A_1246 = tpu.memref_slice %arg6[%mul3A_1244] : memref<3276800xf32, #tpu.memory_space<hbm>> -> memref<1600xf32, #tpu.memory_space<hbm>>
        tpu.wait_dma2 semaphore(%arg21 : memref<!tpu.dma_semaphore, #tpu.memory_space<semaphore_mem>>) src(%arg17 : memref<1600xf32, #tpu.memory_space<vmem>>) dst(%dma_wait3A_1246 : memref<1600xf32, #tpu.memory_space<hbm>>)
      } else {
      }
      %scan3A_1177 = arith.constant 0 : i32
      %scan3A_1178 = arith.constant 0 : i32
      %scan3A_1179 = arith.constant 16 : i32
      %scan3A_1180 = arith.addi %scan3A_1178, %scan3A_1179 : i32
      %scan3A_1181 = arith.constant 1 : i32
      scf.for %scan3A_1238 = %scan3A_1178 to %scan3A_1180 step %scan3A_1181  : i32 {
        %mul3A_1239 = arith.constant 16 : i32
        %mul3A_1240 = vector.broadcast %mul3A_1239 : i32 to vector<16xi32>
        %mul3A_1241 = arith.muli %mul3A_1240, %iota3A : vector<16xi32>
        %add3A_1242 = vector.broadcast %scan3A_1238 : i32 to vector<16xi32>
        %add3A_1243 = arith.addi %add3A_1242, %mul3A_1241 : vector<16xi32>
        %gather3A_1244 = tpu.vector_load_idx %arg13[%add3A_1243] : memref<256xf32, #tpu.memory_space<vmem>>[vector<16xi32>], vector<16xf32>,
        %broadcast_in_dim3A_1245 = arith.constant 0 : i32
        %broadcast_in_dim3A_1246 = vector.broadcast %broadcast_in_dim3A_1245 : i32 to vector<16xi32>
        %lt3A_1247 = arith.constant 0 : i32
        %lt3A_1248 = vector.broadcast %lt3A_1247 : i32 to vector<16xi32>
        %lt3A_1249 = arith.cmpi slt, %broadcast_in_dim3A_1246, %lt3A_1248 : vector<16xi32>
        %add3A_1250 = arith.constant 16 : i32
        %add3A_1251 = vector.broadcast %add3A_1250 : i32 to vector<16xi32>
        %add3A_1252 = arith.addi %broadcast_in_dim3A_1246, %add3A_1251 : vector<16xi32>
        %select_n3A = arith.select %lt3A_1249, %add3A_1252, %broadcast_in_dim3A_1246 : vector<16xi1>, vector<16xi32>
        %broadcast_in_dim3A_1253 = vector.shape_cast %select_n3A : vector<16xi32> to vector<16x1xi32>
        %gather3A_1254 = vector.shape_cast %broadcast_in_dim3A_1253 : vector<16x1xi32> to vector<16xi32>
        %gather3A_1255 = tpu.dynamic_gather %gather3A_1244[%gather3A_1254] in [0] : vector<16xf32>, vector<16xi32> -> vector<16xf32>
        %add3A_1256 = arith.constant 0 : i32
        %add3A_1257 = arith.addi %add3A_1256, %scan3A_1238 : i32
        %add3A_1258 = arith.constant 16 : i32
        %add3A_1259 = arith.addi %add3A_1257, %add3A_1258 : i32
        %get3A_1260 = arith.index_cast %add3A_1257 : i32 to index
        %get3A_1261 = arith.constant 0 : index
        %get3A_1262 = tpu.vector_load %arg15[%get3A_1260, %get3A_1261] {strides = array<i32>} : memref<384x128xf32, #tpu.memory_space<vmem>>, vector<16xf32>,
        %get3A_1263 = arith.index_cast %add3A_1259 : i32 to index
        %get3A_1264 = arith.constant 0 : index
        %get3A_1265 = tpu.vector_load %arg15[%get3A_1263, %get3A_1264] {strides = array<i32>} : memref<384x128xf32, #tpu.memory_space<vmem>>, vector<16xf32>,
        %sub3A_1266 = arith.subf %get3A_1265, %get3A_1262 : vector<16xf32>
        %mul3A_1267 = arith.mulf %sub3A_1266, %gather3A_1255 : vector<16xf32>
        %add3A_1268 = arith.addf %mul3A_1267, %get3A_1262 : vector<16xf32>
        %get3A_1269 = arith.index_cast %add3A_1257 : i32 to index
        %get3A_1270 = arith.constant 16 : index
        %get3A_1271 = tpu.vector_load %arg15[%get3A_1269, %get3A_1270] {strides = array<i32>} : memref<384x128xf32, #tpu.memory_space<vmem>>, vector<16xf32>,
        %get3A_1272 = arith.index_cast %add3A_1259 : i32 to index
        %get3A_1273 = arith.constant 16 : index
        %get3A_1274 = tpu.vector_load %arg15[%get3A_1272, %get3A_1273] {strides = array<i32>} : memref<384x128xf32, #tpu.memory_space<vmem>>, vector<16xf32>,
        %sub3A_1275 = arith.subf %get3A_1274, %get3A_1271 : vector<16xf32>
        %mul3A_1276 = arith.mulf %sub3A_1275, %gather3A_1255 : vector<16xf32>
        %add3A_1277 = arith.addf %mul3A_1276, %get3A_1271 : vector<16xf32>
        %get3A_1278 = arith.index_cast %add3A_1257 : i32 to index
        %get3A_1279 = arith.constant 32 : index
        %get3A_1280 = tpu.vector_load %arg15[%get3A_1278, %get3A_1279] {strides = array<i32>} : memref<384x128xf32, #tpu.memory_space<vmem>>, vector<16xf32>,
        %get3A_1281 = arith.index_cast %add3A_1259 : i32 to index
        %get3A_1282 = arith.constant 32 : index
        %get3A_1283 = tpu.vector_load %arg15[%get3A_1281, %get3A_1282] {strides = array<i32>} : memref<384x128xf32, #tpu.memory_space<vmem>>, vector<16xf32>,
        %sub3A_1284 = arith.subf %get3A_1283, %get3A_1280 : vector<16xf32>
        %mul3A_1285 = arith.mulf %sub3A_1284, %gather3A_1255 : vector<16xf32>
        %add3A_1286 = arith.addf %mul3A_1285, %get3A_1280 : vector<16xf32>
        %get3A_1287 = arith.index_cast %add3A_1257 : i32 to index
        %get3A_1288 = arith.constant 48 : index
        %get3A_1289 = tpu.vector_load %arg15[%get3A_1287, %get3A_1288] {strides = array<i32>} : memref<384x128xf32, #tpu.memory_space<vmem>>, vector<16xf32>,
        %get3A_1290 = arith.index_cast %add3A_1259 : i32 to index
        %get3A_1291 = arith.constant 48 : index
        %get3A_1292 = tpu.vector_load %arg15[%get3A_1290, %get3A_1291] {strides = array<i32>} : memref<384x128xf32, #tpu.memory_space<vmem>>, vector<16xf32>,
        %sub3A_1293 = arith.subf %get3A_1292, %get3A_1289 : vector<16xf32>
        %mul3A_1294 = arith.mulf %sub3A_1293, %gather3A_1255 : vector<16xf32>
        %add3A_1295 = arith.addf %mul3A_1294, %get3A_1289 : vector<16xf32>
        %get3A_1296 = arith.index_cast %add3A_1257 : i32 to index
        %get3A_1297 = arith.constant 64 : index
        %get3A_1298 = tpu.vector_load %arg15[%get3A_1296, %get3A_1297] {strides = array<i32>} : memref<384x128xf32, #tpu.memory_space<vmem>>, vector<16xf32>,
        %get3A_1299 = arith.index_cast %add3A_1259 : i32 to index
        %get3A_1300 = arith.constant 64 : index
        %get3A_1301 = tpu.vector_load %arg15[%get3A_1299, %get3A_1300] {strides = array<i32>} : memref<384x128xf32, #tpu.memory_space<vmem>>, vector<16xf32>,
        %sub3A_1302 = arith.subf %get3A_1301, %get3A_1298 : vector<16xf32>
        %mul3A_1303 = arith.mulf %sub3A_1302, %gather3A_1255 : vector<16xf32>
        %add3A_1304 = arith.addf %mul3A_1303, %get3A_1298 : vector<16xf32>
        %get3A_1305 = arith.index_cast %add3A_1257 : i32 to index
        %get3A_1306 = arith.constant 80 : index
        %get3A_1307 = tpu.vector_load %arg15[%get3A_1305, %get3A_1306] {strides = array<i32>} : memref<384x128xf32, #tpu.memory_space<vmem>>, vector<16xf32>,
        %get3A_1308 = arith.index_cast %add3A_1259 : i32 to index
        %get3A_1309 = arith.constant 80 : index
        %get3A_1310 = tpu.vector_load %arg15[%get3A_1308, %get3A_1309] {strides = array<i32>} : memref<384x128xf32, #tpu.memory_space<vmem>>, vector<16xf32>,
        %sub3A_1311 = arith.subf %get3A_1310, %get3A_1307 : vector<16xf32>
        %mul3A_1312 = arith.mulf %sub3A_1311, %gather3A_1255 : vector<16xf32>
        %add3A_1313 = arith.addf %mul3A_1312, %get3A_1307 : vector<16xf32>
        %get3A_1314 = arith.index_cast %add3A_1257 : i32 to index
        %get3A_1315 = arith.constant 84 : index
        %get3A_1316 = tpu.vector_load %arg15[%get3A_1314, %get3A_1315] {strides = array<i32>} : memref<384x128xf32, #tpu.memory_space<vmem>>, vector<16xf32>,
        %get3A_1317 = arith.index_cast %add3A_1259 : i32 to index
        %get3A_1318 = arith.constant 84 : index
        %get3A_1319 = tpu.vector_load %arg15[%get3A_1317, %get3A_1318] {strides = array<i32>} : memref<384x128xf32, #tpu.memory_space<vmem>>, vector<16xf32>,
        %sub3A_1320 = arith.subf %get3A_1319, %get3A_1316 : vector<16xf32>
        %mul3A_1321 = arith.mulf %sub3A_1320, %gather3A_1255 : vector<16xf32>
        %add3A_1322 = arith.addf %mul3A_1321, %get3A_1316 : vector<16xf32>
        %broadcast_in_dim3A_1323 = arith.constant 1 : i32
        %broadcast_in_dim3A_1324 = vector.broadcast %broadcast_in_dim3A_1323 : i32 to vector<16xi32>
        %lt3A_1325 = arith.constant 0 : i32
        %lt3A_1326 = vector.broadcast %lt3A_1325 : i32 to vector<16xi32>
        %lt3A_1327 = arith.cmpi slt, %broadcast_in_dim3A_1324, %lt3A_1326 : vector<16xi32>
        %add3A_1328 = arith.constant 16 : i32
        %add3A_1329 = vector.broadcast %add3A_1328 : i32 to vector<16xi32>
        %add3A_1330 = arith.addi %broadcast_in_dim3A_1324, %add3A_1329 : vector<16xi32>
        %select_n3A_1331 = arith.select %lt3A_1327, %add3A_1330, %broadcast_in_dim3A_1324 : vector<16xi1>, vector<16xi32>
        %broadcast_in_dim3A_1332 = vector.shape_cast %select_n3A_1331 : vector<16xi32> to vector<16x1xi32>
        %gather3A_1333 = vector.shape_cast %broadcast_in_dim3A_1332 : vector<16x1xi32> to vector<16xi32>
        %gather3A_1334 = tpu.dynamic_gather %gather3A_1244[%gather3A_1333] in [0] : vector<16xf32>, vector<16xi32> -> vector<16xf32>
        %add3A_1335 = arith.constant 32 : i32
        %add3A_1336 = arith.addi %add3A_1335, %scan3A_1238 : i32
        %add3A_1337 = arith.constant 16 : i32
        %add3A_1338 = arith.addi %add3A_1336, %add3A_1337 : i32
        %get3A_1339 = arith.index_cast %add3A_1336 : i32 to index
        %get3A_1340 = arith.constant 0 : index
        %get3A_1341 = tpu.vector_load %arg15[%get3A_1339, %get3A_1340] {strides = array<i32>} : memref<384x128xf32, #tpu.memory_space<vmem>>, vector<16xf32>,
        %get3A_1342 = arith.index_cast %add3A_1338 : i32 to index
        %get3A_1343 = arith.constant 0 : index
        %get3A_1344 = tpu.vector_load %arg15[%get3A_1342, %get3A_1343] {strides = array<i32>} : memref<384x128xf32, #tpu.memory_space<vmem>>, vector<16xf32>,
        %sub3A_1345 = arith.subf %get3A_1344, %get3A_1341 : vector<16xf32>
        %mul3A_1346 = arith.mulf %sub3A_1345, %gather3A_1334 : vector<16xf32>
        %add3A_1347 = arith.addf %mul3A_1346, %get3A_1341 : vector<16xf32>
        %add3A_1348 = arith.addf %add3A_1268, %add3A_1347 : vector<16xf32>
        %get3A_1349 = arith.index_cast %add3A_1336 : i32 to index
        %get3A_1350 = arith.constant 16 : index
        %get3A_1351 = tpu.vector_load %arg15[%get3A_1349, %get3A_1350] {strides = array<i32>} : memref<384x128xf32, #tpu.memory_space<vmem>>, vector<16xf32>,
        %get3A_1352 = arith.index_cast %add3A_1338 : i32 to index
        %get3A_1353 = arith.constant 16 : index
        %get3A_1354 = tpu.vector_load %arg15[%get3A_1352, %get3A_1353] {strides = array<i32>} : memref<384x128xf32, #tpu.memory_space<vmem>>, vector<16xf32>,
        %sub3A_1355 = arith.subf %get3A_1354, %get3A_1351 : vector<16xf32>
        %mul3A_1356 = arith.mulf %sub3A_1355, %gather3A_1334 : vector<16xf32>
        %add3A_1357 = arith.addf %mul3A_1356, %get3A_1351 : vector<16xf32>
        %add3A_1358 = arith.addf %add3A_1277, %add3A_1357 : vector<16xf32>
        %get3A_1359 = arith.index_cast %add3A_1336 : i32 to index
        %get3A_1360 = arith.constant 32 : index
        %get3A_1361 = tpu.vector_load %arg15[%get3A_1359, %get3A_1360] {strides = array<i32>} : memref<384x128xf32, #tpu.memory_space<vmem>>, vector<16xf32>,
        %get3A_1362 = arith.index_cast %add3A_1338 : i32 to index
        %get3A_1363 = arith.constant 32 : index
        %get3A_1364 = tpu.vector_load %arg15[%get3A_1362, %get3A_1363] {strides = array<i32>} : memref<384x128xf32, #tpu.memory_space<vmem>>, vector<16xf32>,
        %sub3A_1365 = arith.subf %get3A_1364, %get3A_1361 : vector<16xf32>
        %mul3A_1366 = arith.mulf %sub3A_1365, %gather3A_1334 : vector<16xf32>
        %add3A_1367 = arith.addf %mul3A_1366, %get3A_1361 : vector<16xf32>
        %add3A_1368 = arith.addf %add3A_1286, %add3A_1367 : vector<16xf32>
        %get3A_1369 = arith.index_cast %add3A_1336 : i32 to index
        %get3A_1370 = arith.constant 48 : index
        %get3A_1371 = tpu.vector_load %arg15[%get3A_1369, %get3A_1370] {strides = array<i32>} : memref<384x128xf32, #tpu.memory_space<vmem>>, vector<16xf32>,
        %get3A_1372 = arith.index_cast %add3A_1338 : i32 to index
        %get3A_1373 = arith.constant 48 : index
        %get3A_1374 = tpu.vector_load %arg15[%get3A_1372, %get3A_1373] {strides = array<i32>} : memref<384x128xf32, #tpu.memory_space<vmem>>, vector<16xf32>,
        %sub3A_1375 = arith.subf %get3A_1374, %get3A_1371 : vector<16xf32>
        %mul3A_1376 = arith.mulf %sub3A_1375, %gather3A_1334 : vector<16xf32>
        %add3A_1377 = arith.addf %mul3A_1376, %get3A_1371 : vector<16xf32>
        %add3A_1378 = arith.addf %add3A_1295, %add3A_1377 : vector<16xf32>
        %get3A_1379 = arith.index_cast %add3A_1336 : i32 to index
        %get3A_1380 = arith.constant 64 : index
        %get3A_1381 = tpu.vector_load %arg15[%get3A_1379, %get3A_1380] {strides = array<i32>} : memref<384x128xf32, #tpu.memory_space<vmem>>, vector<16xf32>,
        %get3A_1382 = arith.index_cast %add3A_1338 : i32 to index
        %get3A_1383 = arith.constant 64 : index
        %get3A_1384 = tpu.vector_load %arg15[%get3A_1382, %get3A_1383] {strides = array<i32>} : memref<384x128xf32, #tpu.memory_space<vmem>>, vector<16xf32>,
        %sub3A_1385 = arith.subf %get3A_1384, %get3A_1381 : vector<16xf32>
        %mul3A_1386 = arith.mulf %sub3A_1385, %gather3A_1334 : vector<16xf32>
        %add3A_1387 = arith.addf %mul3A_1386, %get3A_1381 : vector<16xf32>
        %add3A_1388 = arith.addf %add3A_1304, %add3A_1387 : vector<16xf32>
        %get3A_1389 = arith.index_cast %add3A_1336 : i32 to index
        %get3A_1390 = arith.constant 80 : index
        %get3A_1391 = tpu.vector_load %arg15[%get3A_1389, %get3A_1390] {strides = array<i32>} : memref<384x128xf32, #tpu.memory_space<vmem>>, vector<16xf32>,
        %get3A_1392 = arith.index_cast %add3A_1338 : i32 to index
        %get3A_1393 = arith.constant 80 : index
        %get3A_1394 = tpu.vector_load %arg15[%get3A_1392, %get3A_1393] {strides = array<i32>} : memref<384x128xf32, #tpu.memory_space<vmem>>, vector<16xf32>,
        %sub3A_1395 = arith.subf %get3A_1394, %get3A_1391 : vector<16xf32>
        %mul3A_1396 = arith.mulf %sub3A_1395, %gather3A_1334 : vector<16xf32>
        %add3A_1397 = arith.addf %mul3A_1396, %get3A_1391 : vector<16xf32>
        %add3A_1398 = arith.addf %add3A_1313, %add3A_1397 : vector<16xf32>
        %get3A_1399 = arith.index_cast %add3A_1336 : i32 to index
        %get3A_1400 = arith.constant 84 : index
        %get3A_1401 = tpu.vector_load %arg15[%get3A_1399, %get3A_1400] {strides = array<i32>} : memref<384x128xf32, #tpu.memory_space<vmem>>, vector<16xf32>,
        %get3A_1402 = arith.index_cast %add3A_1338 : i32 to index
        %get3A_1403 = arith.constant 84 : index
        %get3A_1404 = tpu.vector_load %arg15[%get3A_1402, %get3A_1403] {strides = array<i32>} : memref<384x128xf32, #tpu.memory_space<vmem>>, vector<16xf32>,
        %sub3A_1405 = arith.subf %get3A_1404, %get3A_1401 : vector<16xf32>
        %mul3A_1406 = arith.mulf %sub3A_1405, %gather3A_1334 : vector<16xf32>
        %add3A_1407 = arith.addf %mul3A_1406, %get3A_1401 : vector<16xf32>
        %add3A_1408 = arith.addf %add3A_1322, %add3A_1407 : vector<16xf32>
        %broadcast_in_dim3A_1409 = arith.constant 2 : i32
        %broadcast_in_dim3A_1410 = vector.broadcast %broadcast_in_dim3A_1409 : i32 to vector<16xi32>
        %lt3A_1411 = arith.constant 0 : i32
        %lt3A_1412 = vector.broadcast %lt3A_1411 : i32 to vector<16xi32>
        %lt3A_1413 = arith.cmpi slt, %broadcast_in_dim3A_1410, %lt3A_1412 : vector<16xi32>
        %add3A_1414 = arith.constant 16 : i32
        %add3A_1415 = vector.broadcast %add3A_1414 : i32 to vector<16xi32>
        %add3A_1416 = arith.addi %broadcast_in_dim3A_1410, %add3A_1415 : vector<16xi32>
        %select_n3A_1417 = arith.select %lt3A_1413, %add3A_1416, %broadcast_in_dim3A_1410 : vector<16xi1>, vector<16xi32>
        %broadcast_in_dim3A_1418 = vector.shape_cast %select_n3A_1417 : vector<16xi32> to vector<16x1xi32>
        %gather3A_1419 = vector.shape_cast %broadcast_in_dim3A_1418 : vector<16x1xi32> to vector<16xi32>
        %gather3A_1420 = tpu.dynamic_gather %gather3A_1244[%gather3A_1419] in [0] : vector<16xf32>, vector<16xi32> -> vector<16xf32>
        %add3A_1421 = arith.constant 64 : i32
        %add3A_1422 = arith.addi %add3A_1421, %scan3A_1238 : i32
        %add3A_1423 = arith.constant 16 : i32
        %add3A_1424 = arith.addi %add3A_1422, %add3A_1423 : i32
        %get3A_1425 = arith.index_cast %add3A_1422 : i32 to index
        %get3A_1426 = arith.constant 0 : index
        %get3A_1427 = tpu.vector_load %arg15[%get3A_1425, %get3A_1426] {strides = array<i32>} : memref<384x128xf32, #tpu.memory_space<vmem>>, vector<16xf32>,
        %get3A_1428 = arith.index_cast %add3A_1424 : i32 to index
        %get3A_1429 = arith.constant 0 : index
        %get3A_1430 = tpu.vector_load %arg15[%get3A_1428, %get3A_1429] {strides = array<i32>} : memref<384x128xf32, #tpu.memory_space<vmem>>, vector<16xf32>,
        %sub3A_1431 = arith.subf %get3A_1430, %get3A_1427 : vector<16xf32>
        %mul3A_1432 = arith.mulf %sub3A_1431, %gather3A_1420 : vector<16xf32>
        %add3A_1433 = arith.addf %mul3A_1432, %get3A_1427 : vector<16xf32>
        %add3A_1434 = arith.addf %add3A_1348, %add3A_1433 : vector<16xf32>
        %get3A_1435 = arith.index_cast %add3A_1422 : i32 to index
        %get3A_1436 = arith.constant 16 : index
        %get3A_1437 = tpu.vector_load %arg15[%get3A_1435, %get3A_1436] {strides = array<i32>} : memref<384x128xf32, #tpu.memory_space<vmem>>, vector<16xf32>,
        %get3A_1438 = arith.index_cast %add3A_1424 : i32 to index
        %get3A_1439 = arith.constant 16 : index
        %get3A_1440 = tpu.vector_load %arg15[%get3A_1438, %get3A_1439] {strides = array<i32>} : memref<384x128xf32, #tpu.memory_space<vmem>>, vector<16xf32>,
        %sub3A_1441 = arith.subf %get3A_1440, %get3A_1437 : vector<16xf32>
        %mul3A_1442 = arith.mulf %sub3A_1441, %gather3A_1420 : vector<16xf32>
        %add3A_1443 = arith.addf %mul3A_1442, %get3A_1437 : vector<16xf32>
        %add3A_1444 = arith.addf %add3A_1358, %add3A_1443 : vector<16xf32>
        %get3A_1445 = arith.index_cast %add3A_1422 : i32 to index
        %get3A_1446 = arith.constant 32 : index
        %get3A_1447 = tpu.vector_load %arg15[%get3A_1445, %get3A_1446] {strides = array<i32>} : memref<384x128xf32, #tpu.memory_space<vmem>>, vector<16xf32>,
        %get3A_1448 = arith.index_cast %add3A_1424 : i32 to index
        %get3A_1449 = arith.constant 32 : index
        %get3A_1450 = tpu.vector_load %arg15[%get3A_1448, %get3A_1449] {strides = array<i32>} : memref<384x128xf32, #tpu.memory_space<vmem>>, vector<16xf32>,
        %sub3A_1451 = arith.subf %get3A_1450, %get3A_1447 : vector<16xf32>
        %mul3A_1452 = arith.mulf %sub3A_1451, %gather3A_1420 : vector<16xf32>
        %add3A_1453 = arith.addf %mul3A_1452, %get3A_1447 : vector<16xf32>
        %add3A_1454 = arith.addf %add3A_1368, %add3A_1453 : vector<16xf32>
        %get3A_1455 = arith.index_cast %add3A_1422 : i32 to index
        %get3A_1456 = arith.constant 48 : index
        %get3A_1457 = tpu.vector_load %arg15[%get3A_1455, %get3A_1456] {strides = array<i32>} : memref<384x128xf32, #tpu.memory_space<vmem>>, vector<16xf32>,
        %get3A_1458 = arith.index_cast %add3A_1424 : i32 to index
        %get3A_1459 = arith.constant 48 : index
        %get3A_1460 = tpu.vector_load %arg15[%get3A_1458, %get3A_1459] {strides = array<i32>} : memref<384x128xf32, #tpu.memory_space<vmem>>, vector<16xf32>,
        %sub3A_1461 = arith.subf %get3A_1460, %get3A_1457 : vector<16xf32>
        %mul3A_1462 = arith.mulf %sub3A_1461, %gather3A_1420 : vector<16xf32>
        %add3A_1463 = arith.addf %mul3A_1462, %get3A_1457 : vector<16xf32>
        %add3A_1464 = arith.addf %add3A_1378, %add3A_1463 : vector<16xf32>
        %get3A_1465 = arith.index_cast %add3A_1422 : i32 to index
        %get3A_1466 = arith.constant 64 : index
        %get3A_1467 = tpu.vector_load %arg15[%get3A_1465, %get3A_1466] {strides = array<i32>} : memref<384x128xf32, #tpu.memory_space<vmem>>, vector<16xf32>,
        %get3A_1468 = arith.index_cast %add3A_1424 : i32 to index
        %get3A_1469 = arith.constant 64 : index
        %get3A_1470 = tpu.vector_load %arg15[%get3A_1468, %get3A_1469] {strides = array<i32>} : memref<384x128xf32, #tpu.memory_space<vmem>>, vector<16xf32>,
        %sub3A_1471 = arith.subf %get3A_1470, %get3A_1467 : vector<16xf32>
        %mul3A_1472 = arith.mulf %sub3A_1471, %gather3A_1420 : vector<16xf32>
        %add3A_1473 = arith.addf %mul3A_1472, %get3A_1467 : vector<16xf32>
        %add3A_1474 = arith.addf %add3A_1388, %add3A_1473 : vector<16xf32>
        %get3A_1475 = arith.index_cast %add3A_1422 : i32 to index
        %get3A_1476 = arith.constant 80 : index
        %get3A_1477 = tpu.vector_load %arg15[%get3A_1475, %get3A_1476] {strides = array<i32>} : memref<384x128xf32, #tpu.memory_space<vmem>>, vector<16xf32>,
        %get3A_1478 = arith.index_cast %add3A_1424 : i32 to index
        %get3A_1479 = arith.constant 80 : index
        %get3A_1480 = tpu.vector_load %arg15[%get3A_1478, %get3A_1479] {strides = array<i32>} : memref<384x128xf32, #tpu.memory_space<vmem>>, vector<16xf32>,
        %sub3A_1481 = arith.subf %get3A_1480, %get3A_1477 : vector<16xf32>
        %mul3A_1482 = arith.mulf %sub3A_1481, %gather3A_1420 : vector<16xf32>
        %add3A_1483 = arith.addf %mul3A_1482, %get3A_1477 : vector<16xf32>
        %add3A_1484 = arith.addf %add3A_1398, %add3A_1483 : vector<16xf32>
        %get3A_1485 = arith.index_cast %add3A_1422 : i32 to index
        %get3A_1486 = arith.constant 84 : index
        %get3A_1487 = tpu.vector_load %arg15[%get3A_1485, %get3A_1486] {strides = array<i32>} : memref<384x128xf32, #tpu.memory_space<vmem>>, vector<16xf32>,
        %get3A_1488 = arith.index_cast %add3A_1424 : i32 to index
        %get3A_1489 = arith.constant 84 : index
        %get3A_1490 = tpu.vector_load %arg15[%get3A_1488, %get3A_1489] {strides = array<i32>} : memref<384x128xf32, #tpu.memory_space<vmem>>, vector<16xf32>,
        %sub3A_1491 = arith.subf %get3A_1490, %get3A_1487 : vector<16xf32>
        %mul3A_1492 = arith.mulf %sub3A_1491, %gather3A_1420 : vector<16xf32>
        %add3A_1493 = arith.addf %mul3A_1492, %get3A_1487 : vector<16xf32>
        %add3A_1494 = arith.addf %add3A_1408, %add3A_1493 : vector<16xf32>
        %broadcast_in_dim3A_1495 = arith.constant 3 : i32
        %broadcast_in_dim3A_1496 = vector.broadcast %broadcast_in_dim3A_1495 : i32 to vector<16xi32>
        %lt3A_1497 = arith.constant 0 : i32
        %lt3A_1498 = vector.broadcast %lt3A_1497 : i32 to vector<16xi32>
        %lt3A_1499 = arith.cmpi slt, %broadcast_in_dim3A_1496, %lt3A_1498 : vector<16xi32>
        %add3A_1500 = arith.constant 16 : i32
        %add3A_1501 = vector.broadcast %add3A_1500 : i32 to vector<16xi32>
        %add3A_1502 = arith.addi %broadcast_in_dim3A_1496, %add3A_1501 : vector<16xi32>
        %select_n3A_1503 = arith.select %lt3A_1499, %add3A_1502, %broadcast_in_dim3A_1496 : vector<16xi1>, vector<16xi32>
        %broadcast_in_dim3A_1504 = vector.shape_cast %select_n3A_1503 : vector<16xi32> to vector<16x1xi32>
        %gather3A_1505 = vector.shape_cast %broadcast_in_dim3A_1504 : vector<16x1xi32> to vector<16xi32>
        %gather3A_1506 = tpu.dynamic_gather %gather3A_1244[%gather3A_1505] in [0] : vector<16xf32>, vector<16xi32> -> vector<16xf32>
        %add3A_1507 = arith.constant 96 : i32
        %add3A_1508 = arith.addi %add3A_1507, %scan3A_1238 : i32
        %add3A_1509 = arith.constant 16 : i32
        %add3A_1510 = arith.addi %add3A_1508, %add3A_1509 : i32
        %get3A_1511 = arith.index_cast %add3A_1508 : i32 to index
        %get3A_1512 = arith.constant 0 : index
        %get3A_1513 = tpu.vector_load %arg15[%get3A_1511, %get3A_1512] {strides = array<i32>} : memref<384x128xf32, #tpu.memory_space<vmem>>, vector<16xf32>,
        %get3A_1514 = arith.index_cast %add3A_1510 : i32 to index
        %get3A_1515 = arith.constant 0 : index
        %get3A_1516 = tpu.vector_load %arg15[%get3A_1514, %get3A_1515] {strides = array<i32>} : memref<384x128xf32, #tpu.memory_space<vmem>>, vector<16xf32>,
        %sub3A_1517 = arith.subf %get3A_1516, %get3A_1513 : vector<16xf32>
        %mul3A_1518 = arith.mulf %sub3A_1517, %gather3A_1506 : vector<16xf32>
        %add3A_1519 = arith.addf %mul3A_1518, %get3A_1513 : vector<16xf32>
        %add3A_1520 = arith.addf %add3A_1434, %add3A_1519 : vector<16xf32>
        %get3A_1521 = arith.index_cast %add3A_1508 : i32 to index
        %get3A_1522 = arith.constant 16 : index
        %get3A_1523 = tpu.vector_load %arg15[%get3A_1521, %get3A_1522] {strides = array<i32>} : memref<384x128xf32, #tpu.memory_space<vmem>>, vector<16xf32>,
        %get3A_1524 = arith.index_cast %add3A_1510 : i32 to index
        %get3A_1525 = arith.constant 16 : index
        %get3A_1526 = tpu.vector_load %arg15[%get3A_1524, %get3A_1525] {strides = array<i32>} : memref<384x128xf32, #tpu.memory_space<vmem>>, vector<16xf32>,
        %sub3A_1527 = arith.subf %get3A_1526, %get3A_1523 : vector<16xf32>
        %mul3A_1528 = arith.mulf %sub3A_1527, %gather3A_1506 : vector<16xf32>
        %add3A_1529 = arith.addf %mul3A_1528, %get3A_1523 : vector<16xf32>
        %add3A_1530 = arith.addf %add3A_1444, %add3A_1529 : vector<16xf32>
        %get3A_1531 = arith.index_cast %add3A_1508 : i32 to index
        %get3A_1532 = arith.constant 32 : index
        %get3A_1533 = tpu.vector_load %arg15[%get3A_1531, %get3A_1532] {strides = array<i32>} : memref<384x128xf32, #tpu.memory_space<vmem>>, vector<16xf32>,
        %get3A_1534 = arith.index_cast %add3A_1510 : i32 to index
        %get3A_1535 = arith.constant 32 : index
        %get3A_1536 = tpu.vector_load %arg15[%get3A_1534, %get3A_1535] {strides = array<i32>} : memref<384x128xf32, #tpu.memory_space<vmem>>, vector<16xf32>,
        %sub3A_1537 = arith.subf %get3A_1536, %get3A_1533 : vector<16xf32>
        %mul3A_1538 = arith.mulf %sub3A_1537, %gather3A_1506 : vector<16xf32>
        %add3A_1539 = arith.addf %mul3A_1538, %get3A_1533 : vector<16xf32>
        %add3A_1540 = arith.addf %add3A_1454, %add3A_1539 : vector<16xf32>
        %get3A_1541 = arith.index_cast %add3A_1508 : i32 to index
        %get3A_1542 = arith.constant 48 : index
        %get3A_1543 = tpu.vector_load %arg15[%get3A_1541, %get3A_1542] {strides = array<i32>} : memref<384x128xf32, #tpu.memory_space<vmem>>, vector<16xf32>,
        %get3A_1544 = arith.index_cast %add3A_1510 : i32 to index
        %get3A_1545 = arith.constant 48 : index
        %get3A_1546 = tpu.vector_load %arg15[%get3A_1544, %get3A_1545] {strides = array<i32>} : memref<384x128xf32, #tpu.memory_space<vmem>>, vector<16xf32>,
        %sub3A_1547 = arith.subf %get3A_1546, %get3A_1543 : vector<16xf32>
        %mul3A_1548 = arith.mulf %sub3A_1547, %gather3A_1506 : vector<16xf32>
        %add3A_1549 = arith.addf %mul3A_1548, %get3A_1543 : vector<16xf32>
        %add3A_1550 = arith.addf %add3A_1464, %add3A_1549 : vector<16xf32>
        %get3A_1551 = arith.index_cast %add3A_1508 : i32 to index
        %get3A_1552 = arith.constant 64 : index
        %get3A_1553 = tpu.vector_load %arg15[%get3A_1551, %get3A_1552] {strides = array<i32>} : memref<384x128xf32, #tpu.memory_space<vmem>>, vector<16xf32>,
        %get3A_1554 = arith.index_cast %add3A_1510 : i32 to index
        %get3A_1555 = arith.constant 64 : index
        %get3A_1556 = tpu.vector_load %arg15[%get3A_1554, %get3A_1555] {strides = array<i32>} : memref<384x128xf32, #tpu.memory_space<vmem>>, vector<16xf32>,
        %sub3A_1557 = arith.subf %get3A_1556, %get3A_1553 : vector<16xf32>
        %mul3A_1558 = arith.mulf %sub3A_1557, %gather3A_1506 : vector<16xf32>
        %add3A_1559 = arith.addf %mul3A_1558, %get3A_1553 : vector<16xf32>
        %add3A_1560 = arith.addf %add3A_1474, %add3A_1559 : vector<16xf32>
        %get3A_1561 = arith.index_cast %add3A_1508 : i32 to index
        %get3A_1562 = arith.constant 80 : index
        %get3A_1563 = tpu.vector_load %arg15[%get3A_1561, %get3A_1562] {strides = array<i32>} : memref<384x128xf32, #tpu.memory_space<vmem>>, vector<16xf32>,
        %get3A_1564 = arith.index_cast %add3A_1510 : i32 to index
        %get3A_1565 = arith.constant 80 : index
        %get3A_1566 = tpu.vector_load %arg15[%get3A_1564, %get3A_1565] {strides = array<i32>} : memref<384x128xf32, #tpu.memory_space<vmem>>, vector<16xf32>,
        %sub3A_1567 = arith.subf %get3A_1566, %get3A_1563 : vector<16xf32>
        %mul3A_1568 = arith.mulf %sub3A_1567, %gather3A_1506 : vector<16xf32>
        %add3A_1569 = arith.addf %mul3A_1568, %get3A_1563 : vector<16xf32>
        %add3A_1570 = arith.addf %add3A_1484, %add3A_1569 : vector<16xf32>
        %get3A_1571 = arith.index_cast %add3A_1508 : i32 to index
        %get3A_1572 = arith.constant 84 : index
        %get3A_1573 = tpu.vector_load %arg15[%get3A_1571, %get3A_1572] {strides = array<i32>} : memref<384x128xf32, #tpu.memory_space<vmem>>, vector<16xf32>,
        %get3A_1574 = arith.index_cast %add3A_1510 : i32 to index
        %get3A_1575 = arith.constant 84 : index
        %get3A_1576 = tpu.vector_load %arg15[%get3A_1574, %get3A_1575] {strides = array<i32>} : memref<384x128xf32, #tpu.memory_space<vmem>>, vector<16xf32>,
        %sub3A_1577 = arith.subf %get3A_1576, %get3A_1573 : vector<16xf32>
        %mul3A_1578 = arith.mulf %sub3A_1577, %gather3A_1506 : vector<16xf32>
        %add3A_1579 = arith.addf %mul3A_1578, %get3A_1573 : vector<16xf32>
        %add3A_1580 = arith.addf %add3A_1494, %add3A_1579 : vector<16xf32>
        %broadcast_in_dim3A_1581 = arith.constant 4 : i32
        %broadcast_in_dim3A_1582 = vector.broadcast %broadcast_in_dim3A_1581 : i32 to vector<16xi32>
        %lt3A_1583 = arith.constant 0 : i32
        %lt3A_1584 = vector.broadcast %lt3A_1583 : i32 to vector<16xi32>
        %lt3A_1585 = arith.cmpi slt, %broadcast_in_dim3A_1582, %lt3A_1584 : vector<16xi32>
        %add3A_1586 = arith.constant 16 : i32
        %add3A_1587 = vector.broadcast %add3A_1586 : i32 to vector<16xi32>
        %add3A_1588 = arith.addi %broadcast_in_dim3A_1582, %add3A_1587 : vector<16xi32>
        %select_n3A_1589 = arith.select %lt3A_1585, %add3A_1588, %broadcast_in_dim3A_1582 : vector<16xi1>, vector<16xi32>
        %broadcast_in_dim3A_1590 = vector.shape_cast %select_n3A_1589 : vector<16xi32> to vector<16x1xi32>
        %gather3A_1591 = vector.shape_cast %broadcast_in_dim3A_1590 : vector<16x1xi32> to vector<16xi32>
        %gather3A_1592 = tpu.dynamic_gather %gather3A_1244[%gather3A_1591] in [0] : vector<16xf32>, vector<16xi32> -> vector<16xf32>
        %add3A_1593 = arith.constant 128 : i32
        %add3A_1594 = arith.addi %add3A_1593, %scan3A_1238 : i32
        %add3A_1595 = arith.constant 16 : i32
        %add3A_1596 = arith.addi %add3A_1594, %add3A_1595 : i32
        %get3A_1597 = arith.index_cast %add3A_1594 : i32 to index
        %get3A_1598 = arith.constant 0 : index
        %get3A_1599 = tpu.vector_load %arg15[%get3A_1597, %get3A_1598] {strides = array<i32>} : memref<384x128xf32, #tpu.memory_space<vmem>>, vector<16xf32>,
        %get3A_1600 = arith.index_cast %add3A_1596 : i32 to index
        %get3A_1601 = arith.constant 0 : index
        %get3A_1602 = tpu.vector_load %arg15[%get3A_1600, %get3A_1601] {strides = array<i32>} : memref<384x128xf32, #tpu.memory_space<vmem>>, vector<16xf32>,
        %sub3A_1603 = arith.subf %get3A_1602, %get3A_1599 : vector<16xf32>
        %mul3A_1604 = arith.mulf %sub3A_1603, %gather3A_1592 : vector<16xf32>
        %add3A_1605 = arith.addf %mul3A_1604, %get3A_1599 : vector<16xf32>
        %add3A_1606 = arith.addf %add3A_1520, %add3A_1605 : vector<16xf32>
        %get3A_1607 = arith.index_cast %add3A_1594 : i32 to index
        %get3A_1608 = arith.constant 16 : index
        %get3A_1609 = tpu.vector_load %arg15[%get3A_1607, %get3A_1608] {strides = array<i32>} : memref<384x128xf32, #tpu.memory_space<vmem>>, vector<16xf32>,
        %get3A_1610 = arith.index_cast %add3A_1596 : i32 to index
        %get3A_1611 = arith.constant 16 : index
        %get3A_1612 = tpu.vector_load %arg15[%get3A_1610, %get3A_1611] {strides = array<i32>} : memref<384x128xf32, #tpu.memory_space<vmem>>, vector<16xf32>,
        %sub3A_1613 = arith.subf %get3A_1612, %get3A_1609 : vector<16xf32>
        %mul3A_1614 = arith.mulf %sub3A_1613, %gather3A_1592 : vector<16xf32>
        %add3A_1615 = arith.addf %mul3A_1614, %get3A_1609 : vector<16xf32>
        %add3A_1616 = arith.addf %add3A_1530, %add3A_1615 : vector<16xf32>
        %get3A_1617 = arith.index_cast %add3A_1594 : i32 to index
        %get3A_1618 = arith.constant 32 : index
        %get3A_1619 = tpu.vector_load %arg15[%get3A_1617, %get3A_1618] {strides = array<i32>} : memref<384x128xf32, #tpu.memory_space<vmem>>, vector<16xf32>,
        %get3A_1620 = arith.index_cast %add3A_1596 : i32 to index
        %get3A_1621 = arith.constant 32 : index
        %get3A_1622 = tpu.vector_load %arg15[%get3A_1620, %get3A_1621] {strides = array<i32>} : memref<384x128xf32, #tpu.memory_space<vmem>>, vector<16xf32>,
        %sub3A_1623 = arith.subf %get3A_1622, %get3A_1619 : vector<16xf32>
        %mul3A_1624 = arith.mulf %sub3A_1623, %gather3A_1592 : vector<16xf32>
        %add3A_1625 = arith.addf %mul3A_1624, %get3A_1619 : vector<16xf32>
        %add3A_1626 = arith.addf %add3A_1540, %add3A_1625 : vector<16xf32>
        %get3A_1627 = arith.index_cast %add3A_1594 : i32 to index
        %get3A_1628 = arith.constant 48 : index
        %get3A_1629 = tpu.vector_load %arg15[%get3A_1627, %get3A_1628] {strides = array<i32>} : memref<384x128xf32, #tpu.memory_space<vmem>>, vector<16xf32>,
        %get3A_1630 = arith.index_cast %add3A_1596 : i32 to index
        %get3A_1631 = arith.constant 48 : index
        %get3A_1632 = tpu.vector_load %arg15[%get3A_1630, %get3A_1631] {strides = array<i32>} : memref<384x128xf32, #tpu.memory_space<vmem>>, vector<16xf32>,
        %sub3A_1633 = arith.subf %get3A_1632, %get3A_1629 : vector<16xf32>
        %mul3A_1634 = arith.mulf %sub3A_1633, %gather3A_1592 : vector<16xf32>
        %add3A_1635 = arith.addf %mul3A_1634, %get3A_1629 : vector<16xf32>
        %add3A_1636 = arith.addf %add3A_1550, %add3A_1635 : vector<16xf32>
        %get3A_1637 = arith.index_cast %add3A_1594 : i32 to index
        %get3A_1638 = arith.constant 64 : index
        %get3A_1639 = tpu.vector_load %arg15[%get3A_1637, %get3A_1638] {strides = array<i32>} : memref<384x128xf32, #tpu.memory_space<vmem>>, vector<16xf32>,
        %get3A_1640 = arith.index_cast %add3A_1596 : i32 to index
        %get3A_1641 = arith.constant 64 : index
        %get3A_1642 = tpu.vector_load %arg15[%get3A_1640, %get3A_1641] {strides = array<i32>} : memref<384x128xf32, #tpu.memory_space<vmem>>, vector<16xf32>,
        %sub3A_1643 = arith.subf %get3A_1642, %get3A_1639 : vector<16xf32>
        %mul3A_1644 = arith.mulf %sub3A_1643, %gather3A_1592 : vector<16xf32>
        %add3A_1645 = arith.addf %mul3A_1644, %get3A_1639 : vector<16xf32>
        %add3A_1646 = arith.addf %add3A_1560, %add3A_1645 : vector<16xf32>
        %get3A_1647 = arith.index_cast %add3A_1594 : i32 to index
        %get3A_1648 = arith.constant 80 : index
        %get3A_1649 = tpu.vector_load %arg15[%get3A_1647, %get3A_1648] {strides = array<i32>} : memref<384x128xf32, #tpu.memory_space<vmem>>, vector<16xf32>,
        %get3A_1650 = arith.index_cast %add3A_1596 : i32 to index
        %get3A_1651 = arith.constant 80 : index
        %get3A_1652 = tpu.vector_load %arg15[%get3A_1650, %get3A_1651] {strides = array<i32>} : memref<384x128xf32, #tpu.memory_space<vmem>>, vector<16xf32>,
        %sub3A_1653 = arith.subf %get3A_1652, %get3A_1649 : vector<16xf32>
        %mul3A_1654 = arith.mulf %sub3A_1653, %gather3A_1592 : vector<16xf32>
        %add3A_1655 = arith.addf %mul3A_1654, %get3A_1649 : vector<16xf32>
        %add3A_1656 = arith.addf %add3A_1570, %add3A_1655 : vector<16xf32>
        %get3A_1657 = arith.index_cast %add3A_1594 : i32 to index
        %get3A_1658 = arith.constant 84 : index
        %get3A_1659 = tpu.vector_load %arg15[%get3A_1657, %get3A_1658] {strides = array<i32>} : memref<384x128xf32, #tpu.memory_space<vmem>>, vector<16xf32>,
        %get3A_1660 = arith.index_cast %add3A_1596 : i32 to index
        %get3A_1661 = arith.constant 84 : index
        %get3A_1662 = tpu.vector_load %arg15[%get3A_1660, %get3A_1661] {strides = array<i32>} : memref<384x128xf32, #tpu.memory_space<vmem>>, vector<16xf32>,
        %sub3A_1663 = arith.subf %get3A_1662, %get3A_1659 : vector<16xf32>
        %mul3A_1664 = arith.mulf %sub3A_1663, %gather3A_1592 : vector<16xf32>
        %add3A_1665 = arith.addf %mul3A_1664, %get3A_1659 : vector<16xf32>
        %add3A_1666 = arith.addf %add3A_1580, %add3A_1665 : vector<16xf32>
        %broadcast_in_dim3A_1667 = arith.constant 5 : i32
        %broadcast_in_dim3A_1668 = vector.broadcast %broadcast_in_dim3A_1667 : i32 to vector<16xi32>
        %lt3A_1669 = arith.constant 0 : i32
        %lt3A_1670 = vector.broadcast %lt3A_1669 : i32 to vector<16xi32>
        %lt3A_1671 = arith.cmpi slt, %broadcast_in_dim3A_1668, %lt3A_1670 : vector<16xi32>
        %add3A_1672 = arith.constant 16 : i32
        %add3A_1673 = vector.broadcast %add3A_1672 : i32 to vector<16xi32>
        %add3A_1674 = arith.addi %broadcast_in_dim3A_1668, %add3A_1673 : vector<16xi32>
        %select_n3A_1675 = arith.select %lt3A_1671, %add3A_1674, %broadcast_in_dim3A_1668 : vector<16xi1>, vector<16xi32>
        %broadcast_in_dim3A_1676 = vector.shape_cast %select_n3A_1675 : vector<16xi32> to vector<16x1xi32>
        %gather3A_1677 = vector.shape_cast %broadcast_in_dim3A_1676 : vector<16x1xi32> to vector<16xi32>
        %gather3A_1678 = tpu.dynamic_gather %gather3A_1244[%gather3A_1677] in [0] : vector<16xf32>, vector<16xi32> -> vector<16xf32>
        %add3A_1679 = arith.constant 160 : i32
        %add3A_1680 = arith.addi %add3A_1679, %scan3A_1238 : i32
        %add3A_1681 = arith.constant 16 : i32
        %add3A_1682 = arith.addi %add3A_1680, %add3A_1681 : i32
        %get3A_1683 = arith.index_cast %add3A_1680 : i32 to index
        %get3A_1684 = arith.constant 0 : index
        %get3A_1685 = tpu.vector_load %arg15[%get3A_1683, %get3A_1684] {strides = array<i32>} : memref<384x128xf32, #tpu.memory_space<vmem>>, vector<16xf32>,
        %get3A_1686 = arith.index_cast %add3A_1682 : i32 to index
        %get3A_1687 = arith.constant 0 : index
        %get3A_1688 = tpu.vector_load %arg15[%get3A_1686, %get3A_1687] {strides = array<i32>} : memref<384x128xf32, #tpu.memory_space<vmem>>, vector<16xf32>,
        %sub3A_1689 = arith.subf %get3A_1688, %get3A_1685 : vector<16xf32>
        %mul3A_1690 = arith.mulf %sub3A_1689, %gather3A_1678 : vector<16xf32>
        %add3A_1691 = arith.addf %mul3A_1690, %get3A_1685 : vector<16xf32>
        %add3A_1692 = arith.addf %add3A_1606, %add3A_1691 : vector<16xf32>
        %get3A_1693 = arith.index_cast %add3A_1680 : i32 to index
        %get3A_1694 = arith.constant 16 : index
        %get3A_1695 = tpu.vector_load %arg15[%get3A_1693, %get3A_1694] {strides = array<i32>} : memref<384x128xf32, #tpu.memory_space<vmem>>, vector<16xf32>,
        %get3A_1696 = arith.index_cast %add3A_1682 : i32 to index
        %get3A_1697 = arith.constant 16 : index
        %get3A_1698 = tpu.vector_load %arg15[%get3A_1696, %get3A_1697] {strides = array<i32>} : memref<384x128xf32, #tpu.memory_space<vmem>>, vector<16xf32>,
        %sub3A_1699 = arith.subf %get3A_1698, %get3A_1695 : vector<16xf32>
        %mul3A_1700 = arith.mulf %sub3A_1699, %gather3A_1678 : vector<16xf32>
        %add3A_1701 = arith.addf %mul3A_1700, %get3A_1695 : vector<16xf32>
        %add3A_1702 = arith.addf %add3A_1616, %add3A_1701 : vector<16xf32>
        %get3A_1703 = arith.index_cast %add3A_1680 : i32 to index
        %get3A_1704 = arith.constant 32 : index
        %get3A_1705 = tpu.vector_load %arg15[%get3A_1703, %get3A_1704] {strides = array<i32>} : memref<384x128xf32, #tpu.memory_space<vmem>>, vector<16xf32>,
        %get3A_1706 = arith.index_cast %add3A_1682 : i32 to index
        %get3A_1707 = arith.constant 32 : index
        %get3A_1708 = tpu.vector_load %arg15[%get3A_1706, %get3A_1707] {strides = array<i32>} : memref<384x128xf32, #tpu.memory_space<vmem>>, vector<16xf32>,
        %sub3A_1709 = arith.subf %get3A_1708, %get3A_1705 : vector<16xf32>
        %mul3A_1710 = arith.mulf %sub3A_1709, %gather3A_1678 : vector<16xf32>
        %add3A_1711 = arith.addf %mul3A_1710, %get3A_1705 : vector<16xf32>
        %add3A_1712 = arith.addf %add3A_1626, %add3A_1711 : vector<16xf32>
        %get3A_1713 = arith.index_cast %add3A_1680 : i32 to index
        %get3A_1714 = arith.constant 48 : index
        %get3A_1715 = tpu.vector_load %arg15[%get3A_1713, %get3A_1714] {strides = array<i32>} : memref<384x128xf32, #tpu.memory_space<vmem>>, vector<16xf32>,
        %get3A_1716 = arith.index_cast %add3A_1682 : i32 to index
        %get3A_1717 = arith.constant 48 : index
        %get3A_1718 = tpu.vector_load %arg15[%get3A_1716, %get3A_1717] {strides = array<i32>} : memref<384x128xf32, #tpu.memory_space<vmem>>, vector<16xf32>,
        %sub3A_1719 = arith.subf %get3A_1718, %get3A_1715 : vector<16xf32>
        %mul3A_1720 = arith.mulf %sub3A_1719, %gather3A_1678 : vector<16xf32>
        %add3A_1721 = arith.addf %mul3A_1720, %get3A_1715 : vector<16xf32>
        %add3A_1722 = arith.addf %add3A_1636, %add3A_1721 : vector<16xf32>
        %get3A_1723 = arith.index_cast %add3A_1680 : i32 to index
        %get3A_1724 = arith.constant 64 : index
        %get3A_1725 = tpu.vector_load %arg15[%get3A_1723, %get3A_1724] {strides = array<i32>} : memref<384x128xf32, #tpu.memory_space<vmem>>, vector<16xf32>,
        %get3A_1726 = arith.index_cast %add3A_1682 : i32 to index
        %get3A_1727 = arith.constant 64 : index
        %get3A_1728 = tpu.vector_load %arg15[%get3A_1726, %get3A_1727] {strides = array<i32>} : memref<384x128xf32, #tpu.memory_space<vmem>>, vector<16xf32>,
        %sub3A_1729 = arith.subf %get3A_1728, %get3A_1725 : vector<16xf32>
        %mul3A_1730 = arith.mulf %sub3A_1729, %gather3A_1678 : vector<16xf32>
        %add3A_1731 = arith.addf %mul3A_1730, %get3A_1725 : vector<16xf32>
        %add3A_1732 = arith.addf %add3A_1646, %add3A_1731 : vector<16xf32>
        %get3A_1733 = arith.index_cast %add3A_1680 : i32 to index
        %get3A_1734 = arith.constant 80 : index
        %get3A_1735 = tpu.vector_load %arg15[%get3A_1733, %get3A_1734] {strides = array<i32>} : memref<384x128xf32, #tpu.memory_space<vmem>>, vector<16xf32>,
        %get3A_1736 = arith.index_cast %add3A_1682 : i32 to index
        %get3A_1737 = arith.constant 80 : index
        %get3A_1738 = tpu.vector_load %arg15[%get3A_1736, %get3A_1737] {strides = array<i32>} : memref<384x128xf32, #tpu.memory_space<vmem>>, vector<16xf32>,
        %sub3A_1739 = arith.subf %get3A_1738, %get3A_1735 : vector<16xf32>
        %mul3A_1740 = arith.mulf %sub3A_1739, %gather3A_1678 : vector<16xf32>
        %add3A_1741 = arith.addf %mul3A_1740, %get3A_1735 : vector<16xf32>
        %add3A_1742 = arith.addf %add3A_1656, %add3A_1741 : vector<16xf32>
        %get3A_1743 = arith.index_cast %add3A_1680 : i32 to index
        %get3A_1744 = arith.constant 84 : index
        %get3A_1745 = tpu.vector_load %arg15[%get3A_1743, %get3A_1744] {strides = array<i32>} : memref<384x128xf32, #tpu.memory_space<vmem>>, vector<16xf32>,
        %get3A_1746 = arith.index_cast %add3A_1682 : i32 to index
        %get3A_1747 = arith.constant 84 : index
        %get3A_1748 = tpu.vector_load %arg15[%get3A_1746, %get3A_1747] {strides = array<i32>} : memref<384x128xf32, #tpu.memory_space<vmem>>, vector<16xf32>,
        %sub3A_1749 = arith.subf %get3A_1748, %get3A_1745 : vector<16xf32>
        %mul3A_1750 = arith.mulf %sub3A_1749, %gather3A_1678 : vector<16xf32>
        %add3A_1751 = arith.addf %mul3A_1750, %get3A_1745 : vector<16xf32>
        %add3A_1752 = arith.addf %add3A_1666, %add3A_1751 : vector<16xf32>
        %broadcast_in_dim3A_1753 = arith.constant 6 : i32
        %broadcast_in_dim3A_1754 = vector.broadcast %broadcast_in_dim3A_1753 : i32 to vector<16xi32>
        %lt3A_1755 = arith.constant 0 : i32
        %lt3A_1756 = vector.broadcast %lt3A_1755 : i32 to vector<16xi32>
        %lt3A_1757 = arith.cmpi slt, %broadcast_in_dim3A_1754, %lt3A_1756 : vector<16xi32>
        %add3A_1758 = arith.constant 16 : i32
        %add3A_1759 = vector.broadcast %add3A_1758 : i32 to vector<16xi32>
        %add3A_1760 = arith.addi %broadcast_in_dim3A_1754, %add3A_1759 : vector<16xi32>
        %select_n3A_1761 = arith.select %lt3A_1757, %add3A_1760, %broadcast_in_dim3A_1754 : vector<16xi1>, vector<16xi32>
        %broadcast_in_dim3A_1762 = vector.shape_cast %select_n3A_1761 : vector<16xi32> to vector<16x1xi32>
        %gather3A_1763 = vector.shape_cast %broadcast_in_dim3A_1762 : vector<16x1xi32> to vector<16xi32>
        %gather3A_1764 = tpu.dynamic_gather %gather3A_1244[%gather3A_1763] in [0] : vector<16xf32>, vector<16xi32> -> vector<16xf32>
        %add3A_1765 = arith.constant 192 : i32
        %add3A_1766 = arith.addi %add3A_1765, %scan3A_1238 : i32
        %add3A_1767 = arith.constant 16 : i32
        %add3A_1768 = arith.addi %add3A_1766, %add3A_1767 : i32
        %get3A_1769 = arith.index_cast %add3A_1766 : i32 to index
        %get3A_1770 = arith.constant 0 : index
        %get3A_1771 = tpu.vector_load %arg15[%get3A_1769, %get3A_1770] {strides = array<i32>} : memref<384x128xf32, #tpu.memory_space<vmem>>, vector<16xf32>,
        %get3A_1772 = arith.index_cast %add3A_1768 : i32 to index
        %get3A_1773 = arith.constant 0 : index
        %get3A_1774 = tpu.vector_load %arg15[%get3A_1772, %get3A_1773] {strides = array<i32>} : memref<384x128xf32, #tpu.memory_space<vmem>>, vector<16xf32>,
        %sub3A_1775 = arith.subf %get3A_1774, %get3A_1771 : vector<16xf32>
        %mul3A_1776 = arith.mulf %sub3A_1775, %gather3A_1764 : vector<16xf32>
        %add3A_1777 = arith.addf %mul3A_1776, %get3A_1771 : vector<16xf32>
        %add3A_1778 = arith.addf %add3A_1692, %add3A_1777 : vector<16xf32>
        %get3A_1779 = arith.index_cast %add3A_1766 : i32 to index
        %get3A_1780 = arith.constant 16 : index
        %get3A_1781 = tpu.vector_load %arg15[%get3A_1779, %get3A_1780] {strides = array<i32>} : memref<384x128xf32, #tpu.memory_space<vmem>>, vector<16xf32>,
        %get3A_1782 = arith.index_cast %add3A_1768 : i32 to index
        %get3A_1783 = arith.constant 16 : index
        %get3A_1784 = tpu.vector_load %arg15[%get3A_1782, %get3A_1783] {strides = array<i32>} : memref<384x128xf32, #tpu.memory_space<vmem>>, vector<16xf32>,
        %sub3A_1785 = arith.subf %get3A_1784, %get3A_1781 : vector<16xf32>
        %mul3A_1786 = arith.mulf %sub3A_1785, %gather3A_1764 : vector<16xf32>
        %add3A_1787 = arith.addf %mul3A_1786, %get3A_1781 : vector<16xf32>
        %add3A_1788 = arith.addf %add3A_1702, %add3A_1787 : vector<16xf32>
        %get3A_1789 = arith.index_cast %add3A_1766 : i32 to index
        %get3A_1790 = arith.constant 32 : index
        %get3A_1791 = tpu.vector_load %arg15[%get3A_1789, %get3A_1790] {strides = array<i32>} : memref<384x128xf32, #tpu.memory_space<vmem>>, vector<16xf32>,
        %get3A_1792 = arith.index_cast %add3A_1768 : i32 to index
        %get3A_1793 = arith.constant 32 : index
        %get3A_1794 = tpu.vector_load %arg15[%get3A_1792, %get3A_1793] {strides = array<i32>} : memref<384x128xf32, #tpu.memory_space<vmem>>, vector<16xf32>,
        %sub3A_1795 = arith.subf %get3A_1794, %get3A_1791 : vector<16xf32>
        %mul3A_1796 = arith.mulf %sub3A_1795, %gather3A_1764 : vector<16xf32>
        %add3A_1797 = arith.addf %mul3A_1796, %get3A_1791 : vector<16xf32>
        %add3A_1798 = arith.addf %add3A_1712, %add3A_1797 : vector<16xf32>
        %get3A_1799 = arith.index_cast %add3A_1766 : i32 to index
        %get3A_1800 = arith.constant 48 : index
        %get3A_1801 = tpu.vector_load %arg15[%get3A_1799, %get3A_1800] {strides = array<i32>} : memref<384x128xf32, #tpu.memory_space<vmem>>, vector<16xf32>,
        %get3A_1802 = arith.index_cast %add3A_1768 : i32 to index
        %get3A_1803 = arith.constant 48 : index
        %get3A_1804 = tpu.vector_load %arg15[%get3A_1802, %get3A_1803] {strides = array<i32>} : memref<384x128xf32, #tpu.memory_space<vmem>>, vector<16xf32>,
        %sub3A_1805 = arith.subf %get3A_1804, %get3A_1801 : vector<16xf32>
        %mul3A_1806 = arith.mulf %sub3A_1805, %gather3A_1764 : vector<16xf32>
        %add3A_1807 = arith.addf %mul3A_1806, %get3A_1801 : vector<16xf32>
        %add3A_1808 = arith.addf %add3A_1722, %add3A_1807 : vector<16xf32>
        %get3A_1809 = arith.index_cast %add3A_1766 : i32 to index
        %get3A_1810 = arith.constant 64 : index
        %get3A_1811 = tpu.vector_load %arg15[%get3A_1809, %get3A_1810] {strides = array<i32>} : memref<384x128xf32, #tpu.memory_space<vmem>>, vector<16xf32>,
        %get3A_1812 = arith.index_cast %add3A_1768 : i32 to index
        %get3A_1813 = arith.constant 64 : index
        %get3A_1814 = tpu.vector_load %arg15[%get3A_1812, %get3A_1813] {strides = array<i32>} : memref<384x128xf32, #tpu.memory_space<vmem>>, vector<16xf32>,
        %sub3A_1815 = arith.subf %get3A_1814, %get3A_1811 : vector<16xf32>
        %mul3A_1816 = arith.mulf %sub3A_1815, %gather3A_1764 : vector<16xf32>
        %add3A_1817 = arith.addf %mul3A_1816, %get3A_1811 : vector<16xf32>
        %add3A_1818 = arith.addf %add3A_1732, %add3A_1817 : vector<16xf32>
        %get3A_1819 = arith.index_cast %add3A_1766 : i32 to index
        %get3A_1820 = arith.constant 80 : index
        %get3A_1821 = tpu.vector_load %arg15[%get3A_1819, %get3A_1820] {strides = array<i32>} : memref<384x128xf32, #tpu.memory_space<vmem>>, vector<16xf32>,
        %get3A_1822 = arith.index_cast %add3A_1768 : i32 to index
        %get3A_1823 = arith.constant 80 : index
        %get3A_1824 = tpu.vector_load %arg15[%get3A_1822, %get3A_1823] {strides = array<i32>} : memref<384x128xf32, #tpu.memory_space<vmem>>, vector<16xf32>,
        %sub3A_1825 = arith.subf %get3A_1824, %get3A_1821 : vector<16xf32>
        %mul3A_1826 = arith.mulf %sub3A_1825, %gather3A_1764 : vector<16xf32>
        %add3A_1827 = arith.addf %mul3A_1826, %get3A_1821 : vector<16xf32>
        %add3A_1828 = arith.addf %add3A_1742, %add3A_1827 : vector<16xf32>
        %get3A_1829 = arith.index_cast %add3A_1766 : i32 to index
        %get3A_1830 = arith.constant 84 : index
        %get3A_1831 = tpu.vector_load %arg15[%get3A_1829, %get3A_1830] {strides = array<i32>} : memref<384x128xf32, #tpu.memory_space<vmem>>, vector<16xf32>,
        %get3A_1832 = arith.index_cast %add3A_1768 : i32 to index
        %get3A_1833 = arith.constant 84 : index
        %get3A_1834 = tpu.vector_load %arg15[%get3A_1832, %get3A_1833] {strides = array<i32>} : memref<384x128xf32, #tpu.memory_space<vmem>>, vector<16xf32>,
        %sub3A_1835 = arith.subf %get3A_1834, %get3A_1831 : vector<16xf32>
        %mul3A_1836 = arith.mulf %sub3A_1835, %gather3A_1764 : vector<16xf32>
        %add3A_1837 = arith.addf %mul3A_1836, %get3A_1831 : vector<16xf32>
        %add3A_1838 = arith.addf %add3A_1752, %add3A_1837 : vector<16xf32>
        %broadcast_in_dim3A_1839 = arith.constant 7 : i32
        %broadcast_in_dim3A_1840 = vector.broadcast %broadcast_in_dim3A_1839 : i32 to vector<16xi32>
        %lt3A_1841 = arith.constant 0 : i32
        %lt3A_1842 = vector.broadcast %lt3A_1841 : i32 to vector<16xi32>
        %lt3A_1843 = arith.cmpi slt, %broadcast_in_dim3A_1840, %lt3A_1842 : vector<16xi32>
        %add3A_1844 = arith.constant 16 : i32
        %add3A_1845 = vector.broadcast %add3A_1844 : i32 to vector<16xi32>
        %add3A_1846 = arith.addi %broadcast_in_dim3A_1840, %add3A_1845 : vector<16xi32>
        %select_n3A_1847 = arith.select %lt3A_1843, %add3A_1846, %broadcast_in_dim3A_1840 : vector<16xi1>, vector<16xi32>
        %broadcast_in_dim3A_1848 = vector.shape_cast %select_n3A_1847 : vector<16xi32> to vector<16x1xi32>
        %gather3A_1849 = vector.shape_cast %broadcast_in_dim3A_1848 : vector<16x1xi32> to vector<16xi32>
        %gather3A_1850 = tpu.dynamic_gather %gather3A_1244[%gather3A_1849] in [0] : vector<16xf32>, vector<16xi32> -> vector<16xf32>
        %add3A_1851 = arith.constant 224 : i32
        %add3A_1852 = arith.addi %add3A_1851, %scan3A_1238 : i32
        %add3A_1853 = arith.constant 16 : i32
        %add3A_1854 = arith.addi %add3A_1852, %add3A_1853 : i32
        %get3A_1855 = arith.index_cast %add3A_1852 : i32 to index
        %get3A_1856 = arith.constant 0 : index
        %get3A_1857 = tpu.vector_load %arg15[%get3A_1855, %get3A_1856] {strides = array<i32>} : memref<384x128xf32, #tpu.memory_space<vmem>>, vector<16xf32>,
        %get3A_1858 = arith.index_cast %add3A_1854 : i32 to index
        %get3A_1859 = arith.constant 0 : index
        %get3A_1860 = tpu.vector_load %arg15[%get3A_1858, %get3A_1859] {strides = array<i32>} : memref<384x128xf32, #tpu.memory_space<vmem>>, vector<16xf32>,
        %sub3A_1861 = arith.subf %get3A_1860, %get3A_1857 : vector<16xf32>
        %mul3A_1862 = arith.mulf %sub3A_1861, %gather3A_1850 : vector<16xf32>
        %add3A_1863 = arith.addf %mul3A_1862, %get3A_1857 : vector<16xf32>
        %add3A_1864 = arith.addf %add3A_1778, %add3A_1863 : vector<16xf32>
        %get3A_1865 = arith.index_cast %add3A_1852 : i32 to index
        %get3A_1866 = arith.constant 16 : index
        %get3A_1867 = tpu.vector_load %arg15[%get3A_1865, %get3A_1866] {strides = array<i32>} : memref<384x128xf32, #tpu.memory_space<vmem>>, vector<16xf32>,
        %get3A_1868 = arith.index_cast %add3A_1854 : i32 to index
        %get3A_1869 = arith.constant 16 : index
        %get3A_1870 = tpu.vector_load %arg15[%get3A_1868, %get3A_1869] {strides = array<i32>} : memref<384x128xf32, #tpu.memory_space<vmem>>, vector<16xf32>,
        %sub3A_1871 = arith.subf %get3A_1870, %get3A_1867 : vector<16xf32>
        %mul3A_1872 = arith.mulf %sub3A_1871, %gather3A_1850 : vector<16xf32>
        %add3A_1873 = arith.addf %mul3A_1872, %get3A_1867 : vector<16xf32>
        %add3A_1874 = arith.addf %add3A_1788, %add3A_1873 : vector<16xf32>
        %get3A_1875 = arith.index_cast %add3A_1852 : i32 to index
        %get3A_1876 = arith.constant 32 : index
        %get3A_1877 = tpu.vector_load %arg15[%get3A_1875, %get3A_1876] {strides = array<i32>} : memref<384x128xf32, #tpu.memory_space<vmem>>, vector<16xf32>,
        %get3A_1878 = arith.index_cast %add3A_1854 : i32 to index
        %get3A_1879 = arith.constant 32 : index
        %get3A_1880 = tpu.vector_load %arg15[%get3A_1878, %get3A_1879] {strides = array<i32>} : memref<384x128xf32, #tpu.memory_space<vmem>>, vector<16xf32>,
        %sub3A_1881 = arith.subf %get3A_1880, %get3A_1877 : vector<16xf32>
        %mul3A_1882 = arith.mulf %sub3A_1881, %gather3A_1850 : vector<16xf32>
        %add3A_1883 = arith.addf %mul3A_1882, %get3A_1877 : vector<16xf32>
        %add3A_1884 = arith.addf %add3A_1798, %add3A_1883 : vector<16xf32>
        %get3A_1885 = arith.index_cast %add3A_1852 : i32 to index
        %get3A_1886 = arith.constant 48 : index
        %get3A_1887 = tpu.vector_load %arg15[%get3A_1885, %get3A_1886] {strides = array<i32>} : memref<384x128xf32, #tpu.memory_space<vmem>>, vector<16xf32>,
        %get3A_1888 = arith.index_cast %add3A_1854 : i32 to index
        %get3A_1889 = arith.constant 48 : index
        %get3A_1890 = tpu.vector_load %arg15[%get3A_1888, %get3A_1889] {strides = array<i32>} : memref<384x128xf32, #tpu.memory_space<vmem>>, vector<16xf32>,
        %sub3A_1891 = arith.subf %get3A_1890, %get3A_1887 : vector<16xf32>
        %mul3A_1892 = arith.mulf %sub3A_1891, %gather3A_1850 : vector<16xf32>
        %add3A_1893 = arith.addf %mul3A_1892, %get3A_1887 : vector<16xf32>
        %add3A_1894 = arith.addf %add3A_1808, %add3A_1893 : vector<16xf32>
        %get3A_1895 = arith.index_cast %add3A_1852 : i32 to index
        %get3A_1896 = arith.constant 64 : index
        %get3A_1897 = tpu.vector_load %arg15[%get3A_1895, %get3A_1896] {strides = array<i32>} : memref<384x128xf32, #tpu.memory_space<vmem>>, vector<16xf32>,
        %get3A_1898 = arith.index_cast %add3A_1854 : i32 to index
        %get3A_1899 = arith.constant 64 : index
        %get3A_1900 = tpu.vector_load %arg15[%get3A_1898, %get3A_1899] {strides = array<i32>} : memref<384x128xf32, #tpu.memory_space<vmem>>, vector<16xf32>,
        %sub3A_1901 = arith.subf %get3A_1900, %get3A_1897 : vector<16xf32>
        %mul3A_1902 = arith.mulf %sub3A_1901, %gather3A_1850 : vector<16xf32>
        %add3A_1903 = arith.addf %mul3A_1902, %get3A_1897 : vector<16xf32>
        %add3A_1904 = arith.addf %add3A_1818, %add3A_1903 : vector<16xf32>
        %get3A_1905 = arith.index_cast %add3A_1852 : i32 to index
        %get3A_1906 = arith.constant 80 : index
        %get3A_1907 = tpu.vector_load %arg15[%get3A_1905, %get3A_1906] {strides = array<i32>} : memref<384x128xf32, #tpu.memory_space<vmem>>, vector<16xf32>,
        %get3A_1908 = arith.index_cast %add3A_1854 : i32 to index
        %get3A_1909 = arith.constant 80 : index
        %get3A_1910 = tpu.vector_load %arg15[%get3A_1908, %get3A_1909] {strides = array<i32>} : memref<384x128xf32, #tpu.memory_space<vmem>>, vector<16xf32>,
        %sub3A_1911 = arith.subf %get3A_1910, %get3A_1907 : vector<16xf32>
        %mul3A_1912 = arith.mulf %sub3A_1911, %gather3A_1850 : vector<16xf32>
        %add3A_1913 = arith.addf %mul3A_1912, %get3A_1907 : vector<16xf32>
        %add3A_1914 = arith.addf %add3A_1828, %add3A_1913 : vector<16xf32>
        %get3A_1915 = arith.index_cast %add3A_1852 : i32 to index
        %get3A_1916 = arith.constant 84 : index
        %get3A_1917 = tpu.vector_load %arg15[%get3A_1915, %get3A_1916] {strides = array<i32>} : memref<384x128xf32, #tpu.memory_space<vmem>>, vector<16xf32>,
        %get3A_1918 = arith.index_cast %add3A_1854 : i32 to index
        %get3A_1919 = arith.constant 84 : index
        %get3A_1920 = tpu.vector_load %arg15[%get3A_1918, %get3A_1919] {strides = array<i32>} : memref<384x128xf32, #tpu.memory_space<vmem>>, vector<16xf32>,
        %sub3A_1921 = arith.subf %get3A_1920, %get3A_1917 : vector<16xf32>
        %mul3A_1922 = arith.mulf %sub3A_1921, %gather3A_1850 : vector<16xf32>
        %add3A_1923 = arith.addf %mul3A_1922, %get3A_1917 : vector<16xf32>
        %add3A_1924 = arith.addf %add3A_1838, %add3A_1923 : vector<16xf32>
        %broadcast_in_dim3A_1925 = arith.constant 8 : i32
        %broadcast_in_dim3A_1926 = vector.broadcast %broadcast_in_dim3A_1925 : i32 to vector<16xi32>
        %lt3A_1927 = arith.constant 0 : i32
        %lt3A_1928 = vector.broadcast %lt3A_1927 : i32 to vector<16xi32>
        %lt3A_1929 = arith.cmpi slt, %broadcast_in_dim3A_1926, %lt3A_1928 : vector<16xi32>
        %add3A_1930 = arith.constant 16 : i32
        %add3A_1931 = vector.broadcast %add3A_1930 : i32 to vector<16xi32>
        %add3A_1932 = arith.addi %broadcast_in_dim3A_1926, %add3A_1931 : vector<16xi32>
        %select_n3A_1933 = arith.select %lt3A_1929, %add3A_1932, %broadcast_in_dim3A_1926 : vector<16xi1>, vector<16xi32>
        %broadcast_in_dim3A_1934 = vector.shape_cast %select_n3A_1933 : vector<16xi32> to vector<16x1xi32>
        %gather3A_1935 = vector.shape_cast %broadcast_in_dim3A_1934 : vector<16x1xi32> to vector<16xi32>
        %gather3A_1936 = tpu.dynamic_gather %gather3A_1244[%gather3A_1935] in [0] : vector<16xf32>, vector<16xi32> -> vector<16xf32>
        %add3A_1937 = arith.constant 256 : i32
        %add3A_1938 = arith.addi %add3A_1937, %scan3A_1238 : i32
        %add3A_1939 = arith.constant 16 : i32
        %add3A_1940 = arith.addi %add3A_1938, %add3A_1939 : i32
        %get3A_1941 = arith.index_cast %add3A_1938 : i32 to index
        %get3A_1942 = arith.constant 0 : index
        %get3A_1943 = tpu.vector_load %arg15[%get3A_1941, %get3A_1942] {strides = array<i32>} : memref<384x128xf32, #tpu.memory_space<vmem>>, vector<16xf32>,
        %get3A_1944 = arith.index_cast %add3A_1940 : i32 to index
        %get3A_1945 = arith.constant 0 : index
        %get3A_1946 = tpu.vector_load %arg15[%get3A_1944, %get3A_1945] {strides = array<i32>} : memref<384x128xf32, #tpu.memory_space<vmem>>, vector<16xf32>,
        %sub3A_1947 = arith.subf %get3A_1946, %get3A_1943 : vector<16xf32>
        %mul3A_1948 = arith.mulf %sub3A_1947, %gather3A_1936 : vector<16xf32>
        %add3A_1949 = arith.addf %mul3A_1948, %get3A_1943 : vector<16xf32>
        %add3A_1950 = arith.addf %add3A_1864, %add3A_1949 : vector<16xf32>
        %get3A_1951 = arith.index_cast %add3A_1938 : i32 to index
        %get3A_1952 = arith.constant 16 : index
        %get3A_1953 = tpu.vector_load %arg15[%get3A_1951, %get3A_1952] {strides = array<i32>} : memref<384x128xf32, #tpu.memory_space<vmem>>, vector<16xf32>,
        %get3A_1954 = arith.index_cast %add3A_1940 : i32 to index
        %get3A_1955 = arith.constant 16 : index
        %get3A_1956 = tpu.vector_load %arg15[%get3A_1954, %get3A_1955] {strides = array<i32>} : memref<384x128xf32, #tpu.memory_space<vmem>>, vector<16xf32>,
        %sub3A_1957 = arith.subf %get3A_1956, %get3A_1953 : vector<16xf32>
        %mul3A_1958 = arith.mulf %sub3A_1957, %gather3A_1936 : vector<16xf32>
        %add3A_1959 = arith.addf %mul3A_1958, %get3A_1953 : vector<16xf32>
        %add3A_1960 = arith.addf %add3A_1874, %add3A_1959 : vector<16xf32>
        %get3A_1961 = arith.index_cast %add3A_1938 : i32 to index
        %get3A_1962 = arith.constant 32 : index
        %get3A_1963 = tpu.vector_load %arg15[%get3A_1961, %get3A_1962] {strides = array<i32>} : memref<384x128xf32, #tpu.memory_space<vmem>>, vector<16xf32>,
        %get3A_1964 = arith.index_cast %add3A_1940 : i32 to index
        %get3A_1965 = arith.constant 32 : index
        %get3A_1966 = tpu.vector_load %arg15[%get3A_1964, %get3A_1965] {strides = array<i32>} : memref<384x128xf32, #tpu.memory_space<vmem>>, vector<16xf32>,
        %sub3A_1967 = arith.subf %get3A_1966, %get3A_1963 : vector<16xf32>
        %mul3A_1968 = arith.mulf %sub3A_1967, %gather3A_1936 : vector<16xf32>
        %add3A_1969 = arith.addf %mul3A_1968, %get3A_1963 : vector<16xf32>
        %add3A_1970 = arith.addf %add3A_1884, %add3A_1969 : vector<16xf32>
        %get3A_1971 = arith.index_cast %add3A_1938 : i32 to index
        %get3A_1972 = arith.constant 48 : index
        %get3A_1973 = tpu.vector_load %arg15[%get3A_1971, %get3A_1972] {strides = array<i32>} : memref<384x128xf32, #tpu.memory_space<vmem>>, vector<16xf32>,
        %get3A_1974 = arith.index_cast %add3A_1940 : i32 to index
        %get3A_1975 = arith.constant 48 : index
        %get3A_1976 = tpu.vector_load %arg15[%get3A_1974, %get3A_1975] {strides = array<i32>} : memref<384x128xf32, #tpu.memory_space<vmem>>, vector<16xf32>,
        %sub3A_1977 = arith.subf %get3A_1976, %get3A_1973 : vector<16xf32>
        %mul3A_1978 = arith.mulf %sub3A_1977, %gather3A_1936 : vector<16xf32>
        %add3A_1979 = arith.addf %mul3A_1978, %get3A_1973 : vector<16xf32>
        %add3A_1980 = arith.addf %add3A_1894, %add3A_1979 : vector<16xf32>
        %get3A_1981 = arith.index_cast %add3A_1938 : i32 to index
        %get3A_1982 = arith.constant 64 : index
        %get3A_1983 = tpu.vector_load %arg15[%get3A_1981, %get3A_1982] {strides = array<i32>} : memref<384x128xf32, #tpu.memory_space<vmem>>, vector<16xf32>,
        %get3A_1984 = arith.index_cast %add3A_1940 : i32 to index
        %get3A_1985 = arith.constant 64 : index
        %get3A_1986 = tpu.vector_load %arg15[%get3A_1984, %get3A_1985] {strides = array<i32>} : memref<384x128xf32, #tpu.memory_space<vmem>>, vector<16xf32>,
        %sub3A_1987 = arith.subf %get3A_1986, %get3A_1983 : vector<16xf32>
        %mul3A_1988 = arith.mulf %sub3A_1987, %gather3A_1936 : vector<16xf32>
        %add3A_1989 = arith.addf %mul3A_1988, %get3A_1983 : vector<16xf32>
        %add3A_1990 = arith.addf %add3A_1904, %add3A_1989 : vector<16xf32>
        %get3A_1991 = arith.index_cast %add3A_1938 : i32 to index
        %get3A_1992 = arith.constant 80 : index
        %get3A_1993 = tpu.vector_load %arg15[%get3A_1991, %get3A_1992] {strides = array<i32>} : memref<384x128xf32, #tpu.memory_space<vmem>>, vector<16xf32>,
        %get3A_1994 = arith.index_cast %add3A_1940 : i32 to index
        %get3A_1995 = arith.constant 80 : index
        %get3A_1996 = tpu.vector_load %arg15[%get3A_1994, %get3A_1995] {strides = array<i32>} : memref<384x128xf32, #tpu.memory_space<vmem>>, vector<16xf32>,
        %sub3A_1997 = arith.subf %get3A_1996, %get3A_1993 : vector<16xf32>
        %mul3A_1998 = arith.mulf %sub3A_1997, %gather3A_1936 : vector<16xf32>
        %add3A_1999 = arith.addf %mul3A_1998, %get3A_1993 : vector<16xf32>
        %add3A_2000 = arith.addf %add3A_1914, %add3A_1999 : vector<16xf32>
        %get3A_2001 = arith.index_cast %add3A_1938 : i32 to index
        %get3A_2002 = arith.constant 84 : index
        %get3A_2003 = tpu.vector_load %arg15[%get3A_2001, %get3A_2002] {strides = array<i32>} : memref<384x128xf32, #tpu.memory_space<vmem>>, vector<16xf32>,
        %get3A_2004 = arith.index_cast %add3A_1940 : i32 to index
        %get3A_2005 = arith.constant 84 : index
        %get3A_2006 = tpu.vector_load %arg15[%get3A_2004, %get3A_2005] {strides = array<i32>} : memref<384x128xf32, #tpu.memory_space<vmem>>, vector<16xf32>,
        %sub3A_2007 = arith.subf %get3A_2006, %get3A_2003 : vector<16xf32>
        %mul3A_2008 = arith.mulf %sub3A_2007, %gather3A_1936 : vector<16xf32>
        %add3A_2009 = arith.addf %mul3A_2008, %get3A_2003 : vector<16xf32>
        %add3A_2010 = arith.addf %add3A_1924, %add3A_2009 : vector<16xf32>
        %broadcast_in_dim3A_2011 = arith.constant 9 : i32
        %broadcast_in_dim3A_2012 = vector.broadcast %broadcast_in_dim3A_2011 : i32 to vector<16xi32>
        %lt3A_2013 = arith.constant 0 : i32
        %lt3A_2014 = vector.broadcast %lt3A_2013 : i32 to vector<16xi32>
        %lt3A_2015 = arith.cmpi slt, %broadcast_in_dim3A_2012, %lt3A_2014 : vector<16xi32>
        %add3A_2016 = arith.constant 16 : i32
        %add3A_2017 = vector.broadcast %add3A_2016 : i32 to vector<16xi32>
        %add3A_2018 = arith.addi %broadcast_in_dim3A_2012, %add3A_2017 : vector<16xi32>
        %select_n3A_2019 = arith.select %lt3A_2015, %add3A_2018, %broadcast_in_dim3A_2012 : vector<16xi1>, vector<16xi32>
        %broadcast_in_dim3A_2020 = vector.shape_cast %select_n3A_2019 : vector<16xi32> to vector<16x1xi32>
        %gather3A_2021 = vector.shape_cast %broadcast_in_dim3A_2020 : vector<16x1xi32> to vector<16xi32>
        %gather3A_2022 = tpu.dynamic_gather %gather3A_1244[%gather3A_2021] in [0] : vector<16xf32>, vector<16xi32> -> vector<16xf32>
        %add3A_2023 = arith.constant 288 : i32
        %add3A_2024 = arith.addi %add3A_2023, %scan3A_1238 : i32
        %add3A_2025 = arith.constant 16 : i32
        %add3A_2026 = arith.addi %add3A_2024, %add3A_2025 : i32
        %get3A_2027 = arith.index_cast %add3A_2024 : i32 to index
        %get3A_2028 = arith.constant 0 : index
        %get3A_2029 = tpu.vector_load %arg15[%get3A_2027, %get3A_2028] {strides = array<i32>} : memref<384x128xf32, #tpu.memory_space<vmem>>, vector<16xf32>,
        %get3A_2030 = arith.index_cast %add3A_2026 : i32 to index
        %get3A_2031 = arith.constant 0 : index
        %get3A_2032 = tpu.vector_load %arg15[%get3A_2030, %get3A_2031] {strides = array<i32>} : memref<384x128xf32, #tpu.memory_space<vmem>>, vector<16xf32>,
        %sub3A_2033 = arith.subf %get3A_2032, %get3A_2029 : vector<16xf32>
        %mul3A_2034 = arith.mulf %sub3A_2033, %gather3A_2022 : vector<16xf32>
        %add3A_2035 = arith.addf %mul3A_2034, %get3A_2029 : vector<16xf32>
        %add3A_2036 = arith.addf %add3A_1950, %add3A_2035 : vector<16xf32>
        %get3A_2037 = arith.index_cast %add3A_2024 : i32 to index
        %get3A_2038 = arith.constant 16 : index
        %get3A_2039 = tpu.vector_load %arg15[%get3A_2037, %get3A_2038] {strides = array<i32>} : memref<384x128xf32, #tpu.memory_space<vmem>>, vector<16xf32>,
        %get3A_2040 = arith.index_cast %add3A_2026 : i32 to index
        %get3A_2041 = arith.constant 16 : index
        %get3A_2042 = tpu.vector_load %arg15[%get3A_2040, %get3A_2041] {strides = array<i32>} : memref<384x128xf32, #tpu.memory_space<vmem>>, vector<16xf32>,
        %sub3A_2043 = arith.subf %get3A_2042, %get3A_2039 : vector<16xf32>
        %mul3A_2044 = arith.mulf %sub3A_2043, %gather3A_2022 : vector<16xf32>
        %add3A_2045 = arith.addf %mul3A_2044, %get3A_2039 : vector<16xf32>
        %add3A_2046 = arith.addf %add3A_1960, %add3A_2045 : vector<16xf32>
        %get3A_2047 = arith.index_cast %add3A_2024 : i32 to index
        %get3A_2048 = arith.constant 32 : index
        %get3A_2049 = tpu.vector_load %arg15[%get3A_2047, %get3A_2048] {strides = array<i32>} : memref<384x128xf32, #tpu.memory_space<vmem>>, vector<16xf32>,
        %get3A_2050 = arith.index_cast %add3A_2026 : i32 to index
        %get3A_2051 = arith.constant 32 : index
        %get3A_2052 = tpu.vector_load %arg15[%get3A_2050, %get3A_2051] {strides = array<i32>} : memref<384x128xf32, #tpu.memory_space<vmem>>, vector<16xf32>,
        %sub3A_2053 = arith.subf %get3A_2052, %get3A_2049 : vector<16xf32>
        %mul3A_2054 = arith.mulf %sub3A_2053, %gather3A_2022 : vector<16xf32>
        %add3A_2055 = arith.addf %mul3A_2054, %get3A_2049 : vector<16xf32>
        %add3A_2056 = arith.addf %add3A_1970, %add3A_2055 : vector<16xf32>
        %get3A_2057 = arith.index_cast %add3A_2024 : i32 to index
        %get3A_2058 = arith.constant 48 : index
        %get3A_2059 = tpu.vector_load %arg15[%get3A_2057, %get3A_2058] {strides = array<i32>} : memref<384x128xf32, #tpu.memory_space<vmem>>, vector<16xf32>,
        %get3A_2060 = arith.index_cast %add3A_2026 : i32 to index
        %get3A_2061 = arith.constant 48 : index
        %get3A_2062 = tpu.vector_load %arg15[%get3A_2060, %get3A_2061] {strides = array<i32>} : memref<384x128xf32, #tpu.memory_space<vmem>>, vector<16xf32>,
        %sub3A_2063 = arith.subf %get3A_2062, %get3A_2059 : vector<16xf32>
        %mul3A_2064 = arith.mulf %sub3A_2063, %gather3A_2022 : vector<16xf32>
        %add3A_2065 = arith.addf %mul3A_2064, %get3A_2059 : vector<16xf32>
        %add3A_2066 = arith.addf %add3A_1980, %add3A_2065 : vector<16xf32>
        %get3A_2067 = arith.index_cast %add3A_2024 : i32 to index
        %get3A_2068 = arith.constant 64 : index
        %get3A_2069 = tpu.vector_load %arg15[%get3A_2067, %get3A_2068] {strides = array<i32>} : memref<384x128xf32, #tpu.memory_space<vmem>>, vector<16xf32>,
        %get3A_2070 = arith.index_cast %add3A_2026 : i32 to index
        %get3A_2071 = arith.constant 64 : index
        %get3A_2072 = tpu.vector_load %arg15[%get3A_2070, %get3A_2071] {strides = array<i32>} : memref<384x128xf32, #tpu.memory_space<vmem>>, vector<16xf32>,
        %sub3A_2073 = arith.subf %get3A_2072, %get3A_2069 : vector<16xf32>
        %mul3A_2074 = arith.mulf %sub3A_2073, %gather3A_2022 : vector<16xf32>
        %add3A_2075 = arith.addf %mul3A_2074, %get3A_2069 : vector<16xf32>
        %add3A_2076 = arith.addf %add3A_1990, %add3A_2075 : vector<16xf32>
        %get3A_2077 = arith.index_cast %add3A_2024 : i32 to index
        %get3A_2078 = arith.constant 80 : index
        %get3A_2079 = tpu.vector_load %arg15[%get3A_2077, %get3A_2078] {strides = array<i32>} : memref<384x128xf32, #tpu.memory_space<vmem>>, vector<16xf32>,
        %get3A_2080 = arith.index_cast %add3A_2026 : i32 to index
        %get3A_2081 = arith.constant 80 : index
        %get3A_2082 = tpu.vector_load %arg15[%get3A_2080, %get3A_2081] {strides = array<i32>} : memref<384x128xf32, #tpu.memory_space<vmem>>, vector<16xf32>,
        %sub3A_2083 = arith.subf %get3A_2082, %get3A_2079 : vector<16xf32>
        %mul3A_2084 = arith.mulf %sub3A_2083, %gather3A_2022 : vector<16xf32>
        %add3A_2085 = arith.addf %mul3A_2084, %get3A_2079 : vector<16xf32>
        %add3A_2086 = arith.addf %add3A_2000, %add3A_2085 : vector<16xf32>
        %get3A_2087 = arith.index_cast %add3A_2024 : i32 to index
        %get3A_2088 = arith.constant 84 : index
        %get3A_2089 = tpu.vector_load %arg15[%get3A_2087, %get3A_2088] {strides = array<i32>} : memref<384x128xf32, #tpu.memory_space<vmem>>, vector<16xf32>,
        %get3A_2090 = arith.index_cast %add3A_2026 : i32 to index
        %get3A_2091 = arith.constant 84 : index
        %get3A_2092 = tpu.vector_load %arg15[%get3A_2090, %get3A_2091] {strides = array<i32>} : memref<384x128xf32, #tpu.memory_space<vmem>>, vector<16xf32>,
        %sub3A_2093 = arith.subf %get3A_2092, %get3A_2089 : vector<16xf32>
        %mul3A_2094 = arith.mulf %sub3A_2093, %gather3A_2022 : vector<16xf32>
        %add3A_2095 = arith.addf %mul3A_2094, %get3A_2089 : vector<16xf32>
        %add3A_2096 = arith.addf %add3A_2010, %add3A_2095 : vector<16xf32>
        %broadcast_in_dim3A_2097 = arith.constant 10 : i32
        %broadcast_in_dim3A_2098 = vector.broadcast %broadcast_in_dim3A_2097 : i32 to vector<16xi32>
        %lt3A_2099 = arith.constant 0 : i32
        %lt3A_2100 = vector.broadcast %lt3A_2099 : i32 to vector<16xi32>
        %lt3A_2101 = arith.cmpi slt, %broadcast_in_dim3A_2098, %lt3A_2100 : vector<16xi32>
        %add3A_2102 = arith.constant 16 : i32
        %add3A_2103 = vector.broadcast %add3A_2102 : i32 to vector<16xi32>
        %add3A_2104 = arith.addi %broadcast_in_dim3A_2098, %add3A_2103 : vector<16xi32>
        %select_n3A_2105 = arith.select %lt3A_2101, %add3A_2104, %broadcast_in_dim3A_2098 : vector<16xi1>, vector<16xi32>
        %broadcast_in_dim3A_2106 = vector.shape_cast %select_n3A_2105 : vector<16xi32> to vector<16x1xi32>
        %gather3A_2107 = vector.shape_cast %broadcast_in_dim3A_2106 : vector<16x1xi32> to vector<16xi32>
        %gather3A_2108 = tpu.dynamic_gather %gather3A_1244[%gather3A_2107] in [0] : vector<16xf32>, vector<16xi32> -> vector<16xf32>
        %add3A_2109 = arith.constant 320 : i32
        %add3A_2110 = arith.addi %add3A_2109, %scan3A_1238 : i32
        %add3A_2111 = arith.constant 16 : i32
        %add3A_2112 = arith.addi %add3A_2110, %add3A_2111 : i32
        %get3A_2113 = arith.index_cast %add3A_2110 : i32 to index
        %get3A_2114 = arith.constant 0 : index
        %get3A_2115 = tpu.vector_load %arg15[%get3A_2113, %get3A_2114] {strides = array<i32>} : memref<384x128xf32, #tpu.memory_space<vmem>>, vector<16xf32>,
        %get3A_2116 = arith.index_cast %add3A_2112 : i32 to index
        %get3A_2117 = arith.constant 0 : index
        %get3A_2118 = tpu.vector_load %arg15[%get3A_2116, %get3A_2117] {strides = array<i32>} : memref<384x128xf32, #tpu.memory_space<vmem>>, vector<16xf32>,
        %sub3A_2119 = arith.subf %get3A_2118, %get3A_2115 : vector<16xf32>
        %mul3A_2120 = arith.mulf %sub3A_2119, %gather3A_2108 : vector<16xf32>
        %add3A_2121 = arith.addf %mul3A_2120, %get3A_2115 : vector<16xf32>
        %add3A_2122 = arith.addf %add3A_2036, %add3A_2121 : vector<16xf32>
        %get3A_2123 = arith.index_cast %add3A_2110 : i32 to index
        %get3A_2124 = arith.constant 16 : index
        %get3A_2125 = tpu.vector_load %arg15[%get3A_2123, %get3A_2124] {strides = array<i32>} : memref<384x128xf32, #tpu.memory_space<vmem>>, vector<16xf32>,
        %get3A_2126 = arith.index_cast %add3A_2112 : i32 to index
        %get3A_2127 = arith.constant 16 : index
        %get3A_2128 = tpu.vector_load %arg15[%get3A_2126, %get3A_2127] {strides = array<i32>} : memref<384x128xf32, #tpu.memory_space<vmem>>, vector<16xf32>,
        %sub3A_2129 = arith.subf %get3A_2128, %get3A_2125 : vector<16xf32>
        %mul3A_2130 = arith.mulf %sub3A_2129, %gather3A_2108 : vector<16xf32>
        %add3A_2131 = arith.addf %mul3A_2130, %get3A_2125 : vector<16xf32>
        %add3A_2132 = arith.addf %add3A_2046, %add3A_2131 : vector<16xf32>
        %get3A_2133 = arith.index_cast %add3A_2110 : i32 to index
        %get3A_2134 = arith.constant 32 : index
        %get3A_2135 = tpu.vector_load %arg15[%get3A_2133, %get3A_2134] {strides = array<i32>} : memref<384x128xf32, #tpu.memory_space<vmem>>, vector<16xf32>,
        %get3A_2136 = arith.index_cast %add3A_2112 : i32 to index
        %get3A_2137 = arith.constant 32 : index
        %get3A_2138 = tpu.vector_load %arg15[%get3A_2136, %get3A_2137] {strides = array<i32>} : memref<384x128xf32, #tpu.memory_space<vmem>>, vector<16xf32>,
        %sub3A_2139 = arith.subf %get3A_2138, %get3A_2135 : vector<16xf32>
        %mul3A_2140 = arith.mulf %sub3A_2139, %gather3A_2108 : vector<16xf32>
        %add3A_2141 = arith.addf %mul3A_2140, %get3A_2135 : vector<16xf32>
        %add3A_2142 = arith.addf %add3A_2056, %add3A_2141 : vector<16xf32>
        %get3A_2143 = arith.index_cast %add3A_2110 : i32 to index
        %get3A_2144 = arith.constant 48 : index
        %get3A_2145 = tpu.vector_load %arg15[%get3A_2143, %get3A_2144] {strides = array<i32>} : memref<384x128xf32, #tpu.memory_space<vmem>>, vector<16xf32>,
        %get3A_2146 = arith.index_cast %add3A_2112 : i32 to index
        %get3A_2147 = arith.constant 48 : index
        %get3A_2148 = tpu.vector_load %arg15[%get3A_2146, %get3A_2147] {strides = array<i32>} : memref<384x128xf32, #tpu.memory_space<vmem>>, vector<16xf32>,
        %sub3A_2149 = arith.subf %get3A_2148, %get3A_2145 : vector<16xf32>
        %mul3A_2150 = arith.mulf %sub3A_2149, %gather3A_2108 : vector<16xf32>
        %add3A_2151 = arith.addf %mul3A_2150, %get3A_2145 : vector<16xf32>
        %add3A_2152 = arith.addf %add3A_2066, %add3A_2151 : vector<16xf32>
        %get3A_2153 = arith.index_cast %add3A_2110 : i32 to index
        %get3A_2154 = arith.constant 64 : index
        %get3A_2155 = tpu.vector_load %arg15[%get3A_2153, %get3A_2154] {strides = array<i32>} : memref<384x128xf32, #tpu.memory_space<vmem>>, vector<16xf32>,
        %get3A_2156 = arith.index_cast %add3A_2112 : i32 to index
        %get3A_2157 = arith.constant 64 : index
        %get3A_2158 = tpu.vector_load %arg15[%get3A_2156, %get3A_2157] {strides = array<i32>} : memref<384x128xf32, #tpu.memory_space<vmem>>, vector<16xf32>,
        %sub3A_2159 = arith.subf %get3A_2158, %get3A_2155 : vector<16xf32>
        %mul3A_2160 = arith.mulf %sub3A_2159, %gather3A_2108 : vector<16xf32>
        %add3A_2161 = arith.addf %mul3A_2160, %get3A_2155 : vector<16xf32>
        %add3A_2162 = arith.addf %add3A_2076, %add3A_2161 : vector<16xf32>
        %get3A_2163 = arith.index_cast %add3A_2110 : i32 to index
        %get3A_2164 = arith.constant 80 : index
        %get3A_2165 = tpu.vector_load %arg15[%get3A_2163, %get3A_2164] {strides = array<i32>} : memref<384x128xf32, #tpu.memory_space<vmem>>, vector<16xf32>,
        %get3A_2166 = arith.index_cast %add3A_2112 : i32 to index
        %get3A_2167 = arith.constant 80 : index
        %get3A_2168 = tpu.vector_load %arg15[%get3A_2166, %get3A_2167] {strides = array<i32>} : memref<384x128xf32, #tpu.memory_space<vmem>>, vector<16xf32>,
        %sub3A_2169 = arith.subf %get3A_2168, %get3A_2165 : vector<16xf32>
        %mul3A_2170 = arith.mulf %sub3A_2169, %gather3A_2108 : vector<16xf32>
        %add3A_2171 = arith.addf %mul3A_2170, %get3A_2165 : vector<16xf32>
        %add3A_2172 = arith.addf %add3A_2086, %add3A_2171 : vector<16xf32>
        %get3A_2173 = arith.index_cast %add3A_2110 : i32 to index
        %get3A_2174 = arith.constant 84 : index
        %get3A_2175 = tpu.vector_load %arg15[%get3A_2173, %get3A_2174] {strides = array<i32>} : memref<384x128xf32, #tpu.memory_space<vmem>>, vector<16xf32>,
        %get3A_2176 = arith.index_cast %add3A_2112 : i32 to index
        %get3A_2177 = arith.constant 84 : index
        %get3A_2178 = tpu.vector_load %arg15[%get3A_2176, %get3A_2177] {strides = array<i32>} : memref<384x128xf32, #tpu.memory_space<vmem>>, vector<16xf32>,
        %sub3A_2179 = arith.subf %get3A_2178, %get3A_2175 : vector<16xf32>
        %mul3A_2180 = arith.mulf %sub3A_2179, %gather3A_2108 : vector<16xf32>
        %add3A_2181 = arith.addf %mul3A_2180, %get3A_2175 : vector<16xf32>
        %add3A_2182 = arith.addf %add3A_2096, %add3A_2181 : vector<16xf32>
        %broadcast_in_dim3A_2183 = arith.constant 11 : i32
        %broadcast_in_dim3A_2184 = vector.broadcast %broadcast_in_dim3A_2183 : i32 to vector<16xi32>
        %lt3A_2185 = arith.constant 0 : i32
        %lt3A_2186 = vector.broadcast %lt3A_2185 : i32 to vector<16xi32>
        %lt3A_2187 = arith.cmpi slt, %broadcast_in_dim3A_2184, %lt3A_2186 : vector<16xi32>
        %add3A_2188 = arith.constant 16 : i32
        %add3A_2189 = vector.broadcast %add3A_2188 : i32 to vector<16xi32>
        %add3A_2190 = arith.addi %broadcast_in_dim3A_2184, %add3A_2189 : vector<16xi32>
        %select_n3A_2191 = arith.select %lt3A_2187, %add3A_2190, %broadcast_in_dim3A_2184 : vector<16xi1>, vector<16xi32>
        %broadcast_in_dim3A_2192 = vector.shape_cast %select_n3A_2191 : vector<16xi32> to vector<16x1xi32>
        %gather3A_2193 = vector.shape_cast %broadcast_in_dim3A_2192 : vector<16x1xi32> to vector<16xi32>
        %gather3A_2194 = tpu.dynamic_gather %gather3A_1244[%gather3A_2193] in [0] : vector<16xf32>, vector<16xi32> -> vector<16xf32>
        %add3A_2195 = arith.constant 352 : i32
        %add3A_2196 = arith.addi %add3A_2195, %scan3A_1238 : i32
        %add3A_2197 = arith.constant 16 : i32
        %add3A_2198 = arith.addi %add3A_2196, %add3A_2197 : i32
        %get3A_2199 = arith.index_cast %add3A_2196 : i32 to index
        %get3A_2200 = arith.constant 0 : index
        %get3A_2201 = tpu.vector_load %arg15[%get3A_2199, %get3A_2200] {strides = array<i32>} : memref<384x128xf32, #tpu.memory_space<vmem>>, vector<16xf32>,
        %get3A_2202 = arith.index_cast %add3A_2198 : i32 to index
        %get3A_2203 = arith.constant 0 : index
        %get3A_2204 = tpu.vector_load %arg15[%get3A_2202, %get3A_2203] {strides = array<i32>} : memref<384x128xf32, #tpu.memory_space<vmem>>, vector<16xf32>,
        %sub3A_2205 = arith.subf %get3A_2204, %get3A_2201 : vector<16xf32>
        %mul3A_2206 = arith.mulf %sub3A_2205, %gather3A_2194 : vector<16xf32>
        %add3A_2207 = arith.addf %mul3A_2206, %get3A_2201 : vector<16xf32>
        %add3A_2208 = arith.addf %add3A_2122, %add3A_2207 : vector<16xf32>
        %get3A_2209 = arith.index_cast %add3A_2196 : i32 to index
        %get3A_2210 = arith.constant 16 : index
        %get3A_2211 = tpu.vector_load %arg15[%get3A_2209, %get3A_2210] {strides = array<i32>} : memref<384x128xf32, #tpu.memory_space<vmem>>, vector<16xf32>,
        %get3A_2212 = arith.index_cast %add3A_2198 : i32 to index
        %get3A_2213 = arith.constant 16 : index
        %get3A_2214 = tpu.vector_load %arg15[%get3A_2212, %get3A_2213] {strides = array<i32>} : memref<384x128xf32, #tpu.memory_space<vmem>>, vector<16xf32>,
        %sub3A_2215 = arith.subf %get3A_2214, %get3A_2211 : vector<16xf32>
        %mul3A_2216 = arith.mulf %sub3A_2215, %gather3A_2194 : vector<16xf32>
        %add3A_2217 = arith.addf %mul3A_2216, %get3A_2211 : vector<16xf32>
        %add3A_2218 = arith.addf %add3A_2132, %add3A_2217 : vector<16xf32>
        %get3A_2219 = arith.index_cast %add3A_2196 : i32 to index
        %get3A_2220 = arith.constant 32 : index
        %get3A_2221 = tpu.vector_load %arg15[%get3A_2219, %get3A_2220] {strides = array<i32>} : memref<384x128xf32, #tpu.memory_space<vmem>>, vector<16xf32>,
        %get3A_2222 = arith.index_cast %add3A_2198 : i32 to index
        %get3A_2223 = arith.constant 32 : index
        %get3A_2224 = tpu.vector_load %arg15[%get3A_2222, %get3A_2223] {strides = array<i32>} : memref<384x128xf32, #tpu.memory_space<vmem>>, vector<16xf32>,
        %sub3A_2225 = arith.subf %get3A_2224, %get3A_2221 : vector<16xf32>
        %mul3A_2226 = arith.mulf %sub3A_2225, %gather3A_2194 : vector<16xf32>
        %add3A_2227 = arith.addf %mul3A_2226, %get3A_2221 : vector<16xf32>
        %add3A_2228 = arith.addf %add3A_2142, %add3A_2227 : vector<16xf32>
        %get3A_2229 = arith.index_cast %add3A_2196 : i32 to index
        %get3A_2230 = arith.constant 48 : index
        %get3A_2231 = tpu.vector_load %arg15[%get3A_2229, %get3A_2230] {strides = array<i32>} : memref<384x128xf32, #tpu.memory_space<vmem>>, vector<16xf32>,
        %get3A_2232 = arith.index_cast %add3A_2198 : i32 to index
        %get3A_2233 = arith.constant 48 : index
        %get3A_2234 = tpu.vector_load %arg15[%get3A_2232, %get3A_2233] {strides = array<i32>} : memref<384x128xf32, #tpu.memory_space<vmem>>, vector<16xf32>,
        %sub3A_2235 = arith.subf %get3A_2234, %get3A_2231 : vector<16xf32>
        %mul3A_2236 = arith.mulf %sub3A_2235, %gather3A_2194 : vector<16xf32>
        %add3A_2237 = arith.addf %mul3A_2236, %get3A_2231 : vector<16xf32>
        %add3A_2238 = arith.addf %add3A_2152, %add3A_2237 : vector<16xf32>
        %get3A_2239 = arith.index_cast %add3A_2196 : i32 to index
        %get3A_2240 = arith.constant 64 : index
        %get3A_2241 = tpu.vector_load %arg15[%get3A_2239, %get3A_2240] {strides = array<i32>} : memref<384x128xf32, #tpu.memory_space<vmem>>, vector<16xf32>,
        %get3A_2242 = arith.index_cast %add3A_2198 : i32 to index
        %get3A_2243 = arith.constant 64 : index
        %get3A_2244 = tpu.vector_load %arg15[%get3A_2242, %get3A_2243] {strides = array<i32>} : memref<384x128xf32, #tpu.memory_space<vmem>>, vector<16xf32>,
        %sub3A_2245 = arith.subf %get3A_2244, %get3A_2241 : vector<16xf32>
        %mul3A_2246 = arith.mulf %sub3A_2245, %gather3A_2194 : vector<16xf32>
        %add3A_2247 = arith.addf %mul3A_2246, %get3A_2241 : vector<16xf32>
        %add3A_2248 = arith.addf %add3A_2162, %add3A_2247 : vector<16xf32>
        %get3A_2249 = arith.index_cast %add3A_2196 : i32 to index
        %get3A_2250 = arith.constant 80 : index
        %get3A_2251 = tpu.vector_load %arg15[%get3A_2249, %get3A_2250] {strides = array<i32>} : memref<384x128xf32, #tpu.memory_space<vmem>>, vector<16xf32>,
        %get3A_2252 = arith.index_cast %add3A_2198 : i32 to index
        %get3A_2253 = arith.constant 80 : index
        %get3A_2254 = tpu.vector_load %arg15[%get3A_2252, %get3A_2253] {strides = array<i32>} : memref<384x128xf32, #tpu.memory_space<vmem>>, vector<16xf32>,
        %sub3A_2255 = arith.subf %get3A_2254, %get3A_2251 : vector<16xf32>
        %mul3A_2256 = arith.mulf %sub3A_2255, %gather3A_2194 : vector<16xf32>
        %add3A_2257 = arith.addf %mul3A_2256, %get3A_2251 : vector<16xf32>
        %add3A_2258 = arith.addf %add3A_2172, %add3A_2257 : vector<16xf32>
        %get3A_2259 = arith.index_cast %add3A_2196 : i32 to index
        %get3A_2260 = arith.constant 84 : index
        %get3A_2261 = tpu.vector_load %arg15[%get3A_2259, %get3A_2260] {strides = array<i32>} : memref<384x128xf32, #tpu.memory_space<vmem>>, vector<16xf32>,
        %get3A_2262 = arith.index_cast %add3A_2198 : i32 to index
        %get3A_2263 = arith.constant 84 : index
        %get3A_2264 = tpu.vector_load %arg15[%get3A_2262, %get3A_2263] {strides = array<i32>} : memref<384x128xf32, #tpu.memory_space<vmem>>, vector<16xf32>,
        %sub3A_2265 = arith.subf %get3A_2264, %get3A_2261 : vector<16xf32>
        %mul3A_2266 = arith.mulf %sub3A_2265, %gather3A_2194 : vector<16xf32>
        %add3A_2267 = arith.addf %mul3A_2266, %get3A_2261 : vector<16xf32>
        %add3A_2268 = arith.addf %add3A_2182, %add3A_2267 : vector<16xf32>
        %mul3A_2269 = arith.constant 100 : i32
        %mul3A_2270 = arith.muli %scan3A_1238, %mul3A_2269 : i32
        %add3A_2271 = arith.constant 0 : i32
        %add3A_2272 = arith.addi %mul3A_2270, %add3A_2271 : i32
        %swap3A_2273 = arith.index_cast %add3A_2272 : i32 to index
        %swap3A_2274 = tpu.vector_load %arg17[%swap3A_2273] {strides = array<i32>} : memref<1600xf32, #tpu.memory_space<vmem>>, vector<16xf32>,
        tpu.vector_store %arg17[%swap3A_2273], %add3A_2208 {strides = array<i32>} : memref<1600xf32, #tpu.memory_space<vmem>>, vector<16xf32>,
        %mul3A_2275 = arith.constant 100 : i32
        %mul3A_2276 = arith.muli %scan3A_1238, %mul3A_2275 : i32
        %add3A_2277 = arith.constant 16 : i32
        %add3A_2278 = arith.addi %mul3A_2276, %add3A_2277 : i32
        %swap3A_2279 = arith.index_cast %add3A_2278 : i32 to index
        %swap3A_2280 = tpu.vector_load %arg17[%swap3A_2279] {strides = array<i32>} : memref<1600xf32, #tpu.memory_space<vmem>>, vector<16xf32>,
        tpu.vector_store %arg17[%swap3A_2279], %add3A_2218 {strides = array<i32>} : memref<1600xf32, #tpu.memory_space<vmem>>, vector<16xf32>,
        %mul3A_2281 = arith.constant 100 : i32
        %mul3A_2282 = arith.muli %scan3A_1238, %mul3A_2281 : i32
        %add3A_2283 = arith.constant 32 : i32
        %add3A_2284 = arith.addi %mul3A_2282, %add3A_2283 : i32
        %swap3A_2285 = arith.index_cast %add3A_2284 : i32 to index
        %swap3A_2286 = tpu.vector_load %arg17[%swap3A_2285] {strides = array<i32>} : memref<1600xf32, #tpu.memory_space<vmem>>, vector<16xf32>,
        tpu.vector_store %arg17[%swap3A_2285], %add3A_2228 {strides = array<i32>} : memref<1600xf32, #tpu.memory_space<vmem>>, vector<16xf32>,
        %mul3A_2287 = arith.constant 100 : i32
        %mul3A_2288 = arith.muli %scan3A_1238, %mul3A_2287 : i32
        %add3A_2289 = arith.constant 48 : i32
        %add3A_2290 = arith.addi %mul3A_2288, %add3A_2289 : i32
        %swap3A_2291 = arith.index_cast %add3A_2290 : i32 to index
        %swap3A_2292 = tpu.vector_load %arg17[%swap3A_2291] {strides = array<i32>} : memref<1600xf32, #tpu.memory_space<vmem>>, vector<16xf32>,
        tpu.vector_store %arg17[%swap3A_2291], %add3A_2238 {strides = array<i32>} : memref<1600xf32, #tpu.memory_space<vmem>>, vector<16xf32>,
        %mul3A_2293 = arith.constant 100 : i32
        %mul3A_2294 = arith.muli %scan3A_1238, %mul3A_2293 : i32
        %add3A_2295 = arith.constant 64 : i32
        %add3A_2296 = arith.addi %mul3A_2294, %add3A_2295 : i32
        %swap3A_2297 = arith.index_cast %add3A_2296 : i32 to index
        %swap3A_2298 = tpu.vector_load %arg17[%swap3A_2297] {strides = array<i32>} : memref<1600xf32, #tpu.memory_space<vmem>>, vector<16xf32>,
        tpu.vector_store %arg17[%swap3A_2297], %add3A_2248 {strides = array<i32>} : memref<1600xf32, #tpu.memory_space<vmem>>, vector<16xf32>,
        %mul3A_2299 = arith.constant 100 : i32
        %mul3A_2300 = arith.muli %scan3A_1238, %mul3A_2299 : i32
        %add3A_2301 = arith.constant 80 : i32
        %add3A_2302 = arith.addi %mul3A_2300, %add3A_2301 : i32
        %swap3A_2303 = arith.index_cast %add3A_2302 : i32 to index
        %swap3A_2304 = tpu.vector_load %arg17[%swap3A_2303] {strides = array<i32>} : memref<1600xf32, #tpu.memory_space<vmem>>, vector<16xf32>,
        tpu.vector_store %arg17[%swap3A_2303], %add3A_2258 {strides = array<i32>} : memref<1600xf32, #tpu.memory_space<vmem>>, vector<16xf32>,
        %mul3A_2305 = arith.constant 100 : i32
        %mul3A_2306 = arith.muli %scan3A_1238, %mul3A_2305 : i32
        %add3A_2307 = arith.constant 84 : i32
        %add3A_2308 = arith.addi %mul3A_2306, %add3A_2307 : i32
        %swap3A_2309 = arith.index_cast %add3A_2308 : i32 to index
        %swap3A_2310 = tpu.vector_load %arg17[%swap3A_2309] {strides = array<i32>} : memref<1600xf32, #tpu.memory_space<vmem>>, vector<16xf32>,
        tpu.vector_store %arg17[%swap3A_2309], %add3A_2268 {strides = array<i32>} : memref<1600xf32, #tpu.memory_space<vmem>>, vector<16xf32>,
      }
      %scan3A_1182 = arith.constant 16 : i32
      %mul3A_1183 = arith.constant 16 : i32
      %mul3A_1184 = arith.muli %mul3A_576, %mul3A_1183 : i32
      %add3A_1185 = arith.addi %mul3A_2, %mul3A_1184 : i32
      %mul3A_1186 = arith.constant 100 : i32
      %mul3A_1187 = arith.muli %add3A_1185, %mul3A_1186 : i32
      %dma_start3A_1188 = tpu.memref_slice %arg6[%mul3A_1187] : memref<3276800xf32, #tpu.memory_space<hbm>> -> memref<1600xf32, #tpu.memory_space<hbm>>
      %dma_start3A_1189 = tpu.memref_slice %arg6[%mul3A_1187] : memref<3276800xf32, #tpu.memory_space<hbm>> -> memref<1600xf32, #tpu.memory_space<hbm>>
      tpu.enqueue_dma source(%arg17 : memref<1600xf32, #tpu.memory_space<vmem>>) target(%dma_start3A_1189 : memref<1600xf32, #tpu.memory_space<hbm>>) target_semaphore(%arg21 : memref<!tpu.dma_semaphore, #tpu.memory_space<semaphore_mem>>)
      %lt3A = arith.constant 31 : i32
      %lt3A_1190 = arith.cmpi slt, %scan3A_574, %lt3A : i32
      %convert_element_type3A_1191 = arith.extui %lt3A_1190 : i1 to i32
      %cond3A_1192 = arith.constant 0 : i32
      %cond3A_1193 = arith.cmpi ne, %convert_element_type3A_1191, %cond3A_1192 : i32
      scf.if %cond3A_1193 {
        %add3A_1238 = arith.constant 2 : i32
        %add3A_1239 = arith.addi %mul3A_576, %add3A_1238 : i32
        %mul3A_1240 = arith.constant 16 : i32
        %mul3A_1241 = arith.muli %add3A_1239, %mul3A_1240 : i32
        %add3A_1242 = arith.addi %mul3A_2, %mul3A_1241 : i32
        %add3A_1243 = vector.broadcast %add3A_1242 : i32 to vector<16xi32>
        %add3A_1244 = arith.addi %add3A_1243, %iota3A : vector<16xi32>
        %broadcast_in_dim3A_1245 = arith.constant 0 : i32
        %broadcast_in_dim3A_1246 = vector.broadcast %broadcast_in_dim3A_1245 : i32 to vector<16xi32>
        %broadcast_in_dim3A_1247 = arith.constant 1 : i32
        %broadcast_in_dim3A_1248 = vector.broadcast %broadcast_in_dim3A_1247 : i32 to vector<16xi32>
        %gather3A_1249 = tpu.vector_load_idx %arg9[%broadcast_in_dim3A_1248] : memref<24xi32, #tpu.memory_space<vmem>>[vector<16xi32>], vector<16xi32>,
        %ge3A_1250 = arith.cmpi sge, %add3A_1244, %gather3A_1249 : vector<16xi32>
        %convert_element_type3A_1251 = arith.extui %ge3A_1250 : vector<16xi1> to vector<16xi32>
        %add3A_1252 = arith.addi %broadcast_in_dim3A_1246, %convert_element_type3A_1251 : vector<16xi32>
        %broadcast_in_dim3A_1253 = arith.constant 2 : i32
        %broadcast_in_dim3A_1254 = vector.broadcast %broadcast_in_dim3A_1253 : i32 to vector<16xi32>
        %gather3A_1255 = tpu.vector_load_idx %arg9[%broadcast_in_dim3A_1254] : memref<24xi32, #tpu.memory_space<vmem>>[vector<16xi32>], vector<16xi32>,
        %ge3A_1256 = arith.cmpi sge, %add3A_1244, %gather3A_1255 : vector<16xi32>
        %convert_element_type3A_1257 = arith.extui %ge3A_1256 : vector<16xi1> to vector<16xi32>
        %add3A_1258 = arith.addi %add3A_1252, %convert_element_type3A_1257 : vector<16xi32>
        %broadcast_in_dim3A_1259 = arith.constant 3 : i32
        %broadcast_in_dim3A_1260 = vector.broadcast %broadcast_in_dim3A_1259 : i32 to vector<16xi32>
        %gather3A_1261 = tpu.vector_load_idx %arg9[%broadcast_in_dim3A_1260] : memref<24xi32, #tpu.memory_space<vmem>>[vector<16xi32>], vector<16xi32>,
        %ge3A_1262 = arith.cmpi sge, %add3A_1244, %gather3A_1261 : vector<16xi32>
        %convert_element_type3A_1263 = arith.extui %ge3A_1262 : vector<16xi1> to vector<16xi32>
        %add3A_1264 = arith.addi %add3A_1258, %convert_element_type3A_1263 : vector<16xi32>
        %broadcast_in_dim3A_1265 = arith.constant 4 : i32
        %broadcast_in_dim3A_1266 = vector.broadcast %broadcast_in_dim3A_1265 : i32 to vector<16xi32>
        %gather3A_1267 = tpu.vector_load_idx %arg9[%broadcast_in_dim3A_1266] : memref<24xi32, #tpu.memory_space<vmem>>[vector<16xi32>], vector<16xi32>,
        %ge3A_1268 = arith.cmpi sge, %add3A_1244, %gather3A_1267 : vector<16xi32>
        %convert_element_type3A_1269 = arith.extui %ge3A_1268 : vector<16xi1> to vector<16xi32>
        %add3A_1270 = arith.addi %add3A_1264, %convert_element_type3A_1269 : vector<16xi32>
        %broadcast_in_dim3A_1271 = arith.constant 5 : i32
        %broadcast_in_dim3A_1272 = vector.broadcast %broadcast_in_dim3A_1271 : i32 to vector<16xi32>
        %gather3A_1273 = tpu.vector_load_idx %arg9[%broadcast_in_dim3A_1272] : memref<24xi32, #tpu.memory_space<vmem>>[vector<16xi32>], vector<16xi32>,
        %ge3A_1274 = arith.cmpi sge, %add3A_1244, %gather3A_1273 : vector<16xi32>
        %convert_element_type3A_1275 = arith.extui %ge3A_1274 : vector<16xi1> to vector<16xi32>
        %add3A_1276 = arith.addi %add3A_1270, %convert_element_type3A_1275 : vector<16xi32>
        %broadcast_in_dim3A_1277 = arith.constant 6 : i32
        %broadcast_in_dim3A_1278 = vector.broadcast %broadcast_in_dim3A_1277 : i32 to vector<16xi32>
        %gather3A_1279 = tpu.vector_load_idx %arg9[%broadcast_in_dim3A_1278] : memref<24xi32, #tpu.memory_space<vmem>>[vector<16xi32>], vector<16xi32>,
        %ge3A_1280 = arith.cmpi sge, %add3A_1244, %gather3A_1279 : vector<16xi32>
        %convert_element_type3A_1281 = arith.extui %ge3A_1280 : vector<16xi1> to vector<16xi32>
        %add3A_1282 = arith.addi %add3A_1276, %convert_element_type3A_1281 : vector<16xi32>
        %broadcast_in_dim3A_1283 = arith.constant 7 : i32
        %broadcast_in_dim3A_1284 = vector.broadcast %broadcast_in_dim3A_1283 : i32 to vector<16xi32>
        %gather3A_1285 = tpu.vector_load_idx %arg9[%broadcast_in_dim3A_1284] : memref<24xi32, #tpu.memory_space<vmem>>[vector<16xi32>], vector<16xi32>,
        %ge3A_1286 = arith.cmpi sge, %add3A_1244, %gather3A_1285 : vector<16xi32>
        %convert_element_type3A_1287 = arith.extui %ge3A_1286 : vector<16xi1> to vector<16xi32>
        %add3A_1288 = arith.addi %add3A_1282, %convert_element_type3A_1287 : vector<16xi32>
        %broadcast_in_dim3A_1289 = arith.constant 8 : i32
        %broadcast_in_dim3A_1290 = vector.broadcast %broadcast_in_dim3A_1289 : i32 to vector<16xi32>
        %gather3A_1291 = tpu.vector_load_idx %arg9[%broadcast_in_dim3A_1290] : memref<24xi32, #tpu.memory_space<vmem>>[vector<16xi32>], vector<16xi32>,
        %ge3A_1292 = arith.cmpi sge, %add3A_1244, %gather3A_1291 : vector<16xi32>
        %convert_element_type3A_1293 = arith.extui %ge3A_1292 : vector<16xi1> to vector<16xi32>
        %add3A_1294 = arith.addi %add3A_1288, %convert_element_type3A_1293 : vector<16xi32>
        %broadcast_in_dim3A_1295 = arith.constant 9 : i32
        %broadcast_in_dim3A_1296 = vector.broadcast %broadcast_in_dim3A_1295 : i32 to vector<16xi32>
        %gather3A_1297 = tpu.vector_load_idx %arg9[%broadcast_in_dim3A_1296] : memref<24xi32, #tpu.memory_space<vmem>>[vector<16xi32>], vector<16xi32>,
        %ge3A_1298 = arith.cmpi sge, %add3A_1244, %gather3A_1297 : vector<16xi32>
        %convert_element_type3A_1299 = arith.extui %ge3A_1298 : vector<16xi1> to vector<16xi32>
        %add3A_1300 = arith.addi %add3A_1294, %convert_element_type3A_1299 : vector<16xi32>
        %broadcast_in_dim3A_1301 = arith.constant 10 : i32
        %broadcast_in_dim3A_1302 = vector.broadcast %broadcast_in_dim3A_1301 : i32 to vector<16xi32>
        %gather3A_1303 = tpu.vector_load_idx %arg9[%broadcast_in_dim3A_1302] : memref<24xi32, #tpu.memory_space<vmem>>[vector<16xi32>], vector<16xi32>,
        %ge3A_1304 = arith.cmpi sge, %add3A_1244, %gather3A_1303 : vector<16xi32>
        %convert_element_type3A_1305 = arith.extui %ge3A_1304 : vector<16xi1> to vector<16xi32>
        %add3A_1306 = arith.addi %add3A_1300, %convert_element_type3A_1305 : vector<16xi32>
        %broadcast_in_dim3A_1307 = arith.constant 11 : i32
        %broadcast_in_dim3A_1308 = vector.broadcast %broadcast_in_dim3A_1307 : i32 to vector<16xi32>
        %gather3A_1309 = tpu.vector_load_idx %arg9[%broadcast_in_dim3A_1308] : memref<24xi32, #tpu.memory_space<vmem>>[vector<16xi32>], vector<16xi32>,
        %ge3A_1310 = arith.cmpi sge, %add3A_1244, %gather3A_1309 : vector<16xi32>
        %convert_element_type3A_1311 = arith.extui %ge3A_1310 : vector<16xi1> to vector<16xi32>
        %add3A_1312 = arith.addi %add3A_1306, %convert_element_type3A_1311 : vector<16xi32>
        %broadcast_in_dim3A_1313 = arith.constant 12 : i32
        %broadcast_in_dim3A_1314 = vector.broadcast %broadcast_in_dim3A_1313 : i32 to vector<16xi32>
        %gather3A_1315 = tpu.vector_load_idx %arg9[%broadcast_in_dim3A_1314] : memref<24xi32, #tpu.memory_space<vmem>>[vector<16xi32>], vector<16xi32>,
        %ge3A_1316 = arith.cmpi sge, %add3A_1244, %gather3A_1315 : vector<16xi32>
        %convert_element_type3A_1317 = arith.extui %ge3A_1316 : vector<16xi1> to vector<16xi32>
        %add3A_1318 = arith.addi %add3A_1312, %convert_element_type3A_1317 : vector<16xi32>
        %broadcast_in_dim3A_1319 = arith.constant 13 : i32
        %broadcast_in_dim3A_1320 = vector.broadcast %broadcast_in_dim3A_1319 : i32 to vector<16xi32>
        %gather3A_1321 = tpu.vector_load_idx %arg9[%broadcast_in_dim3A_1320] : memref<24xi32, #tpu.memory_space<vmem>>[vector<16xi32>], vector<16xi32>,
        %ge3A_1322 = arith.cmpi sge, %add3A_1244, %gather3A_1321 : vector<16xi32>
        %convert_element_type3A_1323 = arith.extui %ge3A_1322 : vector<16xi1> to vector<16xi32>
        %add3A_1324 = arith.addi %add3A_1318, %convert_element_type3A_1323 : vector<16xi32>
        %broadcast_in_dim3A_1325 = arith.constant 14 : i32
        %broadcast_in_dim3A_1326 = vector.broadcast %broadcast_in_dim3A_1325 : i32 to vector<16xi32>
        %gather3A_1327 = tpu.vector_load_idx %arg9[%broadcast_in_dim3A_1326] : memref<24xi32, #tpu.memory_space<vmem>>[vector<16xi32>], vector<16xi32>,
        %ge3A_1328 = arith.cmpi sge, %add3A_1244, %gather3A_1327 : vector<16xi32>
        %convert_element_type3A_1329 = arith.extui %ge3A_1328 : vector<16xi1> to vector<16xi32>
        %add3A_1330 = arith.addi %add3A_1324, %convert_element_type3A_1329 : vector<16xi32>
        %broadcast_in_dim3A_1331 = arith.constant 15 : i32
        %broadcast_in_dim3A_1332 = vector.broadcast %broadcast_in_dim3A_1331 : i32 to vector<16xi32>
        %gather3A_1333 = tpu.vector_load_idx %arg9[%broadcast_in_dim3A_1332] : memref<24xi32, #tpu.memory_space<vmem>>[vector<16xi32>], vector<16xi32>,
        %ge3A_1334 = arith.cmpi sge, %add3A_1244, %gather3A_1333 : vector<16xi32>
        %convert_element_type3A_1335 = arith.extui %ge3A_1334 : vector<16xi1> to vector<16xi32>
        %add3A_1336 = arith.addi %add3A_1330, %convert_element_type3A_1335 : vector<16xi32>
        %broadcast_in_dim3A_1337 = arith.constant 16 : i32
        %broadcast_in_dim3A_1338 = vector.broadcast %broadcast_in_dim3A_1337 : i32 to vector<16xi32>
        %gather3A_1339 = tpu.vector_load_idx %arg9[%broadcast_in_dim3A_1338] : memref<24xi32, #tpu.memory_space<vmem>>[vector<16xi32>], vector<16xi32>,
        %ge3A_1340 = arith.cmpi sge, %add3A_1244, %gather3A_1339 : vector<16xi32>
        %convert_element_type3A_1341 = arith.extui %ge3A_1340 : vector<16xi1> to vector<16xi32>
        %add3A_1342 = arith.addi %add3A_1336, %convert_element_type3A_1341 : vector<16xi32>
        %jit3A_1343 = arith.constant 0 : i32
        %jit3A_1344 = arith.constant 15 : i32
        %max3A_1345 = vector.broadcast %jit3A_1343 : i32 to vector<16xi32>
        %max3A_1346 = arith.maxsi %max3A_1345, %add3A_1342 : vector<16xi32>
        %min3A_1347 = vector.broadcast %jit3A_1344 : i32 to vector<16xi32>
        %min3A_1348 = arith.minsi %min3A_1347, %max3A_1346 : vector<16xi32>
        %gather3A_1349 = tpu.vector_load_idx %arg10[%min3A_1348] : memref<16xi32, #tpu.memory_space<vmem>>[vector<16xi32>], vector<16xi32>,
        %mul3A_1350 = arith.constant 3746 : i32
        %mul3A_1351 = vector.broadcast %mul3A_1350 : i32 to vector<16xi32>
        %mul3A_1352 = arith.muli %gather3A_1349, %mul3A_1351 : vector<16xi32>
        %mul3A_1353 = arith.constant 16 : i32
        %mul3A_1354 = arith.muli %add3A_1239, %mul3A_1353 : i32
        %get3A_1355 = arith.index_cast %mul3A_1354 : i32 to index
        %get3A_1356 = tpu.vector_load %arg7[%get3A_1355] {strides = array<i32>} : memref<1024xi32, #tpu.memory_space<vmem>>, vector<16xi32>,
        %jit3A_1357 = arith.constant -100000 : i32
        %jit3A_1358 = arith.constant 99999 : i32
        %max3A_1359 = vector.broadcast %jit3A_1357 : i32 to vector<16xi32>
        %max3A_1360 = arith.maxsi %max3A_1359, %get3A_1356 : vector<16xi32>
        %min3A_1361 = vector.broadcast %jit3A_1358 : i32 to vector<16xi32>
        %min3A_1362 = arith.minsi %min3A_1361, %max3A_1360 : vector<16xi32>
        %add3A_1363 = arith.constant 100000 : i32
        %add3A_1364 = vector.broadcast %add3A_1363 : i32 to vector<16xi32>
        %add3A_1365 = arith.addi %min3A_1362, %add3A_1364 : vector<16xi32>
        %div3A_1366 = arith.constant 100 : i32
        %div3A_1367 = vector.broadcast %div3A_1366 : i32 to vector<16xi32>
        %div3A_1368 = arith.divsi %add3A_1365, %div3A_1367 : vector<16xi32>
        %add3A_1369 = arith.constant 0 : i32
        %add3A_1370 = vector.broadcast %add3A_1369 : i32 to vector<16xi32>
        %add3A_1371 = arith.addi %div3A_1368, %add3A_1370 : vector<16xi32>
        %jit3A_1372 = arith.constant 0 : i32
        %jit3A_1373 = arith.constant 3745 : i32
        %max3A_1374 = vector.broadcast %jit3A_1372 : i32 to vector<16xi32>
        %max3A_1375 = arith.maxsi %max3A_1374, %add3A_1371 : vector<16xi32>
        %min3A_1376 = vector.broadcast %jit3A_1373 : i32 to vector<16xi32>
        %min3A_1377 = arith.minsi %min3A_1376, %max3A_1375 : vector<16xi32>
        %add3A_1378 = arith.constant 1 : i32
        %add3A_1379 = vector.broadcast %add3A_1378 : i32 to vector<16xi32>
        %add3A_1380 = arith.addi %min3A_1377, %add3A_1379 : vector<16xi32>
        %min3A_1381 = arith.constant 3745 : i32
        %min3A_1382 = vector.broadcast %min3A_1381 : i32 to vector<16xi32>
        %min3A_1383 = arith.minsi %add3A_1380, %min3A_1382 : vector<16xi32>
        %add3A_1384 = arith.addi %mul3A_1352, %min3A_1377 : vector<16xi32>
        %swap3A_1385 = arith.constant 0 : index
        %swap3A_1386 = tpu.vector_load %arg11[%swap3A_1385] {strides = array<i32>} : memref<384xi32, #tpu.memory_space<vmem>>, vector<16xi32>,
        tpu.vector_store %arg11[%swap3A_1385], %add3A_1384 {strides = array<i32>} : memref<384xi32, #tpu.memory_space<vmem>>, vector<16xi32>,
        %add3A_1387 = arith.addi %mul3A_1352, %min3A_1383 : vector<16xi32>
        %swap3A_1388 = arith.constant 16 : index
        %swap3A_1389 = tpu.vector_load %arg11[%swap3A_1388] {strides = array<i32>} : memref<384xi32, #tpu.memory_space<vmem>>, vector<16xi32>,
        tpu.vector_store %arg11[%swap3A_1388], %add3A_1387 {strides = array<i32>} : memref<384xi32, #tpu.memory_space<vmem>>, vector<16xi32>,
        %mul3A_1390 = arith.constant 100 : i32
        %mul3A_1391 = vector.broadcast %mul3A_1390 : i32 to vector<16xi32>
        %mul3A_1392 = arith.muli %div3A_1368, %mul3A_1391 : vector<16xi32>
        %sub3A_1393 = arith.subi %add3A_1365, %mul3A_1392 : vector<16xi32>
        %convert_element_type3A_1394 = arith.sitofp %sub3A_1393 : vector<16xi32> to vector<16xf32>
        %mul3A_1395 = arith.constant 0.00999999977 : f32
        %mul3A_1396 = vector.broadcast %mul3A_1395 : f32 to vector<16xf32>
        %mul3A_1397 = arith.mulf %convert_element_type3A_1394, %mul3A_1396 : vector<16xf32>
        %swap3A_1398 = arith.constant 0 : index
        %swap3A_1399 = tpu.vector_load %arg13[%swap3A_1398] {strides = array<i32>} : memref<256xf32, #tpu.memory_space<vmem>>, vector<16xf32>,
        tpu.vector_store %arg13[%swap3A_1398], %mul3A_1397 {strides = array<i32>} : memref<256xf32, #tpu.memory_space<vmem>>, vector<16xf32>,
        %div3A_1400 = arith.constant 200 : i32
        %div3A_1401 = vector.broadcast %div3A_1400 : i32 to vector<16xi32>
        %div3A_1402 = arith.divsi %add3A_1365, %div3A_1401 : vector<16xi32>
        %add3A_1403 = arith.constant 2001 : i32
        %add3A_1404 = vector.broadcast %add3A_1403 : i32 to vector<16xi32>
        %add3A_1405 = arith.addi %div3A_1402, %add3A_1404 : vector<16xi32>
        %jit3A_1406 = arith.constant 0 : i32
        %jit3A_1407 = arith.constant 3745 : i32
        %max3A_1408 = vector.broadcast %jit3A_1406 : i32 to vector<16xi32>
        %max3A_1409 = arith.maxsi %max3A_1408, %add3A_1405 : vector<16xi32>
        %min3A_1410 = vector.broadcast %jit3A_1407 : i32 to vector<16xi32>
        %min3A_1411 = arith.minsi %min3A_1410, %max3A_1409 : vector<16xi32>
        %add3A_1412 = arith.constant 1 : i32
        %add3A_1413 = vector.broadcast %add3A_1412 : i32 to vector<16xi32>
        %add3A_1414 = arith.addi %min3A_1411, %add3A_1413 : vector<16xi32>
        %min3A_1415 = arith.constant 3745 : i32
        %min3A_1416 = vector.broadcast %min3A_1415 : i32 to vector<16xi32>
        %min3A_1417 = arith.minsi %add3A_1414, %min3A_1416 : vector<16xi32>
        %add3A_1418 = arith.addi %mul3A_1352, %min3A_1411 : vector<16xi32>
        %swap3A_1419 = arith.constant 64 : index
        %swap3A_1420 = tpu.vector_load %arg11[%swap3A_1419] {strides = array<i32>} : memref<384xi32, #tpu.memory_space<vmem>>, vector<16xi32>,
        tpu.vector_store %arg11[%swap3A_1419], %add3A_1418 {strides = array<i32>} : memref<384xi32, #tpu.memory_space<vmem>>, vector<16xi32>,
        %add3A_1421 = arith.addi %mul3A_1352, %min3A_1417 : vector<16xi32>
        %swap3A_1422 = arith.constant 80 : index
        %swap3A_1423 = tpu.vector_load %arg11[%swap3A_1422] {strides = array<i32>} : memref<384xi32, #tpu.memory_space<vmem>>, vector<16xi32>,
        tpu.vector_store %arg11[%swap3A_1422], %add3A_1421 {strides = array<i32>} : memref<384xi32, #tpu.memory_space<vmem>>, vector<16xi32>,
        %mul3A_1424 = arith.constant 200 : i32
        %mul3A_1425 = vector.broadcast %mul3A_1424 : i32 to vector<16xi32>
        %mul3A_1426 = arith.muli %div3A_1402, %mul3A_1425 : vector<16xi32>
        %sub3A_1427 = arith.subi %add3A_1365, %mul3A_1426 : vector<16xi32>
        %convert_element_type3A_1428 = arith.sitofp %sub3A_1427 : vector<16xi32> to vector<16xf32>
        %mul3A_1429 = arith.constant 5.000000e-03 : f32
        %mul3A_1430 = vector.broadcast %mul3A_1429 : f32 to vector<16xf32>
        %mul3A_1431 = arith.mulf %convert_element_type3A_1428, %mul3A_1430 : vector<16xf32>
        %swap3A_1432 = arith.constant 32 : index
        %swap3A_1433 = tpu.vector_load %arg13[%swap3A_1432] {strides = array<i32>} : memref<256xf32, #tpu.memory_space<vmem>>, vector<16xf32>,
        tpu.vector_store %arg13[%swap3A_1432], %mul3A_1431 {strides = array<i32>} : memref<256xf32, #tpu.memory_space<vmem>>, vector<16xf32>,
        %div3A_1434 = arith.constant 500 : i32
        %div3A_1435 = vector.broadcast %div3A_1434 : i32 to vector<16xi32>
        %div3A_1436 = arith.divsi %add3A_1365, %div3A_1435 : vector<16xi32>
        %add3A_1437 = arith.constant 3002 : i32
        %add3A_1438 = vector.broadcast %add3A_1437 : i32 to vector<16xi32>
        %add3A_1439 = arith.addi %div3A_1436, %add3A_1438 : vector<16xi32>
        %jit3A_1440 = arith.constant 0 : i32
        %jit3A_1441 = arith.constant 3745 : i32
        %max3A_1442 = vector.broadcast %jit3A_1440 : i32 to vector<16xi32>
        %max3A_1443 = arith.maxsi %max3A_1442, %add3A_1439 : vector<16xi32>
        %min3A_1444 = vector.broadcast %jit3A_1441 : i32 to vector<16xi32>
        %min3A_1445 = arith.minsi %min3A_1444, %max3A_1443 : vector<16xi32>
        %add3A_1446 = arith.constant 1 : i32
        %add3A_1447 = vector.broadcast %add3A_1446 : i32 to vector<16xi32>
        %add3A_1448 = arith.addi %min3A_1445, %add3A_1447 : vector<16xi32>
        %min3A_1449 = arith.constant 3745 : i32
        %min3A_1450 = vector.broadcast %min3A_1449 : i32 to vector<16xi32>
        %min3A_1451 = arith.minsi %add3A_1448, %min3A_1450 : vector<16xi32>
        %add3A_1452 = arith.addi %mul3A_1352, %min3A_1445 : vector<16xi32>
        %swap3A_1453 = arith.constant 128 : index
        %swap3A_1454 = tpu.vector_load %arg11[%swap3A_1453] {strides = array<i32>} : memref<384xi32, #tpu.memory_space<vmem>>, vector<16xi32>,
        tpu.vector_store %arg11[%swap3A_1453], %add3A_1452 {strides = array<i32>} : memref<384xi32, #tpu.memory_space<vmem>>, vector<16xi32>,
        %add3A_1455 = arith.addi %mul3A_1352, %min3A_1451 : vector<16xi32>
        %swap3A_1456 = arith.constant 144 : index
        %swap3A_1457 = tpu.vector_load %arg11[%swap3A_1456] {strides = array<i32>} : memref<384xi32, #tpu.memory_space<vmem>>, vector<16xi32>,
        tpu.vector_store %arg11[%swap3A_1456], %add3A_1455 {strides = array<i32>} : memref<384xi32, #tpu.memory_space<vmem>>, vector<16xi32>,
        %mul3A_1458 = arith.constant 500 : i32
        %mul3A_1459 = vector.broadcast %mul3A_1458 : i32 to vector<16xi32>
        %mul3A_1460 = arith.muli %div3A_1436, %mul3A_1459 : vector<16xi32>
        %sub3A_1461 = arith.subi %add3A_1365, %mul3A_1460 : vector<16xi32>
        %convert_element_type3A_1462 = arith.sitofp %sub3A_1461 : vector<16xi32> to vector<16xf32>
        %mul3A_1463 = arith.constant 2.000000e-03 : f32
        %mul3A_1464 = vector.broadcast %mul3A_1463 : f32 to vector<16xf32>
        %mul3A_1465 = arith.mulf %convert_element_type3A_1462, %mul3A_1464 : vector<16xf32>
        %swap3A_1466 = arith.constant 64 : index
        %swap3A_1467 = tpu.vector_load %arg13[%swap3A_1466] {strides = array<i32>} : memref<256xf32, #tpu.memory_space<vmem>>, vector<16xf32>,
        tpu.vector_store %arg13[%swap3A_1466], %mul3A_1465 {strides = array<i32>} : memref<256xf32, #tpu.memory_space<vmem>>, vector<16xf32>,
        %div3A_1468 = arith.constant 1000 : i32
        %div3A_1469 = vector.broadcast %div3A_1468 : i32 to vector<16xi32>
        %div3A_1470 = arith.divsi %add3A_1365, %div3A_1469 : vector<16xi32>
        %add3A_1471 = arith.constant 3403 : i32
        %add3A_1472 = vector.broadcast %add3A_1471 : i32 to vector<16xi32>
        %add3A_1473 = arith.addi %div3A_1470, %add3A_1472 : vector<16xi32>
        %jit3A_1474 = arith.constant 0 : i32
        %jit3A_1475 = arith.constant 3745 : i32
        %max3A_1476 = vector.broadcast %jit3A_1474 : i32 to vector<16xi32>
        %max3A_1477 = arith.maxsi %max3A_1476, %add3A_1473 : vector<16xi32>
        %min3A_1478 = vector.broadcast %jit3A_1475 : i32 to vector<16xi32>
        %min3A_1479 = arith.minsi %min3A_1478, %max3A_1477 : vector<16xi32>
        %add3A_1480 = arith.constant 1 : i32
        %add3A_1481 = vector.broadcast %add3A_1480 : i32 to vector<16xi32>
        %add3A_1482 = arith.addi %min3A_1479, %add3A_1481 : vector<16xi32>
        %min3A_1483 = arith.constant 3745 : i32
        %min3A_1484 = vector.broadcast %min3A_1483 : i32 to vector<16xi32>
        %min3A_1485 = arith.minsi %add3A_1482, %min3A_1484 : vector<16xi32>
        %add3A_1486 = arith.addi %mul3A_1352, %min3A_1479 : vector<16xi32>
        %swap3A_1487 = arith.constant 192 : index
        %swap3A_1488 = tpu.vector_load %arg11[%swap3A_1487] {strides = array<i32>} : memref<384xi32, #tpu.memory_space<vmem>>, vector<16xi32>,
        tpu.vector_store %arg11[%swap3A_1487], %add3A_1486 {strides = array<i32>} : memref<384xi32, #tpu.memory_space<vmem>>, vector<16xi32>,
        %add3A_1489 = arith.addi %mul3A_1352, %min3A_1485 : vector<16xi32>
        %swap3A_1490 = arith.constant 208 : index
        %swap3A_1491 = tpu.vector_load %arg11[%swap3A_1490] {strides = array<i32>} : memref<384xi32, #tpu.memory_space<vmem>>, vector<16xi32>,
        tpu.vector_store %arg11[%swap3A_1490], %add3A_1489 {strides = array<i32>} : memref<384xi32, #tpu.memory_space<vmem>>, vector<16xi32>,
        %mul3A_1492 = arith.constant 1000 : i32
        %mul3A_1493 = vector.broadcast %mul3A_1492 : i32 to vector<16xi32>
        %mul3A_1494 = arith.muli %div3A_1470, %mul3A_1493 : vector<16xi32>
        %sub3A_1495 = arith.subi %add3A_1365, %mul3A_1494 : vector<16xi32>
        %convert_element_type3A_1496 = arith.sitofp %sub3A_1495 : vector<16xi32> to vector<16xf32>
        %mul3A_1497 = arith.constant 1.000000e-03 : f32
        %mul3A_1498 = vector.broadcast %mul3A_1497 : f32 to vector<16xf32>
        %mul3A_1499 = arith.mulf %convert_element_type3A_1496, %mul3A_1498 : vector<16xf32>
        %swap3A_1500 = arith.constant 96 : index
        %swap3A_1501 = tpu.vector_load %arg13[%swap3A_1500] {strides = array<i32>} : memref<256xf32, #tpu.memory_space<vmem>>, vector<16xf32>,
        tpu.vector_store %arg13[%swap3A_1500], %mul3A_1499 {strides = array<i32>} : memref<256xf32, #tpu.memory_space<vmem>>, vector<16xf32>,
        %div3A_1502 = arith.constant 2000 : i32
        %div3A_1503 = vector.broadcast %div3A_1502 : i32 to vector<16xi32>
        %div3A_1504 = arith.divsi %add3A_1365, %div3A_1503 : vector<16xi32>
        %add3A_1505 = arith.constant 3604 : i32
        %add3A_1506 = vector.broadcast %add3A_1505 : i32 to vector<16xi32>
        %add3A_1507 = arith.addi %div3A_1504, %add3A_1506 : vector<16xi32>
        %jit3A_1508 = arith.constant 0 : i32
        %jit3A_1509 = arith.constant 3745 : i32
        %max3A_1510 = vector.broadcast %jit3A_1508 : i32 to vector<16xi32>
        %max3A_1511 = arith.maxsi %max3A_1510, %add3A_1507 : vector<16xi32>
        %min3A_1512 = vector.broadcast %jit3A_1509 : i32 to vector<16xi32>
        %min3A_1513 = arith.minsi %min3A_1512, %max3A_1511 : vector<16xi32>
        %add3A_1514 = arith.constant 1 : i32
        %add3A_1515 = vector.broadcast %add3A_1514 : i32 to vector<16xi32>
        %add3A_1516 = arith.addi %min3A_1513, %add3A_1515 : vector<16xi32>
        %min3A_1517 = arith.constant 3745 : i32
        %min3A_1518 = vector.broadcast %min3A_1517 : i32 to vector<16xi32>
        %min3A_1519 = arith.minsi %add3A_1516, %min3A_1518 : vector<16xi32>
        %add3A_1520 = arith.addi %mul3A_1352, %min3A_1513 : vector<16xi32>
        %swap3A_1521 = arith.constant 256 : index
        %swap3A_1522 = tpu.vector_load %arg11[%swap3A_1521] {strides = array<i32>} : memref<384xi32, #tpu.memory_space<vmem>>, vector<16xi32>,
        tpu.vector_store %arg11[%swap3A_1521], %add3A_1520 {strides = array<i32>} : memref<384xi32, #tpu.memory_space<vmem>>, vector<16xi32>,
        %add3A_1523 = arith.addi %mul3A_1352, %min3A_1519 : vector<16xi32>
        %swap3A_1524 = arith.constant 272 : index
        %swap3A_1525 = tpu.vector_load %arg11[%swap3A_1524] {strides = array<i32>} : memref<384xi32, #tpu.memory_space<vmem>>, vector<16xi32>,
        tpu.vector_store %arg11[%swap3A_1524], %add3A_1523 {strides = array<i32>} : memref<384xi32, #tpu.memory_space<vmem>>, vector<16xi32>,
        %mul3A_1526 = arith.constant 2000 : i32
        %mul3A_1527 = vector.broadcast %mul3A_1526 : i32 to vector<16xi32>
        %mul3A_1528 = arith.muli %div3A_1504, %mul3A_1527 : vector<16xi32>
        %sub3A_1529 = arith.subi %add3A_1365, %mul3A_1528 : vector<16xi32>
        %convert_element_type3A_1530 = arith.sitofp %sub3A_1529 : vector<16xi32> to vector<16xf32>
        %mul3A_1531 = arith.constant 5.000000e-04 : f32
        %mul3A_1532 = vector.broadcast %mul3A_1531 : f32 to vector<16xf32>
        %mul3A_1533 = arith.mulf %convert_element_type3A_1530, %mul3A_1532 : vector<16xf32>
        %swap3A_1534 = arith.constant 128 : index
        %swap3A_1535 = tpu.vector_load %arg13[%swap3A_1534] {strides = array<i32>} : memref<256xf32, #tpu.memory_space<vmem>>, vector<16xf32>,
        tpu.vector_store %arg13[%swap3A_1534], %mul3A_1533 {strides = array<i32>} : memref<256xf32, #tpu.memory_space<vmem>>, vector<16xf32>,
        %div3A_1536 = arith.constant 5000 : i32
        %div3A_1537 = vector.broadcast %div3A_1536 : i32 to vector<16xi32>
        %div3A_1538 = arith.divsi %add3A_1365, %div3A_1537 : vector<16xi32>
        %add3A_1539 = arith.constant 3705 : i32
        %add3A_1540 = vector.broadcast %add3A_1539 : i32 to vector<16xi32>
        %add3A_1541 = arith.addi %div3A_1538, %add3A_1540 : vector<16xi32>
        %jit3A_1542 = arith.constant 0 : i32
        %jit3A_1543 = arith.constant 3745 : i32
        %max3A_1544 = vector.broadcast %jit3A_1542 : i32 to vector<16xi32>
        %max3A_1545 = arith.maxsi %max3A_1544, %add3A_1541 : vector<16xi32>
        %min3A_1546 = vector.broadcast %jit3A_1543 : i32 to vector<16xi32>
        %min3A_1547 = arith.minsi %min3A_1546, %max3A_1545 : vector<16xi32>
        %add3A_1548 = arith.constant 1 : i32
        %add3A_1549 = vector.broadcast %add3A_1548 : i32 to vector<16xi32>
        %add3A_1550 = arith.addi %min3A_1547, %add3A_1549 : vector<16xi32>
        %min3A_1551 = arith.constant 3745 : i32
        %min3A_1552 = vector.broadcast %min3A_1551 : i32 to vector<16xi32>
        %min3A_1553 = arith.minsi %add3A_1550, %min3A_1552 : vector<16xi32>
        %add3A_1554 = arith.addi %mul3A_1352, %min3A_1547 : vector<16xi32>
        %swap3A_1555 = arith.constant 320 : index
        %swap3A_1556 = tpu.vector_load %arg11[%swap3A_1555] {strides = array<i32>} : memref<384xi32, #tpu.memory_space<vmem>>, vector<16xi32>,
        tpu.vector_store %arg11[%swap3A_1555], %add3A_1554 {strides = array<i32>} : memref<384xi32, #tpu.memory_space<vmem>>, vector<16xi32>,
        %add3A_1557 = arith.addi %mul3A_1352, %min3A_1553 : vector<16xi32>
        %swap3A_1558 = arith.constant 336 : index
        %swap3A_1559 = tpu.vector_load %arg11[%swap3A_1558] {strides = array<i32>} : memref<384xi32, #tpu.memory_space<vmem>>, vector<16xi32>,
        tpu.vector_store %arg11[%swap3A_1558], %add3A_1557 {strides = array<i32>} : memref<384xi32, #tpu.memory_space<vmem>>, vector<16xi32>,
        %mul3A_1560 = arith.constant 5000 : i32
        %mul3A_1561 = vector.broadcast %mul3A_1560 : i32 to vector<16xi32>
        %mul3A_1562 = arith.muli %div3A_1538, %mul3A_1561 : vector<16xi32>
        %sub3A_1563 = arith.subi %add3A_1365, %mul3A_1562 : vector<16xi32>
        %convert_element_type3A_1564 = arith.sitofp %sub3A_1563 : vector<16xi32> to vector<16xf32>
        %mul3A_1565 = arith.constant 2.000000e-04 : f32
        %mul3A_1566 = vector.broadcast %mul3A_1565 : f32 to vector<16xf32>
        %mul3A_1567 = arith.mulf %convert_element_type3A_1564, %mul3A_1566 : vector<16xf32>
        %swap3A_1568 = arith.constant 160 : index
        %swap3A_1569 = tpu.vector_load %arg13[%swap3A_1568] {strides = array<i32>} : memref<256xf32, #tpu.memory_space<vmem>>, vector<16xf32>,
        tpu.vector_store %arg13[%swap3A_1568], %mul3A_1567 {strides = array<i32>} : memref<256xf32, #tpu.memory_space<vmem>>, vector<16xf32>,
        %mul3A_1570 = arith.constant 16 : i32
        %mul3A_1571 = arith.muli %add3A_1239, %mul3A_1570 : i32
        %get3A_1572 = arith.index_cast %mul3A_1571 : i32 to index
        %get3A_1573 = tpu.vector_load %arg8[%get3A_1572] {strides = array<i32>} : memref<1024xi32, #tpu.memory_space<vmem>>, vector<16xi32>,
        %jit3A_1574 = arith.constant -100000 : i32
        %jit3A_1575 = arith.constant 99999 : i32
        %max3A_1576 = vector.broadcast %jit3A_1574 : i32 to vector<16xi32>
        %max3A_1577 = arith.maxsi %max3A_1576, %get3A_1573 : vector<16xi32>
        %min3A_1578 = vector.broadcast %jit3A_1575 : i32 to vector<16xi32>
        %min3A_1579 = arith.minsi %min3A_1578, %max3A_1577 : vector<16xi32>
        %add3A_1580 = arith.constant 100000 : i32
        %add3A_1581 = vector.broadcast %add3A_1580 : i32 to vector<16xi32>
        %add3A_1582 = arith.addi %min3A_1579, %add3A_1581 : vector<16xi32>
        %div3A_1583 = arith.constant 100 : i32
        %div3A_1584 = vector.broadcast %div3A_1583 : i32 to vector<16xi32>
        %div3A_1585 = arith.divsi %add3A_1582, %div3A_1584 : vector<16xi32>
        %add3A_1586 = arith.constant 0 : i32
        %add3A_1587 = vector.broadcast %add3A_1586 : i32 to vector<16xi32>
        %add3A_1588 = arith.addi %div3A_1585, %add3A_1587 : vector<16xi32>
        %jit3A_1589 = arith.constant 0 : i32
        %jit3A_1590 = arith.constant 3745 : i32
        %max3A_1591 = vector.broadcast %jit3A_1589 : i32 to vector<16xi32>
        %max3A_1592 = arith.maxsi %max3A_1591, %add3A_1588 : vector<16xi32>
        %min3A_1593 = vector.broadcast %jit3A_1590 : i32 to vector<16xi32>
        %min3A_1594 = arith.minsi %min3A_1593, %max3A_1592 : vector<16xi32>
        %add3A_1595 = arith.constant 1 : i32
        %add3A_1596 = vector.broadcast %add3A_1595 : i32 to vector<16xi32>
        %add3A_1597 = arith.addi %min3A_1594, %add3A_1596 : vector<16xi32>
        %min3A_1598 = arith.constant 3745 : i32
        %min3A_1599 = vector.broadcast %min3A_1598 : i32 to vector<16xi32>
        %min3A_1600 = arith.minsi %add3A_1597, %min3A_1599 : vector<16xi32>
        %add3A_1601 = arith.addi %mul3A_1352, %min3A_1594 : vector<16xi32>
        %swap3A_1602 = arith.constant 32 : index
        %swap3A_1603 = tpu.vector_load %arg11[%swap3A_1602] {strides = array<i32>} : memref<384xi32, #tpu.memory_space<vmem>>, vector<16xi32>,
        tpu.vector_store %arg11[%swap3A_1602], %add3A_1601 {strides = array<i32>} : memref<384xi32, #tpu.memory_space<vmem>>, vector<16xi32>,
        %add3A_1604 = arith.addi %mul3A_1352, %min3A_1600 : vector<16xi32>
        %swap3A_1605 = arith.constant 48 : index
        %swap3A_1606 = tpu.vector_load %arg11[%swap3A_1605] {strides = array<i32>} : memref<384xi32, #tpu.memory_space<vmem>>, vector<16xi32>,
        tpu.vector_store %arg11[%swap3A_1605], %add3A_1604 {strides = array<i32>} : memref<384xi32, #tpu.memory_space<vmem>>, vector<16xi32>,
        %mul3A_1607 = arith.constant 100 : i32
        %mul3A_1608 = vector.broadcast %mul3A_1607 : i32 to vector<16xi32>
        %mul3A_1609 = arith.muli %div3A_1585, %mul3A_1608 : vector<16xi32>
        %sub3A_1610 = arith.subi %add3A_1582, %mul3A_1609 : vector<16xi32>
        %convert_element_type3A_1611 = arith.sitofp %sub3A_1610 : vector<16xi32> to vector<16xf32>
        %mul3A_1612 = arith.constant 0.00999999977 : f32
        %mul3A_1613 = vector.broadcast %mul3A_1612 : f32 to vector<16xf32>
        %mul3A_1614 = arith.mulf %convert_element_type3A_1611, %mul3A_1613 : vector<16xf32>
        %swap3A_1615 = arith.constant 16 : index
        %swap3A_1616 = tpu.vector_load %arg13[%swap3A_1615] {strides = array<i32>} : memref<256xf32, #tpu.memory_space<vmem>>, vector<16xf32>,
        tpu.vector_store %arg13[%swap3A_1615], %mul3A_1614 {strides = array<i32>} : memref<256xf32, #tpu.memory_space<vmem>>, vector<16xf32>,
        %div3A_1617 = arith.constant 200 : i32
        %div3A_1618 = vector.broadcast %div3A_1617 : i32 to vector<16xi32>
        %div3A_1619 = arith.divsi %add3A_1582, %div3A_1618 : vector<16xi32>
        %add3A_1620 = arith.constant 2001 : i32
        %add3A_1621 = vector.broadcast %add3A_1620 : i32 to vector<16xi32>
        %add3A_1622 = arith.addi %div3A_1619, %add3A_1621 : vector<16xi32>
        %jit3A_1623 = arith.constant 0 : i32
        %jit3A_1624 = arith.constant 3745 : i32
        %max3A_1625 = vector.broadcast %jit3A_1623 : i32 to vector<16xi32>
        %max3A_1626 = arith.maxsi %max3A_1625, %add3A_1622 : vector<16xi32>
        %min3A_1627 = vector.broadcast %jit3A_1624 : i32 to vector<16xi32>
        %min3A_1628 = arith.minsi %min3A_1627, %max3A_1626 : vector<16xi32>
        %add3A_1629 = arith.constant 1 : i32
        %add3A_1630 = vector.broadcast %add3A_1629 : i32 to vector<16xi32>
        %add3A_1631 = arith.addi %min3A_1628, %add3A_1630 : vector<16xi32>
        %min3A_1632 = arith.constant 3745 : i32
        %min3A_1633 = vector.broadcast %min3A_1632 : i32 to vector<16xi32>
        %min3A_1634 = arith.minsi %add3A_1631, %min3A_1633 : vector<16xi32>
        %add3A_1635 = arith.addi %mul3A_1352, %min3A_1628 : vector<16xi32>
        %swap3A_1636 = arith.constant 96 : index
        %swap3A_1637 = tpu.vector_load %arg11[%swap3A_1636] {strides = array<i32>} : memref<384xi32, #tpu.memory_space<vmem>>, vector<16xi32>,
        tpu.vector_store %arg11[%swap3A_1636], %add3A_1635 {strides = array<i32>} : memref<384xi32, #tpu.memory_space<vmem>>, vector<16xi32>,
        %add3A_1638 = arith.addi %mul3A_1352, %min3A_1634 : vector<16xi32>
        %swap3A_1639 = arith.constant 112 : index
        %swap3A_1640 = tpu.vector_load %arg11[%swap3A_1639] {strides = array<i32>} : memref<384xi32, #tpu.memory_space<vmem>>, vector<16xi32>,
        tpu.vector_store %arg11[%swap3A_1639], %add3A_1638 {strides = array<i32>} : memref<384xi32, #tpu.memory_space<vmem>>, vector<16xi32>,
        %mul3A_1641 = arith.constant 200 : i32
        %mul3A_1642 = vector.broadcast %mul3A_1641 : i32 to vector<16xi32>
        %mul3A_1643 = arith.muli %div3A_1619, %mul3A_1642 : vector<16xi32>
        %sub3A_1644 = arith.subi %add3A_1582, %mul3A_1643 : vector<16xi32>
        %convert_element_type3A_1645 = arith.sitofp %sub3A_1644 : vector<16xi32> to vector<16xf32>
        %mul3A_1646 = arith.constant 5.000000e-03 : f32
        %mul3A_1647 = vector.broadcast %mul3A_1646 : f32 to vector<16xf32>
        %mul3A_1648 = arith.mulf %convert_element_type3A_1645, %mul3A_1647 : vector<16xf32>
        %swap3A_1649 = arith.constant 48 : index
        %swap3A_1650 = tpu.vector_load %arg13[%swap3A_1649] {strides = array<i32>} : memref<256xf32, #tpu.memory_space<vmem>>, vector<16xf32>,
        tpu.vector_store %arg13[%swap3A_1649], %mul3A_1648 {strides = array<i32>} : memref<256xf32, #tpu.memory_space<vmem>>, vector<16xf32>,
        %div3A_1651 = arith.constant 500 : i32
        %div3A_1652 = vector.broadcast %div3A_1651 : i32 to vector<16xi32>
        %div3A_1653 = arith.divsi %add3A_1582, %div3A_1652 : vector<16xi32>
        %add3A_1654 = arith.constant 3002 : i32
        %add3A_1655 = vector.broadcast %add3A_1654 : i32 to vector<16xi32>
        %add3A_1656 = arith.addi %div3A_1653, %add3A_1655 : vector<16xi32>
        %jit3A_1657 = arith.constant 0 : i32
        %jit3A_1658 = arith.constant 3745 : i32
        %max3A_1659 = vector.broadcast %jit3A_1657 : i32 to vector<16xi32>
        %max3A_1660 = arith.maxsi %max3A_1659, %add3A_1656 : vector<16xi32>
        %min3A_1661 = vector.broadcast %jit3A_1658 : i32 to vector<16xi32>
        %min3A_1662 = arith.minsi %min3A_1661, %max3A_1660 : vector<16xi32>
        %add3A_1663 = arith.constant 1 : i32
        %add3A_1664 = vector.broadcast %add3A_1663 : i32 to vector<16xi32>
        %add3A_1665 = arith.addi %min3A_1662, %add3A_1664 : vector<16xi32>
        %min3A_1666 = arith.constant 3745 : i32
        %min3A_1667 = vector.broadcast %min3A_1666 : i32 to vector<16xi32>
        %min3A_1668 = arith.minsi %add3A_1665, %min3A_1667 : vector<16xi32>
        %add3A_1669 = arith.addi %mul3A_1352, %min3A_1662 : vector<16xi32>
        %swap3A_1670 = arith.constant 160 : index
        %swap3A_1671 = tpu.vector_load %arg11[%swap3A_1670] {strides = array<i32>} : memref<384xi32, #tpu.memory_space<vmem>>, vector<16xi32>,
        tpu.vector_store %arg11[%swap3A_1670], %add3A_1669 {strides = array<i32>} : memref<384xi32, #tpu.memory_space<vmem>>, vector<16xi32>,
        %add3A_1672 = arith.addi %mul3A_1352, %min3A_1668 : vector<16xi32>
        %swap3A_1673 = arith.constant 176 : index
        %swap3A_1674 = tpu.vector_load %arg11[%swap3A_1673] {strides = array<i32>} : memref<384xi32, #tpu.memory_space<vmem>>, vector<16xi32>,
        tpu.vector_store %arg11[%swap3A_1673], %add3A_1672 {strides = array<i32>} : memref<384xi32, #tpu.memory_space<vmem>>, vector<16xi32>,
        %mul3A_1675 = arith.constant 500 : i32
        %mul3A_1676 = vector.broadcast %mul3A_1675 : i32 to vector<16xi32>
        %mul3A_1677 = arith.muli %div3A_1653, %mul3A_1676 : vector<16xi32>
        %sub3A_1678 = arith.subi %add3A_1582, %mul3A_1677 : vector<16xi32>
        %convert_element_type3A_1679 = arith.sitofp %sub3A_1678 : vector<16xi32> to vector<16xf32>
        %mul3A_1680 = arith.constant 2.000000e-03 : f32
        %mul3A_1681 = vector.broadcast %mul3A_1680 : f32 to vector<16xf32>
        %mul3A_1682 = arith.mulf %convert_element_type3A_1679, %mul3A_1681 : vector<16xf32>
        %swap3A_1683 = arith.constant 80 : index
        %swap3A_1684 = tpu.vector_load %arg13[%swap3A_1683] {strides = array<i32>} : memref<256xf32, #tpu.memory_space<vmem>>, vector<16xf32>,
        tpu.vector_store %arg13[%swap3A_1683], %mul3A_1682 {strides = array<i32>} : memref<256xf32, #tpu.memory_space<vmem>>, vector<16xf32>,
        %div3A_1685 = arith.constant 1000 : i32
        %div3A_1686 = vector.broadcast %div3A_1685 : i32 to vector<16xi32>
        %div3A_1687 = arith.divsi %add3A_1582, %div3A_1686 : vector<16xi32>
        %add3A_1688 = arith.constant 3403 : i32
        %add3A_1689 = vector.broadcast %add3A_1688 : i32 to vector<16xi32>
        %add3A_1690 = arith.addi %div3A_1687, %add3A_1689 : vector<16xi32>
        %jit3A_1691 = arith.constant 0 : i32
        %jit3A_1692 = arith.constant 3745 : i32
        %max3A_1693 = vector.broadcast %jit3A_1691 : i32 to vector<16xi32>
        %max3A_1694 = arith.maxsi %max3A_1693, %add3A_1690 : vector<16xi32>
        %min3A_1695 = vector.broadcast %jit3A_1692 : i32 to vector<16xi32>
        %min3A_1696 = arith.minsi %min3A_1695, %max3A_1694 : vector<16xi32>
        %add3A_1697 = arith.constant 1 : i32
        %add3A_1698 = vector.broadcast %add3A_1697 : i32 to vector<16xi32>
        %add3A_1699 = arith.addi %min3A_1696, %add3A_1698 : vector<16xi32>
        %min3A_1700 = arith.constant 3745 : i32
        %min3A_1701 = vector.broadcast %min3A_1700 : i32 to vector<16xi32>
        %min3A_1702 = arith.minsi %add3A_1699, %min3A_1701 : vector<16xi32>
        %add3A_1703 = arith.addi %mul3A_1352, %min3A_1696 : vector<16xi32>
        %swap3A_1704 = arith.constant 224 : index
        %swap3A_1705 = tpu.vector_load %arg11[%swap3A_1704] {strides = array<i32>} : memref<384xi32, #tpu.memory_space<vmem>>, vector<16xi32>,
        tpu.vector_store %arg11[%swap3A_1704], %add3A_1703 {strides = array<i32>} : memref<384xi32, #tpu.memory_space<vmem>>, vector<16xi32>,
        %add3A_1706 = arith.addi %mul3A_1352, %min3A_1702 : vector<16xi32>
        %swap3A_1707 = arith.constant 240 : index
        %swap3A_1708 = tpu.vector_load %arg11[%swap3A_1707] {strides = array<i32>} : memref<384xi32, #tpu.memory_space<vmem>>, vector<16xi32>,
        tpu.vector_store %arg11[%swap3A_1707], %add3A_1706 {strides = array<i32>} : memref<384xi32, #tpu.memory_space<vmem>>, vector<16xi32>,
        %mul3A_1709 = arith.constant 1000 : i32
        %mul3A_1710 = vector.broadcast %mul3A_1709 : i32 to vector<16xi32>
        %mul3A_1711 = arith.muli %div3A_1687, %mul3A_1710 : vector<16xi32>
        %sub3A_1712 = arith.subi %add3A_1582, %mul3A_1711 : vector<16xi32>
        %convert_element_type3A_1713 = arith.sitofp %sub3A_1712 : vector<16xi32> to vector<16xf32>
        %mul3A_1714 = arith.constant 1.000000e-03 : f32
        %mul3A_1715 = vector.broadcast %mul3A_1714 : f32 to vector<16xf32>
        %mul3A_1716 = arith.mulf %convert_element_type3A_1713, %mul3A_1715 : vector<16xf32>
        %swap3A_1717 = arith.constant 112 : index
        %swap3A_1718 = tpu.vector_load %arg13[%swap3A_1717] {strides = array<i32>} : memref<256xf32, #tpu.memory_space<vmem>>, vector<16xf32>,
        tpu.vector_store %arg13[%swap3A_1717], %mul3A_1716 {strides = array<i32>} : memref<256xf32, #tpu.memory_space<vmem>>, vector<16xf32>,
        %div3A_1719 = arith.constant 2000 : i32
        %div3A_1720 = vector.broadcast %div3A_1719 : i32 to vector<16xi32>
        %div3A_1721 = arith.divsi %add3A_1582, %div3A_1720 : vector<16xi32>
        %add3A_1722 = arith.constant 3604 : i32
        %add3A_1723 = vector.broadcast %add3A_1722 : i32 to vector<16xi32>
        %add3A_1724 = arith.addi %div3A_1721, %add3A_1723 : vector<16xi32>
        %jit3A_1725 = arith.constant 0 : i32
        %jit3A_1726 = arith.constant 3745 : i32
        %max3A_1727 = vector.broadcast %jit3A_1725 : i32 to vector<16xi32>
        %max3A_1728 = arith.maxsi %max3A_1727, %add3A_1724 : vector<16xi32>
        %min3A_1729 = vector.broadcast %jit3A_1726 : i32 to vector<16xi32>
        %min3A_1730 = arith.minsi %min3A_1729, %max3A_1728 : vector<16xi32>
        %add3A_1731 = arith.constant 1 : i32
        %add3A_1732 = vector.broadcast %add3A_1731 : i32 to vector<16xi32>
        %add3A_1733 = arith.addi %min3A_1730, %add3A_1732 : vector<16xi32>
        %min3A_1734 = arith.constant 3745 : i32
        %min3A_1735 = vector.broadcast %min3A_1734 : i32 to vector<16xi32>
        %min3A_1736 = arith.minsi %add3A_1733, %min3A_1735 : vector<16xi32>
        %add3A_1737 = arith.addi %mul3A_1352, %min3A_1730 : vector<16xi32>
        %swap3A_1738 = arith.constant 288 : index
        %swap3A_1739 = tpu.vector_load %arg11[%swap3A_1738] {strides = array<i32>} : memref<384xi32, #tpu.memory_space<vmem>>, vector<16xi32>,
        tpu.vector_store %arg11[%swap3A_1738], %add3A_1737 {strides = array<i32>} : memref<384xi32, #tpu.memory_space<vmem>>, vector<16xi32>,
        %add3A_1740 = arith.addi %mul3A_1352, %min3A_1736 : vector<16xi32>
        %swap3A_1741 = arith.constant 304 : index
        %swap3A_1742 = tpu.vector_load %arg11[%swap3A_1741] {strides = array<i32>} : memref<384xi32, #tpu.memory_space<vmem>>, vector<16xi32>,
        tpu.vector_store %arg11[%swap3A_1741], %add3A_1740 {strides = array<i32>} : memref<384xi32, #tpu.memory_space<vmem>>, vector<16xi32>,
        %mul3A_1743 = arith.constant 2000 : i32
        %mul3A_1744 = vector.broadcast %mul3A_1743 : i32 to vector<16xi32>
        %mul3A_1745 = arith.muli %div3A_1721, %mul3A_1744 : vector<16xi32>
        %sub3A_1746 = arith.subi %add3A_1582, %mul3A_1745 : vector<16xi32>
        %convert_element_type3A_1747 = arith.sitofp %sub3A_1746 : vector<16xi32> to vector<16xf32>
        %mul3A_1748 = arith.constant 5.000000e-04 : f32
        %mul3A_1749 = vector.broadcast %mul3A_1748 : f32 to vector<16xf32>
        %mul3A_1750 = arith.mulf %convert_element_type3A_1747, %mul3A_1749 : vector<16xf32>
        %swap3A_1751 = arith.constant 144 : index
        %swap3A_1752 = tpu.vector_load %arg13[%swap3A_1751] {strides = array<i32>} : memref<256xf32, #tpu.memory_space<vmem>>, vector<16xf32>,
        tpu.vector_store %arg13[%swap3A_1751], %mul3A_1750 {strides = array<i32>} : memref<256xf32, #tpu.memory_space<vmem>>, vector<16xf32>,
        %div3A_1753 = arith.constant 5000 : i32
        %div3A_1754 = vector.broadcast %div3A_1753 : i32 to vector<16xi32>
        %div3A_1755 = arith.divsi %add3A_1582, %div3A_1754 : vector<16xi32>
        %add3A_1756 = arith.constant 3705 : i32
        %add3A_1757 = vector.broadcast %add3A_1756 : i32 to vector<16xi32>
        %add3A_1758 = arith.addi %div3A_1755, %add3A_1757 : vector<16xi32>
        %jit3A_1759 = arith.constant 0 : i32
        %jit3A_1760 = arith.constant 3745 : i32
        %max3A_1761 = vector.broadcast %jit3A_1759 : i32 to vector<16xi32>
        %max3A_1762 = arith.maxsi %max3A_1761, %add3A_1758 : vector<16xi32>
        %min3A_1763 = vector.broadcast %jit3A_1760 : i32 to vector<16xi32>
        %min3A_1764 = arith.minsi %min3A_1763, %max3A_1762 : vector<16xi32>
        %add3A_1765 = arith.constant 1 : i32
        %add3A_1766 = vector.broadcast %add3A_1765 : i32 to vector<16xi32>
        %add3A_1767 = arith.addi %min3A_1764, %add3A_1766 : vector<16xi32>
        %min3A_1768 = arith.constant 3745 : i32
        %min3A_1769 = vector.broadcast %min3A_1768 : i32 to vector<16xi32>
        %min3A_1770 = arith.minsi %add3A_1767, %min3A_1769 : vector<16xi32>
        %add3A_1771 = arith.addi %mul3A_1352, %min3A_1764 : vector<16xi32>
        %swap3A_1772 = arith.constant 352 : index
        %swap3A_1773 = tpu.vector_load %arg11[%swap3A_1772] {strides = array<i32>} : memref<384xi32, #tpu.memory_space<vmem>>, vector<16xi32>,
        tpu.vector_store %arg11[%swap3A_1772], %add3A_1771 {strides = array<i32>} : memref<384xi32, #tpu.memory_space<vmem>>, vector<16xi32>,
        %add3A_1774 = arith.addi %mul3A_1352, %min3A_1770 : vector<16xi32>
        %swap3A_1775 = arith.constant 368 : index
        %swap3A_1776 = tpu.vector_load %arg11[%swap3A_1775] {strides = array<i32>} : memref<384xi32, #tpu.memory_space<vmem>>, vector<16xi32>,
        tpu.vector_store %arg11[%swap3A_1775], %add3A_1774 {strides = array<i32>} : memref<384xi32, #tpu.memory_space<vmem>>, vector<16xi32>,
        %mul3A_1777 = arith.constant 5000 : i32
        %mul3A_1778 = vector.broadcast %mul3A_1777 : i32 to vector<16xi32>
        %mul3A_1779 = arith.muli %div3A_1755, %mul3A_1778 : vector<16xi32>
        %sub3A_1780 = arith.subi %add3A_1582, %mul3A_1779 : vector<16xi32>
        %convert_element_type3A_1781 = arith.sitofp %sub3A_1780 : vector<16xi32> to vector<16xf32>
        %mul3A_1782 = arith.constant 2.000000e-04 : f32
        %mul3A_1783 = vector.broadcast %mul3A_1782 : f32 to vector<16xf32>
        %mul3A_1784 = arith.mulf %convert_element_type3A_1781, %mul3A_1783 : vector<16xf32>
        %swap3A_1785 = arith.constant 176 : index
        %swap3A_1786 = tpu.vector_load %arg13[%swap3A_1785] {strides = array<i32>} : memref<256xf32, #tpu.memory_space<vmem>>, vector<16xf32>,
        tpu.vector_store %arg13[%swap3A_1785], %mul3A_1784 {strides = array<i32>} : memref<256xf32, #tpu.memory_space<vmem>>, vector<16xf32>,
        %dma_start3A_1787 = arith.constant 0 : i32
        %dma_start3A_1788 = arith.constant 0 : i32
        %dma_start3A_1789 = tpu.memref_slice %arg15[%dma_start3A_1787, %dma_start3A_1788] : memref<384x128xf32, #tpu.memory_space<vmem>> -> memref<128x128xf32, #tpu.memory_space<vmem>>
        %dma_start3A_1790 = arith.constant 0 : i32
        %dma_start3A_1791 = tpu.memref_slice %arg11[%dma_start3A_1790] : memref<384xi32, #tpu.memory_space<vmem>> -> memref<128xi32, #tpu.memory_space<vmem>>
        %dma_start3A_1792 = arith.constant 0 : i32
        %dma_start3A_1793 = arith.constant 0 : i32
        %dma_start3A_1794 = tpu.memref_slice %arg2[%dma_start3A_1792, %dma_start3A_1793] : memref<239744x128xf32, #tpu.memory_space<hbm>> -> memref<239744x128xf32, #tpu.memory_space<hbm>>
        tpu.enqueue_indirect_dma source(%dma_start3A_1794 : memref<239744x128xf32, #tpu.memory_space<hbm>>) target(%dma_start3A_1789 : memref<128x128xf32, #tpu.memory_space<vmem>>) offsets(%dma_start3A_1791 : memref<128xi32, #tpu.memory_space<vmem>>) semaphore(%arg19 : memref<!tpu.dma_semaphore, #tpu.memory_space<semaphore_mem>>)
        %dma_start3A_1795 = arith.constant 128 : i32
        %dma_start3A_1796 = arith.constant 0 : i32
        %dma_start3A_1797 = tpu.memref_slice %arg15[%dma_start3A_1795, %dma_start3A_1796] : memref<384x128xf32, #tpu.memory_space<vmem>> -> memref<128x128xf32, #tpu.memory_space<vmem>>
        %dma_start3A_1798 = arith.constant 128 : i32
        %dma_start3A_1799 = tpu.memref_slice %arg11[%dma_start3A_1798] : memref<384xi32, #tpu.memory_space<vmem>> -> memref<128xi32, #tpu.memory_space<vmem>>
        %dma_start3A_1800 = arith.constant 0 : i32
        %dma_start3A_1801 = arith.constant 0 : i32
        %dma_start3A_1802 = tpu.memref_slice %arg2[%dma_start3A_1800, %dma_start3A_1801] : memref<239744x128xf32, #tpu.memory_space<hbm>> -> memref<239744x128xf32, #tpu.memory_space<hbm>>
        tpu.enqueue_indirect_dma source(%dma_start3A_1802 : memref<239744x128xf32, #tpu.memory_space<hbm>>) target(%dma_start3A_1797 : memref<128x128xf32, #tpu.memory_space<vmem>>) offsets(%dma_start3A_1799 : memref<128xi32, #tpu.memory_space<vmem>>) semaphore(%arg19 : memref<!tpu.dma_semaphore, #tpu.memory_space<semaphore_mem>>)
        %dma_start3A_1803 = arith.constant 256 : i32
        %dma_start3A_1804 = arith.constant 0 : i32
        %dma_start3A_1805 = tpu.memref_slice %arg15[%dma_start3A_1803, %dma_start3A_1804] : memref<384x128xf32, #tpu.memory_space<vmem>> -> memref<128x128xf32, #tpu.memory_space<vmem>>
        %dma_start3A_1806 = arith.constant 256 : i32
        %dma_start3A_1807 = tpu.memref_slice %arg11[%dma_start3A_1806] : memref<384xi32, #tpu.memory_space<vmem>> -> memref<128xi32, #tpu.memory_space<vmem>>
        %dma_start3A_1808 = arith.constant 0 : i32
        %dma_start3A_1809 = arith.constant 0 : i32
        %dma_start3A_1810 = tpu.memref_slice %arg2[%dma_start3A_1808, %dma_start3A_1809] : memref<239744x128xf32, #tpu.memory_space<hbm>> -> memref<239744x128xf32, #tpu.memory_space<hbm>>
        tpu.enqueue_indirect_dma source(%dma_start3A_1810 : memref<239744x128xf32, #tpu.memory_space<hbm>>) target(%dma_start3A_1805 : memref<128x128xf32, #tpu.memory_space<vmem>>) offsets(%dma_start3A_1807 : memref<128xi32, #tpu.memory_space<vmem>>) semaphore(%arg19 : memref<!tpu.dma_semaphore, #tpu.memory_space<semaphore_mem>>)
      } else {
      }
      %dma_wait3A_1194 = arith.constant 0 : i32
      %dma_wait3A_1195 = arith.constant 0 : i32
      %dma_wait3A_1196 = tpu.memref_slice %arg16[%dma_wait3A_1194, %dma_wait3A_1195] : memref<384x128xf32, #tpu.memory_space<vmem>> -> memref<128x128xf32, #tpu.memory_space<vmem>>
      %dma_wait3A_1197 = arith.constant 0 : i32
      %dma_wait3A_1198 = tpu.memref_slice %arg12[%dma_wait3A_1197] : memref<384xi32, #tpu.memory_space<vmem>> -> memref<128xi32, #tpu.memory_space<vmem>>
      %dma_wait3A_1199 = arith.constant 0 : i32
      %dma_wait3A_1200 = arith.constant 0 : i32
      %dma_wait3A_1201 = tpu.memref_slice %arg2[%dma_wait3A_1199, %dma_wait3A_1200] : memref<239744x128xf32, #tpu.memory_space<hbm>> -> memref<239744x128xf32, #tpu.memory_space<hbm>>
      tpu.wait_indirect_dma semaphore(%arg20 : memref<!tpu.dma_semaphore, #tpu.memory_space<semaphore_mem>>) src(%dma_wait3A_1201 : memref<239744x128xf32, #tpu.memory_space<hbm>>) dst(%dma_wait3A_1196 : memref<128x128xf32, #tpu.memory_space<vmem>>)
      %dma_wait3A_1202 = arith.constant 128 : i32
      %dma_wait3A_1203 = arith.constant 0 : i32
      %dma_wait3A_1204 = tpu.memref_slice %arg16[%dma_wait3A_1202, %dma_wait3A_1203] : memref<384x128xf32, #tpu.memory_space<vmem>> -> memref<128x128xf32, #tpu.memory_space<vmem>>
      %dma_wait3A_1205 = arith.constant 128 : i32
      %dma_wait3A_1206 = tpu.memref_slice %arg12[%dma_wait3A_1205] : memref<384xi32, #tpu.memory_space<vmem>> -> memref<128xi32, #tpu.memory_space<vmem>>
      %dma_wait3A_1207 = arith.constant 0 : i32
      %dma_wait3A_1208 = arith.constant 0 : i32
      %dma_wait3A_1209 = tpu.memref_slice %arg2[%dma_wait3A_1207, %dma_wait3A_1208] : memref<239744x128xf32, #tpu.memory_space<hbm>> -> memref<239744x128xf32, #tpu.memory_space<hbm>>
      tpu.wait_indirect_dma semaphore(%arg20 : memref<!tpu.dma_semaphore, #tpu.memory_space<semaphore_mem>>) src(%dma_wait3A_1209 : memref<239744x128xf32, #tpu.memory_space<hbm>>) dst(%dma_wait3A_1204 : memref<128x128xf32, #tpu.memory_space<vmem>>)
      %dma_wait3A_1210 = arith.constant 256 : i32
      %dma_wait3A_1211 = arith.constant 0 : i32
      %dma_wait3A_1212 = tpu.memref_slice %arg16[%dma_wait3A_1210, %dma_wait3A_1211] : memref<384x128xf32, #tpu.memory_space<vmem>> -> memref<128x128xf32, #tpu.memory_space<vmem>>
      %dma_wait3A_1213 = arith.constant 256 : i32
      %dma_wait3A_1214 = tpu.memref_slice %arg12[%dma_wait3A_1213] : memref<384xi32, #tpu.memory_space<vmem>> -> memref<128xi32, #tpu.memory_space<vmem>>
      %dma_wait3A_1215 = arith.constant 0 : i32
      %dma_wait3A_1216 = arith.constant 0 : i32
      %dma_wait3A_1217 = tpu.memref_slice %arg2[%dma_wait3A_1215, %dma_wait3A_1216] : memref<239744x128xf32, #tpu.memory_space<hbm>> -> memref<239744x128xf32, #tpu.memory_space<hbm>>
      tpu.wait_indirect_dma semaphore(%arg20 : memref<!tpu.dma_semaphore, #tpu.memory_space<semaphore_mem>>) src(%dma_wait3A_1217 : memref<239744x128xf32, #tpu.memory_space<hbm>>) dst(%dma_wait3A_1212 : memref<128x128xf32, #tpu.memory_space<vmem>>)
      %gt3A_1218 = arith.constant 0 : i32
      %gt3A_1219 = arith.cmpi sgt, %scan3A_574, %gt3A_1218 : i32
      %convert_element_type3A_1220 = arith.extui %gt3A_1219 : i1 to i32
      %cond3A_1221 = arith.constant 0 : i32
      %cond3A_1222 = arith.cmpi ne, %convert_element_type3A_1220, %cond3A_1221 : i32
      scf.if %cond3A_1222 {
        %sub3A_1238 = arith.constant 1 : i32
        %sub3A_1239 = arith.subi %mul3A_576, %sub3A_1238 : i32
        %mul3A_1240 = arith.constant 16 : i32
        %mul3A_1241 = arith.muli %sub3A_1239, %mul3A_1240 : i32
        %add3A_1242 = arith.addi %mul3A_2, %mul3A_1241 : i32
        %mul3A_1243 = arith.constant 100 : i32
        %mul3A_1244 = arith.muli %add3A_1242, %mul3A_1243 : i32
        %dma_wait3A_1245 = tpu.memref_slice %arg6[%mul3A_1244] : memref<3276800xf32, #tpu.memory_space<hbm>> -> memref<1600xf32, #tpu.memory_space<hbm>>
        %dma_wait3A_1246 = tpu.memref_slice %arg6[%mul3A_1244] : memref<3276800xf32, #tpu.memory_space<hbm>> -> memref<1600xf32, #tpu.memory_space<hbm>>
        tpu.wait_dma2 semaphore(%arg22 : memref<!tpu.dma_semaphore, #tpu.memory_space<semaphore_mem>>) src(%arg18 : memref<1600xf32, #tpu.memory_space<vmem>>) dst(%dma_wait3A_1246 : memref<1600xf32, #tpu.memory_space<hbm>>)
      } else {
      }
      %add3A_1223 = arith.constant 1 : i32
      %add3A_1224 = arith.addi %mul3A_576, %add3A_1223 : i32
      %scan3A_1225 = arith.constant 0 : i32
      %scan3A_1226 = arith.constant 0 : i32
      %scan3A_1227 = arith.constant 16 : i32
      %scan3A_1228 = arith.addi %scan3A_1226, %scan3A_1227 : i32
      %scan3A_1229 = arith.constant 1 : i32
      scf.for %scan3A_1238 = %scan3A_1226 to %scan3A_1228 step %scan3A_1229  : i32 {
        %mul3A_1239 = arith.constant 16 : i32
        %mul3A_1240 = vector.broadcast %mul3A_1239 : i32 to vector<16xi32>
        %mul3A_1241 = arith.muli %mul3A_1240, %iota3A : vector<16xi32>
        %add3A_1242 = vector.broadcast %scan3A_1238 : i32 to vector<16xi32>
        %add3A_1243 = arith.addi %add3A_1242, %mul3A_1241 : vector<16xi32>
        %gather3A_1244 = tpu.vector_load_idx %arg14[%add3A_1243] : memref<256xf32, #tpu.memory_space<vmem>>[vector<16xi32>], vector<16xf32>,
        %broadcast_in_dim3A_1245 = arith.constant 0 : i32
        %broadcast_in_dim3A_1246 = vector.broadcast %broadcast_in_dim3A_1245 : i32 to vector<16xi32>
        %lt3A_1247 = arith.constant 0 : i32
        %lt3A_1248 = vector.broadcast %lt3A_1247 : i32 to vector<16xi32>
        %lt3A_1249 = arith.cmpi slt, %broadcast_in_dim3A_1246, %lt3A_1248 : vector<16xi32>
        %add3A_1250 = arith.constant 16 : i32
        %add3A_1251 = vector.broadcast %add3A_1250 : i32 to vector<16xi32>
        %add3A_1252 = arith.addi %broadcast_in_dim3A_1246, %add3A_1251 : vector<16xi32>
        %select_n3A = arith.select %lt3A_1249, %add3A_1252, %broadcast_in_dim3A_1246 : vector<16xi1>, vector<16xi32>
        %broadcast_in_dim3A_1253 = vector.shape_cast %select_n3A : vector<16xi32> to vector<16x1xi32>
        %gather3A_1254 = vector.shape_cast %broadcast_in_dim3A_1253 : vector<16x1xi32> to vector<16xi32>
        %gather3A_1255 = tpu.dynamic_gather %gather3A_1244[%gather3A_1254] in [0] : vector<16xf32>, vector<16xi32> -> vector<16xf32>
        %add3A_1256 = arith.constant 0 : i32
        %add3A_1257 = arith.addi %add3A_1256, %scan3A_1238 : i32
        %add3A_1258 = arith.constant 16 : i32
        %add3A_1259 = arith.addi %add3A_1257, %add3A_1258 : i32
        %get3A_1260 = arith.index_cast %add3A_1257 : i32 to index
        %get3A_1261 = arith.constant 0 : index
        %get3A_1262 = tpu.vector_load %arg16[%get3A_1260, %get3A_1261] {strides = array<i32>} : memref<384x128xf32, #tpu.memory_space<vmem>>, vector<16xf32>,
        %get3A_1263 = arith.index_cast %add3A_1259 : i32 to index
        %get3A_1264 = arith.constant 0 : index
        %get3A_1265 = tpu.vector_load %arg16[%get3A_1263, %get3A_1264] {strides = array<i32>} : memref<384x128xf32, #tpu.memory_space<vmem>>, vector<16xf32>,
        %sub3A_1266 = arith.subf %get3A_1265, %get3A_1262 : vector<16xf32>
        %mul3A_1267 = arith.mulf %sub3A_1266, %gather3A_1255 : vector<16xf32>
        %add3A_1268 = arith.addf %mul3A_1267, %get3A_1262 : vector<16xf32>
        %get3A_1269 = arith.index_cast %add3A_1257 : i32 to index
        %get3A_1270 = arith.constant 16 : index
        %get3A_1271 = tpu.vector_load %arg16[%get3A_1269, %get3A_1270] {strides = array<i32>} : memref<384x128xf32, #tpu.memory_space<vmem>>, vector<16xf32>,
        %get3A_1272 = arith.index_cast %add3A_1259 : i32 to index
        %get3A_1273 = arith.constant 16 : index
        %get3A_1274 = tpu.vector_load %arg16[%get3A_1272, %get3A_1273] {strides = array<i32>} : memref<384x128xf32, #tpu.memory_space<vmem>>, vector<16xf32>,
        %sub3A_1275 = arith.subf %get3A_1274, %get3A_1271 : vector<16xf32>
        %mul3A_1276 = arith.mulf %sub3A_1275, %gather3A_1255 : vector<16xf32>
        %add3A_1277 = arith.addf %mul3A_1276, %get3A_1271 : vector<16xf32>
        %get3A_1278 = arith.index_cast %add3A_1257 : i32 to index
        %get3A_1279 = arith.constant 32 : index
        %get3A_1280 = tpu.vector_load %arg16[%get3A_1278, %get3A_1279] {strides = array<i32>} : memref<384x128xf32, #tpu.memory_space<vmem>>, vector<16xf32>,
        %get3A_1281 = arith.index_cast %add3A_1259 : i32 to index
        %get3A_1282 = arith.constant 32 : index
        %get3A_1283 = tpu.vector_load %arg16[%get3A_1281, %get3A_1282] {strides = array<i32>} : memref<384x128xf32, #tpu.memory_space<vmem>>, vector<16xf32>,
        %sub3A_1284 = arith.subf %get3A_1283, %get3A_1280 : vector<16xf32>
        %mul3A_1285 = arith.mulf %sub3A_1284, %gather3A_1255 : vector<16xf32>
        %add3A_1286 = arith.addf %mul3A_1285, %get3A_1280 : vector<16xf32>
        %get3A_1287 = arith.index_cast %add3A_1257 : i32 to index
        %get3A_1288 = arith.constant 48 : index
        %get3A_1289 = tpu.vector_load %arg16[%get3A_1287, %get3A_1288] {strides = array<i32>} : memref<384x128xf32, #tpu.memory_space<vmem>>, vector<16xf32>,
        %get3A_1290 = arith.index_cast %add3A_1259 : i32 to index
        %get3A_1291 = arith.constant 48 : index
        %get3A_1292 = tpu.vector_load %arg16[%get3A_1290, %get3A_1291] {strides = array<i32>} : memref<384x128xf32, #tpu.memory_space<vmem>>, vector<16xf32>,
        %sub3A_1293 = arith.subf %get3A_1292, %get3A_1289 : vector<16xf32>
        %mul3A_1294 = arith.mulf %sub3A_1293, %gather3A_1255 : vector<16xf32>
        %add3A_1295 = arith.addf %mul3A_1294, %get3A_1289 : vector<16xf32>
        %get3A_1296 = arith.index_cast %add3A_1257 : i32 to index
        %get3A_1297 = arith.constant 64 : index
        %get3A_1298 = tpu.vector_load %arg16[%get3A_1296, %get3A_1297] {strides = array<i32>} : memref<384x128xf32, #tpu.memory_space<vmem>>, vector<16xf32>,
        %get3A_1299 = arith.index_cast %add3A_1259 : i32 to index
        %get3A_1300 = arith.constant 64 : index
        %get3A_1301 = tpu.vector_load %arg16[%get3A_1299, %get3A_1300] {strides = array<i32>} : memref<384x128xf32, #tpu.memory_space<vmem>>, vector<16xf32>,
        %sub3A_1302 = arith.subf %get3A_1301, %get3A_1298 : vector<16xf32>
        %mul3A_1303 = arith.mulf %sub3A_1302, %gather3A_1255 : vector<16xf32>
        %add3A_1304 = arith.addf %mul3A_1303, %get3A_1298 : vector<16xf32>
        %get3A_1305 = arith.index_cast %add3A_1257 : i32 to index
        %get3A_1306 = arith.constant 80 : index
        %get3A_1307 = tpu.vector_load %arg16[%get3A_1305, %get3A_1306] {strides = array<i32>} : memref<384x128xf32, #tpu.memory_space<vmem>>, vector<16xf32>,
        %get3A_1308 = arith.index_cast %add3A_1259 : i32 to index
        %get3A_1309 = arith.constant 80 : index
        %get3A_1310 = tpu.vector_load %arg16[%get3A_1308, %get3A_1309] {strides = array<i32>} : memref<384x128xf32, #tpu.memory_space<vmem>>, vector<16xf32>,
        %sub3A_1311 = arith.subf %get3A_1310, %get3A_1307 : vector<16xf32>
        %mul3A_1312 = arith.mulf %sub3A_1311, %gather3A_1255 : vector<16xf32>
        %add3A_1313 = arith.addf %mul3A_1312, %get3A_1307 : vector<16xf32>
        %get3A_1314 = arith.index_cast %add3A_1257 : i32 to index
        %get3A_1315 = arith.constant 84 : index
        %get3A_1316 = tpu.vector_load %arg16[%get3A_1314, %get3A_1315] {strides = array<i32>} : memref<384x128xf32, #tpu.memory_space<vmem>>, vector<16xf32>,
        %get3A_1317 = arith.index_cast %add3A_1259 : i32 to index
        %get3A_1318 = arith.constant 84 : index
        %get3A_1319 = tpu.vector_load %arg16[%get3A_1317, %get3A_1318] {strides = array<i32>} : memref<384x128xf32, #tpu.memory_space<vmem>>, vector<16xf32>,
        %sub3A_1320 = arith.subf %get3A_1319, %get3A_1316 : vector<16xf32>
        %mul3A_1321 = arith.mulf %sub3A_1320, %gather3A_1255 : vector<16xf32>
        %add3A_1322 = arith.addf %mul3A_1321, %get3A_1316 : vector<16xf32>
        %broadcast_in_dim3A_1323 = arith.constant 1 : i32
        %broadcast_in_dim3A_1324 = vector.broadcast %broadcast_in_dim3A_1323 : i32 to vector<16xi32>
        %lt3A_1325 = arith.constant 0 : i32
        %lt3A_1326 = vector.broadcast %lt3A_1325 : i32 to vector<16xi32>
        %lt3A_1327 = arith.cmpi slt, %broadcast_in_dim3A_1324, %lt3A_1326 : vector<16xi32>
        %add3A_1328 = arith.constant 16 : i32
        %add3A_1329 = vector.broadcast %add3A_1328 : i32 to vector<16xi32>
        %add3A_1330 = arith.addi %broadcast_in_dim3A_1324, %add3A_1329 : vector<16xi32>
        %select_n3A_1331 = arith.select %lt3A_1327, %add3A_1330, %broadcast_in_dim3A_1324 : vector<16xi1>, vector<16xi32>
        %broadcast_in_dim3A_1332 = vector.shape_cast %select_n3A_1331 : vector<16xi32> to vector<16x1xi32>
        %gather3A_1333 = vector.shape_cast %broadcast_in_dim3A_1332 : vector<16x1xi32> to vector<16xi32>
        %gather3A_1334 = tpu.dynamic_gather %gather3A_1244[%gather3A_1333] in [0] : vector<16xf32>, vector<16xi32> -> vector<16xf32>
        %add3A_1335 = arith.constant 32 : i32
        %add3A_1336 = arith.addi %add3A_1335, %scan3A_1238 : i32
        %add3A_1337 = arith.constant 16 : i32
        %add3A_1338 = arith.addi %add3A_1336, %add3A_1337 : i32
        %get3A_1339 = arith.index_cast %add3A_1336 : i32 to index
        %get3A_1340 = arith.constant 0 : index
        %get3A_1341 = tpu.vector_load %arg16[%get3A_1339, %get3A_1340] {strides = array<i32>} : memref<384x128xf32, #tpu.memory_space<vmem>>, vector<16xf32>,
        %get3A_1342 = arith.index_cast %add3A_1338 : i32 to index
        %get3A_1343 = arith.constant 0 : index
        %get3A_1344 = tpu.vector_load %arg16[%get3A_1342, %get3A_1343] {strides = array<i32>} : memref<384x128xf32, #tpu.memory_space<vmem>>, vector<16xf32>,
        %sub3A_1345 = arith.subf %get3A_1344, %get3A_1341 : vector<16xf32>
        %mul3A_1346 = arith.mulf %sub3A_1345, %gather3A_1334 : vector<16xf32>
        %add3A_1347 = arith.addf %mul3A_1346, %get3A_1341 : vector<16xf32>
        %add3A_1348 = arith.addf %add3A_1268, %add3A_1347 : vector<16xf32>
        %get3A_1349 = arith.index_cast %add3A_1336 : i32 to index
        %get3A_1350 = arith.constant 16 : index
        %get3A_1351 = tpu.vector_load %arg16[%get3A_1349, %get3A_1350] {strides = array<i32>} : memref<384x128xf32, #tpu.memory_space<vmem>>, vector<16xf32>,
        %get3A_1352 = arith.index_cast %add3A_1338 : i32 to index
        %get3A_1353 = arith.constant 16 : index
        %get3A_1354 = tpu.vector_load %arg16[%get3A_1352, %get3A_1353] {strides = array<i32>} : memref<384x128xf32, #tpu.memory_space<vmem>>, vector<16xf32>,
        %sub3A_1355 = arith.subf %get3A_1354, %get3A_1351 : vector<16xf32>
        %mul3A_1356 = arith.mulf %sub3A_1355, %gather3A_1334 : vector<16xf32>
        %add3A_1357 = arith.addf %mul3A_1356, %get3A_1351 : vector<16xf32>
        %add3A_1358 = arith.addf %add3A_1277, %add3A_1357 : vector<16xf32>
        %get3A_1359 = arith.index_cast %add3A_1336 : i32 to index
        %get3A_1360 = arith.constant 32 : index
        %get3A_1361 = tpu.vector_load %arg16[%get3A_1359, %get3A_1360] {strides = array<i32>} : memref<384x128xf32, #tpu.memory_space<vmem>>, vector<16xf32>,
        %get3A_1362 = arith.index_cast %add3A_1338 : i32 to index
        %get3A_1363 = arith.constant 32 : index
        %get3A_1364 = tpu.vector_load %arg16[%get3A_1362, %get3A_1363] {strides = array<i32>} : memref<384x128xf32, #tpu.memory_space<vmem>>, vector<16xf32>,
        %sub3A_1365 = arith.subf %get3A_1364, %get3A_1361 : vector<16xf32>
        %mul3A_1366 = arith.mulf %sub3A_1365, %gather3A_1334 : vector<16xf32>
        %add3A_1367 = arith.addf %mul3A_1366, %get3A_1361 : vector<16xf32>
        %add3A_1368 = arith.addf %add3A_1286, %add3A_1367 : vector<16xf32>
        %get3A_1369 = arith.index_cast %add3A_1336 : i32 to index
        %get3A_1370 = arith.constant 48 : index
        %get3A_1371 = tpu.vector_load %arg16[%get3A_1369, %get3A_1370] {strides = array<i32>} : memref<384x128xf32, #tpu.memory_space<vmem>>, vector<16xf32>,
        %get3A_1372 = arith.index_cast %add3A_1338 : i32 to index
        %get3A_1373 = arith.constant 48 : index
        %get3A_1374 = tpu.vector_load %arg16[%get3A_1372, %get3A_1373] {strides = array<i32>} : memref<384x128xf32, #tpu.memory_space<vmem>>, vector<16xf32>,
        %sub3A_1375 = arith.subf %get3A_1374, %get3A_1371 : vector<16xf32>
        %mul3A_1376 = arith.mulf %sub3A_1375, %gather3A_1334 : vector<16xf32>
        %add3A_1377 = arith.addf %mul3A_1376, %get3A_1371 : vector<16xf32>
        %add3A_1378 = arith.addf %add3A_1295, %add3A_1377 : vector<16xf32>
        %get3A_1379 = arith.index_cast %add3A_1336 : i32 to index
        %get3A_1380 = arith.constant 64 : index
        %get3A_1381 = tpu.vector_load %arg16[%get3A_1379, %get3A_1380] {strides = array<i32>} : memref<384x128xf32, #tpu.memory_space<vmem>>, vector<16xf32>,
        %get3A_1382 = arith.index_cast %add3A_1338 : i32 to index
        %get3A_1383 = arith.constant 64 : index
        %get3A_1384 = tpu.vector_load %arg16[%get3A_1382, %get3A_1383] {strides = array<i32>} : memref<384x128xf32, #tpu.memory_space<vmem>>, vector<16xf32>,
        %sub3A_1385 = arith.subf %get3A_1384, %get3A_1381 : vector<16xf32>
        %mul3A_1386 = arith.mulf %sub3A_1385, %gather3A_1334 : vector<16xf32>
        %add3A_1387 = arith.addf %mul3A_1386, %get3A_1381 : vector<16xf32>
        %add3A_1388 = arith.addf %add3A_1304, %add3A_1387 : vector<16xf32>
        %get3A_1389 = arith.index_cast %add3A_1336 : i32 to index
        %get3A_1390 = arith.constant 80 : index
        %get3A_1391 = tpu.vector_load %arg16[%get3A_1389, %get3A_1390] {strides = array<i32>} : memref<384x128xf32, #tpu.memory_space<vmem>>, vector<16xf32>,
        %get3A_1392 = arith.index_cast %add3A_1338 : i32 to index
        %get3A_1393 = arith.constant 80 : index
        %get3A_1394 = tpu.vector_load %arg16[%get3A_1392, %get3A_1393] {strides = array<i32>} : memref<384x128xf32, #tpu.memory_space<vmem>>, vector<16xf32>,
        %sub3A_1395 = arith.subf %get3A_1394, %get3A_1391 : vector<16xf32>
        %mul3A_1396 = arith.mulf %sub3A_1395, %gather3A_1334 : vector<16xf32>
        %add3A_1397 = arith.addf %mul3A_1396, %get3A_1391 : vector<16xf32>
        %add3A_1398 = arith.addf %add3A_1313, %add3A_1397 : vector<16xf32>
        %get3A_1399 = arith.index_cast %add3A_1336 : i32 to index
        %get3A_1400 = arith.constant 84 : index
        %get3A_1401 = tpu.vector_load %arg16[%get3A_1399, %get3A_1400] {strides = array<i32>} : memref<384x128xf32, #tpu.memory_space<vmem>>, vector<16xf32>,
        %get3A_1402 = arith.index_cast %add3A_1338 : i32 to index
        %get3A_1403 = arith.constant 84 : index
        %get3A_1404 = tpu.vector_load %arg16[%get3A_1402, %get3A_1403] {strides = array<i32>} : memref<384x128xf32, #tpu.memory_space<vmem>>, vector<16xf32>,
        %sub3A_1405 = arith.subf %get3A_1404, %get3A_1401 : vector<16xf32>
        %mul3A_1406 = arith.mulf %sub3A_1405, %gather3A_1334 : vector<16xf32>
        %add3A_1407 = arith.addf %mul3A_1406, %get3A_1401 : vector<16xf32>
        %add3A_1408 = arith.addf %add3A_1322, %add3A_1407 : vector<16xf32>
        %broadcast_in_dim3A_1409 = arith.constant 2 : i32
        %broadcast_in_dim3A_1410 = vector.broadcast %broadcast_in_dim3A_1409 : i32 to vector<16xi32>
        %lt3A_1411 = arith.constant 0 : i32
        %lt3A_1412 = vector.broadcast %lt3A_1411 : i32 to vector<16xi32>
        %lt3A_1413 = arith.cmpi slt, %broadcast_in_dim3A_1410, %lt3A_1412 : vector<16xi32>
        %add3A_1414 = arith.constant 16 : i32
        %add3A_1415 = vector.broadcast %add3A_1414 : i32 to vector<16xi32>
        %add3A_1416 = arith.addi %broadcast_in_dim3A_1410, %add3A_1415 : vector<16xi32>
        %select_n3A_1417 = arith.select %lt3A_1413, %add3A_1416, %broadcast_in_dim3A_1410 : vector<16xi1>, vector<16xi32>
        %broadcast_in_dim3A_1418 = vector.shape_cast %select_n3A_1417 : vector<16xi32> to vector<16x1xi32>
        %gather3A_1419 = vector.shape_cast %broadcast_in_dim3A_1418 : vector<16x1xi32> to vector<16xi32>
        %gather3A_1420 = tpu.dynamic_gather %gather3A_1244[%gather3A_1419] in [0] : vector<16xf32>, vector<16xi32> -> vector<16xf32>
        %add3A_1421 = arith.constant 64 : i32
        %add3A_1422 = arith.addi %add3A_1421, %scan3A_1238 : i32
        %add3A_1423 = arith.constant 16 : i32
        %add3A_1424 = arith.addi %add3A_1422, %add3A_1423 : i32
        %get3A_1425 = arith.index_cast %add3A_1422 : i32 to index
        %get3A_1426 = arith.constant 0 : index
        %get3A_1427 = tpu.vector_load %arg16[%get3A_1425, %get3A_1426] {strides = array<i32>} : memref<384x128xf32, #tpu.memory_space<vmem>>, vector<16xf32>,
        %get3A_1428 = arith.index_cast %add3A_1424 : i32 to index
        %get3A_1429 = arith.constant 0 : index
        %get3A_1430 = tpu.vector_load %arg16[%get3A_1428, %get3A_1429] {strides = array<i32>} : memref<384x128xf32, #tpu.memory_space<vmem>>, vector<16xf32>,
        %sub3A_1431 = arith.subf %get3A_1430, %get3A_1427 : vector<16xf32>
        %mul3A_1432 = arith.mulf %sub3A_1431, %gather3A_1420 : vector<16xf32>
        %add3A_1433 = arith.addf %mul3A_1432, %get3A_1427 : vector<16xf32>
        %add3A_1434 = arith.addf %add3A_1348, %add3A_1433 : vector<16xf32>
        %get3A_1435 = arith.index_cast %add3A_1422 : i32 to index
        %get3A_1436 = arith.constant 16 : index
        %get3A_1437 = tpu.vector_load %arg16[%get3A_1435, %get3A_1436] {strides = array<i32>} : memref<384x128xf32, #tpu.memory_space<vmem>>, vector<16xf32>,
        %get3A_1438 = arith.index_cast %add3A_1424 : i32 to index
        %get3A_1439 = arith.constant 16 : index
        %get3A_1440 = tpu.vector_load %arg16[%get3A_1438, %get3A_1439] {strides = array<i32>} : memref<384x128xf32, #tpu.memory_space<vmem>>, vector<16xf32>,
        %sub3A_1441 = arith.subf %get3A_1440, %get3A_1437 : vector<16xf32>
        %mul3A_1442 = arith.mulf %sub3A_1441, %gather3A_1420 : vector<16xf32>
        %add3A_1443 = arith.addf %mul3A_1442, %get3A_1437 : vector<16xf32>
        %add3A_1444 = arith.addf %add3A_1358, %add3A_1443 : vector<16xf32>
        %get3A_1445 = arith.index_cast %add3A_1422 : i32 to index
        %get3A_1446 = arith.constant 32 : index
        %get3A_1447 = tpu.vector_load %arg16[%get3A_1445, %get3A_1446] {strides = array<i32>} : memref<384x128xf32, #tpu.memory_space<vmem>>, vector<16xf32>,
        %get3A_1448 = arith.index_cast %add3A_1424 : i32 to index
        %get3A_1449 = arith.constant 32 : index
        %get3A_1450 = tpu.vector_load %arg16[%get3A_1448, %get3A_1449] {strides = array<i32>} : memref<384x128xf32, #tpu.memory_space<vmem>>, vector<16xf32>,
        %sub3A_1451 = arith.subf %get3A_1450, %get3A_1447 : vector<16xf32>
        %mul3A_1452 = arith.mulf %sub3A_1451, %gather3A_1420 : vector<16xf32>
        %add3A_1453 = arith.addf %mul3A_1452, %get3A_1447 : vector<16xf32>
        %add3A_1454 = arith.addf %add3A_1368, %add3A_1453 : vector<16xf32>
        %get3A_1455 = arith.index_cast %add3A_1422 : i32 to index
        %get3A_1456 = arith.constant 48 : index
        %get3A_1457 = tpu.vector_load %arg16[%get3A_1455, %get3A_1456] {strides = array<i32>} : memref<384x128xf32, #tpu.memory_space<vmem>>, vector<16xf32>,
        %get3A_1458 = arith.index_cast %add3A_1424 : i32 to index
        %get3A_1459 = arith.constant 48 : index
        %get3A_1460 = tpu.vector_load %arg16[%get3A_1458, %get3A_1459] {strides = array<i32>} : memref<384x128xf32, #tpu.memory_space<vmem>>, vector<16xf32>,
        %sub3A_1461 = arith.subf %get3A_1460, %get3A_1457 : vector<16xf32>
        %mul3A_1462 = arith.mulf %sub3A_1461, %gather3A_1420 : vector<16xf32>
        %add3A_1463 = arith.addf %mul3A_1462, %get3A_1457 : vector<16xf32>
        %add3A_1464 = arith.addf %add3A_1378, %add3A_1463 : vector<16xf32>
        %get3A_1465 = arith.index_cast %add3A_1422 : i32 to index
        %get3A_1466 = arith.constant 64 : index
        %get3A_1467 = tpu.vector_load %arg16[%get3A_1465, %get3A_1466] {strides = array<i32>} : memref<384x128xf32, #tpu.memory_space<vmem>>, vector<16xf32>,
        %get3A_1468 = arith.index_cast %add3A_1424 : i32 to index
        %get3A_1469 = arith.constant 64 : index
        %get3A_1470 = tpu.vector_load %arg16[%get3A_1468, %get3A_1469] {strides = array<i32>} : memref<384x128xf32, #tpu.memory_space<vmem>>, vector<16xf32>,
        %sub3A_1471 = arith.subf %get3A_1470, %get3A_1467 : vector<16xf32>
        %mul3A_1472 = arith.mulf %sub3A_1471, %gather3A_1420 : vector<16xf32>
        %add3A_1473 = arith.addf %mul3A_1472, %get3A_1467 : vector<16xf32>
        %add3A_1474 = arith.addf %add3A_1388, %add3A_1473 : vector<16xf32>
        %get3A_1475 = arith.index_cast %add3A_1422 : i32 to index
        %get3A_1476 = arith.constant 80 : index
        %get3A_1477 = tpu.vector_load %arg16[%get3A_1475, %get3A_1476] {strides = array<i32>} : memref<384x128xf32, #tpu.memory_space<vmem>>, vector<16xf32>,
        %get3A_1478 = arith.index_cast %add3A_1424 : i32 to index
        %get3A_1479 = arith.constant 80 : index
        %get3A_1480 = tpu.vector_load %arg16[%get3A_1478, %get3A_1479] {strides = array<i32>} : memref<384x128xf32, #tpu.memory_space<vmem>>, vector<16xf32>,
        %sub3A_1481 = arith.subf %get3A_1480, %get3A_1477 : vector<16xf32>
        %mul3A_1482 = arith.mulf %sub3A_1481, %gather3A_1420 : vector<16xf32>
        %add3A_1483 = arith.addf %mul3A_1482, %get3A_1477 : vector<16xf32>
        %add3A_1484 = arith.addf %add3A_1398, %add3A_1483 : vector<16xf32>
        %get3A_1485 = arith.index_cast %add3A_1422 : i32 to index
        %get3A_1486 = arith.constant 84 : index
        %get3A_1487 = tpu.vector_load %arg16[%get3A_1485, %get3A_1486] {strides = array<i32>} : memref<384x128xf32, #tpu.memory_space<vmem>>, vector<16xf32>,
        %get3A_1488 = arith.index_cast %add3A_1424 : i32 to index
        %get3A_1489 = arith.constant 84 : index
        %get3A_1490 = tpu.vector_load %arg16[%get3A_1488, %get3A_1489] {strides = array<i32>} : memref<384x128xf32, #tpu.memory_space<vmem>>, vector<16xf32>,
        %sub3A_1491 = arith.subf %get3A_1490, %get3A_1487 : vector<16xf32>
        %mul3A_1492 = arith.mulf %sub3A_1491, %gather3A_1420 : vector<16xf32>
        %add3A_1493 = arith.addf %mul3A_1492, %get3A_1487 : vector<16xf32>
        %add3A_1494 = arith.addf %add3A_1408, %add3A_1493 : vector<16xf32>
        %broadcast_in_dim3A_1495 = arith.constant 3 : i32
        %broadcast_in_dim3A_1496 = vector.broadcast %broadcast_in_dim3A_1495 : i32 to vector<16xi32>
        %lt3A_1497 = arith.constant 0 : i32
        %lt3A_1498 = vector.broadcast %lt3A_1497 : i32 to vector<16xi32>
        %lt3A_1499 = arith.cmpi slt, %broadcast_in_dim3A_1496, %lt3A_1498 : vector<16xi32>
        %add3A_1500 = arith.constant 16 : i32
        %add3A_1501 = vector.broadcast %add3A_1500 : i32 to vector<16xi32>
        %add3A_1502 = arith.addi %broadcast_in_dim3A_1496, %add3A_1501 : vector<16xi32>
        %select_n3A_1503 = arith.select %lt3A_1499, %add3A_1502, %broadcast_in_dim3A_1496 : vector<16xi1>, vector<16xi32>
        %broadcast_in_dim3A_1504 = vector.shape_cast %select_n3A_1503 : vector<16xi32> to vector<16x1xi32>
        %gather3A_1505 = vector.shape_cast %broadcast_in_dim3A_1504 : vector<16x1xi32> to vector<16xi32>
        %gather3A_1506 = tpu.dynamic_gather %gather3A_1244[%gather3A_1505] in [0] : vector<16xf32>, vector<16xi32> -> vector<16xf32>
        %add3A_1507 = arith.constant 96 : i32
        %add3A_1508 = arith.addi %add3A_1507, %scan3A_1238 : i32
        %add3A_1509 = arith.constant 16 : i32
        %add3A_1510 = arith.addi %add3A_1508, %add3A_1509 : i32
        %get3A_1511 = arith.index_cast %add3A_1508 : i32 to index
        %get3A_1512 = arith.constant 0 : index
        %get3A_1513 = tpu.vector_load %arg16[%get3A_1511, %get3A_1512] {strides = array<i32>} : memref<384x128xf32, #tpu.memory_space<vmem>>, vector<16xf32>,
        %get3A_1514 = arith.index_cast %add3A_1510 : i32 to index
        %get3A_1515 = arith.constant 0 : index
        %get3A_1516 = tpu.vector_load %arg16[%get3A_1514, %get3A_1515] {strides = array<i32>} : memref<384x128xf32, #tpu.memory_space<vmem>>, vector<16xf32>,
        %sub3A_1517 = arith.subf %get3A_1516, %get3A_1513 : vector<16xf32>
        %mul3A_1518 = arith.mulf %sub3A_1517, %gather3A_1506 : vector<16xf32>
        %add3A_1519 = arith.addf %mul3A_1518, %get3A_1513 : vector<16xf32>
        %add3A_1520 = arith.addf %add3A_1434, %add3A_1519 : vector<16xf32>
        %get3A_1521 = arith.index_cast %add3A_1508 : i32 to index
        %get3A_1522 = arith.constant 16 : index
        %get3A_1523 = tpu.vector_load %arg16[%get3A_1521, %get3A_1522] {strides = array<i32>} : memref<384x128xf32, #tpu.memory_space<vmem>>, vector<16xf32>,
        %get3A_1524 = arith.index_cast %add3A_1510 : i32 to index
        %get3A_1525 = arith.constant 16 : index
        %get3A_1526 = tpu.vector_load %arg16[%get3A_1524, %get3A_1525] {strides = array<i32>} : memref<384x128xf32, #tpu.memory_space<vmem>>, vector<16xf32>,
        %sub3A_1527 = arith.subf %get3A_1526, %get3A_1523 : vector<16xf32>
        %mul3A_1528 = arith.mulf %sub3A_1527, %gather3A_1506 : vector<16xf32>
        %add3A_1529 = arith.addf %mul3A_1528, %get3A_1523 : vector<16xf32>
        %add3A_1530 = arith.addf %add3A_1444, %add3A_1529 : vector<16xf32>
        %get3A_1531 = arith.index_cast %add3A_1508 : i32 to index
        %get3A_1532 = arith.constant 32 : index
        %get3A_1533 = tpu.vector_load %arg16[%get3A_1531, %get3A_1532] {strides = array<i32>} : memref<384x128xf32, #tpu.memory_space<vmem>>, vector<16xf32>,
        %get3A_1534 = arith.index_cast %add3A_1510 : i32 to index
        %get3A_1535 = arith.constant 32 : index
        %get3A_1536 = tpu.vector_load %arg16[%get3A_1534, %get3A_1535] {strides = array<i32>} : memref<384x128xf32, #tpu.memory_space<vmem>>, vector<16xf32>,
        %sub3A_1537 = arith.subf %get3A_1536, %get3A_1533 : vector<16xf32>
        %mul3A_1538 = arith.mulf %sub3A_1537, %gather3A_1506 : vector<16xf32>
        %add3A_1539 = arith.addf %mul3A_1538, %get3A_1533 : vector<16xf32>
        %add3A_1540 = arith.addf %add3A_1454, %add3A_1539 : vector<16xf32>
        %get3A_1541 = arith.index_cast %add3A_1508 : i32 to index
        %get3A_1542 = arith.constant 48 : index
        %get3A_1543 = tpu.vector_load %arg16[%get3A_1541, %get3A_1542] {strides = array<i32>} : memref<384x128xf32, #tpu.memory_space<vmem>>, vector<16xf32>,
        %get3A_1544 = arith.index_cast %add3A_1510 : i32 to index
        %get3A_1545 = arith.constant 48 : index
        %get3A_1546 = tpu.vector_load %arg16[%get3A_1544, %get3A_1545] {strides = array<i32>} : memref<384x128xf32, #tpu.memory_space<vmem>>, vector<16xf32>,
        %sub3A_1547 = arith.subf %get3A_1546, %get3A_1543 : vector<16xf32>
        %mul3A_1548 = arith.mulf %sub3A_1547, %gather3A_1506 : vector<16xf32>
        %add3A_1549 = arith.addf %mul3A_1548, %get3A_1543 : vector<16xf32>
        %add3A_1550 = arith.addf %add3A_1464, %add3A_1549 : vector<16xf32>
        %get3A_1551 = arith.index_cast %add3A_1508 : i32 to index
        %get3A_1552 = arith.constant 64 : index
        %get3A_1553 = tpu.vector_load %arg16[%get3A_1551, %get3A_1552] {strides = array<i32>} : memref<384x128xf32, #tpu.memory_space<vmem>>, vector<16xf32>,
        %get3A_1554 = arith.index_cast %add3A_1510 : i32 to index
        %get3A_1555 = arith.constant 64 : index
        %get3A_1556 = tpu.vector_load %arg16[%get3A_1554, %get3A_1555] {strides = array<i32>} : memref<384x128xf32, #tpu.memory_space<vmem>>, vector<16xf32>,
        %sub3A_1557 = arith.subf %get3A_1556, %get3A_1553 : vector<16xf32>
        %mul3A_1558 = arith.mulf %sub3A_1557, %gather3A_1506 : vector<16xf32>
        %add3A_1559 = arith.addf %mul3A_1558, %get3A_1553 : vector<16xf32>
        %add3A_1560 = arith.addf %add3A_1474, %add3A_1559 : vector<16xf32>
        %get3A_1561 = arith.index_cast %add3A_1508 : i32 to index
        %get3A_1562 = arith.constant 80 : index
        %get3A_1563 = tpu.vector_load %arg16[%get3A_1561, %get3A_1562] {strides = array<i32>} : memref<384x128xf32, #tpu.memory_space<vmem>>, vector<16xf32>,
        %get3A_1564 = arith.index_cast %add3A_1510 : i32 to index
        %get3A_1565 = arith.constant 80 : index
        %get3A_1566 = tpu.vector_load %arg16[%get3A_1564, %get3A_1565] {strides = array<i32>} : memref<384x128xf32, #tpu.memory_space<vmem>>, vector<16xf32>,
        %sub3A_1567 = arith.subf %get3A_1566, %get3A_1563 : vector<16xf32>
        %mul3A_1568 = arith.mulf %sub3A_1567, %gather3A_1506 : vector<16xf32>
        %add3A_1569 = arith.addf %mul3A_1568, %get3A_1563 : vector<16xf32>
        %add3A_1570 = arith.addf %add3A_1484, %add3A_1569 : vector<16xf32>
        %get3A_1571 = arith.index_cast %add3A_1508 : i32 to index
        %get3A_1572 = arith.constant 84 : index
        %get3A_1573 = tpu.vector_load %arg16[%get3A_1571, %get3A_1572] {strides = array<i32>} : memref<384x128xf32, #tpu.memory_space<vmem>>, vector<16xf32>,
        %get3A_1574 = arith.index_cast %add3A_1510 : i32 to index
        %get3A_1575 = arith.constant 84 : index
        %get3A_1576 = tpu.vector_load %arg16[%get3A_1574, %get3A_1575] {strides = array<i32>} : memref<384x128xf32, #tpu.memory_space<vmem>>, vector<16xf32>,
        %sub3A_1577 = arith.subf %get3A_1576, %get3A_1573 : vector<16xf32>
        %mul3A_1578 = arith.mulf %sub3A_1577, %gather3A_1506 : vector<16xf32>
        %add3A_1579 = arith.addf %mul3A_1578, %get3A_1573 : vector<16xf32>
        %add3A_1580 = arith.addf %add3A_1494, %add3A_1579 : vector<16xf32>
        %broadcast_in_dim3A_1581 = arith.constant 4 : i32
        %broadcast_in_dim3A_1582 = vector.broadcast %broadcast_in_dim3A_1581 : i32 to vector<16xi32>
        %lt3A_1583 = arith.constant 0 : i32
        %lt3A_1584 = vector.broadcast %lt3A_1583 : i32 to vector<16xi32>
        %lt3A_1585 = arith.cmpi slt, %broadcast_in_dim3A_1582, %lt3A_1584 : vector<16xi32>
        %add3A_1586 = arith.constant 16 : i32
        %add3A_1587 = vector.broadcast %add3A_1586 : i32 to vector<16xi32>
        %add3A_1588 = arith.addi %broadcast_in_dim3A_1582, %add3A_1587 : vector<16xi32>
        %select_n3A_1589 = arith.select %lt3A_1585, %add3A_1588, %broadcast_in_dim3A_1582 : vector<16xi1>, vector<16xi32>
        %broadcast_in_dim3A_1590 = vector.shape_cast %select_n3A_1589 : vector<16xi32> to vector<16x1xi32>
        %gather3A_1591 = vector.shape_cast %broadcast_in_dim3A_1590 : vector<16x1xi32> to vector<16xi32>
        %gather3A_1592 = tpu.dynamic_gather %gather3A_1244[%gather3A_1591] in [0] : vector<16xf32>, vector<16xi32> -> vector<16xf32>
        %add3A_1593 = arith.constant 128 : i32
        %add3A_1594 = arith.addi %add3A_1593, %scan3A_1238 : i32
        %add3A_1595 = arith.constant 16 : i32
        %add3A_1596 = arith.addi %add3A_1594, %add3A_1595 : i32
        %get3A_1597 = arith.index_cast %add3A_1594 : i32 to index
        %get3A_1598 = arith.constant 0 : index
        %get3A_1599 = tpu.vector_load %arg16[%get3A_1597, %get3A_1598] {strides = array<i32>} : memref<384x128xf32, #tpu.memory_space<vmem>>, vector<16xf32>,
        %get3A_1600 = arith.index_cast %add3A_1596 : i32 to index
        %get3A_1601 = arith.constant 0 : index
        %get3A_1602 = tpu.vector_load %arg16[%get3A_1600, %get3A_1601] {strides = array<i32>} : memref<384x128xf32, #tpu.memory_space<vmem>>, vector<16xf32>,
        %sub3A_1603 = arith.subf %get3A_1602, %get3A_1599 : vector<16xf32>
        %mul3A_1604 = arith.mulf %sub3A_1603, %gather3A_1592 : vector<16xf32>
        %add3A_1605 = arith.addf %mul3A_1604, %get3A_1599 : vector<16xf32>
        %add3A_1606 = arith.addf %add3A_1520, %add3A_1605 : vector<16xf32>
        %get3A_1607 = arith.index_cast %add3A_1594 : i32 to index
        %get3A_1608 = arith.constant 16 : index
        %get3A_1609 = tpu.vector_load %arg16[%get3A_1607, %get3A_1608] {strides = array<i32>} : memref<384x128xf32, #tpu.memory_space<vmem>>, vector<16xf32>,
        %get3A_1610 = arith.index_cast %add3A_1596 : i32 to index
        %get3A_1611 = arith.constant 16 : index
        %get3A_1612 = tpu.vector_load %arg16[%get3A_1610, %get3A_1611] {strides = array<i32>} : memref<384x128xf32, #tpu.memory_space<vmem>>, vector<16xf32>,
        %sub3A_1613 = arith.subf %get3A_1612, %get3A_1609 : vector<16xf32>
        %mul3A_1614 = arith.mulf %sub3A_1613, %gather3A_1592 : vector<16xf32>
        %add3A_1615 = arith.addf %mul3A_1614, %get3A_1609 : vector<16xf32>
        %add3A_1616 = arith.addf %add3A_1530, %add3A_1615 : vector<16xf32>
        %get3A_1617 = arith.index_cast %add3A_1594 : i32 to index
        %get3A_1618 = arith.constant 32 : index
        %get3A_1619 = tpu.vector_load %arg16[%get3A_1617, %get3A_1618] {strides = array<i32>} : memref<384x128xf32, #tpu.memory_space<vmem>>, vector<16xf32>,
        %get3A_1620 = arith.index_cast %add3A_1596 : i32 to index
        %get3A_1621 = arith.constant 32 : index
        %get3A_1622 = tpu.vector_load %arg16[%get3A_1620, %get3A_1621] {strides = array<i32>} : memref<384x128xf32, #tpu.memory_space<vmem>>, vector<16xf32>,
        %sub3A_1623 = arith.subf %get3A_1622, %get3A_1619 : vector<16xf32>
        %mul3A_1624 = arith.mulf %sub3A_1623, %gather3A_1592 : vector<16xf32>
        %add3A_1625 = arith.addf %mul3A_1624, %get3A_1619 : vector<16xf32>
        %add3A_1626 = arith.addf %add3A_1540, %add3A_1625 : vector<16xf32>
        %get3A_1627 = arith.index_cast %add3A_1594 : i32 to index
        %get3A_1628 = arith.constant 48 : index
        %get3A_1629 = tpu.vector_load %arg16[%get3A_1627, %get3A_1628] {strides = array<i32>} : memref<384x128xf32, #tpu.memory_space<vmem>>, vector<16xf32>,
        %get3A_1630 = arith.index_cast %add3A_1596 : i32 to index
        %get3A_1631 = arith.constant 48 : index
        %get3A_1632 = tpu.vector_load %arg16[%get3A_1630, %get3A_1631] {strides = array<i32>} : memref<384x128xf32, #tpu.memory_space<vmem>>, vector<16xf32>,
        %sub3A_1633 = arith.subf %get3A_1632, %get3A_1629 : vector<16xf32>
        %mul3A_1634 = arith.mulf %sub3A_1633, %gather3A_1592 : vector<16xf32>
        %add3A_1635 = arith.addf %mul3A_1634, %get3A_1629 : vector<16xf32>
        %add3A_1636 = arith.addf %add3A_1550, %add3A_1635 : vector<16xf32>
        %get3A_1637 = arith.index_cast %add3A_1594 : i32 to index
        %get3A_1638 = arith.constant 64 : index
        %get3A_1639 = tpu.vector_load %arg16[%get3A_1637, %get3A_1638] {strides = array<i32>} : memref<384x128xf32, #tpu.memory_space<vmem>>, vector<16xf32>,
        %get3A_1640 = arith.index_cast %add3A_1596 : i32 to index
        %get3A_1641 = arith.constant 64 : index
        %get3A_1642 = tpu.vector_load %arg16[%get3A_1640, %get3A_1641] {strides = array<i32>} : memref<384x128xf32, #tpu.memory_space<vmem>>, vector<16xf32>,
        %sub3A_1643 = arith.subf %get3A_1642, %get3A_1639 : vector<16xf32>
        %mul3A_1644 = arith.mulf %sub3A_1643, %gather3A_1592 : vector<16xf32>
        %add3A_1645 = arith.addf %mul3A_1644, %get3A_1639 : vector<16xf32>
        %add3A_1646 = arith.addf %add3A_1560, %add3A_1645 : vector<16xf32>
        %get3A_1647 = arith.index_cast %add3A_1594 : i32 to index
        %get3A_1648 = arith.constant 80 : index
        %get3A_1649 = tpu.vector_load %arg16[%get3A_1647, %get3A_1648] {strides = array<i32>} : memref<384x128xf32, #tpu.memory_space<vmem>>, vector<16xf32>,
        %get3A_1650 = arith.index_cast %add3A_1596 : i32 to index
        %get3A_1651 = arith.constant 80 : index
        %get3A_1652 = tpu.vector_load %arg16[%get3A_1650, %get3A_1651] {strides = array<i32>} : memref<384x128xf32, #tpu.memory_space<vmem>>, vector<16xf32>,
        %sub3A_1653 = arith.subf %get3A_1652, %get3A_1649 : vector<16xf32>
        %mul3A_1654 = arith.mulf %sub3A_1653, %gather3A_1592 : vector<16xf32>
        %add3A_1655 = arith.addf %mul3A_1654, %get3A_1649 : vector<16xf32>
        %add3A_1656 = arith.addf %add3A_1570, %add3A_1655 : vector<16xf32>
        %get3A_1657 = arith.index_cast %add3A_1594 : i32 to index
        %get3A_1658 = arith.constant 84 : index
        %get3A_1659 = tpu.vector_load %arg16[%get3A_1657, %get3A_1658] {strides = array<i32>} : memref<384x128xf32, #tpu.memory_space<vmem>>, vector<16xf32>,
        %get3A_1660 = arith.index_cast %add3A_1596 : i32 to index
        %get3A_1661 = arith.constant 84 : index
        %get3A_1662 = tpu.vector_load %arg16[%get3A_1660, %get3A_1661] {strides = array<i32>} : memref<384x128xf32, #tpu.memory_space<vmem>>, vector<16xf32>,
        %sub3A_1663 = arith.subf %get3A_1662, %get3A_1659 : vector<16xf32>
        %mul3A_1664 = arith.mulf %sub3A_1663, %gather3A_1592 : vector<16xf32>
        %add3A_1665 = arith.addf %mul3A_1664, %get3A_1659 : vector<16xf32>
        %add3A_1666 = arith.addf %add3A_1580, %add3A_1665 : vector<16xf32>
        %broadcast_in_dim3A_1667 = arith.constant 5 : i32
        %broadcast_in_dim3A_1668 = vector.broadcast %broadcast_in_dim3A_1667 : i32 to vector<16xi32>
        %lt3A_1669 = arith.constant 0 : i32
        %lt3A_1670 = vector.broadcast %lt3A_1669 : i32 to vector<16xi32>
        %lt3A_1671 = arith.cmpi slt, %broadcast_in_dim3A_1668, %lt3A_1670 : vector<16xi32>
        %add3A_1672 = arith.constant 16 : i32
        %add3A_1673 = vector.broadcast %add3A_1672 : i32 to vector<16xi32>
        %add3A_1674 = arith.addi %broadcast_in_dim3A_1668, %add3A_1673 : vector<16xi32>
        %select_n3A_1675 = arith.select %lt3A_1671, %add3A_1674, %broadcast_in_dim3A_1668 : vector<16xi1>, vector<16xi32>
        %broadcast_in_dim3A_1676 = vector.shape_cast %select_n3A_1675 : vector<16xi32> to vector<16x1xi32>
        %gather3A_1677 = vector.shape_cast %broadcast_in_dim3A_1676 : vector<16x1xi32> to vector<16xi32>
        %gather3A_1678 = tpu.dynamic_gather %gather3A_1244[%gather3A_1677] in [0] : vector<16xf32>, vector<16xi32> -> vector<16xf32>
        %add3A_1679 = arith.constant 160 : i32
        %add3A_1680 = arith.addi %add3A_1679, %scan3A_1238 : i32
        %add3A_1681 = arith.constant 16 : i32
        %add3A_1682 = arith.addi %add3A_1680, %add3A_1681 : i32
        %get3A_1683 = arith.index_cast %add3A_1680 : i32 to index
        %get3A_1684 = arith.constant 0 : index
        %get3A_1685 = tpu.vector_load %arg16[%get3A_1683, %get3A_1684] {strides = array<i32>} : memref<384x128xf32, #tpu.memory_space<vmem>>, vector<16xf32>,
        %get3A_1686 = arith.index_cast %add3A_1682 : i32 to index
        %get3A_1687 = arith.constant 0 : index
        %get3A_1688 = tpu.vector_load %arg16[%get3A_1686, %get3A_1687] {strides = array<i32>} : memref<384x128xf32, #tpu.memory_space<vmem>>, vector<16xf32>,
        %sub3A_1689 = arith.subf %get3A_1688, %get3A_1685 : vector<16xf32>
        %mul3A_1690 = arith.mulf %sub3A_1689, %gather3A_1678 : vector<16xf32>
        %add3A_1691 = arith.addf %mul3A_1690, %get3A_1685 : vector<16xf32>
        %add3A_1692 = arith.addf %add3A_1606, %add3A_1691 : vector<16xf32>
        %get3A_1693 = arith.index_cast %add3A_1680 : i32 to index
        %get3A_1694 = arith.constant 16 : index
        %get3A_1695 = tpu.vector_load %arg16[%get3A_1693, %get3A_1694] {strides = array<i32>} : memref<384x128xf32, #tpu.memory_space<vmem>>, vector<16xf32>,
        %get3A_1696 = arith.index_cast %add3A_1682 : i32 to index
        %get3A_1697 = arith.constant 16 : index
        %get3A_1698 = tpu.vector_load %arg16[%get3A_1696, %get3A_1697] {strides = array<i32>} : memref<384x128xf32, #tpu.memory_space<vmem>>, vector<16xf32>,
        %sub3A_1699 = arith.subf %get3A_1698, %get3A_1695 : vector<16xf32>
        %mul3A_1700 = arith.mulf %sub3A_1699, %gather3A_1678 : vector<16xf32>
        %add3A_1701 = arith.addf %mul3A_1700, %get3A_1695 : vector<16xf32>
        %add3A_1702 = arith.addf %add3A_1616, %add3A_1701 : vector<16xf32>
        %get3A_1703 = arith.index_cast %add3A_1680 : i32 to index
        %get3A_1704 = arith.constant 32 : index
        %get3A_1705 = tpu.vector_load %arg16[%get3A_1703, %get3A_1704] {strides = array<i32>} : memref<384x128xf32, #tpu.memory_space<vmem>>, vector<16xf32>,
        %get3A_1706 = arith.index_cast %add3A_1682 : i32 to index
        %get3A_1707 = arith.constant 32 : index
        %get3A_1708 = tpu.vector_load %arg16[%get3A_1706, %get3A_1707] {strides = array<i32>} : memref<384x128xf32, #tpu.memory_space<vmem>>, vector<16xf32>,
        %sub3A_1709 = arith.subf %get3A_1708, %get3A_1705 : vector<16xf32>
        %mul3A_1710 = arith.mulf %sub3A_1709, %gather3A_1678 : vector<16xf32>
        %add3A_1711 = arith.addf %mul3A_1710, %get3A_1705 : vector<16xf32>
        %add3A_1712 = arith.addf %add3A_1626, %add3A_1711 : vector<16xf32>
        %get3A_1713 = arith.index_cast %add3A_1680 : i32 to index
        %get3A_1714 = arith.constant 48 : index
        %get3A_1715 = tpu.vector_load %arg16[%get3A_1713, %get3A_1714] {strides = array<i32>} : memref<384x128xf32, #tpu.memory_space<vmem>>, vector<16xf32>,
        %get3A_1716 = arith.index_cast %add3A_1682 : i32 to index
        %get3A_1717 = arith.constant 48 : index
        %get3A_1718 = tpu.vector_load %arg16[%get3A_1716, %get3A_1717] {strides = array<i32>} : memref<384x128xf32, #tpu.memory_space<vmem>>, vector<16xf32>,
        %sub3A_1719 = arith.subf %get3A_1718, %get3A_1715 : vector<16xf32>
        %mul3A_1720 = arith.mulf %sub3A_1719, %gather3A_1678 : vector<16xf32>
        %add3A_1721 = arith.addf %mul3A_1720, %get3A_1715 : vector<16xf32>
        %add3A_1722 = arith.addf %add3A_1636, %add3A_1721 : vector<16xf32>
        %get3A_1723 = arith.index_cast %add3A_1680 : i32 to index
        %get3A_1724 = arith.constant 64 : index
        %get3A_1725 = tpu.vector_load %arg16[%get3A_1723, %get3A_1724] {strides = array<i32>} : memref<384x128xf32, #tpu.memory_space<vmem>>, vector<16xf32>,
        %get3A_1726 = arith.index_cast %add3A_1682 : i32 to index
        %get3A_1727 = arith.constant 64 : index
        %get3A_1728 = tpu.vector_load %arg16[%get3A_1726, %get3A_1727] {strides = array<i32>} : memref<384x128xf32, #tpu.memory_space<vmem>>, vector<16xf32>,
        %sub3A_1729 = arith.subf %get3A_1728, %get3A_1725 : vector<16xf32>
        %mul3A_1730 = arith.mulf %sub3A_1729, %gather3A_1678 : vector<16xf32>
        %add3A_1731 = arith.addf %mul3A_1730, %get3A_1725 : vector<16xf32>
        %add3A_1732 = arith.addf %add3A_1646, %add3A_1731 : vector<16xf32>
        %get3A_1733 = arith.index_cast %add3A_1680 : i32 to index
        %get3A_1734 = arith.constant 80 : index
        %get3A_1735 = tpu.vector_load %arg16[%get3A_1733, %get3A_1734] {strides = array<i32>} : memref<384x128xf32, #tpu.memory_space<vmem>>, vector<16xf32>,
        %get3A_1736 = arith.index_cast %add3A_1682 : i32 to index
        %get3A_1737 = arith.constant 80 : index
        %get3A_1738 = tpu.vector_load %arg16[%get3A_1736, %get3A_1737] {strides = array<i32>} : memref<384x128xf32, #tpu.memory_space<vmem>>, vector<16xf32>,
        %sub3A_1739 = arith.subf %get3A_1738, %get3A_1735 : vector<16xf32>
        %mul3A_1740 = arith.mulf %sub3A_1739, %gather3A_1678 : vector<16xf32>
        %add3A_1741 = arith.addf %mul3A_1740, %get3A_1735 : vector<16xf32>
        %add3A_1742 = arith.addf %add3A_1656, %add3A_1741 : vector<16xf32>
        %get3A_1743 = arith.index_cast %add3A_1680 : i32 to index
        %get3A_1744 = arith.constant 84 : index
        %get3A_1745 = tpu.vector_load %arg16[%get3A_1743, %get3A_1744] {strides = array<i32>} : memref<384x128xf32, #tpu.memory_space<vmem>>, vector<16xf32>,
        %get3A_1746 = arith.index_cast %add3A_1682 : i32 to index
        %get3A_1747 = arith.constant 84 : index
        %get3A_1748 = tpu.vector_load %arg16[%get3A_1746, %get3A_1747] {strides = array<i32>} : memref<384x128xf32, #tpu.memory_space<vmem>>, vector<16xf32>,
        %sub3A_1749 = arith.subf %get3A_1748, %get3A_1745 : vector<16xf32>
        %mul3A_1750 = arith.mulf %sub3A_1749, %gather3A_1678 : vector<16xf32>
        %add3A_1751 = arith.addf %mul3A_1750, %get3A_1745 : vector<16xf32>
        %add3A_1752 = arith.addf %add3A_1666, %add3A_1751 : vector<16xf32>
        %broadcast_in_dim3A_1753 = arith.constant 6 : i32
        %broadcast_in_dim3A_1754 = vector.broadcast %broadcast_in_dim3A_1753 : i32 to vector<16xi32>
        %lt3A_1755 = arith.constant 0 : i32
        %lt3A_1756 = vector.broadcast %lt3A_1755 : i32 to vector<16xi32>
        %lt3A_1757 = arith.cmpi slt, %broadcast_in_dim3A_1754, %lt3A_1756 : vector<16xi32>
        %add3A_1758 = arith.constant 16 : i32
        %add3A_1759 = vector.broadcast %add3A_1758 : i32 to vector<16xi32>
        %add3A_1760 = arith.addi %broadcast_in_dim3A_1754, %add3A_1759 : vector<16xi32>
        %select_n3A_1761 = arith.select %lt3A_1757, %add3A_1760, %broadcast_in_dim3A_1754 : vector<16xi1>, vector<16xi32>
        %broadcast_in_dim3A_1762 = vector.shape_cast %select_n3A_1761 : vector<16xi32> to vector<16x1xi32>
        %gather3A_1763 = vector.shape_cast %broadcast_in_dim3A_1762 : vector<16x1xi32> to vector<16xi32>
        %gather3A_1764 = tpu.dynamic_gather %gather3A_1244[%gather3A_1763] in [0] : vector<16xf32>, vector<16xi32> -> vector<16xf32>
        %add3A_1765 = arith.constant 192 : i32
        %add3A_1766 = arith.addi %add3A_1765, %scan3A_1238 : i32
        %add3A_1767 = arith.constant 16 : i32
        %add3A_1768 = arith.addi %add3A_1766, %add3A_1767 : i32
        %get3A_1769 = arith.index_cast %add3A_1766 : i32 to index
        %get3A_1770 = arith.constant 0 : index
        %get3A_1771 = tpu.vector_load %arg16[%get3A_1769, %get3A_1770] {strides = array<i32>} : memref<384x128xf32, #tpu.memory_space<vmem>>, vector<16xf32>,
        %get3A_1772 = arith.index_cast %add3A_1768 : i32 to index
        %get3A_1773 = arith.constant 0 : index
        %get3A_1774 = tpu.vector_load %arg16[%get3A_1772, %get3A_1773] {strides = array<i32>} : memref<384x128xf32, #tpu.memory_space<vmem>>, vector<16xf32>,
        %sub3A_1775 = arith.subf %get3A_1774, %get3A_1771 : vector<16xf32>
        %mul3A_1776 = arith.mulf %sub3A_1775, %gather3A_1764 : vector<16xf32>
        %add3A_1777 = arith.addf %mul3A_1776, %get3A_1771 : vector<16xf32>
        %add3A_1778 = arith.addf %add3A_1692, %add3A_1777 : vector<16xf32>
        %get3A_1779 = arith.index_cast %add3A_1766 : i32 to index
        %get3A_1780 = arith.constant 16 : index
        %get3A_1781 = tpu.vector_load %arg16[%get3A_1779, %get3A_1780] {strides = array<i32>} : memref<384x128xf32, #tpu.memory_space<vmem>>, vector<16xf32>,
        %get3A_1782 = arith.index_cast %add3A_1768 : i32 to index
        %get3A_1783 = arith.constant 16 : index
        %get3A_1784 = tpu.vector_load %arg16[%get3A_1782, %get3A_1783] {strides = array<i32>} : memref<384x128xf32, #tpu.memory_space<vmem>>, vector<16xf32>,
        %sub3A_1785 = arith.subf %get3A_1784, %get3A_1781 : vector<16xf32>
        %mul3A_1786 = arith.mulf %sub3A_1785, %gather3A_1764 : vector<16xf32>
        %add3A_1787 = arith.addf %mul3A_1786, %get3A_1781 : vector<16xf32>
        %add3A_1788 = arith.addf %add3A_1702, %add3A_1787 : vector<16xf32>
        %get3A_1789 = arith.index_cast %add3A_1766 : i32 to index
        %get3A_1790 = arith.constant 32 : index
        %get3A_1791 = tpu.vector_load %arg16[%get3A_1789, %get3A_1790] {strides = array<i32>} : memref<384x128xf32, #tpu.memory_space<vmem>>, vector<16xf32>,
        %get3A_1792 = arith.index_cast %add3A_1768 : i32 to index
        %get3A_1793 = arith.constant 32 : index
        %get3A_1794 = tpu.vector_load %arg16[%get3A_1792, %get3A_1793] {strides = array<i32>} : memref<384x128xf32, #tpu.memory_space<vmem>>, vector<16xf32>,
        %sub3A_1795 = arith.subf %get3A_1794, %get3A_1791 : vector<16xf32>
        %mul3A_1796 = arith.mulf %sub3A_1795, %gather3A_1764 : vector<16xf32>
        %add3A_1797 = arith.addf %mul3A_1796, %get3A_1791 : vector<16xf32>
        %add3A_1798 = arith.addf %add3A_1712, %add3A_1797 : vector<16xf32>
        %get3A_1799 = arith.index_cast %add3A_1766 : i32 to index
        %get3A_1800 = arith.constant 48 : index
        %get3A_1801 = tpu.vector_load %arg16[%get3A_1799, %get3A_1800] {strides = array<i32>} : memref<384x128xf32, #tpu.memory_space<vmem>>, vector<16xf32>,
        %get3A_1802 = arith.index_cast %add3A_1768 : i32 to index
        %get3A_1803 = arith.constant 48 : index
        %get3A_1804 = tpu.vector_load %arg16[%get3A_1802, %get3A_1803] {strides = array<i32>} : memref<384x128xf32, #tpu.memory_space<vmem>>, vector<16xf32>,
        %sub3A_1805 = arith.subf %get3A_1804, %get3A_1801 : vector<16xf32>
        %mul3A_1806 = arith.mulf %sub3A_1805, %gather3A_1764 : vector<16xf32>
        %add3A_1807 = arith.addf %mul3A_1806, %get3A_1801 : vector<16xf32>
        %add3A_1808 = arith.addf %add3A_1722, %add3A_1807 : vector<16xf32>
        %get3A_1809 = arith.index_cast %add3A_1766 : i32 to index
        %get3A_1810 = arith.constant 64 : index
        %get3A_1811 = tpu.vector_load %arg16[%get3A_1809, %get3A_1810] {strides = array<i32>} : memref<384x128xf32, #tpu.memory_space<vmem>>, vector<16xf32>,
        %get3A_1812 = arith.index_cast %add3A_1768 : i32 to index
        %get3A_1813 = arith.constant 64 : index
        %get3A_1814 = tpu.vector_load %arg16[%get3A_1812, %get3A_1813] {strides = array<i32>} : memref<384x128xf32, #tpu.memory_space<vmem>>, vector<16xf32>,
        %sub3A_1815 = arith.subf %get3A_1814, %get3A_1811 : vector<16xf32>
        %mul3A_1816 = arith.mulf %sub3A_1815, %gather3A_1764 : vector<16xf32>
        %add3A_1817 = arith.addf %mul3A_1816, %get3A_1811 : vector<16xf32>
        %add3A_1818 = arith.addf %add3A_1732, %add3A_1817 : vector<16xf32>
        %get3A_1819 = arith.index_cast %add3A_1766 : i32 to index
        %get3A_1820 = arith.constant 80 : index
        %get3A_1821 = tpu.vector_load %arg16[%get3A_1819, %get3A_1820] {strides = array<i32>} : memref<384x128xf32, #tpu.memory_space<vmem>>, vector<16xf32>,
        %get3A_1822 = arith.index_cast %add3A_1768 : i32 to index
        %get3A_1823 = arith.constant 80 : index
        %get3A_1824 = tpu.vector_load %arg16[%get3A_1822, %get3A_1823] {strides = array<i32>} : memref<384x128xf32, #tpu.memory_space<vmem>>, vector<16xf32>,
        %sub3A_1825 = arith.subf %get3A_1824, %get3A_1821 : vector<16xf32>
        %mul3A_1826 = arith.mulf %sub3A_1825, %gather3A_1764 : vector<16xf32>
        %add3A_1827 = arith.addf %mul3A_1826, %get3A_1821 : vector<16xf32>
        %add3A_1828 = arith.addf %add3A_1742, %add3A_1827 : vector<16xf32>
        %get3A_1829 = arith.index_cast %add3A_1766 : i32 to index
        %get3A_1830 = arith.constant 84 : index
        %get3A_1831 = tpu.vector_load %arg16[%get3A_1829, %get3A_1830] {strides = array<i32>} : memref<384x128xf32, #tpu.memory_space<vmem>>, vector<16xf32>,
        %get3A_1832 = arith.index_cast %add3A_1768 : i32 to index
        %get3A_1833 = arith.constant 84 : index
        %get3A_1834 = tpu.vector_load %arg16[%get3A_1832, %get3A_1833] {strides = array<i32>} : memref<384x128xf32, #tpu.memory_space<vmem>>, vector<16xf32>,
        %sub3A_1835 = arith.subf %get3A_1834, %get3A_1831 : vector<16xf32>
        %mul3A_1836 = arith.mulf %sub3A_1835, %gather3A_1764 : vector<16xf32>
        %add3A_1837 = arith.addf %mul3A_1836, %get3A_1831 : vector<16xf32>
        %add3A_1838 = arith.addf %add3A_1752, %add3A_1837 : vector<16xf32>
        %broadcast_in_dim3A_1839 = arith.constant 7 : i32
        %broadcast_in_dim3A_1840 = vector.broadcast %broadcast_in_dim3A_1839 : i32 to vector<16xi32>
        %lt3A_1841 = arith.constant 0 : i32
        %lt3A_1842 = vector.broadcast %lt3A_1841 : i32 to vector<16xi32>
        %lt3A_1843 = arith.cmpi slt, %broadcast_in_dim3A_1840, %lt3A_1842 : vector<16xi32>
        %add3A_1844 = arith.constant 16 : i32
        %add3A_1845 = vector.broadcast %add3A_1844 : i32 to vector<16xi32>
        %add3A_1846 = arith.addi %broadcast_in_dim3A_1840, %add3A_1845 : vector<16xi32>
        %select_n3A_1847 = arith.select %lt3A_1843, %add3A_1846, %broadcast_in_dim3A_1840 : vector<16xi1>, vector<16xi32>
        %broadcast_in_dim3A_1848 = vector.shape_cast %select_n3A_1847 : vector<16xi32> to vector<16x1xi32>
        %gather3A_1849 = vector.shape_cast %broadcast_in_dim3A_1848 : vector<16x1xi32> to vector<16xi32>
        %gather3A_1850 = tpu.dynamic_gather %gather3A_1244[%gather3A_1849] in [0] : vector<16xf32>, vector<16xi32> -> vector<16xf32>
        %add3A_1851 = arith.constant 224 : i32
        %add3A_1852 = arith.addi %add3A_1851, %scan3A_1238 : i32
        %add3A_1853 = arith.constant 16 : i32
        %add3A_1854 = arith.addi %add3A_1852, %add3A_1853 : i32
        %get3A_1855 = arith.index_cast %add3A_1852 : i32 to index
        %get3A_1856 = arith.constant 0 : index
        %get3A_1857 = tpu.vector_load %arg16[%get3A_1855, %get3A_1856] {strides = array<i32>} : memref<384x128xf32, #tpu.memory_space<vmem>>, vector<16xf32>,
        %get3A_1858 = arith.index_cast %add3A_1854 : i32 to index
        %get3A_1859 = arith.constant 0 : index
        %get3A_1860 = tpu.vector_load %arg16[%get3A_1858, %get3A_1859] {strides = array<i32>} : memref<384x128xf32, #tpu.memory_space<vmem>>, vector<16xf32>,
        %sub3A_1861 = arith.subf %get3A_1860, %get3A_1857 : vector<16xf32>
        %mul3A_1862 = arith.mulf %sub3A_1861, %gather3A_1850 : vector<16xf32>
        %add3A_1863 = arith.addf %mul3A_1862, %get3A_1857 : vector<16xf32>
        %add3A_1864 = arith.addf %add3A_1778, %add3A_1863 : vector<16xf32>
        %get3A_1865 = arith.index_cast %add3A_1852 : i32 to index
        %get3A_1866 = arith.constant 16 : index
        %get3A_1867 = tpu.vector_load %arg16[%get3A_1865, %get3A_1866] {strides = array<i32>} : memref<384x128xf32, #tpu.memory_space<vmem>>, vector<16xf32>,
        %get3A_1868 = arith.index_cast %add3A_1854 : i32 to index
        %get3A_1869 = arith.constant 16 : index
        %get3A_1870 = tpu.vector_load %arg16[%get3A_1868, %get3A_1869] {strides = array<i32>} : memref<384x128xf32, #tpu.memory_space<vmem>>, vector<16xf32>,
        %sub3A_1871 = arith.subf %get3A_1870, %get3A_1867 : vector<16xf32>
        %mul3A_1872 = arith.mulf %sub3A_1871, %gather3A_1850 : vector<16xf32>
        %add3A_1873 = arith.addf %mul3A_1872, %get3A_1867 : vector<16xf32>
        %add3A_1874 = arith.addf %add3A_1788, %add3A_1873 : vector<16xf32>
        %get3A_1875 = arith.index_cast %add3A_1852 : i32 to index
        %get3A_1876 = arith.constant 32 : index
        %get3A_1877 = tpu.vector_load %arg16[%get3A_1875, %get3A_1876] {strides = array<i32>} : memref<384x128xf32, #tpu.memory_space<vmem>>, vector<16xf32>,
        %get3A_1878 = arith.index_cast %add3A_1854 : i32 to index
        %get3A_1879 = arith.constant 32 : index
        %get3A_1880 = tpu.vector_load %arg16[%get3A_1878, %get3A_1879] {strides = array<i32>} : memref<384x128xf32, #tpu.memory_space<vmem>>, vector<16xf32>,
        %sub3A_1881 = arith.subf %get3A_1880, %get3A_1877 : vector<16xf32>
        %mul3A_1882 = arith.mulf %sub3A_1881, %gather3A_1850 : vector<16xf32>
        %add3A_1883 = arith.addf %mul3A_1882, %get3A_1877 : vector<16xf32>
        %add3A_1884 = arith.addf %add3A_1798, %add3A_1883 : vector<16xf32>
        %get3A_1885 = arith.index_cast %add3A_1852 : i32 to index
        %get3A_1886 = arith.constant 48 : index
        %get3A_1887 = tpu.vector_load %arg16[%get3A_1885, %get3A_1886] {strides = array<i32>} : memref<384x128xf32, #tpu.memory_space<vmem>>, vector<16xf32>,
        %get3A_1888 = arith.index_cast %add3A_1854 : i32 to index
        %get3A_1889 = arith.constant 48 : index
        %get3A_1890 = tpu.vector_load %arg16[%get3A_1888, %get3A_1889] {strides = array<i32>} : memref<384x128xf32, #tpu.memory_space<vmem>>, vector<16xf32>,
        %sub3A_1891 = arith.subf %get3A_1890, %get3A_1887 : vector<16xf32>
        %mul3A_1892 = arith.mulf %sub3A_1891, %gather3A_1850 : vector<16xf32>
        %add3A_1893 = arith.addf %mul3A_1892, %get3A_1887 : vector<16xf32>
        %add3A_1894 = arith.addf %add3A_1808, %add3A_1893 : vector<16xf32>
        %get3A_1895 = arith.index_cast %add3A_1852 : i32 to index
        %get3A_1896 = arith.constant 64 : index
        %get3A_1897 = tpu.vector_load %arg16[%get3A_1895, %get3A_1896] {strides = array<i32>} : memref<384x128xf32, #tpu.memory_space<vmem>>, vector<16xf32>,
        %get3A_1898 = arith.index_cast %add3A_1854 : i32 to index
        %get3A_1899 = arith.constant 64 : index
        %get3A_1900 = tpu.vector_load %arg16[%get3A_1898, %get3A_1899] {strides = array<i32>} : memref<384x128xf32, #tpu.memory_space<vmem>>, vector<16xf32>,
        %sub3A_1901 = arith.subf %get3A_1900, %get3A_1897 : vector<16xf32>
        %mul3A_1902 = arith.mulf %sub3A_1901, %gather3A_1850 : vector<16xf32>
        %add3A_1903 = arith.addf %mul3A_1902, %get3A_1897 : vector<16xf32>
        %add3A_1904 = arith.addf %add3A_1818, %add3A_1903 : vector<16xf32>
        %get3A_1905 = arith.index_cast %add3A_1852 : i32 to index
        %get3A_1906 = arith.constant 80 : index
        %get3A_1907 = tpu.vector_load %arg16[%get3A_1905, %get3A_1906] {strides = array<i32>} : memref<384x128xf32, #tpu.memory_space<vmem>>, vector<16xf32>,
        %get3A_1908 = arith.index_cast %add3A_1854 : i32 to index
        %get3A_1909 = arith.constant 80 : index
        %get3A_1910 = tpu.vector_load %arg16[%get3A_1908, %get3A_1909] {strides = array<i32>} : memref<384x128xf32, #tpu.memory_space<vmem>>, vector<16xf32>,
        %sub3A_1911 = arith.subf %get3A_1910, %get3A_1907 : vector<16xf32>
        %mul3A_1912 = arith.mulf %sub3A_1911, %gather3A_1850 : vector<16xf32>
        %add3A_1913 = arith.addf %mul3A_1912, %get3A_1907 : vector<16xf32>
        %add3A_1914 = arith.addf %add3A_1828, %add3A_1913 : vector<16xf32>
        %get3A_1915 = arith.index_cast %add3A_1852 : i32 to index
        %get3A_1916 = arith.constant 84 : index
        %get3A_1917 = tpu.vector_load %arg16[%get3A_1915, %get3A_1916] {strides = array<i32>} : memref<384x128xf32, #tpu.memory_space<vmem>>, vector<16xf32>,
        %get3A_1918 = arith.index_cast %add3A_1854 : i32 to index
        %get3A_1919 = arith.constant 84 : index
        %get3A_1920 = tpu.vector_load %arg16[%get3A_1918, %get3A_1919] {strides = array<i32>} : memref<384x128xf32, #tpu.memory_space<vmem>>, vector<16xf32>,
        %sub3A_1921 = arith.subf %get3A_1920, %get3A_1917 : vector<16xf32>
        %mul3A_1922 = arith.mulf %sub3A_1921, %gather3A_1850 : vector<16xf32>
        %add3A_1923 = arith.addf %mul3A_1922, %get3A_1917 : vector<16xf32>
        %add3A_1924 = arith.addf %add3A_1838, %add3A_1923 : vector<16xf32>
        %broadcast_in_dim3A_1925 = arith.constant 8 : i32
        %broadcast_in_dim3A_1926 = vector.broadcast %broadcast_in_dim3A_1925 : i32 to vector<16xi32>
        %lt3A_1927 = arith.constant 0 : i32
        %lt3A_1928 = vector.broadcast %lt3A_1927 : i32 to vector<16xi32>
        %lt3A_1929 = arith.cmpi slt, %broadcast_in_dim3A_1926, %lt3A_1928 : vector<16xi32>
        %add3A_1930 = arith.constant 16 : i32
        %add3A_1931 = vector.broadcast %add3A_1930 : i32 to vector<16xi32>
        %add3A_1932 = arith.addi %broadcast_in_dim3A_1926, %add3A_1931 : vector<16xi32>
        %select_n3A_1933 = arith.select %lt3A_1929, %add3A_1932, %broadcast_in_dim3A_1926 : vector<16xi1>, vector<16xi32>
        %broadcast_in_dim3A_1934 = vector.shape_cast %select_n3A_1933 : vector<16xi32> to vector<16x1xi32>
        %gather3A_1935 = vector.shape_cast %broadcast_in_dim3A_1934 : vector<16x1xi32> to vector<16xi32>
        %gather3A_1936 = tpu.dynamic_gather %gather3A_1244[%gather3A_1935] in [0] : vector<16xf32>, vector<16xi32> -> vector<16xf32>
        %add3A_1937 = arith.constant 256 : i32
        %add3A_1938 = arith.addi %add3A_1937, %scan3A_1238 : i32
        %add3A_1939 = arith.constant 16 : i32
        %add3A_1940 = arith.addi %add3A_1938, %add3A_1939 : i32
        %get3A_1941 = arith.index_cast %add3A_1938 : i32 to index
        %get3A_1942 = arith.constant 0 : index
        %get3A_1943 = tpu.vector_load %arg16[%get3A_1941, %get3A_1942] {strides = array<i32>} : memref<384x128xf32, #tpu.memory_space<vmem>>, vector<16xf32>,
        %get3A_1944 = arith.index_cast %add3A_1940 : i32 to index
        %get3A_1945 = arith.constant 0 : index
        %get3A_1946 = tpu.vector_load %arg16[%get3A_1944, %get3A_1945] {strides = array<i32>} : memref<384x128xf32, #tpu.memory_space<vmem>>, vector<16xf32>,
        %sub3A_1947 = arith.subf %get3A_1946, %get3A_1943 : vector<16xf32>
        %mul3A_1948 = arith.mulf %sub3A_1947, %gather3A_1936 : vector<16xf32>
        %add3A_1949 = arith.addf %mul3A_1948, %get3A_1943 : vector<16xf32>
        %add3A_1950 = arith.addf %add3A_1864, %add3A_1949 : vector<16xf32>
        %get3A_1951 = arith.index_cast %add3A_1938 : i32 to index
        %get3A_1952 = arith.constant 16 : index
        %get3A_1953 = tpu.vector_load %arg16[%get3A_1951, %get3A_1952] {strides = array<i32>} : memref<384x128xf32, #tpu.memory_space<vmem>>, vector<16xf32>,
        %get3A_1954 = arith.index_cast %add3A_1940 : i32 to index
        %get3A_1955 = arith.constant 16 : index
        %get3A_1956 = tpu.vector_load %arg16[%get3A_1954, %get3A_1955] {strides = array<i32>} : memref<384x128xf32, #tpu.memory_space<vmem>>, vector<16xf32>,
        %sub3A_1957 = arith.subf %get3A_1956, %get3A_1953 : vector<16xf32>
        %mul3A_1958 = arith.mulf %sub3A_1957, %gather3A_1936 : vector<16xf32>
        %add3A_1959 = arith.addf %mul3A_1958, %get3A_1953 : vector<16xf32>
        %add3A_1960 = arith.addf %add3A_1874, %add3A_1959 : vector<16xf32>
        %get3A_1961 = arith.index_cast %add3A_1938 : i32 to index
        %get3A_1962 = arith.constant 32 : index
        %get3A_1963 = tpu.vector_load %arg16[%get3A_1961, %get3A_1962] {strides = array<i32>} : memref<384x128xf32, #tpu.memory_space<vmem>>, vector<16xf32>,
        %get3A_1964 = arith.index_cast %add3A_1940 : i32 to index
        %get3A_1965 = arith.constant 32 : index
        %get3A_1966 = tpu.vector_load %arg16[%get3A_1964, %get3A_1965] {strides = array<i32>} : memref<384x128xf32, #tpu.memory_space<vmem>>, vector<16xf32>,
        %sub3A_1967 = arith.subf %get3A_1966, %get3A_1963 : vector<16xf32>
        %mul3A_1968 = arith.mulf %sub3A_1967, %gather3A_1936 : vector<16xf32>
        %add3A_1969 = arith.addf %mul3A_1968, %get3A_1963 : vector<16xf32>
        %add3A_1970 = arith.addf %add3A_1884, %add3A_1969 : vector<16xf32>
        %get3A_1971 = arith.index_cast %add3A_1938 : i32 to index
        %get3A_1972 = arith.constant 48 : index
        %get3A_1973 = tpu.vector_load %arg16[%get3A_1971, %get3A_1972] {strides = array<i32>} : memref<384x128xf32, #tpu.memory_space<vmem>>, vector<16xf32>,
        %get3A_1974 = arith.index_cast %add3A_1940 : i32 to index
        %get3A_1975 = arith.constant 48 : index
        %get3A_1976 = tpu.vector_load %arg16[%get3A_1974, %get3A_1975] {strides = array<i32>} : memref<384x128xf32, #tpu.memory_space<vmem>>, vector<16xf32>,
        %sub3A_1977 = arith.subf %get3A_1976, %get3A_1973 : vector<16xf32>
        %mul3A_1978 = arith.mulf %sub3A_1977, %gather3A_1936 : vector<16xf32>
        %add3A_1979 = arith.addf %mul3A_1978, %get3A_1973 : vector<16xf32>
        %add3A_1980 = arith.addf %add3A_1894, %add3A_1979 : vector<16xf32>
        %get3A_1981 = arith.index_cast %add3A_1938 : i32 to index
        %get3A_1982 = arith.constant 64 : index
        %get3A_1983 = tpu.vector_load %arg16[%get3A_1981, %get3A_1982] {strides = array<i32>} : memref<384x128xf32, #tpu.memory_space<vmem>>, vector<16xf32>,
        %get3A_1984 = arith.index_cast %add3A_1940 : i32 to index
        %get3A_1985 = arith.constant 64 : index
        %get3A_1986 = tpu.vector_load %arg16[%get3A_1984, %get3A_1985] {strides = array<i32>} : memref<384x128xf32, #tpu.memory_space<vmem>>, vector<16xf32>,
        %sub3A_1987 = arith.subf %get3A_1986, %get3A_1983 : vector<16xf32>
        %mul3A_1988 = arith.mulf %sub3A_1987, %gather3A_1936 : vector<16xf32>
        %add3A_1989 = arith.addf %mul3A_1988, %get3A_1983 : vector<16xf32>
        %add3A_1990 = arith.addf %add3A_1904, %add3A_1989 : vector<16xf32>
        %get3A_1991 = arith.index_cast %add3A_1938 : i32 to index
        %get3A_1992 = arith.constant 80 : index
        %get3A_1993 = tpu.vector_load %arg16[%get3A_1991, %get3A_1992] {strides = array<i32>} : memref<384x128xf32, #tpu.memory_space<vmem>>, vector<16xf32>,
        %get3A_1994 = arith.index_cast %add3A_1940 : i32 to index
        %get3A_1995 = arith.constant 80 : index
        %get3A_1996 = tpu.vector_load %arg16[%get3A_1994, %get3A_1995] {strides = array<i32>} : memref<384x128xf32, #tpu.memory_space<vmem>>, vector<16xf32>,
        %sub3A_1997 = arith.subf %get3A_1996, %get3A_1993 : vector<16xf32>
        %mul3A_1998 = arith.mulf %sub3A_1997, %gather3A_1936 : vector<16xf32>
        %add3A_1999 = arith.addf %mul3A_1998, %get3A_1993 : vector<16xf32>
        %add3A_2000 = arith.addf %add3A_1914, %add3A_1999 : vector<16xf32>
        %get3A_2001 = arith.index_cast %add3A_1938 : i32 to index
        %get3A_2002 = arith.constant 84 : index
        %get3A_2003 = tpu.vector_load %arg16[%get3A_2001, %get3A_2002] {strides = array<i32>} : memref<384x128xf32, #tpu.memory_space<vmem>>, vector<16xf32>,
        %get3A_2004 = arith.index_cast %add3A_1940 : i32 to index
        %get3A_2005 = arith.constant 84 : index
        %get3A_2006 = tpu.vector_load %arg16[%get3A_2004, %get3A_2005] {strides = array<i32>} : memref<384x128xf32, #tpu.memory_space<vmem>>, vector<16xf32>,
        %sub3A_2007 = arith.subf %get3A_2006, %get3A_2003 : vector<16xf32>
        %mul3A_2008 = arith.mulf %sub3A_2007, %gather3A_1936 : vector<16xf32>
        %add3A_2009 = arith.addf %mul3A_2008, %get3A_2003 : vector<16xf32>
        %add3A_2010 = arith.addf %add3A_1924, %add3A_2009 : vector<16xf32>
        %broadcast_in_dim3A_2011 = arith.constant 9 : i32
        %broadcast_in_dim3A_2012 = vector.broadcast %broadcast_in_dim3A_2011 : i32 to vector<16xi32>
        %lt3A_2013 = arith.constant 0 : i32
        %lt3A_2014 = vector.broadcast %lt3A_2013 : i32 to vector<16xi32>
        %lt3A_2015 = arith.cmpi slt, %broadcast_in_dim3A_2012, %lt3A_2014 : vector<16xi32>
        %add3A_2016 = arith.constant 16 : i32
        %add3A_2017 = vector.broadcast %add3A_2016 : i32 to vector<16xi32>
        %add3A_2018 = arith.addi %broadcast_in_dim3A_2012, %add3A_2017 : vector<16xi32>
        %select_n3A_2019 = arith.select %lt3A_2015, %add3A_2018, %broadcast_in_dim3A_2012 : vector<16xi1>, vector<16xi32>
        %broadcast_in_dim3A_2020 = vector.shape_cast %select_n3A_2019 : vector<16xi32> to vector<16x1xi32>
        %gather3A_2021 = vector.shape_cast %broadcast_in_dim3A_2020 : vector<16x1xi32> to vector<16xi32>
        %gather3A_2022 = tpu.dynamic_gather %gather3A_1244[%gather3A_2021] in [0] : vector<16xf32>, vector<16xi32> -> vector<16xf32>
        %add3A_2023 = arith.constant 288 : i32
        %add3A_2024 = arith.addi %add3A_2023, %scan3A_1238 : i32
        %add3A_2025 = arith.constant 16 : i32
        %add3A_2026 = arith.addi %add3A_2024, %add3A_2025 : i32
        %get3A_2027 = arith.index_cast %add3A_2024 : i32 to index
        %get3A_2028 = arith.constant 0 : index
        %get3A_2029 = tpu.vector_load %arg16[%get3A_2027, %get3A_2028] {strides = array<i32>} : memref<384x128xf32, #tpu.memory_space<vmem>>, vector<16xf32>,
        %get3A_2030 = arith.index_cast %add3A_2026 : i32 to index
        %get3A_2031 = arith.constant 0 : index
        %get3A_2032 = tpu.vector_load %arg16[%get3A_2030, %get3A_2031] {strides = array<i32>} : memref<384x128xf32, #tpu.memory_space<vmem>>, vector<16xf32>,
        %sub3A_2033 = arith.subf %get3A_2032, %get3A_2029 : vector<16xf32>
        %mul3A_2034 = arith.mulf %sub3A_2033, %gather3A_2022 : vector<16xf32>
        %add3A_2035 = arith.addf %mul3A_2034, %get3A_2029 : vector<16xf32>
        %add3A_2036 = arith.addf %add3A_1950, %add3A_2035 : vector<16xf32>
        %get3A_2037 = arith.index_cast %add3A_2024 : i32 to index
        %get3A_2038 = arith.constant 16 : index
        %get3A_2039 = tpu.vector_load %arg16[%get3A_2037, %get3A_2038] {strides = array<i32>} : memref<384x128xf32, #tpu.memory_space<vmem>>, vector<16xf32>,
        %get3A_2040 = arith.index_cast %add3A_2026 : i32 to index
        %get3A_2041 = arith.constant 16 : index
        %get3A_2042 = tpu.vector_load %arg16[%get3A_2040, %get3A_2041] {strides = array<i32>} : memref<384x128xf32, #tpu.memory_space<vmem>>, vector<16xf32>,
        %sub3A_2043 = arith.subf %get3A_2042, %get3A_2039 : vector<16xf32>
        %mul3A_2044 = arith.mulf %sub3A_2043, %gather3A_2022 : vector<16xf32>
        %add3A_2045 = arith.addf %mul3A_2044, %get3A_2039 : vector<16xf32>
        %add3A_2046 = arith.addf %add3A_1960, %add3A_2045 : vector<16xf32>
        %get3A_2047 = arith.index_cast %add3A_2024 : i32 to index
        %get3A_2048 = arith.constant 32 : index
        %get3A_2049 = tpu.vector_load %arg16[%get3A_2047, %get3A_2048] {strides = array<i32>} : memref<384x128xf32, #tpu.memory_space<vmem>>, vector<16xf32>,
        %get3A_2050 = arith.index_cast %add3A_2026 : i32 to index
        %get3A_2051 = arith.constant 32 : index
        %get3A_2052 = tpu.vector_load %arg16[%get3A_2050, %get3A_2051] {strides = array<i32>} : memref<384x128xf32, #tpu.memory_space<vmem>>, vector<16xf32>,
        %sub3A_2053 = arith.subf %get3A_2052, %get3A_2049 : vector<16xf32>
        %mul3A_2054 = arith.mulf %sub3A_2053, %gather3A_2022 : vector<16xf32>
        %add3A_2055 = arith.addf %mul3A_2054, %get3A_2049 : vector<16xf32>
        %add3A_2056 = arith.addf %add3A_1970, %add3A_2055 : vector<16xf32>
        %get3A_2057 = arith.index_cast %add3A_2024 : i32 to index
        %get3A_2058 = arith.constant 48 : index
        %get3A_2059 = tpu.vector_load %arg16[%get3A_2057, %get3A_2058] {strides = array<i32>} : memref<384x128xf32, #tpu.memory_space<vmem>>, vector<16xf32>,
        %get3A_2060 = arith.index_cast %add3A_2026 : i32 to index
        %get3A_2061 = arith.constant 48 : index
        %get3A_2062 = tpu.vector_load %arg16[%get3A_2060, %get3A_2061] {strides = array<i32>} : memref<384x128xf32, #tpu.memory_space<vmem>>, vector<16xf32>,
        %sub3A_2063 = arith.subf %get3A_2062, %get3A_2059 : vector<16xf32>
        %mul3A_2064 = arith.mulf %sub3A_2063, %gather3A_2022 : vector<16xf32>
        %add3A_2065 = arith.addf %mul3A_2064, %get3A_2059 : vector<16xf32>
        %add3A_2066 = arith.addf %add3A_1980, %add3A_2065 : vector<16xf32>
        %get3A_2067 = arith.index_cast %add3A_2024 : i32 to index
        %get3A_2068 = arith.constant 64 : index
        %get3A_2069 = tpu.vector_load %arg16[%get3A_2067, %get3A_2068] {strides = array<i32>} : memref<384x128xf32, #tpu.memory_space<vmem>>, vector<16xf32>,
        %get3A_2070 = arith.index_cast %add3A_2026 : i32 to index
        %get3A_2071 = arith.constant 64 : index
        %get3A_2072 = tpu.vector_load %arg16[%get3A_2070, %get3A_2071] {strides = array<i32>} : memref<384x128xf32, #tpu.memory_space<vmem>>, vector<16xf32>,
        %sub3A_2073 = arith.subf %get3A_2072, %get3A_2069 : vector<16xf32>
        %mul3A_2074 = arith.mulf %sub3A_2073, %gather3A_2022 : vector<16xf32>
        %add3A_2075 = arith.addf %mul3A_2074, %get3A_2069 : vector<16xf32>
        %add3A_2076 = arith.addf %add3A_1990, %add3A_2075 : vector<16xf32>
        %get3A_2077 = arith.index_cast %add3A_2024 : i32 to index
        %get3A_2078 = arith.constant 80 : index
        %get3A_2079 = tpu.vector_load %arg16[%get3A_2077, %get3A_2078] {strides = array<i32>} : memref<384x128xf32, #tpu.memory_space<vmem>>, vector<16xf32>,
        %get3A_2080 = arith.index_cast %add3A_2026 : i32 to index
        %get3A_2081 = arith.constant 80 : index
        %get3A_2082 = tpu.vector_load %arg16[%get3A_2080, %get3A_2081] {strides = array<i32>} : memref<384x128xf32, #tpu.memory_space<vmem>>, vector<16xf32>,
        %sub3A_2083 = arith.subf %get3A_2082, %get3A_2079 : vector<16xf32>
        %mul3A_2084 = arith.mulf %sub3A_2083, %gather3A_2022 : vector<16xf32>
        %add3A_2085 = arith.addf %mul3A_2084, %get3A_2079 : vector<16xf32>
        %add3A_2086 = arith.addf %add3A_2000, %add3A_2085 : vector<16xf32>
        %get3A_2087 = arith.index_cast %add3A_2024 : i32 to index
        %get3A_2088 = arith.constant 84 : index
        %get3A_2089 = tpu.vector_load %arg16[%get3A_2087, %get3A_2088] {strides = array<i32>} : memref<384x128xf32, #tpu.memory_space<vmem>>, vector<16xf32>,
        %get3A_2090 = arith.index_cast %add3A_2026 : i32 to index
        %get3A_2091 = arith.constant 84 : index
        %get3A_2092 = tpu.vector_load %arg16[%get3A_2090, %get3A_2091] {strides = array<i32>} : memref<384x128xf32, #tpu.memory_space<vmem>>, vector<16xf32>,
        %sub3A_2093 = arith.subf %get3A_2092, %get3A_2089 : vector<16xf32>
        %mul3A_2094 = arith.mulf %sub3A_2093, %gather3A_2022 : vector<16xf32>
        %add3A_2095 = arith.addf %mul3A_2094, %get3A_2089 : vector<16xf32>
        %add3A_2096 = arith.addf %add3A_2010, %add3A_2095 : vector<16xf32>
        %broadcast_in_dim3A_2097 = arith.constant 10 : i32
        %broadcast_in_dim3A_2098 = vector.broadcast %broadcast_in_dim3A_2097 : i32 to vector<16xi32>
        %lt3A_2099 = arith.constant 0 : i32
        %lt3A_2100 = vector.broadcast %lt3A_2099 : i32 to vector<16xi32>
        %lt3A_2101 = arith.cmpi slt, %broadcast_in_dim3A_2098, %lt3A_2100 : vector<16xi32>
        %add3A_2102 = arith.constant 16 : i32
        %add3A_2103 = vector.broadcast %add3A_2102 : i32 to vector<16xi32>
        %add3A_2104 = arith.addi %broadcast_in_dim3A_2098, %add3A_2103 : vector<16xi32>
        %select_n3A_2105 = arith.select %lt3A_2101, %add3A_2104, %broadcast_in_dim3A_2098 : vector<16xi1>, vector<16xi32>
        %broadcast_in_dim3A_2106 = vector.shape_cast %select_n3A_2105 : vector<16xi32> to vector<16x1xi32>
        %gather3A_2107 = vector.shape_cast %broadcast_in_dim3A_2106 : vector<16x1xi32> to vector<16xi32>
        %gather3A_2108 = tpu.dynamic_gather %gather3A_1244[%gather3A_2107] in [0] : vector<16xf32>, vector<16xi32> -> vector<16xf32>
        %add3A_2109 = arith.constant 320 : i32
        %add3A_2110 = arith.addi %add3A_2109, %scan3A_1238 : i32
        %add3A_2111 = arith.constant 16 : i32
        %add3A_2112 = arith.addi %add3A_2110, %add3A_2111 : i32
        %get3A_2113 = arith.index_cast %add3A_2110 : i32 to index
        %get3A_2114 = arith.constant 0 : index
        %get3A_2115 = tpu.vector_load %arg16[%get3A_2113, %get3A_2114] {strides = array<i32>} : memref<384x128xf32, #tpu.memory_space<vmem>>, vector<16xf32>,
        %get3A_2116 = arith.index_cast %add3A_2112 : i32 to index
        %get3A_2117 = arith.constant 0 : index
        %get3A_2118 = tpu.vector_load %arg16[%get3A_2116, %get3A_2117] {strides = array<i32>} : memref<384x128xf32, #tpu.memory_space<vmem>>, vector<16xf32>,
        %sub3A_2119 = arith.subf %get3A_2118, %get3A_2115 : vector<16xf32>
        %mul3A_2120 = arith.mulf %sub3A_2119, %gather3A_2108 : vector<16xf32>
        %add3A_2121 = arith.addf %mul3A_2120, %get3A_2115 : vector<16xf32>
        %add3A_2122 = arith.addf %add3A_2036, %add3A_2121 : vector<16xf32>
        %get3A_2123 = arith.index_cast %add3A_2110 : i32 to index
        %get3A_2124 = arith.constant 16 : index
        %get3A_2125 = tpu.vector_load %arg16[%get3A_2123, %get3A_2124] {strides = array<i32>} : memref<384x128xf32, #tpu.memory_space<vmem>>, vector<16xf32>,
        %get3A_2126 = arith.index_cast %add3A_2112 : i32 to index
        %get3A_2127 = arith.constant 16 : index
        %get3A_2128 = tpu.vector_load %arg16[%get3A_2126, %get3A_2127] {strides = array<i32>} : memref<384x128xf32, #tpu.memory_space<vmem>>, vector<16xf32>,
        %sub3A_2129 = arith.subf %get3A_2128, %get3A_2125 : vector<16xf32>
        %mul3A_2130 = arith.mulf %sub3A_2129, %gather3A_2108 : vector<16xf32>
        %add3A_2131 = arith.addf %mul3A_2130, %get3A_2125 : vector<16xf32>
        %add3A_2132 = arith.addf %add3A_2046, %add3A_2131 : vector<16xf32>
        %get3A_2133 = arith.index_cast %add3A_2110 : i32 to index
        %get3A_2134 = arith.constant 32 : index
        %get3A_2135 = tpu.vector_load %arg16[%get3A_2133, %get3A_2134] {strides = array<i32>} : memref<384x128xf32, #tpu.memory_space<vmem>>, vector<16xf32>,
        %get3A_2136 = arith.index_cast %add3A_2112 : i32 to index
        %get3A_2137 = arith.constant 32 : index
        %get3A_2138 = tpu.vector_load %arg16[%get3A_2136, %get3A_2137] {strides = array<i32>} : memref<384x128xf32, #tpu.memory_space<vmem>>, vector<16xf32>,
        %sub3A_2139 = arith.subf %get3A_2138, %get3A_2135 : vector<16xf32>
        %mul3A_2140 = arith.mulf %sub3A_2139, %gather3A_2108 : vector<16xf32>
        %add3A_2141 = arith.addf %mul3A_2140, %get3A_2135 : vector<16xf32>
        %add3A_2142 = arith.addf %add3A_2056, %add3A_2141 : vector<16xf32>
        %get3A_2143 = arith.index_cast %add3A_2110 : i32 to index
        %get3A_2144 = arith.constant 48 : index
        %get3A_2145 = tpu.vector_load %arg16[%get3A_2143, %get3A_2144] {strides = array<i32>} : memref<384x128xf32, #tpu.memory_space<vmem>>, vector<16xf32>,
        %get3A_2146 = arith.index_cast %add3A_2112 : i32 to index
        %get3A_2147 = arith.constant 48 : index
        %get3A_2148 = tpu.vector_load %arg16[%get3A_2146, %get3A_2147] {strides = array<i32>} : memref<384x128xf32, #tpu.memory_space<vmem>>, vector<16xf32>,
        %sub3A_2149 = arith.subf %get3A_2148, %get3A_2145 : vector<16xf32>
        %mul3A_2150 = arith.mulf %sub3A_2149, %gather3A_2108 : vector<16xf32>
        %add3A_2151 = arith.addf %mul3A_2150, %get3A_2145 : vector<16xf32>
        %add3A_2152 = arith.addf %add3A_2066, %add3A_2151 : vector<16xf32>
        %get3A_2153 = arith.index_cast %add3A_2110 : i32 to index
        %get3A_2154 = arith.constant 64 : index
        %get3A_2155 = tpu.vector_load %arg16[%get3A_2153, %get3A_2154] {strides = array<i32>} : memref<384x128xf32, #tpu.memory_space<vmem>>, vector<16xf32>,
        %get3A_2156 = arith.index_cast %add3A_2112 : i32 to index
        %get3A_2157 = arith.constant 64 : index
        %get3A_2158 = tpu.vector_load %arg16[%get3A_2156, %get3A_2157] {strides = array<i32>} : memref<384x128xf32, #tpu.memory_space<vmem>>, vector<16xf32>,
        %sub3A_2159 = arith.subf %get3A_2158, %get3A_2155 : vector<16xf32>
        %mul3A_2160 = arith.mulf %sub3A_2159, %gather3A_2108 : vector<16xf32>
        %add3A_2161 = arith.addf %mul3A_2160, %get3A_2155 : vector<16xf32>
        %add3A_2162 = arith.addf %add3A_2076, %add3A_2161 : vector<16xf32>
        %get3A_2163 = arith.index_cast %add3A_2110 : i32 to index
        %get3A_2164 = arith.constant 80 : index
        %get3A_2165 = tpu.vector_load %arg16[%get3A_2163, %get3A_2164] {strides = array<i32>} : memref<384x128xf32, #tpu.memory_space<vmem>>, vector<16xf32>,
        %get3A_2166 = arith.index_cast %add3A_2112 : i32 to index
        %get3A_2167 = arith.constant 80 : index
        %get3A_2168 = tpu.vector_load %arg16[%get3A_2166, %get3A_2167] {strides = array<i32>} : memref<384x128xf32, #tpu.memory_space<vmem>>, vector<16xf32>,
        %sub3A_2169 = arith.subf %get3A_2168, %get3A_2165 : vector<16xf32>
        %mul3A_2170 = arith.mulf %sub3A_2169, %gather3A_2108 : vector<16xf32>
        %add3A_2171 = arith.addf %mul3A_2170, %get3A_2165 : vector<16xf32>
        %add3A_2172 = arith.addf %add3A_2086, %add3A_2171 : vector<16xf32>
        %get3A_2173 = arith.index_cast %add3A_2110 : i32 to index
        %get3A_2174 = arith.constant 84 : index
        %get3A_2175 = tpu.vector_load %arg16[%get3A_2173, %get3A_2174] {strides = array<i32>} : memref<384x128xf32, #tpu.memory_space<vmem>>, vector<16xf32>,
        %get3A_2176 = arith.index_cast %add3A_2112 : i32 to index
        %get3A_2177 = arith.constant 84 : index
        %get3A_2178 = tpu.vector_load %arg16[%get3A_2176, %get3A_2177] {strides = array<i32>} : memref<384x128xf32, #tpu.memory_space<vmem>>, vector<16xf32>,
        %sub3A_2179 = arith.subf %get3A_2178, %get3A_2175 : vector<16xf32>
        %mul3A_2180 = arith.mulf %sub3A_2179, %gather3A_2108 : vector<16xf32>
        %add3A_2181 = arith.addf %mul3A_2180, %get3A_2175 : vector<16xf32>
        %add3A_2182 = arith.addf %add3A_2096, %add3A_2181 : vector<16xf32>
        %broadcast_in_dim3A_2183 = arith.constant 11 : i32
        %broadcast_in_dim3A_2184 = vector.broadcast %broadcast_in_dim3A_2183 : i32 to vector<16xi32>
        %lt3A_2185 = arith.constant 0 : i32
        %lt3A_2186 = vector.broadcast %lt3A_2185 : i32 to vector<16xi32>
        %lt3A_2187 = arith.cmpi slt, %broadcast_in_dim3A_2184, %lt3A_2186 : vector<16xi32>
        %add3A_2188 = arith.constant 16 : i32
        %add3A_2189 = vector.broadcast %add3A_2188 : i32 to vector<16xi32>
        %add3A_2190 = arith.addi %broadcast_in_dim3A_2184, %add3A_2189 : vector<16xi32>
        %select_n3A_2191 = arith.select %lt3A_2187, %add3A_2190, %broadcast_in_dim3A_2184 : vector<16xi1>, vector<16xi32>
        %broadcast_in_dim3A_2192 = vector.shape_cast %select_n3A_2191 : vector<16xi32> to vector<16x1xi32>
        %gather3A_2193 = vector.shape_cast %broadcast_in_dim3A_2192 : vector<16x1xi32> to vector<16xi32>
        %gather3A_2194 = tpu.dynamic_gather %gather3A_1244[%gather3A_2193] in [0] : vector<16xf32>, vector<16xi32> -> vector<16xf32>
        %add3A_2195 = arith.constant 352 : i32
        %add3A_2196 = arith.addi %add3A_2195, %scan3A_1238 : i32
        %add3A_2197 = arith.constant 16 : i32
        %add3A_2198 = arith.addi %add3A_2196, %add3A_2197 : i32
        %get3A_2199 = arith.index_cast %add3A_2196 : i32 to index
        %get3A_2200 = arith.constant 0 : index
        %get3A_2201 = tpu.vector_load %arg16[%get3A_2199, %get3A_2200] {strides = array<i32>} : memref<384x128xf32, #tpu.memory_space<vmem>>, vector<16xf32>,
        %get3A_2202 = arith.index_cast %add3A_2198 : i32 to index
        %get3A_2203 = arith.constant 0 : index
        %get3A_2204 = tpu.vector_load %arg16[%get3A_2202, %get3A_2203] {strides = array<i32>} : memref<384x128xf32, #tpu.memory_space<vmem>>, vector<16xf32>,
        %sub3A_2205 = arith.subf %get3A_2204, %get3A_2201 : vector<16xf32>
        %mul3A_2206 = arith.mulf %sub3A_2205, %gather3A_2194 : vector<16xf32>
        %add3A_2207 = arith.addf %mul3A_2206, %get3A_2201 : vector<16xf32>
        %add3A_2208 = arith.addf %add3A_2122, %add3A_2207 : vector<16xf32>
        %get3A_2209 = arith.index_cast %add3A_2196 : i32 to index
        %get3A_2210 = arith.constant 16 : index
        %get3A_2211 = tpu.vector_load %arg16[%get3A_2209, %get3A_2210] {strides = array<i32>} : memref<384x128xf32, #tpu.memory_space<vmem>>, vector<16xf32>,
        %get3A_2212 = arith.index_cast %add3A_2198 : i32 to index
        %get3A_2213 = arith.constant 16 : index
        %get3A_2214 = tpu.vector_load %arg16[%get3A_2212, %get3A_2213] {strides = array<i32>} : memref<384x128xf32, #tpu.memory_space<vmem>>, vector<16xf32>,
        %sub3A_2215 = arith.subf %get3A_2214, %get3A_2211 : vector<16xf32>
        %mul3A_2216 = arith.mulf %sub3A_2215, %gather3A_2194 : vector<16xf32>
        %add3A_2217 = arith.addf %mul3A_2216, %get3A_2211 : vector<16xf32>
        %add3A_2218 = arith.addf %add3A_2132, %add3A_2217 : vector<16xf32>
        %get3A_2219 = arith.index_cast %add3A_2196 : i32 to index
        %get3A_2220 = arith.constant 32 : index
        %get3A_2221 = tpu.vector_load %arg16[%get3A_2219, %get3A_2220] {strides = array<i32>} : memref<384x128xf32, #tpu.memory_space<vmem>>, vector<16xf32>,
        %get3A_2222 = arith.index_cast %add3A_2198 : i32 to index
        %get3A_2223 = arith.constant 32 : index
        %get3A_2224 = tpu.vector_load %arg16[%get3A_2222, %get3A_2223] {strides = array<i32>} : memref<384x128xf32, #tpu.memory_space<vmem>>, vector<16xf32>,
        %sub3A_2225 = arith.subf %get3A_2224, %get3A_2221 : vector<16xf32>
        %mul3A_2226 = arith.mulf %sub3A_2225, %gather3A_2194 : vector<16xf32>
        %add3A_2227 = arith.addf %mul3A_2226, %get3A_2221 : vector<16xf32>
        %add3A_2228 = arith.addf %add3A_2142, %add3A_2227 : vector<16xf32>
        %get3A_2229 = arith.index_cast %add3A_2196 : i32 to index
        %get3A_2230 = arith.constant 48 : index
        %get3A_2231 = tpu.vector_load %arg16[%get3A_2229, %get3A_2230] {strides = array<i32>} : memref<384x128xf32, #tpu.memory_space<vmem>>, vector<16xf32>,
        %get3A_2232 = arith.index_cast %add3A_2198 : i32 to index
        %get3A_2233 = arith.constant 48 : index
        %get3A_2234 = tpu.vector_load %arg16[%get3A_2232, %get3A_2233] {strides = array<i32>} : memref<384x128xf32, #tpu.memory_space<vmem>>, vector<16xf32>,
        %sub3A_2235 = arith.subf %get3A_2234, %get3A_2231 : vector<16xf32>
        %mul3A_2236 = arith.mulf %sub3A_2235, %gather3A_2194 : vector<16xf32>
        %add3A_2237 = arith.addf %mul3A_2236, %get3A_2231 : vector<16xf32>
        %add3A_2238 = arith.addf %add3A_2152, %add3A_2237 : vector<16xf32>
        %get3A_2239 = arith.index_cast %add3A_2196 : i32 to index
        %get3A_2240 = arith.constant 64 : index
        %get3A_2241 = tpu.vector_load %arg16[%get3A_2239, %get3A_2240] {strides = array<i32>} : memref<384x128xf32, #tpu.memory_space<vmem>>, vector<16xf32>,
        %get3A_2242 = arith.index_cast %add3A_2198 : i32 to index
        %get3A_2243 = arith.constant 64 : index
        %get3A_2244 = tpu.vector_load %arg16[%get3A_2242, %get3A_2243] {strides = array<i32>} : memref<384x128xf32, #tpu.memory_space<vmem>>, vector<16xf32>,
        %sub3A_2245 = arith.subf %get3A_2244, %get3A_2241 : vector<16xf32>
        %mul3A_2246 = arith.mulf %sub3A_2245, %gather3A_2194 : vector<16xf32>
        %add3A_2247 = arith.addf %mul3A_2246, %get3A_2241 : vector<16xf32>
        %add3A_2248 = arith.addf %add3A_2162, %add3A_2247 : vector<16xf32>
        %get3A_2249 = arith.index_cast %add3A_2196 : i32 to index
        %get3A_2250 = arith.constant 80 : index
        %get3A_2251 = tpu.vector_load %arg16[%get3A_2249, %get3A_2250] {strides = array<i32>} : memref<384x128xf32, #tpu.memory_space<vmem>>, vector<16xf32>,
        %get3A_2252 = arith.index_cast %add3A_2198 : i32 to index
        %get3A_2253 = arith.constant 80 : index
        %get3A_2254 = tpu.vector_load %arg16[%get3A_2252, %get3A_2253] {strides = array<i32>} : memref<384x128xf32, #tpu.memory_space<vmem>>, vector<16xf32>,
        %sub3A_2255 = arith.subf %get3A_2254, %get3A_2251 : vector<16xf32>
        %mul3A_2256 = arith.mulf %sub3A_2255, %gather3A_2194 : vector<16xf32>
        %add3A_2257 = arith.addf %mul3A_2256, %get3A_2251 : vector<16xf32>
        %add3A_2258 = arith.addf %add3A_2172, %add3A_2257 : vector<16xf32>
        %get3A_2259 = arith.index_cast %add3A_2196 : i32 to index
        %get3A_2260 = arith.constant 84 : index
        %get3A_2261 = tpu.vector_load %arg16[%get3A_2259, %get3A_2260] {strides = array<i32>} : memref<384x128xf32, #tpu.memory_space<vmem>>, vector<16xf32>,
        %get3A_2262 = arith.index_cast %add3A_2198 : i32 to index
        %get3A_2263 = arith.constant 84 : index
        %get3A_2264 = tpu.vector_load %arg16[%get3A_2262, %get3A_2263] {strides = array<i32>} : memref<384x128xf32, #tpu.memory_space<vmem>>, vector<16xf32>,
        %sub3A_2265 = arith.subf %get3A_2264, %get3A_2261 : vector<16xf32>
        %mul3A_2266 = arith.mulf %sub3A_2265, %gather3A_2194 : vector<16xf32>
        %add3A_2267 = arith.addf %mul3A_2266, %get3A_2261 : vector<16xf32>
        %add3A_2268 = arith.addf %add3A_2182, %add3A_2267 : vector<16xf32>
        %mul3A_2269 = arith.constant 100 : i32
        %mul3A_2270 = arith.muli %scan3A_1238, %mul3A_2269 : i32
        %add3A_2271 = arith.constant 0 : i32
        %add3A_2272 = arith.addi %mul3A_2270, %add3A_2271 : i32
        %swap3A_2273 = arith.index_cast %add3A_2272 : i32 to index
        %swap3A_2274 = tpu.vector_load %arg18[%swap3A_2273] {strides = array<i32>} : memref<1600xf32, #tpu.memory_space<vmem>>, vector<16xf32>,
        tpu.vector_store %arg18[%swap3A_2273], %add3A_2208 {strides = array<i32>} : memref<1600xf32, #tpu.memory_space<vmem>>, vector<16xf32>,
        %mul3A_2275 = arith.constant 100 : i32
        %mul3A_2276 = arith.muli %scan3A_1238, %mul3A_2275 : i32
        %add3A_2277 = arith.constant 16 : i32
        %add3A_2278 = arith.addi %mul3A_2276, %add3A_2277 : i32
        %swap3A_2279 = arith.index_cast %add3A_2278 : i32 to index
        %swap3A_2280 = tpu.vector_load %arg18[%swap3A_2279] {strides = array<i32>} : memref<1600xf32, #tpu.memory_space<vmem>>, vector<16xf32>,
        tpu.vector_store %arg18[%swap3A_2279], %add3A_2218 {strides = array<i32>} : memref<1600xf32, #tpu.memory_space<vmem>>, vector<16xf32>,
        %mul3A_2281 = arith.constant 100 : i32
        %mul3A_2282 = arith.muli %scan3A_1238, %mul3A_2281 : i32
        %add3A_2283 = arith.constant 32 : i32
        %add3A_2284 = arith.addi %mul3A_2282, %add3A_2283 : i32
        %swap3A_2285 = arith.index_cast %add3A_2284 : i32 to index
        %swap3A_2286 = tpu.vector_load %arg18[%swap3A_2285] {strides = array<i32>} : memref<1600xf32, #tpu.memory_space<vmem>>, vector<16xf32>,
        tpu.vector_store %arg18[%swap3A_2285], %add3A_2228 {strides = array<i32>} : memref<1600xf32, #tpu.memory_space<vmem>>, vector<16xf32>,
        %mul3A_2287 = arith.constant 100 : i32
        %mul3A_2288 = arith.muli %scan3A_1238, %mul3A_2287 : i32
        %add3A_2289 = arith.constant 48 : i32
        %add3A_2290 = arith.addi %mul3A_2288, %add3A_2289 : i32
        %swap3A_2291 = arith.index_cast %add3A_2290 : i32 to index
        %swap3A_2292 = tpu.vector_load %arg18[%swap3A_2291] {strides = array<i32>} : memref<1600xf32, #tpu.memory_space<vmem>>, vector<16xf32>,
        tpu.vector_store %arg18[%swap3A_2291], %add3A_2238 {strides = array<i32>} : memref<1600xf32, #tpu.memory_space<vmem>>, vector<16xf32>,
        %mul3A_2293 = arith.constant 100 : i32
        %mul3A_2294 = arith.muli %scan3A_1238, %mul3A_2293 : i32
        %add3A_2295 = arith.constant 64 : i32
        %add3A_2296 = arith.addi %mul3A_2294, %add3A_2295 : i32
        %swap3A_2297 = arith.index_cast %add3A_2296 : i32 to index
        %swap3A_2298 = tpu.vector_load %arg18[%swap3A_2297] {strides = array<i32>} : memref<1600xf32, #tpu.memory_space<vmem>>, vector<16xf32>,
        tpu.vector_store %arg18[%swap3A_2297], %add3A_2248 {strides = array<i32>} : memref<1600xf32, #tpu.memory_space<vmem>>, vector<16xf32>,
        %mul3A_2299 = arith.constant 100 : i32
        %mul3A_2300 = arith.muli %scan3A_1238, %mul3A_2299 : i32
        %add3A_2301 = arith.constant 80 : i32
        %add3A_2302 = arith.addi %mul3A_2300, %add3A_2301 : i32
        %swap3A_2303 = arith.index_cast %add3A_2302 : i32 to index
        %swap3A_2304 = tpu.vector_load %arg18[%swap3A_2303] {strides = array<i32>} : memref<1600xf32, #tpu.memory_space<vmem>>, vector<16xf32>,
        tpu.vector_store %arg18[%swap3A_2303], %add3A_2258 {strides = array<i32>} : memref<1600xf32, #tpu.memory_space<vmem>>, vector<16xf32>,
        %mul3A_2305 = arith.constant 100 : i32
        %mul3A_2306 = arith.muli %scan3A_1238, %mul3A_2305 : i32
        %add3A_2307 = arith.constant 84 : i32
        %add3A_2308 = arith.addi %mul3A_2306, %add3A_2307 : i32
        %swap3A_2309 = arith.index_cast %add3A_2308 : i32 to index
        %swap3A_2310 = tpu.vector_load %arg18[%swap3A_2309] {strides = array<i32>} : memref<1600xf32, #tpu.memory_space<vmem>>, vector<16xf32>,
        tpu.vector_store %arg18[%swap3A_2309], %add3A_2268 {strides = array<i32>} : memref<1600xf32, #tpu.memory_space<vmem>>, vector<16xf32>,
      }
      %scan3A_1230 = arith.constant 16 : i32
      %mul3A_1231 = arith.constant 16 : i32
      %mul3A_1232 = arith.muli %add3A_1224, %mul3A_1231 : i32
      %add3A_1233 = arith.addi %mul3A_2, %mul3A_1232 : i32
      %mul3A_1234 = arith.constant 100 : i32
      %mul3A_1235 = arith.muli %add3A_1233, %mul3A_1234 : i32
      %dma_start3A_1236 = tpu.memref_slice %arg6[%mul3A_1235] : memref<3276800xf32, #tpu.memory_space<hbm>> -> memref<1600xf32, #tpu.memory_space<hbm>>
      %dma_start3A_1237 = tpu.memref_slice %arg6[%mul3A_1235] : memref<3276800xf32, #tpu.memory_space<hbm>> -> memref<1600xf32, #tpu.memory_space<hbm>>
      tpu.enqueue_dma source(%arg18 : memref<1600xf32, #tpu.memory_space<vmem>>) target(%dma_start3A_1237 : memref<1600xf32, #tpu.memory_space<hbm>>) target_semaphore(%arg22 : memref<!tpu.dma_semaphore, #tpu.memory_space<semaphore_mem>>)
    }
    %scan3A_562 = arith.constant 32 : i32
    %add3A_563 = arith.constant 992 : i32
    %add3A_564 = arith.addi %mul3A_2, %add3A_563 : i32
    %mul3A_565 = arith.constant 100 : i32
    %mul3A_566 = arith.muli %add3A_564, %mul3A_565 : i32
    %dma_wait3A = tpu.memref_slice %arg6[%mul3A_566] : memref<3276800xf32, #tpu.memory_space<hbm>> -> memref<1600xf32, #tpu.memory_space<hbm>>
    %dma_wait3A_567 = tpu.memref_slice %arg6[%mul3A_566] : memref<3276800xf32, #tpu.memory_space<hbm>> -> memref<1600xf32, #tpu.memory_space<hbm>>
    tpu.wait_dma2 semaphore(%arg21 : memref<!tpu.dma_semaphore, #tpu.memory_space<semaphore_mem>>) src(%arg17 : memref<1600xf32, #tpu.memory_space<vmem>>) dst(%dma_wait3A_567 : memref<1600xf32, #tpu.memory_space<hbm>>)
    %add3A_568 = arith.constant 1008 : i32
    %add3A_569 = arith.addi %mul3A_2, %add3A_568 : i32
    %mul3A_570 = arith.constant 100 : i32
    %mul3A_571 = arith.muli %add3A_569, %mul3A_570 : i32
    %dma_wait3A_572 = tpu.memref_slice %arg6[%mul3A_571] : memref<3276800xf32, #tpu.memory_space<hbm>> -> memref<1600xf32, #tpu.memory_space<hbm>>
    %dma_wait3A_573 = tpu.memref_slice %arg6[%mul3A_571] : memref<3276800xf32, #tpu.memory_space<hbm>> -> memref<1600xf32, #tpu.memory_space<hbm>>
    tpu.wait_dma2 semaphore(%arg22 : memref<!tpu.dma_semaphore, #tpu.memory_space<semaphore_mem>>) src(%arg18 : memref<1600xf32, #tpu.memory_space<vmem>>) dst(%dma_wait3A_573 : memref<1600xf32, #tpu.memory_space<hbm>>)
    return
  }
}

</mosaic_0001>

<sc_bundles>
// kernel: kernel.3.cloned.1.call-start
scs
__scs_entry_jumppad:
0x0: {  	(pc) =	sbr.rel $0x88, $3  }
0x1: {  	(tag) =	ssettag $0x0;
	lr =	simm.s32 $0x1  }
0x2: {  	[smem:$0x3F9D] =	sst lr;
	_ =	strace $0xD0000000  }
0x3: {  	_ = 	snop  }
0x4: {  	_ = 	snop  }
0x5: {  	_ = 	snop  }
0x6: {  	_ = 	snop  }
0x7: {  	_ = 	snop  }
__scs_overlays_trampoline_lowered:
0x8: {  	[smem:$0x3FAC] =	sst s0  }
0x9: {  	[smem:$0x3FAD] =	sst s1  }
0xa: {  	[smem:$0x3FAE] =	sst s2  }
0xb: {  	[smem:$0x3FAF] =	sst s3  }
0xc: {  	[smem:$0x3FB0] =	sst s4  }
0xd: {  	[smem:$0x3FB1] =	sst s5  }
0xe: {  	[smem:$0x3FB2] =	sst s6  }
0xf: {  	[smem:$0x3FB3] =	sst s7  }
0x10: {  	[smem:$0x3FB4] =	sst s8  }
0x11: {  	[smem:$0x3FB5] =	sst s9;
	s0 =	simm.s32 @!p0 $0x0  }
0x12: {  	s1 =	sld [smem:$0x3F9B];
	s0 =	simm.s32 @p0 $0x1  }
0x13: {  	[smem:$0x3FB6] =	sst s0;
	s0 =	simm.s32 @!p1 $0x0  }
0x14: {  	s2 =	sld [smem:$0x3F9A];
	s0 =	simm.s32 @p1 $0x1  }
0x15: {  	[smem:$0x3FB7] =	sst s0;
	s0 =	simm.s32 @!p2 $0x0  }
0x16: {  	s3 =	sld [smem:$0x3FDB];
	s0 =	simm.s32 @p2 $0x1  }
0x17: {  	s4 =	simm.s32 $0x1BF5;
	[smem:$0x3FB9] =	sst s0  }
0x18: {  	s0 =	sld [smem:$0x3F9C];
	_ =	swait.ge [sflag:s4], $0x0  }
0x19: {  	s7 =	sld [smem:$0x3F9D]  }
0x1a: {  	s8 =	sadd.s32 $0xFFFFE003, lr  }
0x1b: {  	s9 =	sadd.s32 $0xFFFFFEF7, lr;
	s5 =	simm.s32 $0xFFFFFFFF;
	p2 =	slt.u32 s8, $0xFFFFF086  }
0x1c: {  	p1 =	slt.u32 s9, $0xF7A;
	s5 =	simm.s32 @!p2 $0x0  }
0x1d: {  	s5 =	simm.s32 @p1 $0x1;
	p0 =	seq.s32 s7, s2  }
0x1e: {  	s7 =	smul.u32 @!p0 $0xF7A, s2;
	p2 =	seq.s32 @!p0 s5, $0x0  }
0x1f: {  	s9 =	smul.u32 $0xF7A, s1;
	s8 =	simm.s32 @!p0 $0x1BF5;
	p2 =	por !p2, p0  }
0x20: {  	[sflag:s8] =	ssyncset.s32 @!p0 $0xFFFFF086;
	s6 =	sadd.s32 @!p0 s3, s7;
	s7 =	simm.s32 @!p0 $0x108  }
0x21: {  	s3 =	sadd.s32 s3, s9;
	s6 =	sadd.s32 @!p0 $0x88, s6;
	s7 =	simm.s32 @p2 $0x1082  }
0x22: {  	[simem:s7], [sflag:s8] =	dma.local @!p0 [hbm:s6], $0xF7A  }
0x23: {  	s9 =	sor.u32 $0xD0000000, s2;
	s6 =	simm.s32 $0x108;
	_ =	swait.ge @!p0 [sflag:s8], $0x0  }
0x24: {  	s3 =	sadd.s32 $0x88, s3;
	s6 =	simm.s32 @!p1 $0x1082;
	[sflag:s4] =	ssyncset.s32 $0xFFFFF086  }
0x25: {  	[simem:s6], [sflag:s4] =	dma.local [hbm:s3], $0xF7A  }
0x26: {  	[smem:$0x3F9D] =	sst s1;
	(tag) =	ssettag s2;
	_ =	strace s9  }
0x27: {  	s1 =	sld [smem:$0x3FAD]  }
0x28: {  	s2 =	sld [smem:$0x3FAE]  }
0x29: {  	s4 =	sld [smem:$0x3FB0]  }
0x2a: {  	p0 =	seq.s32 s5, $0x0;
	s5 =	sld [smem:$0x3FB1]  }
0x2b: {  	s6 =	sld [smem:$0x3FB2]  }
0x2c: {  	s7 =	sld [smem:$0x3FB3]  }
0x2d: {  	s3 =	simm.s32 $0x108;
	s8 =	sld [smem:$0x3FB4]  }
0x2e: {  	s3 =	simm.s32 @!p0 $0x1082;
	s9 =	sld [smem:$0x3FB5]  }
0x2f: {  	lr =	sadd.s32 s0, s3;
	s0 =	sld [smem:$0x3FAC]  }
0x30: {  	s3 =	sld [smem:$0x3FAF]  }
0x31: {  	[smem:$0x3FB8] =	sst s10  }
0x32: {  	s10 =	sld [smem:$0x3FB6];
	_ =	sdelay $0x3  }
0x33: {  	p0 =	seq.s32 s10, $0x1;
	s10 =	sld [smem:$0x3FB8];
	_ =	sdelay $0x3  }
0x34: {  	[smem:$0x3FB8] =	sst s10  }
0x35: {  	s10 =	sld [smem:$0x3FB7];
	_ =	sdelay $0x3  }
0x36: {  	p1 =	seq.s32 s10, $0x1;
	s10 =	sld [smem:$0x3FB8];
	_ =	sdelay $0x3  }
0x37: {  	[smem:$0x3FB8] =	sst s10  }
0x38: {  	s10 =	sld [smem:$0x3FB9]  }
0x39: {  	_ = 	snop;
	(pc) =	sbr.ind lr, $3  }
0x3a: {  	_ = 	snop  }
0x3b: {  	_ = 	snop  }
0x3c: {  	p2 =	seq.s32 s10, $0x1;
	s10 =	sld [smem:$0x3FB8]  }
0x3d: {  	_ =	shalt  }
0x3e: {  	_ =	shalt  }
0x3f: {  	_ =	shalt  }
0x40: {  	_ =	shalt  }
0x41: {  	_ =	shalt  }
0x42: {  	_ =	shalt  }
0x43: {  	_ =	shalt  }
0x44: {  	_ =	shalt  }
0x45: {  	_ =	shalt  }
0x46: {  	_ =	shalt  }
0x47: {  	_ =	shalt  }
0x48: {  	_ =	shalt  }
0x49: {  	_ =	shalt  }
0x4a: {  	_ =	shalt  }
0x4b: {  	_ =	shalt  }
0x4c: {  	_ =	shalt  }
0x4d: {  	_ =	shalt  }
0x4e: {  	_ =	shalt  }
0x4f: {  	_ =	shalt  }
0x50: {  	_ =	shalt  }
0x51: {  	_ =	shalt  }
0x52: {  	_ =	shalt  }
0x53: {  	_ =	shalt  }
0x54: {  	_ =	shalt  }
0x55: {  	_ =	shalt  }
0x56: {  	_ =	shalt  }
0x57: {  	_ =	shalt  }
0x58: {  	_ =	shalt  }
0x59: {  	_ =	shalt  }
0x5a: {  	_ =	shalt  }
0x5b: {  	_ =	shalt  }
0x5c: {  	_ =	shalt  }
0x5d: {  	_ =	shalt  }
0x5e: {  	_ =	shalt  }
0x5f: {  	_ =	shalt  }
0x60: {  	_ =	shalt  }
0x61: {  	_ =	shalt  }
0x62: {  	_ =	shalt  }
0x63: {  	_ =	shalt  }
0x64: {  	_ =	shalt  }
0x65: {  	_ =	shalt  }
0x66: {  	_ =	shalt  }
0x67: {  	_ =	shalt  }
0x68: {  	_ =	shalt  }
0x69: {  	_ =	shalt  }
0x6a: {  	_ =	shalt  }
0x6b: {  	_ =	shalt  }
0x6c: {  	_ =	shalt  }
0x6d: {  	_ =	shalt  }
0x6e: {  	_ =	shalt  }
0x6f: {  	_ =	shalt  }
0x70: {  	_ =	shalt  }
0x71: {  	_ =	shalt  }
0x72: {  	_ =	shalt  }
0x73: {  	_ =	shalt  }
0x74: {  	_ =	shalt  }
0x75: {  	_ =	shalt  }
0x76: {  	_ =	shalt  }
0x77: {  	_ =	shalt  }
0x78: {  	_ =	shalt  }
0x79: {  	_ =	shalt  }
0x7a: {  	_ =	shalt  }
0x7b: {  	_ =	shalt  }
0x7c: {  	_ =	shalt  }
0x7d: {  	_ =	shalt  }
0x7e: {  	_ =	shalt  }
0x7f: {  	_ =	shalt  }
0x80: {  	_ =	shalt  }
0x81: {  	_ =	shalt  }
0x82: {  	_ =	shalt  }
0x83: {  	_ =	shalt  }
0x84: {  	_ =	shalt  }
0x85: {  	_ =	shalt  }
0x86: {  	_ =	shalt  }
0x87: {  	_ =	shalt  }
.Lfunc_end0:
.L_simem_size_0:
called_computation.1_lowered:
.L_overlay_start_0:
0x88: {  	s2 =	sld [smem:$0x3FD9]  }
0x89: {  	s3 =	sld [smem:$0x3FFE];
	_ =	sdelay $0x1  }
0x8a: {  	s1 =	srdreg.scid  }
0x8b: {  	s0 =	sand.u32 $0x1, s1  }
0x8c: {  	s17 =	sshll.u32 s0, $0xA;
	s2 =	sadd.s32 s3, s2  }
0x8d: {  	s2 =	sadd.s32 s2, s17  }
0x8e: {  	[smem:$0x3FC4] =	sst s2  }
0x8f: {  	_ = 	snop  }
0x90: {  	s2 =	sld [smem:$0x3FC9]  }
0x91: {  	s18 =	sld [smem:$0x3FC7]  }
0x92: {  	s4 =	sld [smem:$0x3FD0];
	(tm) =	ssettm $0x1  }
0x93: {  	s5 =	sld [smem:$0x3FFB];
	_ =	sdelay $0x3  }
0x94: {  	_ =	strace s5  }
0x95: {  	s5 =	sld [smem:$0x3FFC];
	_ =	sdelay $0x3  }
0x96: {  	_ =	strace s5  }
0x97: {  	s5 =	sld [smem:$0x3FFD];
	_ =	sdelay $0x3  }
0x98: {  	_ =	strace s5  }
0x99: {  	_ =	strace $0x8FFFFFFF  }
0x9a: {  	s19 =	sld [smem:$0x3FDB];
	_ =	sdelay $0x1  }
0x9b: {  	s6 =	simm.s32 $_scs_section_size  }
0x9c: {  	s7 =	simm.s32 $_size__tile_overlayer_lowered;
	s8 =	simm.s32 $_tile_overlayer_lowered  }
0x9d: {  	s22 =	simm.s32 $0x1BFF;
	s21 =	sshll.u32 s8, $0x1;
	s5 =	sadd.s32 s6, s19  }
0x9e: {  	s9 =	simm.s32 $0x0;
	s20 =	sshll.u32 s7, $0x1;
	s7 =	sadd.s32 s21, s5  }
0x9f: {  	[timem:s9], [sflag:s22] =	dma.local [hbm:s7], s20  }
0xa0: {  	_ =	swait.ge [sflag:s22], s20  }
0xa1: {  	s6 =	ssub.s32 $0x0, s20;
	[sflag:s22] =	ssyncset.done $0x0  }
0xa2: {  	[sflag:s22] =	ssyncadd.s32 s6;
	_ =	sdelay $0x1  }
0xa3: {  	s23 =	simm.s32 $0x1B8B  }
0xa4: {  	_ =	swait.ge [sflag:s23], $0x1  }
0xa5: {  	[sflag:s23] =	ssyncset.done $0x0  }
0xa6: {  	s25 =	simm.s32 $0x1B8E;
	s24 =	sld [smem:$0x3FFE];
	[sflag:s23] =	ssyncadd.s32 $0xFFFFFFFF  }
0xa7: {  	s26 =	simm.s32 $execute0_lowered;
	[smem:$0x3FD2] =	sst s25  }
0xa8: {  	s7 =	sshll.u32 s26, $0x1;
	_ =	strace $0x80000049;
	[dreg:$0x1] =	wrdreg $0xFFFFFFFF  }
0xa9: {  	s28 =	simm.s32 $_size_execute0_lowered;
	s5 =	sadd.s32 s5, s7;
	[dreg:$0x0] =	wrdreg $0x0  }
0xaa: {  	s7 =	sshll.u32 s28, $0x1;
	[dreg:$0x2] =	wrdreg s5  }
0xab: {  	[dreg:$0x3] =	wrdreg s7  }
0xac: {  	[dreg:$0x4] =	wrdreg $0xC0  }
0xad: {  	_ =	task [dreg:s9], $0x5FFFF  }
0xae: {  	[dreg:$0x1] =	wrdreg $0xFFFFFFFF  }
0xaf: {  	[dreg:$0x0] =	wrdreg $0x60  }
0xb0: {  	[dreg:$0x2] =	wrdreg s24  }
0xb1: {  	[dreg:$0x3] =	wrdreg s2  }
0xb2: {  	[dreg:$0x4] =	wrdreg s18  }
0xb3: {  	[dreg:$0x5] =	wrdreg s4  }
0xb4: {  	[dreg:$0x6] =	wrdreg $0x9  }
0xb5: {  	_ =	task.clear_ibuf [dreg:s9], $0x7FFFF;
	_ =	strace $0x90000049  }
0xb6: {  	s29 =	simm.s32 $0x9;
	_ =	strace $0x8000004B  }
0xb7: {  	_ =	swait.ge [sflag:s29], $0x1  }
0xb8: {  	[sflag:s29] =	ssyncadd.s32 $0xFFFFFFFF  }
0xb9: {  	_ =	strace $0x9000004B  }
0xba: {  	_ =	sfence  }
0xbb: {  	s30 =	sld [smem:$0x0];
	_ =	sdelay $0x2  }
0xbc: {  	s31 =	sshll.u32 s1, $0xD;
	s1 =	sshrl.u32 s1, $0x2  }
0xbd: {  	s3 =	sand.u32 $0x4000, s31;
	s1 =	sadd.s32 s1, s30  }
0xbe: {  	s0 =	sor.u32 s3, s0;
	s1 =	sshll.u32 s1, $0x11  }
0xbf: {  	s0 =	sor.u32 s1, s0  }
0xc0: {  	s0 =	sadd.s32 $0x8F2B, s0  }
0xc1: {  	[sflag:s0] =	ssyncadd.remote.s32 $0x1  }
0xc2: {  	_ =	sfence.sel $0xFFFF  }
0xc3: {  	[dreg:$0x0] =	wrdreg $0xFFFFFFFF;
	(pc) =	sbr.abs _section_cstart, $3  }
0xc4: {  	[dreg:$0x1] =	wrdreg $0xFFFFFFFF  }
0xc5: {  	_ =	task.clear_ibuf [dreg:s9], $0x2FFFF;
	_ =	strace $0x9FFFFFFF  }
0xc6: {  	(tm) =	ssettm $0x7FFFFFFF  }
0xc7: {  	_ =	shalt  }
tec
execute0_lowered:
.L_overlay_start_1:
0x0: {  	(tag) =	ssettag $0x1  }
0x1: {  	s0 =	rddreg [dreg:$0x0]  }
0x2: {  	s1 =	rddreg [dreg:$0x1]  }
0x3: {  	s3 =	rddreg [dreg:$0x3];
	s2 =	srdreg.scid  }
0x4: {  	s5 =	stileid.u32;
	s4 =	simm.s32 $0x0;
	s11 =	simm.s32 $0x80  }
0x5: {  	s15 =	simm.s32 $0x800;
	s16 =	simm.s32 $0x880;
	s18 =	simm.s32 $0xE00  }
0x6: {  	s19 =	simm.s32 $0x980;
	s20 =	simm.s32 $0x4E00;
	s21 =	simm.s32 $0xA00  }
0x7: {  	s22 =	simm.s32 $0x8E00;
	s23 =	simm.s32 $0xA80;
	s24 =	simm.s32 $0xCE00  }
0x8: {  	s28 =	simm.s32 $0xB80;
	s29 =	simm.s32 $0x14E00;
	s30 =	simm.s32 $0x1  }
0x9: {  	s31 =	simm.s32 $0xC00;
	s14 =	simm.s32 $0x19480;
	s9 =	simm.s32 $0x0  }
0xa: {  	s2 =	sand.u32 $0x1, s2;
	s5 =	sshll.u32 s5, $0xB;
	[smem:$0x7FF] =	sst s4  }
0xb: {  	s6 =	sshll.u32 s2, $0xA;
	s2 =	ssub.s32 $0x2, s2;
	_ =	strace $0x8000004A  }
0xc: {  	s5 =	sor.u32 s6, s5;
	s7 =	sshrl.u32 s2, $0x1;
	s6 =	sadd.s32 $0x6A2400, s0  }
0xd: {  	v38 =	vlaneseq.u32;
	v62 =	vimm.s32 $0x1;
	s0 =	sadd.s32 $0x6A2200, s0;
	s8 =	sshrl.u32 s5, $0x2;
	s2 =	ssub.s32 s2, s7  }
0xe: {  	v3 =	vimm.s32 $0x0;
	v7 =	vimm.s32 $0x2;
	v8 =	vimm.s32 $0x3;
	[dreg:$0x6] =	wrdreg s0;
	s0 =	simm.s32 $0x18E00;
	s1 =	sadd.s32 s1, s8  }
0xf: {  	v9 =	vimm.s32 $0x4;
	v10 =	vimm.s32 $0x5;
	v11 =	vimm.s32 $0x6;
	s26 =	smax.u32 s2, $0x1;
	s2 =	simm.s32 $0xD00;
	[dreg:$0x5] =	wrdreg s1  }
0x10: {  	v12 =	vimm.s32 $0x7;
	v13 =	vimm.s32 $0x8;
	v0 =	vor.u32 s5, v38;
	s25 =	sadd.s32 $0x10, s1;
	[dreg:$0x8] =	wrdreg s26;
	s26 =	simm.s32 $0x10E00  }
0x11: {  	v39 =	vimm.s32 $0x9;
	v40 =	vimm.s32 $0xA;
	v41 =	vimm.s32 $0xB;
	[tilespmem:$0x1FFF0] =	vst v0;
	s1 =	simm.s32 $0x2;
	[dreg:$0x7] =	wrdreg s25;
	s25 =	simm.s32 $0xB00  }
.LBB2_1:
0x12: {  	[dreg:$0x9] =	wrdreg s9  }
0x13: {  	s7 =	rddreg [dreg:$0x5];
	s8 =	simm.s32 $0x100;
	s9 =	simm.s32 $0x5  }
0x14: {  	[tilespmem:s4], [sflag:$0x5] =	stream.strided.gather [hbm4b:s7+s11], $0x400, s8, s11, $0x38;
	[tilespmem:$0x19B00] =	vst v63  }
0x15: {  	_ =	swait.ge [sflag:s9], $0x400  }
0x16: {  	[sflag:s9] =	ssyncset.done $0x0  }
0x17: {  	s10 =	simm.s32 $0x400;
	s17 =	rddreg [dreg:$0x7];
	[sflag:s9] =	ssyncadd.s32 $0xFFFFFC00  }
0x18: {  	[tilespmem:s10], [sflag:$0x5] =	stream.strided.gather [hbm4b:s17+s11], $0x400, s8, s11, $0x38;
	[tilespmem:$0x19B00] =	vst v63  }
0x19: {  	_ =	swait.ge [sflag:s9], $0x400  }
0x1a: {  	[sflag:s9] =	ssyncset.done $0x0  }
0x1b: {  	s12 =	rddreg [dreg:$0x6];
	[sflag:s9] =	ssyncadd.s32 $0xFFFFFC00  }
0x1c: {  	[tilespmem:s15], [sflag:$0x5] =	stream.linear.gather [hbm4b:s12+s4], $0x80, $0x38;
	[tilespmem:$0x19B00] =	vst v63  }
0x1d: {  	_ =	swait.ge [sflag:s9], $0x80  }
0x1e: {  	[sflag:s9] =	ssyncset.done $0x0  }
0x1f: {  	[sflag:s9] =	ssyncadd.s32 $0xFFFFFF80  }
0x20: {  	s13 =	rddreg [dreg:$0x2]  }
0x21: {  	v1 =	vimm.s32 $0xC;
	[tilespmem:s16], [sflag:$0x5] =	stream.linear.gather [hbm4b:s13+s4], $0x80, $0x38;
	[tilespmem:$0x19B00] =	vst v63  }
0x22: {  	_ =	swait.ge [sflag:s9], $0x80  }
0x23: {  	[sflag:s9] =	ssyncset.done $0x0  }
0x24: {  	v0 =	vld [tilespmem:$0x1FFF0];
	[sflag:s9] =	ssyncadd.s32 $0xFFFFFF80  }
0x25: {  	v19 =	vld.idx.msk [tilespmem:v62+s15+$0x0], $0xffff  }
0x26: {  	v37 =	vld.idx.msk [tilespmem:v1+s15+$0x0], $0xffff;
	v1 =	vimm.s32 $0xD  }
0x27: {  	v20 =	vld.idx.msk [tilespmem:v7+s15+$0x0], $0xffff  }
0x28: {  	v21 =	vld.idx.msk [tilespmem:v8+s15+$0x0], $0xffff  }
0x29: {  	v22 =	vld.idx.msk [tilespmem:v9+s15+$0x0], $0xffff  }
0x2a: {  	v23 =	vld.idx.msk [tilespmem:v10+s15+$0x0], $0xffff  }
0x2b: {  	v43 =	vld.idx.msk [tilespmem:v1+s15+$0x0], $0xffff;
	v1 =	vimm.s32 $0xE  }
0x2c: {  	v24 =	vld.idx.msk [tilespmem:v11+s15+$0x0], $0xffff  }
0x2d: {  	v63 =	vld.idx.msk [tilespmem:v12+s15+$0x0], $0xffff  }
0x2e: {  	v29 =	vld.idx.msk [tilespmem:v13+s15+$0x0], $0xffff  }
0x2f: {  	v31 =	vld.idx.msk [tilespmem:v39+s15+$0x0], $0xffff;
	vm0 =	vge.s32 v0, v19  }
0x30: {  	vm1 =	vge.s32 v0, v20;
	vm12 =	vge.s32 v0, v21;
	v45 =	vld.idx.msk [tilespmem:v1+s15+$0x0], $0xffff;
	v1 =	vimm.s32 $0xF  }
0x31: {  	v33 =	vld.idx.msk [tilespmem:v40+s15+$0x0], $0xffff;
	vm13 =	vge.s32 v0, v22;
	vm14 =	vge.s32 v0, v23;
	vm15 =	vge.s32 v0, v24  }
0x32: {  	v35 =	vld.idx.msk [tilespmem:v41+s15+$0x0], $0xffff;
	vm4 =	vge.s32 v0, v63;
	v28 =	vsel vm0, $0x1, v3;
	v25 =	vsel vm1, $0x1, v3  }
0x33: {  	vm5 =	vge.s32 v0, v29;
	v30 =	vsel vm12, $0x1, v3;
	v20 =	vadd.s32 v28, v25  }
0x34: {  	v57 =	vld [tilespmem:$0x0];
	vm6 =	vge.s32 v0, v31;
	v32 =	vsel vm13, $0x1, v3;
	v20 =	vadd.s32 v30, v20  }
0x35: {  	v34 =	vsel vm14, $0x1, v3;
	v20 =	vadd.s32 v32, v20;
	v47 =	vld.idx.msk [tilespmem:v1+s15+$0x0], $0xffff;
	v1 =	vimm.s32 $0x10  }
0x36: {  	vm7 =	vge.s32 v0, v33;
	v36 =	vsel vm15, $0x1, v3;
	v20 =	vadd.s32 v34, v20  }
0x37: {  	vm8 =	vge.s32 v0, v35;
	v42 =	vsel vm4, $0x1, v3;
	v20 =	vadd.s32 v36, v20  }
0x38: {  	vm9 =	vge.s32 v0, v37;
	v44 =	vsel vm5, $0x1, v3;
	v20 =	vadd.s32 v42, v20  }
0x39: {  	v46 =	vsel vm6, $0x1, v3;
	v48 =	vsel vm7, $0x1, v3;
	v20 =	vadd.s32 v44, v20  }
0x3a: {  	v50 =	vsel vm8, $0x1, v3;
	vm14 =	vgt.s32 v57, $0xFFFE7960;
	v20 =	vadd.s32 v46, v20;
	v49 =	vld.idx.msk [tilespmem:v1+s15+$0x0], $0xffff  }
0x3b: {  	v52 =	vsel vm9, $0x1, v3;
	v58 =	vnsel vm14, $0xFFFE7960, v57;
	v20 =	vadd.s32 v48, v20  }
0x3c: {  	vm0 =	vlt.s32 v58, $0x1869F;
	vm10 =	vge.s32 v0, v43;
	v51 =	vadd.s32 v50, v20  }
0x3d: {  	v53 =	vsel vm10, $0x1, v3;
	vm11 =	vge.s32 v0, v45;
	v19 =	vadd.s32 v52, v51  }
0x3e: {  	v54 =	vsel vm11, $0x1, v3;
	v19 =	vadd.s32 v53, v19;
	vm12 =	vge.s32 v0, v47  }
0x3f: {  	v19 =	vadd.s32 v54, v19;
	v55 =	vsel vm12, $0x1, v3;
	vm13 =	vge.s32 v0, v49  }
0x40: {  	v20 =	vnsel vm0, $0x1869F, v58;
	v19 =	vadd.s32 v55, v19;
	v56 =	vsel vm13, $0x1, v3  }
0x41: {  	v20 =	vadd.s32 $0x186A0, v20;
	v19 =	vadd.s32 v56, v19  }
0x42: {  	v59 =	vmulhi.u32 $0x51EB851F, v20;
	v19 =	vmin.u32 v19, $0xF  }
0x43: {  	v18 =	vld [tilespmem:$0x400]  }
0x44: {  	v26 =	vmulhi.u32 $0x10624DD3, v20;
	v21 =	vshrl.u32 v59, $0x6  }
0x45: {  	v60 =	vshrl.u32 v59, $0x5;
	v16 =	vmul.u32 $0xFFFFFF38, v21  }
0x46: {  	v28 =	vshrl.u32 v26, $0x5;
	v33 =	vshrl.u32 v26, $0x6;
	v61 =	vmul.u32 $0xFFFFFF9C, v60  }
0x47: {  	v30 =	vmul.u32 $0xFFFFFE0C, v28;
	v35 =	vmul.u32 $0xFFFFFC18, v33;
	v25 =	vadd.s32 v20, v16;
	v19 =	vld.idx.msk [tilespmem:v19+s16+$0x0], $0xffff  }
0x48: {  	vm15 =	vgt.s32 v18, $0xFFFE7960;
	v23 =	vadd.s32 v20, v61;
	v25 =	vcvt.s32.f32 v25  }
0x49: {  	v17 =	vadd.s32 v20, v30;
	v35 =	vadd.s32 v20, v35;
	v23 =	vcvt.s32.f32 v23  }
0x4a: {  	v30 =	vnsel vm15, $0xFFFE7960, v18;
	v44 =	vcvt.s32.f32 v35;
	v25 =	vmul.f32 $4.999999890e-03, v25  }
0x4b: {  	vm0 =	vlt.s32 v30, $0x1869F;
	v23 =	vmul.f32 $9.999999770e-03, v23  }
0x4c: {  	v30 =	vnsel vm0, $0x1869F, v30;
	[tilespmem:$0xC20] =	vst v25;
	v25 =	vmul.f32 $1.000000050e-03, v44;
	v19 =	vmul.u32 $0xEA2, v19  }
0x4d: {  	v26 =	vshrl.u32 v26, $0x7;
	v30 =	vadd.s32 $0x186A0, v30;
	[tilespmem:$0xC00] =	vst v23  }
0x4e: {  	v50 =	vmulhi.u32 $0x51EB851F, v30;
	[tilespmem:$0xC60] =	vst v25;
	v63 =	vor.u32 $0x1, v19;
	v27 =	vadd.s32 v19, v60  }
0x4f: {  	v56 =	vmulhi.u32 $0x10624DD3, v30;
	v29 =	vadd.s32 $0x7D1, v19;
	v22 =	vadd.s32 v60, v63;
	[tilespmem:$0x900] =	vst v27  }
0x50: {  	v35 =	vshrl.u32 v50, $0x6;
	v32 =	vadd.s32 $0x7D2, v19;
	v31 =	vadd.s32 v21, v29;
	[tilespmem:$0x910] =	vst v22  }
0x51: {  	v55 =	vmul.u32 $0xFFFFFF38, v35;
	v36 =	vadd.s32 $0xD4C, v19;
	v21 =	vadd.s32 v21, v32;
	[tilespmem:$0x940] =	vst v31  }
0x52: {  	v52 =	vshrl.u32 v50, $0x5;
	v50 =	vshrl.u32 v56, $0x7;
	v45 =	vadd.s32 v33, v36;
	[tilespmem:$0x950] =	vst v21  }
0x53: {  	v59 =	vadd.s32 v30, v55;
	v23 =	vadd.s32 $0xE15, v19;
	v57 =	vadd.s32 v52, v63;
	[tilespmem:$0x9D0] =	vst v45  }
0x54: {  	v61 =	vcvt.s32.f32 v59;
	v59 =	vadd.s32 v50, v23;
	v22 =	vadd.s32 $0xBBA, v19;
	[tilespmem:$0x930] =	vst v57  }
0x55: {  	v46 =	vmul.u32 $0xFFFFF830, v26;
	v34 =	vadd.s32 $0xBBB, v19;
	[tilespmem:$0xA30] =	vst v59;
	v42 =	vadd.s32 v28, v22  }
0x56: {  	v27 =	vcvt.s32.f32 v17;
	v31 =	vadd.s32 $0xD4B, v19;
	v28 =	vadd.s32 v28, v34;
	[tilespmem:$0x980] =	vst v42  }
0x57: {  	v60 =	vshrl.u32 v56, $0x5;
	v43 =	vadd.s32 v33, v31;
	[tilespmem:$0x990] =	vst v28  }
0x58: {  	v27 =	vmul.f32 $2.000000090e-03, v27;
	v33 =	vadd.s32 v20, v46;
	v46 =	vadd.s32 v60, v22;
	[tilespmem:$0x9C0] =	vst v43  }
0x59: {  	[tilespmem:$0x9A0] =	vst v46  }
0x5a: {  	v47 =	vmulhi.u32 $0xD1B71759, v20;
	v48 =	vcvt.s32.f32 v33;
	v33 =	vadd.s32 v35, v29;
	[tilespmem:$0xC40] =	vst v27  }
0x5b: {  	v35 =	vadd.s32 v35, v32;
	[tilespmem:$0x960] =	vst v33  }
0x5c: {  	v25 =	vadd.s32 $0xE79, v19;
	v28 =	vshrl.u32 v47, $0xC;
	v47 =	vadd.s32 v60, v34;
	[tilespmem:$0x970] =	vst v35  }
0x5d: {  	v37 =	vmul.u32 $0xFFFFFF9C, v52;
	v42 =	vmul.f32 $4.999999890e-03, v61;
	v53 =	vadd.s32 v28, v25;
	[tilespmem:$0x9B0] =	vst v47  }
0x5e: {  	v27 =	vadd.s32 $0xE14, v19;
	[tilespmem:$0xA40] =	vst v53  }
0x5f: {  	v54 =	vadd.s32 v30, v37;
	v49 =	vmul.u32 $0xFFFFEC78, v28;
	v51 =	vadd.s32 v26, v27;
	[tilespmem:$0xC30] =	vst v42  }
0x60: {  	v44 =	vshrl.u32 v56, $0x6;
	v26 =	vadd.s32 v26, v23;
	v21 =	vmul.f32 $5.000000240e-04, v48;
	[tilespmem:$0xA00] =	vst v51  }
0x61: {  	v53 =	vadd.s32 v44, v31;
	v20 =	vadd.s32 v20, v49;
	[tilespmem:$0xA10] =	vst v26;
	v26 =	vadd.s32 $0xE7A, v19  }
0x62: {  	v19 =	vadd.s32 v19, v52;
	v52 =	vmulhi.u32 $0xD1B71759, v30;
	[tilespmem:$0x9E0] =	vst v53;
	v20 =	vcvt.s32.f32 v20  }
0x63: {  	v63 =	vmul.u32 $0xFFFFFE0C, v60;
	v45 =	vmul.u32 $0xFFFFFC18, v44;
	[tilespmem:$0xC80] =	vst v21;
	v21 =	vcvt.s32.f32 v54  }
0x64: {  	v28 =	vadd.s32 v28, v26;
	[tilespmem:$0x920] =	vst v19;
	v56 =	vshrl.u32 v52, $0xC;
	v20 =	vmul.f32 $1.999999950e-04, v20  }
0x65: {  	[tilespmem:$0xA50] =	vst v28;
	v58 =	vmul.f32 $9.999999770e-03, v21;
	v21 =	vadd.s32 v44, v36;
	v57 =	vmul.u32 $0xFFFFEC78, v56  }
0x66: {  	v43 =	vadd.s32 v30, v63;
	v49 =	vadd.s32 v30, v45;
	[tilespmem:$0x9F0] =	vst v21  }
0x67: {  	v61 =	vadd.s32 v56, v25;
	[tilespmem:$0xCA0] =	vst v20;
	v20 =	vcvt.s32.f32 v43;
	v21 =	vadd.s32 v30, v57  }
0x68: {  	v51 =	vmul.u32 $0xFFFFF830, v50;
	v63 =	vadd.s32 v56, v26;
	[tilespmem:$0xA60] =	vst v61;
	v60 =	vcvt.s32.f32 v21  }
0x69: {  	[tilespmem:$0xA70] =	vst v63;
	v48 =	vmul.f32 $2.000000090e-03, v20;
	v20 =	vcvt.s32.f32 v49  }
0x6a: {  	v55 =	vadd.s32 v30, v51;
	[tilespmem:$0xC10] =	vst v58;
	v58 =	vadd.s32 v50, v27;
	v19 =	vmul.f32 $1.999999950e-04, v60  }
0x6b: {  	[tilespmem:$0xA20] =	vst v58;
	v54 =	vmul.f32 $1.000000050e-03, v20;
	v20 =	vcvt.s32.f32 v55  }
0x6c: {  	[tilespmem:$0xC50] =	vst v48  }
0x6d: {  	[tilespmem:$0xCB0] =	vst v19;
	v20 =	vmul.f32 $5.000000240e-04, v20  }
0x6e: {  	[tilespmem:$0xC70] =	vst v54  }
0x6f: {  	s17 =	simm.s32 $0x900;
	[tilespmem:$0xC90] =	vst v20  }
0x70: {  	[tilespmem:s18], [sflag:$0x1] =	stream.indirect.gather [hbm4b:s6+s11], $0x80, s17, s11, $0xb8;
	[tilespmem:$0x19B00] =	vst v63  }
0x71: {  	_ = 	snop  }
0x72: {  	[tilespmem:s20], [sflag:$0x1] =	stream.indirect.gather [hbm4b:s6+s11], $0x80, s19, s11, $0xb8;
	[tilespmem:$0x19B00] =	vst v63  }
0x73: {  	s10 =	simm.s32 $0x0  }
0x74: {  	[tilespmem:s22], [sflag:$0x1] =	stream.indirect.gather [hbm4b:s6+s11], $0x80, s21, s11, $0xb8;
	[tilespmem:$0x19B00] =	vst v63  }
.LBB2_2:
0x75: {  	_ =	sdelay $0x2  }
0x76: {  	v0 =	vimm.s32 $0xC  }
0x77: {  	v19 =	vld.idx.msk [tilespmem:v62+s15+$0x0], $0xffff  }
0x78: {  	v20 =	vld.idx.msk [tilespmem:v7+s15+$0x0], $0xffff  }
0x79: {  	v21 =	vld.idx.msk [tilespmem:v8+s15+$0x0], $0xffff  }
0x7a: {  	v22 =	vld.idx.msk [tilespmem:v9+s15+$0x0], $0xffff  }
0x7b: {  	v42 =	vld.idx.msk [tilespmem:v0+s15+$0x0], $0xffff;
	v0 =	vimm.s32 $0xD  }
0x7c: {  	v23 =	vld.idx.msk [tilespmem:v10+s15+$0x0], $0xffff  }
0x7d: {  	s12 =	sshll.u32 s10, $0x5;
	v25 =	vld.idx.msk [tilespmem:v11+s15+$0x0], $0xffff  }
0x7e: {  	v31 =	vld.idx.msk [tilespmem:v12+s15+$0x0], $0xffff;
	s7 =	sor.u32 $0x10, s12  }
0x7f: {  	v33 =	vld.idx.msk [tilespmem:v13+s15+$0x0], $0xffff;
	s7 =	sor.u32 s5, s7  }
0x80: {  	v24 =	vor.u32 s7, v38;
	v44 =	vld.idx.msk [tilespmem:v0+s15+$0x0], $0xffff;
	v0 =	vimm.s32 $0xE  }
0x81: {  	v35 =	vld.idx.msk [tilespmem:v39+s15+$0x0], $0xffff;
	vm0 =	vge.s32 v24, v19;
	vm1 =	vge.s32 v24, v20;
	vm12 =	vge.s32 v24, v21  }
0x82: {  	v37 =	vld.idx.msk [tilespmem:v40+s15+$0x0], $0xffff;
	vm13 =	vge.s32 v24, v22;
	vm14 =	vge.s32 v24, v23;
	vm15 =	vge.s32 v24, v25  }
0x83: {  	v40 =	vld.idx.msk [tilespmem:v41+s15+$0x0], $0xffff;
	vm4 =	vge.s32 v24, v31;
	v32 =	vsel vm0, $0x1, v3;
	v26 =	vsel vm1, $0x1, v3  }
0x84: {  	v57 =	vld [tilespmem:s12+$0x10];
	vm5 =	vge.s32 v24, v33;
	v34 =	vsel vm12, $0x1, v3;
	v20 =	vadd.s32 v32, v26  }
0x85: {  	v36 =	vsel vm13, $0x1, v3;
	v20 =	vadd.s32 v34, v20;
	v46 =	vld.idx.msk [tilespmem:v0+s15+$0x0], $0xffff;
	v0 =	vimm.s32 $0xF  }
0x86: {  	vm6 =	vge.s32 v24, v35;
	v39 =	vsel vm14, $0x1, v3;
	v20 =	vadd.s32 v36, v20  }
0x87: {  	vm7 =	vge.s32 v24, v37;
	v41 =	vsel vm15, $0x1, v3;
	v20 =	vadd.s32 v39, v20  }
0x88: {  	vm8 =	vge.s32 v24, v40;
	v43 =	vsel vm4, $0x1, v3;
	v20 =	vadd.s32 v41, v20  }
0x89: {  	v45 =	vsel vm5, $0x1, v3;
	v47 =	vsel vm6, $0x1, v3;
	v20 =	vadd.s32 v43, v20  }
0x8a: {  	vm14 =	vgt.s32 v57, $0xFFFE7960;
	v20 =	vadd.s32 v45, v20;
	v48 =	vld.idx.msk [tilespmem:v0+s15+$0x0], $0xffff;
	v0 =	vimm.s32 $0x10  }
0x8b: {  	v49 =	vsel vm7, $0x1, v3;
	v59 =	vnsel vm14, $0xFFFE7960, v57;
	v20 =	vadd.s32 v47, v20  }
0x8c: {  	v51 =	vsel vm8, $0x1, v3;
	vm0 =	vlt.s32 v59, $0x1869F;
	v20 =	vadd.s32 v49, v20  }
0x8d: {  	v52 =	vadd.s32 v51, v20;
	v20 =	vnsel vm0, $0x1869F, v59  }
0x8e: {  	vm9 =	vge.s32 v24, v42;
	v20 =	vadd.s32 $0x186A0, v20  }
0x8f: {  	v53 =	vsel vm9, $0x1, v3;
	vm10 =	vge.s32 v24, v44;
	v60 =	vmulhi.u32 $0x51EB851F, v20;
	v50 =	vld.idx.msk [tilespmem:v0+s15+$0x0], $0xffff  }
0x90: {  	v54 =	vsel vm10, $0x1, v3;
	v19 =	vadd.s32 v53, v52;
	v40 =	vmulhi.u32 $0x10624DD3, v20  }
0x91: {  	v19 =	vadd.s32 v54, v19;
	v33 =	vmulhi.u32 $0xD1B71759, v20  }
0x92: {  	vm11 =	vge.s32 v24, v46;
	v61 =	vshrl.u32 v60, $0x5;
	v21 =	vshrl.u32 v60, $0x6  }
0x93: {  	v28 =	vshrl.u32 v40, $0x5;
	v55 =	vsel vm11, $0x1, v3;
	vm12 =	vge.s32 v24, v48  }
0x94: {  	v19 =	vadd.s32 v55, v19;
	v56 =	vsel vm12, $0x1, v3;
	vm13 =	vge.s32 v24, v50  }
0x95: {  	v46 =	vshrl.u32 v40, $0x6;
	v19 =	vadd.s32 v56, v19;
	v58 =	vsel vm13, $0x1, v3  }
0x96: {  	v26 =	vshrl.u32 v40, $0x7;
	v39 =	vmul.u32 $0xFFFFFF38, v21;
	v19 =	vadd.s32 v58, v19  }
0x97: {  	v53 =	vshrl.u32 v33, $0xC;
	v62 =	vmul.u32 $0xFFFFFF9C, v61;
	v19 =	vmin.u32 v19, $0xF  }
0x98: {  	v29 =	vmul.u32 $0xFFFFFE0C, v28;
	v32 =	vmul.u32 $0xFFFFFC18, v46;
	v25 =	vadd.s32 v20, v39  }
0x99: {  	v33 =	vmul.u32 $0xFFFFEC78, v53;
	v23 =	vadd.s32 v20, v62;
	v25 =	vcvt.s32.f32 v25  }
0x9a: {  	v44 =	vadd.s32 v20, v29;
	v23 =	vcvt.s32.f32 v23;
	v50 =	vmul.u32 $0xFFFFF830, v26  }
0x9b: {  	v32 =	vadd.s32 v20, v32;
	v43 =	vmul.f32 $4.999999890e-03, v25;
	v25 =	vcvt.s32.f32 v44  }
0x9c: {  	v23 =	vmul.f32 $9.999999770e-03, v23;
	v52 =	vadd.s32 v20, v50;
	v20 =	vadd.s32 v20, v33;
	v19 =	vld.idx.msk [tilespmem:v19+s16+$0x0], $0xffff  }
0x9d: {  	v25 =	vmul.f32 $2.000000090e-03, v25;
	v20 =	vcvt.s32.f32 v20  }
0x9e: {  	v49 =	vcvt.s32.f32 v32;
	[tilespmem:$0xD00] =	vst v23  }
0x9f: {  	v20 =	vmul.f32 $1.999999950e-04, v20;
	[tilespmem:$0xD40] =	vst v25;
	v25 =	vcvt.s32.f32 v52  }
0xa0: {  	[tilespmem:$0xD20] =	vst v43;
	v23 =	vmul.f32 $1.000000050e-03, v49  }
0xa1: {  	[tilespmem:$0xDA0] =	vst v20;
	v25 =	vmul.f32 $5.000000240e-04, v25;
	v19 =	vmul.u32 $0xEA2, v19  }
0xa2: {  	[tilespmem:$0xD60] =	vst v23  }
0xa3: {  	[tilespmem:$0xD80] =	vst v25;
	v63 =	vor.u32 $0x1, v19;
	v27 =	vadd.s32 v19, v61  }
0xa4: {  	v41 =	vadd.s32 $0x7D1, v19;
	v22 =	vadd.s32 v61, v63;
	[tilespmem:$0xA80] =	vst v27  }
0xa5: {  	v30 =	vadd.s32 $0x7D2, v19;
	v42 =	vadd.s32 v21, v41;
	[tilespmem:$0xA90] =	vst v22  }
0xa6: {  	v45 =	vadd.s32 $0xBBA, v19;
	v21 =	vadd.s32 v21, v30;
	[tilespmem:$0xAC0] =	vst v42  }
0xa7: {  	v31 =	vadd.s32 $0xBBB, v19;
	v47 =	vadd.s32 v28, v45;
	[tilespmem:$0xAD0] =	vst v21  }
0xa8: {  	v34 =	vadd.s32 $0xE15, v19;
	v48 =	vadd.s32 v28, v31;
	[tilespmem:$0xB00] =	vst v47  }
0xa9: {  	v23 =	vadd.s32 $0xE79, v19;
	v55 =	vadd.s32 v26, v34;
	[tilespmem:$0xB10] =	vst v48  }
0xaa: {  	v56 =	vadd.s32 v53, v23;
	v21 =	vadd.s32 $0xD4C, v19;
	[tilespmem:$0xB90] =	vst v55  }
0xab: {  	v28 =	vadd.s32 $0xD4B, v19;
	[tilespmem:$0xBC0] =	vst v56;
	v29 =	vadd.s32 v46, v21  }
0xac: {  	v51 =	vadd.s32 v46, v28;
	[tilespmem:$0xB50] =	vst v29;
	v29 =	vadd.s32 $0xE14, v19  }
0xad: {  	[tilespmem:$0xB40] =	vst v51;
	v54 =	vadd.s32 v26, v29;
	v26 =	vadd.s32 $0xE7A, v19  }
0xae: {  	[tilespmem:$0xB80] =	vst v54;
	v57 =	vadd.s32 v53, v26  }
0xaf: {  	[tilespmem:$0xBD0] =	vst v57  }
0xb0: {  	v20 =	vld [tilespmem:s12+$0x410];
	_ =	sdelay $0x4  }
0xb1: {  	vm15 =	vgt.s32 v20, $0xFFFE7960  }
0xb2: {  	v20 =	vnsel vm15, $0xFFFE7960, v20  }
0xb3: {  	vm0 =	vlt.s32 v20, $0x1869F  }
0xb4: {  	v20 =	vnsel vm0, $0x1869F, v20  }
0xb5: {  	v20 =	vadd.s32 $0x186A0, v20  }
0xb6: {  	v58 =	vmulhi.u32 $0x51EB851F, v20;
	_ =	sdelay $0x1  }
0xb7: {  	v59 =	vshrl.u32 v58, $0x5  }
0xb8: {  	v19 =	vadd.s32 v19, v59  }
0xb9: {  	v36 =	vmulhi.u32 $0x10624DD3, v20;
	v25 =	vshrl.u32 v58, $0x6;
	v24 =	vadd.s32 v59, v63;
	[tilespmem:$0xAA0] =	vst v19  }
0xba: {  	v52 =	vmulhi.u32 $0xD1B71759, v20;
	v40 =	vadd.s32 v25, v41;
	[tilespmem:$0xAB0] =	vst v24  }
0xbb: {  	v43 =	vshrl.u32 v36, $0x6;
	v35 =	vmul.u32 $0xFFFFFF38, v25;
	v25 =	vadd.s32 v25, v30;
	[tilespmem:$0xAE0] =	vst v40  }
0xbc: {  	v49 =	vshrl.u32 v36, $0x7;
	v56 =	vshrl.u32 v52, $0xC;
	v53 =	vadd.s32 v43, v28;
	[tilespmem:$0xAF0] =	vst v25  }
0xbd: {  	v60 =	vmul.u32 $0xFFFFFF9C, v59;
	v63 =	vshrl.u32 v36, $0x5;
	v21 =	vadd.s32 v43, v21;
	[tilespmem:$0xB60] =	vst v53  }
0xbe: {  	v44 =	vmul.u32 $0xFFFFFC18, v43;
	v51 =	vmul.u32 $0xFFFFF830, v49;
	v59 =	vadd.s32 v49, v29;
	[tilespmem:$0xB70] =	vst v21  }
0xbf: {  	v58 =	vmul.u32 $0xFFFFEC78, v56;
	v39 =	vmul.u32 $0xFFFFFE0C, v63;
	v45 =	vadd.s32 v63, v45;
	[tilespmem:$0xBA0] =	vst v59  }
0xc0: {  	v46 =	vadd.s32 v63, v31;
	v63 =	vadd.s32 v56, v26;
	v33 =	vadd.s32 v20, v60;
	[tilespmem:$0xB20] =	vst v45  }
0xc1: {  	v62 =	vadd.s32 v20, v35;
	v48 =	vadd.s32 v20, v44;
	[tilespmem:$0xB30] =	vst v46;
	v33 =	vcvt.s32.f32 v33  }
0xc2: {  	v55 =	vadd.s32 v20, v51;
	v60 =	vadd.s32 v49, v34;
	[tilespmem:$0xBF0] =	vst v63;
	v37 =	vcvt.s32.f32 v62  }
0xc3: {  	v50 =	vcvt.s32.f32 v48;
	[tilespmem:$0xBB0] =	vst v60;
	v62 =	vadd.s32 v56, v23;
	v61 =	vmul.f32 $9.999999770e-03, v33  }
0xc4: {  	v42 =	vadd.s32 v20, v39;
	v57 =	vcvt.s32.f32 v55;
	[tilespmem:$0xBE0] =	vst v62;
	v41 =	vmul.f32 $4.999999890e-03, v37  }
0xc5: {  	v20 =	vadd.s32 v20, v58;
	v24 =	vcvt.s32.f32 v42;
	v54 =	vmul.f32 $1.000000050e-03, v50;
	[tilespmem:$0xD10] =	vst v61  }
0xc6: {  	v21 =	vmul.f32 $5.000000240e-04, v57;
	[tilespmem:$0xD30] =	vst v41;
	v61 =	vcvt.s32.f32 v20  }
0xc7: {  	v47 =	vmul.f32 $2.000000090e-03, v24;
	[tilespmem:$0xD70] =	vst v54  }
0xc8: {  	[tilespmem:$0xD90] =	vst v21;
	v19 =	vmul.f32 $1.999999950e-04, v61  }
0xc9: {  	[tilespmem:$0xD50] =	vst v47  }
0xca: {  	[tilespmem:$0xDB0] =	vst v19  }
0xcb: {  	[tilespmem:s24], [sflag:$0x2] =	stream.indirect.gather [hbm4b:s6+s11], $0x80, s23, s11, $0xb8;
	[tilespmem:$0x19B00] =	vst v63  }
0xcc: {  	_ = 	snop  }
0xcd: {  	[tilespmem:s26], [sflag:$0x2] =	stream.indirect.gather [hbm4b:s6+s11], $0x80, s25, s11, $0xb8;
	[tilespmem:$0x19B00] =	vst v63  }
0xce: {  	_ = 	snop  }
0xcf: {  	[tilespmem:s29], [sflag:$0x2] =	stream.indirect.gather [hbm4b:s6+s11], $0x80, s28, s11, $0xb8;
	[tilespmem:$0x19B00] =	vst v63  }
0xd0: {  	_ =	swait.ge [sflag:s30], $0x4000  }
0xd1: {  	[sflag:s30] =	ssyncset.done $0x0  }
0xd2: {  	[sflag:s30] =	ssyncadd.s32 $0xFFFFC000  }
0xd3: {  	_ =	swait.ge [sflag:s30], $0x4000  }
0xd4: {  	[sflag:s30] =	ssyncset.done $0x0  }
0xd5: {  	[sflag:s30] =	ssyncadd.s32 $0xFFFFC000  }
0xd6: {  	_ =	swait.ge [sflag:s30], $0x4000  }
0xd7: {  	p0 =	seq.s32 s10, $0x0;
	[sflag:s30] =	ssyncset.done $0x0  }
0xd8: {  	s8 =	simm.s32 @!p0 $0x3;
	[sflag:s30] =	ssyncadd.s32 $0xFFFFC000  }
0xd9: {  	v13 =	vimm.s32 $0x7;
	v12 =	vimm.s32 $0x6;
	_ =	swait.ge @!p0 [sflag:s8], $0x640  }
0xda: {  	s13 =	simm.s32 $0x18E30;
	v11 =	vimm.s32 $0x5;
	v10 =	vimm.s32 $0x4;
	v9 =	vimm.s32 $0x3;
	[sflag:s8] =	ssyncset.done @!p0 $0x0  }
0xdb: {  	s9 =	simm.s32 $0x0;
	v8 =	vimm.s32 $0x2;
	v7 =	vimm.s32 $0x1;
	v3 =	vimm.s32 $0x0;
	[sflag:s8] =	ssyncadd.s32 @!p0 $0xFFFFF9C0;
	s8 =	simm.s32 $0x0  }
.LBB2_3:
0xdc: {  	s17 =	sshra.s32 s8, $0x2  }
0xdd: {  	v23 =	vld [tilespmem:s17+$0xE00]  }
0xde: {  	v22 =	vld [tilespmem:s17+$0x1600]  }
0xdf: {  	v24 =	vld [tilespmem:s17+$0xE10]  }
0xe0: {  	v25 =	vld [tilespmem:s17+$0x1610]  }
0xe1: {  	v26 =	vld [tilespmem:s17+$0xE20]  }
0xe2: {  	v27 =	vld [tilespmem:s17+$0x1620]  }
0xe3: {  	v28 =	vld [tilespmem:s17+$0xE30]  }
0xe4: {  	v29 =	vld [tilespmem:s17+$0x1630]  }
0xe5: {  	v30 =	vld [tilespmem:s17+$0xE40]  }
0xe6: {  	v31 =	vld [tilespmem:s17+$0x1640]  }
0xe7: {  	v32 =	vld [tilespmem:s17+$0xE50]  }
0xe8: {  	v33 =	vld [tilespmem:s17+$0x1650]  }
0xe9: {  	v34 =	vld [tilespmem:s17+$0xE54]  }
0xea: {  	v35 =	vld [tilespmem:s17+$0x1654]  }
0xeb: {  	v36 =	vld [tilespmem:s17+$0x1E00]  }
0xec: {  	v37 =	vld [tilespmem:s17+$0x2600]  }
0xed: {  	v19 =	vmul.u32 $0x10, v38;
	v38 =	vld [tilespmem:s17+$0x1E10]  }
0xee: {  	v39 =	vld [tilespmem:s17+$0x2610]  }
0xef: {  	v40 =	vld [tilespmem:s17+$0x1E20]  }
0xf0: {  	v41 =	vld [tilespmem:s17+$0x2620]  }
0xf1: {  	v42 =	vld [tilespmem:s17+$0x1E30]  }
0xf2: {  	v43 =	vld [tilespmem:s17+$0x2630]  }
0xf3: {  	v44 =	vld [tilespmem:s17+$0x1E40]  }
0xf4: {  	v45 =	vld [tilespmem:s17+$0x2640]  }
0xf5: {  	v46 =	vld [tilespmem:s17+$0x1E50]  }
0xf6: {  	v47 =	vld [tilespmem:s17+$0x2650]  }
0xf7: {  	v48 =	vld [tilespmem:s17+$0x1E54]  }
0xf8: {  	v49 =	vld [tilespmem:s17+$0x2654]  }
0xf9: {  	v50 =	vld [tilespmem:s17+$0x2E00]  }
0xfa: {  	v51 =	vld [tilespmem:s17+$0x3600]  }
0xfb: {  	v52 =	vld [tilespmem:s17+$0x2E10]  }
0xfc: {  	v53 =	vld [tilespmem:s17+$0x3610]  }
0xfd: {  	v54 =	vld [tilespmem:s17+$0x2E20]  }
0xfe: {  	v55 =	vld [tilespmem:s17+$0x3620]  }
0xff: {  	v56 =	vld [tilespmem:s17+$0x2E30]  }
0x100: {  	v57 =	vld [tilespmem:s17+$0x3630]  }
0x101: {  	v58 =	vld [tilespmem:s17+$0x2E40]  }
0x102: {  	v59 =	vld [tilespmem:s17+$0x3640]  }
0x103: {  	v60 =	vld [tilespmem:s17+$0x2E50]  }
0x104: {  	v61 =	vld [tilespmem:s17+$0x3650];
	v20 =	vor.u32 s9, v19  }
0x105: {  	v62 =	vld [tilespmem:s17+$0x2E54]  }
0x106: {  	v63 =	vld [tilespmem:s17+$0x3654]  }
0x107: {  	v1 =	vld [tilespmem:s17+$0x3E00]  }
0x108: {  	v14 =	vld [tilespmem:s17+$0x4600]  }
0x109: {  	v20 =	vld.idx.msk [tilespmem:v20+s31+$0x0], $0xffff  }
0x10a: {  	v15 =	vld [tilespmem:s17+$0x3E10]  }
0x10b: {  	v16 =	vld [tilespmem:s17+$0x4610]  }
0x10c: {  	v21 =	vld [tilespmem:s17+$0x3E20]  }
0x10d: {  	v18 =	vld [tilespmem:s17+$0x4620]  }
0x10e: {  	v0 =	vld [tilespmem:s17+$0x3E30];
	v22 =	vsub.f32 v22, v23;
	v25 =	vsub.f32 v25, v24;
	v17 =	vperm.xlane v20, v3  }
0x10f: {  	v4 =	vld [tilespmem:s17+$0x4630];
	v27 =	vsub.f32 v27, v26  }
0x110: {  	v6 =	vld [tilespmem:s17+$0x4654];
	v29 =	vsub.f32 v29, v28;
	v2 =	vmul.f32 v22, v17;
	v25 =	vmul.f32 v25, v17  }
0x111: {  	v37 =	vsub.f32 v37, v36;
	v55 =	vsub.f32 v55, v54;
	v27 =	vmul.f32 v27, v17;
	v22 =	vld [tilespmem:s17+$0x3E40]  }
0x112: {  	v2 =	vadd.f32 v2, v23;
	v23 =	vmul.f32 v29, v17;
	v29 =	vld [tilespmem:s17+$0x4640];
	v24 =	vadd.f32 v25, v24  }
0x113: {  	v25 =	vadd.f32 v27, v26;
	v26 =	vld [tilespmem:s17+$0x3E50];
	v27 =	vsub.f32 v31, v30  }
0x114: {  	v31 =	vsub.f32 v33, v32;
	v33 =	vsub.f32 v35, v34;
	v35 =	vld [tilespmem:s17+$0x3E54]  }
0x115: {  	v5 =	vperm.xlane v20, v7;
	v23 =	vadd.f32 v23, v28;
	v28 =	vld [tilespmem:s17+$0x4650];
	v27 =	vmul.f32 v27, v17  }
0x116: {  	v31 =	vmul.f32 v31, v17;
	v17 =	vmul.f32 v33, v17;
	v33 =	vsub.f32 v39, v38;
	v39 =	vld [tilespmem:s17+$0x4E00]  }
0x117: {  	v27 =	vadd.f32 v27, v30;
	v30 =	vmul.f32 v37, v5;
	v37 =	vsub.f32 v41, v40;
	v41 =	vld [tilespmem:s17+$0x5600]  }
0x118: {  	v31 =	vadd.f32 v31, v32;
	v17 =	vadd.f32 v17, v34;
	v32 =	vmul.f32 v33, v5;
	v33 =	vld [tilespmem:s17+$0x4E10]  }
0x119: {  	v30 =	vadd.f32 v30, v36;
	v34 =	vmul.f32 v37, v5;
	v36 =	vsub.f32 v43, v42;
	v37 =	vld [tilespmem:s17+$0x5610]  }
0x11a: {  	v32 =	vadd.f32 v32, v38;
	v38 =	vsub.f32 v45, v44;
	v43 =	vld [tilespmem:s17+$0x4E20]  }
0x11b: {  	v45 =	vld [tilespmem:s17+$0x5620];
	v34 =	vadd.f32 v34, v40;
	v40 =	vsub.f32 v47, v46  }
0x11c: {  	v36 =	vmul.f32 v36, v5;
	v2 =	vadd.f32 v30, v2;
	v24 =	vadd.f32 v32, v24;
	v32 =	vld [tilespmem:s17+$0x4E30]  }
0x11d: {  	v30 =	vmul.f32 v38, v5;
	v38 =	vld [tilespmem:s17+$0x5630];
	v25 =	vadd.f32 v34, v25;
	v47 =	vmul.f32 v40, v5  }
0x11e: {  	v34 =	vadd.f32 v36, v42;
	v40 =	vsub.f32 v49, v48;
	v42 =	vld [tilespmem:s17+$0x4E40]  }
0x11f: {  	v30 =	vadd.f32 v30, v44;
	v44 =	vperm.xlane v20, v8;
	v36 =	vadd.f32 v47, v46;
	v47 =	vld [tilespmem:s17+$0x5640]  }
0x120: {  	v49 =	vsub.f32 v51, v50;
	v5 =	vmul.f32 v40, v5;
	v40 =	vld [tilespmem:s17+$0x4E50]  }
0x121: {  	v61 =	vsub.f32 v61, v60;
	v51 =	vsub.f32 v53, v52;
	v46 =	vmul.f32 v55, v44;
	v55 =	vld [tilespmem:s17+$0x5E20]  }
0x122: {  	v27 =	vadd.f32 v30, v27;
	v53 =	vmul.f32 v49, v44;
	v30 =	vadd.f32 v36, v31;
	v36 =	vld [tilespmem:s17+$0x5650]  }
0x123: {  	v23 =	vadd.f32 v34, v23;
	v34 =	vmul.f32 v51, v44;
	v5 =	vadd.f32 v5, v48;
	v48 =	vld [tilespmem:s17+$0x4E54]  }
0x124: {  	v49 =	vsub.f32 v57, v56;
	v31 =	vadd.f32 v53, v50;
	v50 =	vld [tilespmem:s17+$0x5654]  }
0x125: {  	v57 =	vsub.f32 v59, v58;
	v34 =	vadd.f32 v34, v52;
	v52 =	vld [tilespmem:s17+$0x5E00]  }
0x126: {  	v63 =	vsub.f32 v63, v62;
	v51 =	vmul.f32 v61, v44;
	v53 =	vld [tilespmem:s17+$0x6610]  }
0x127: {  	v59 =	vmul.f32 v57, v44;
	v57 =	vld [tilespmem:s17+$0x6620]  }
0x128: {  	v61 =	vmul.f32 v63, v44;
	v63 =	vadd.f32 v51, v60;
	v51 =	vld [tilespmem:s17+$0x5E40]  }
0x129: {  	v14 =	vsub.f32 v14, v1;
	v60 =	vsub.f32 v37, v33;
	v37 =	vld [tilespmem:s17+$0x7620]  }
0x12a: {  	v16 =	vsub.f32 v16, v15;
	v2 =	vadd.f32 v31, v2;
	v31 =	vld [tilespmem:s17+$0x6600]  }
0x12b: {  	v6 =	vsub.f32 v6, v35;
	v5 =	vadd.f32 v5, v17;
	v17 =	vmul.f32 v49, v44;
	v49 =	vld [tilespmem:s17+$0x5E10]  }
0x12c: {  	v24 =	vadd.f32 v34, v24;
	v34 =	vadd.f32 v46, v54;
	v44 =	vld [tilespmem:s17+$0x5E50]  }
0x12d: {  	v46 =	vadd.f32 v59, v58;
	v54 =	vsub.f32 v28, v26;
	v28 =	vld [tilespmem:s17+$0x6654]  }
0x12e: {  	v59 =	vsub.f32 v41, v39;
	v41 =	vld [tilespmem:s17+$0x7640];
	v17 =	vadd.f32 v17, v56  }
0x12f: {  	v56 =	vperm.xlane v20, v9;
	v25 =	vadd.f32 v34, v25;
	v34 =	vld [tilespmem:s17+$0x5E30];
	v27 =	vadd.f32 v46, v27  }
0x130: {  	v58 =	vperm.xlane v20, v10;
	v46 =	vld [tilespmem:s17+$0x6630];
	v36 =	vsub.f32 v36, v40;
	v17 =	vadd.f32 v17, v23  }
0x131: {  	v14 =	vmul.f32 v14, v56;
	v23 =	vadd.f32 v61, v62;
	v62 =	vsub.f32 v38, v32;
	v38 =	vld [tilespmem:s17+$0x7630]  }
0x132: {  	v30 =	vadd.f32 v63, v30;
	v63 =	vsub.f32 v47, v42;
	v47 =	vmul.f32 v36, v58;
	v36 =	vld [tilespmem:s17+$0x6E54]  }
0x133: {  	v6 =	vmul.f32 v6, v56;
	v1 =	vadd.f32 v14, v1;
	v14 =	vsub.f32 v18, v21;
	v18 =	vld [tilespmem:s17+$0x6640]  }
0x134: {  	v4 =	vsub.f32 v4, v0;
	v16 =	vmul.f32 v16, v56;
	v5 =	vadd.f32 v23, v5;
	v23 =	vld [tilespmem:s17+$0x5E54]  }
0x135: {  	v6 =	vadd.f32 v6, v35;
	v35 =	vld [tilespmem:s17+$0x6E20]  }
0x136: {  	v4 =	vmul.f32 v4, v56;
	v15 =	vadd.f32 v16, v15;
	v16 =	vsub.f32 v29, v22;
	v29 =	vld [tilespmem:s17+$0x6E30]  }
0x137: {  	v50 =	vsub.f32 v50, v48;
	v1 =	vadd.f32 v1, v2;
	v2 =	vmul.f32 v14, v56;
	v14 =	vld [tilespmem:s17+$0x6650]  }
0x138: {  	v61 =	vsub.f32 v45, v43;
	v0 =	vadd.f32 v4, v0;
	v4 =	vmul.f32 v16, v56;
	v16 =	vld [tilespmem:s17+$0x6E00]  }
0x139: {  	v15 =	vadd.f32 v15, v24;
	v24 =	vld [tilespmem:s17+$0x7600];
	v5 =	vadd.f32 v6, v5;
	v6 =	vmul.f32 v60, v58  }
0x13a: {  	v31 =	vsub.f32 v31, v52;
	v0 =	vadd.f32 v0, v17;
	v17 =	vld [tilespmem:s17+$0x6E10]  }
0x13b: {  	v2 =	vadd.f32 v2, v21;
	v21 =	vmul.f32 v54, v56;
	v6 =	vadd.f32 v6, v33;
	v33 =	vld [tilespmem:s17+$0x7E00]  }
0x13c: {  	v4 =	vadd.f32 v4, v22;
	v22 =	vmul.f32 v50, v58;
	v54 =	vsub.f32 v53, v49;
	v50 =	vld [tilespmem:s17+$0x9654]  }
0x13d: {  	v18 =	vsub.f32 v18, v51;
	v53 =	vsub.f32 v38, v29;
	v38 =	vld [tilespmem:s17+$0x8E20]  }
0x13e: {  	v28 =	vsub.f32 v28, v23;
	v21 =	vadd.f32 v21, v26;
	v26 =	vld [tilespmem:s17+$0x7610]  }
0x13f: {  	v2 =	vadd.f32 v2, v25;
	v25 =	vmul.f32 v59, v58;
	v59 =	vsub.f32 v46, v34;
	v46 =	vld [tilespmem:s17+$0x8610]  }
0x140: {  	v6 =	vadd.f32 v6, v15;
	v15 =	vmul.f32 v63, v58;
	v22 =	vadd.f32 v22, v48;
	v48 =	vld [tilespmem:s17+$0x8E54]  }
0x141: {  	v4 =	vadd.f32 v4, v27;
	v27 =	vmul.f32 v61, v58;
	v25 =	vadd.f32 v25, v39;
	v39 =	vld [tilespmem:s17+$0x6E40]  }
0x142: {  	v14 =	vsub.f32 v14, v44;
	v15 =	vadd.f32 v15, v42;
	v42 =	vld [tilespmem:s17+$0x7654]  }
0x143: {  	v24 =	vsub.f32 v24, v16;
	v27 =	vadd.f32 v27, v43;
	v43 =	vld [tilespmem:s17+$0x7E10]  }
0x144: {  	v21 =	vadd.f32 v21, v30;
	v30 =	vmul.f32 v62, v58;
	v5 =	vadd.f32 v22, v5;
	v22 =	vld [tilespmem:s17+$0x8620]  }
0x145: {  	v58 =	vsub.f32 v57, v55;
	v62 =	vld [tilespmem:s17+$0x8630];
	v1 =	vadd.f32 v25, v1  }
0x146: {  	v25 =	vld [tilespmem:s17+$0x6E50];
	v45 =	vadd.f32 v30, v32;
	v30 =	vadd.f32 v47, v40;
	v40 =	vperm.xlane v20, v11  }
0x147: {  	v2 =	vadd.f32 v27, v2;
	v32 =	vld [tilespmem:s17+$0x7650];
	v4 =	vadd.f32 v15, v4  }
0x148: {  	v47 =	vld [tilespmem:s17+$0x7E20];
	v0 =	vadd.f32 v45, v0;
	v56 =	vmul.f32 v31, v40;
	v27 =	vmul.f32 v54, v40  }
0x149: {  	v15 =	vadd.f32 v30, v21;
	v30 =	vld [tilespmem:s17+$0x8600];
	v31 =	vmul.f32 v58, v40;
	v18 =	vmul.f32 v18, v40  }
0x14a: {  	v45 =	vld [tilespmem:s17+$0x7E40];
	v14 =	vmul.f32 v14, v40;
	v54 =	vsub.f32 v41, v39;
	v21 =	vadd.f32 v56, v52  }
0x14b: {  	v60 =	vmul.f32 v59, v40;
	v59 =	vld [tilespmem:s17+$0x9630];
	v27 =	vadd.f32 v27, v49;
	v61 =	vadd.f32 v31, v55  }
0x14c: {  	v31 =	vld [tilespmem:s17+$0x7E30];
	v18 =	vadd.f32 v18, v51;
	v14 =	vadd.f32 v14, v44  }
0x14d: {  	v49 =	vld [tilespmem:s17+$0x8640];
	v51 =	vsub.f32 v26, v17;
	v56 =	vsub.f32 v42, v36  }
0x14e: {  	v44 =	vld [tilespmem:s17+$0x8650];
	v32 =	vsub.f32 v32, v25;
	v22 =	vsub.f32 v22, v47  }
0x14f: {  	v26 =	vld [tilespmem:s17+$0x7E54];
	v1 =	vadd.f32 v21, v1;
	v6 =	vadd.f32 v27, v6  }
0x150: {  	v63 =	vperm.xlane v20, v12;
	v52 =	vld [tilespmem:s17+$0x8654];
	v21 =	vadd.f32 v60, v34;
	v2 =	vadd.f32 v61, v2  }
0x151: {  	v40 =	vmul.f32 v28, v40;
	v55 =	vld [tilespmem:s17+$0x9610];
	v4 =	vadd.f32 v18, v4;
	v14 =	vadd.f32 v14, v15  }
0x152: {  	v42 =	vld [tilespmem:s17+$0xB654];
	v18 =	vmul.f32 v24, v63;
	v60 =	vsub.f32 v46, v43;
	v30 =	vsub.f32 v30, v33  }
0x153: {  	v27 =	vld [tilespmem:s17+$0x7E50];
	v15 =	vmul.f32 v51, v63;
	v0 =	vadd.f32 v21, v0;
	v21 =	vadd.f32 v40, v23  }
0x154: {  	v61 =	vld [tilespmem:s17+$0x9640];
	v16 =	vadd.f32 v18, v16;
	v18 =	vsub.f32 v37, v35  }
0x155: {  	v57 =	vmul.f32 v56, v63;
	v51 =	vld [tilespmem:s17+$0xA600];
	v15 =	vadd.f32 v15, v17;
	v62 =	vsub.f32 v62, v31  }
0x156: {  	v56 =	vld [tilespmem:s17+$0xA620];
	v17 =	vmul.f32 v53, v63;
	v46 =	vsub.f32 v49, v45;
	v28 =	vsub.f32 v52, v26  }
0x157: {  	v23 =	vld [tilespmem:s17+$0x8E10];
	v5 =	vadd.f32 v21, v5;
	v1 =	vadd.f32 v16, v1  }
0x158: {  	v37 =	vld [tilespmem:s17+$0x8E00];
	v16 =	vmul.f32 v18, v63;
	v17 =	vadd.f32 v17, v29;
	v21 =	vmul.f32 v54, v63  }
0x159: {  	v18 =	vld [tilespmem:s17+$0x9600];
	v6 =	vadd.f32 v15, v6;
	v15 =	vmul.f32 v32, v63;
	v24 =	vsub.f32 v44, v27  }
0x15a: {  	v29 =	vld [tilespmem:s17+$0x8E30];
	v16 =	vadd.f32 v16, v35;
	v0 =	vadd.f32 v17, v0  }
0x15b: {  	v58 =	vperm.xlane v20, v13;
	v52 =	vld [tilespmem:s17+$0x9E10];
	v17 =	vadd.f32 v21, v39;
	v15 =	vadd.f32 v15, v25  }
0x15c: {  	v21 =	vadd.f32 v57, v36;
	v39 =	vld [tilespmem:s17+$0x8E40];
	v35 =	vsub.f32 v55, v23  }
0x15d: {  	v54 =	vld [tilespmem:s17+$0xA610];
	v2 =	vadd.f32 v16, v2;
	v4 =	vadd.f32 v17, v4;
	v17 =	vmul.f32 v30, v58  }
0x15e: {  	v36 =	vld [tilespmem:s17+$0x9E00];
	v14 =	vadd.f32 v15, v14;
	v5 =	vadd.f32 v21, v5;
	v15 =	vmul.f32 v60, v58  }
0x15f: {  	v22 =	vmul.f32 v22, v58;
	v16 =	vld [tilespmem:s17+$0x9620];
	v18 =	vsub.f32 v18, v37;
	v59 =	vsub.f32 v59, v29  }
0x160: {  	v53 =	vimm.s32 $0x8;
	v63 =	vld [tilespmem:s17+$0x9650];
	v17 =	vadd.f32 v17, v33;
	v15 =	vadd.f32 v15, v43  }
0x161: {  	v41 =	vperm.xlane v20, v53;
	v21 =	vld [tilespmem:s17+$0x8E50];
	v33 =	vsub.f32 v50, v48;
	v60 =	vsub.f32 v61, v39  }
0x162: {  	v49 =	vmul.f32 v62, v58;
	v62 =	vld [tilespmem:s17+$0xA650];
	v1 =	vadd.f32 v17, v1;
	v17 =	vadd.f32 v22, v47  }
0x163: {  	v25 =	vld [tilespmem:s17+$0x9E20];
	v24 =	vmul.f32 v24, v58;
	v6 =	vadd.f32 v15, v6;
	v22 =	vsub.f32 v51, v36  }
0x164: {  	v57 =	vld [tilespmem:s17+$0x9E30];
	v15 =	vmul.f32 v46, v58;
	v47 =	vsub.f32 v54, v52;
	v16 =	vsub.f32 v16, v38  }
0x165: {  	v55 =	vmul.f32 v28, v58;
	v28 =	vld [tilespmem:s17+$0x9E40];
	v2 =	vadd.f32 v17, v2;
	v17 =	vadd.f32 v49, v31  }
0x166: {  	v58 =	vld [tilespmem:s17+$0xA630];
	v61 =	vsub.f32 v63, v21;
	v15 =	vadd.f32 v15, v45  }
0x167: {  	v50 =	vld [tilespmem:s17+$0xAE20];
	v16 =	vmul.f32 v16, v41;
	v0 =	vadd.f32 v17, v0;
	v17 =	vadd.f32 v24, v27  }
0x168: {  	v45 =	vld [tilespmem:s17+$0xB600];
	v4 =	vadd.f32 v15, v4;
	v15 =	vmul.f32 v18, v41;
	v27 =	vsub.f32 v56, v25  }
0x169: {  	v18 =	vmul.f32 v35, v41;
	v56 =	vld [tilespmem:s17+$0xB640];
	v16 =	vadd.f32 v16, v38;
	v14 =	vadd.f32 v17, v14  }
0x16a: {  	v17 =	vadd.f32 v55, v26;
	v15 =	vadd.f32 v15, v37;
	v55 =	vld [tilespmem:s17+$0xAE40]  }
0x16b: {  	v44 =	vmul.f32 v33, v41;
	v18 =	vadd.f32 v18, v23;
	v23 =	vsub.f32 v58, v57;
	v58 =	vld [tilespmem:s17+$0xAE50]  }
0x16c: {  	v26 =	vmul.f32 v60, v41;
	v60 =	vld [tilespmem:s17+$0xB650];
	v5 =	vadd.f32 v17, v5;
	v17 =	vmul.f32 v59, v41  }
0x16d: {  	v48 =	vadd.f32 v44, v48;
	v30 =	vmul.f32 v61, v41;
	v2 =	vadd.f32 v16, v2;
	v16 =	vld [tilespmem:s17+$0xAE00]  }
0x16e: {  	v1 =	vadd.f32 v15, v1;
	v15 =	vld [tilespmem:s17+$0xA640];
	v17 =	vadd.f32 v17, v29  }
0x16f: {  	v63 =	vld [tilespmem:s17+$0xA654];
	v21 =	vadd.f32 v30, v21;
	v6 =	vadd.f32 v18, v6  }
0x170: {  	v29 =	vld [tilespmem:s17+$0x9E54];
	v0 =	vadd.f32 v17, v0;
	v17 =	vadd.f32 v26, v39;
	v39 =	vimm.s32 $0x9  }
0x171: {  	v43 =	vld [tilespmem:s17+$0xBE00];
	v14 =	vadd.f32 v21, v14;
	v5 =	vadd.f32 v48, v5;
	v46 =	vperm.xlane v20, v39  }
0x172: {  	v40 =	vimm.s32 $0xA;
	v18 =	vld [tilespmem:s17+$0x9E50];
	v24 =	vsub.f32 v56, v55;
	v32 =	vsub.f32 v60, v58  }
0x173: {  	v51 =	vld [tilespmem:s17+$0xB620];
	v30 =	vsub.f32 v45, v16;
	v15 =	vsub.f32 v15, v28;
	v22 =	vmul.f32 v22, v46  }
0x174: {  	v37 =	vld [tilespmem:s17+$0xAE10];
	v4 =	vadd.f32 v17, v4;
	v49 =	vmul.f32 v47, v46;
	v53 =	vmul.f32 v27, v46  }
0x175: {  	v17 =	vld [tilespmem:s17+$0xB610];
	v23 =	vmul.f32 v23, v46;
	v59 =	vsub.f32 v63, v29;
	v22 =	vadd.f32 v22, v36  }
0x176: {  	v54 =	vld [tilespmem:s17+$0xB630];
	v15 =	vmul.f32 v15, v46;
	v26 =	vadd.f32 v49, v52;
	v21 =	vadd.f32 v53, v25  }
0x177: {  	v48 =	vld [tilespmem:s17+$0xC620];
	v63 =	vperm.xlane v20, v40;
	v23 =	vadd.f32 v23, v57;
	v57 =	vsub.f32 v62, v18  }
0x178: {  	v47 =	vld [tilespmem:s17+$0xBE20];
	v15 =	vadd.f32 v15, v28;
	v1 =	vadd.f32 v22, v1  }
0x179: {  	v52 =	vld [tilespmem:s17+$0xAE30];
	v44 =	vmul.f32 v30, v63;
	v6 =	vadd.f32 v26, v6;
	v2 =	vadd.f32 v21, v2  }
0x17a: {  	v62 =	vld [tilespmem:s17+$0xAE54];
	v0 =	vadd.f32 v23, v0;
	v61 =	vmul.f32 v57, v46;
	v17 =	vsub.f32 v17, v37  }
0x17b: {  	v56 =	vld [tilespmem:s17+$0xBE50];
	v21 =	vmul.f32 v59, v46;
	v4 =	vadd.f32 v15, v4;
	v16 =	vadd.f32 v44, v16  }
0x17c: {  	v45 =	vld [tilespmem:s17+$0xC600];
	v46 =	vsub.f32 v51, v50;
	v51 =	vmul.f32 v32, v63;
	v18 =	vadd.f32 v61, v18  }
0x17d: {  	v60 =	vld [tilespmem:s17+$0xC654];
	v21 =	vadd.f32 v21, v29;
	v1 =	vadd.f32 v16, v1  }
0x17e: {  	v49 =	vld [tilespmem:s17+$0xBE30];
	v17 =	vmul.f32 v17, v63;
	v26 =	vadd.f32 v51, v58;
	v61 =	vsub.f32 v48, v47  }
0x17f: {  	v15 =	vld [tilespmem:s17+$0xBE10];
	v16 =	vmul.f32 v24, v63;
	v27 =	vsub.f32 v54, v52;
	v53 =	vsub.f32 v42, v62  }
0x180: {  	v41 =	vimm.s32 $0xB;
	v59 =	vld [tilespmem:s17+$0xBE54];
	v14 =	vadd.f32 v18, v14;
	v17 =	vadd.f32 v17, v37  }
0x181: {  	v20 =	vperm.xlane v20, v41;
	v18 =	vld [tilespmem:s17+$0xC610];
	v16 =	vadd.f32 v16, v55;
	v55 =	vsub.f32 v45, v43  }
0x182: {  	v54 =	vld [tilespmem:s17+$0xC640];
	v5 =	vadd.f32 v21, v5;
	v21 =	vmul.f32 v46, v63;
	v27 =	vmul.f32 v27, v63  }
0x183: {  	v6 =	vadd.f32 v17, v6;
	v17 =	vld [tilespmem:s17+$0xC630];
	v4 =	vadd.f32 v16, v4;
	v16 =	vmul.f32 v55, v20  }
0x184: {  	v21 =	vadd.f32 v21, v50;
	v50 =	vadd.f32 v27, v52;
	v52 =	vld [tilespmem:s17+$0xBE40]  }
0x185: {  	v58 =	vld [tilespmem:s17+$0xC650];
	v57 =	vmul.f32 v53, v63;
	v63 =	vsub.f32 v60, v59;
	v16 =	vadd.f32 v16, v43  }
0x186: {  	v2 =	vadd.f32 v21, v2;
	v18 =	vsub.f32 v18, v15  }
0x187: {  	v21 =	vadd.f32 v57, v62;
	v1 =	vadd.f32 v16, v1;
	v16 =	vmul.f32 v61, v20  }
0x188: {  	v0 =	vadd.f32 v50, v0;
	v18 =	vmul.f32 v18, v20;
	v17 =	vsub.f32 v17, v49  }
0x189: {  	v62 =	vsub.f32 v54, v52;
	v16 =	vadd.f32 v16, v47  }
0x18a: {  	v15 =	vadd.f32 v18, v15;
	v17 =	vmul.f32 v17, v20;
	v18 =	vsub.f32 v58, v56  }
0x18b: {  	v5 =	vadd.f32 v21, v5;
	v21 =	vmul.f32 v62, v20;
	v2 =	vadd.f32 v16, v2  }
0x18c: {  	v6 =	vadd.f32 v15, v6;
	v15 =	vadd.f32 v17, v49;
	v17 =	vmul.f32 v18, v20  }
0x18d: {  	v14 =	vadd.f32 v26, v14;
	[tilespmem:s13+$0xFFFFFFD0] =	vst v1;
	v18 =	vmul.f32 v63, v20;
	v16 =	vadd.f32 v21, v52  }
0x18e: {  	p1 =	sne.s32 s8, $0x1E00;
	[tilespmem:s13+$0xFFFFFFF0] =	vst v2;
	v0 =	vadd.f32 v15, v0;
	v1 =	vadd.f32 v17, v56  }
.Ltmp0:
0x18f: {  	[tilespmem:s13+$0xFFFFFFE0] =	vst v6;
	v6 =	vadd.f32 v18, v59;
	v4 =	vadd.f32 v16, v4;
	(pc) =	sbr.rel @p1 .LBB2_3-.Ltmp0, $4  }
0x190: {  	v1 =	vadd.f32 v1, v14;
	[tilespmem:s13+$0x0] =	vst v0  }
0x191: {  	v0 =	vadd.f32 v6, v5;
	[tilespmem:s13+$0x10] =	vst v4  }
0x192: {  	[tilespmem:s13+$0x20] =	vst v1  }
0x193: {  	s8 =	sadd.s32 $0x200, s8;
	s9 =	sadd.s32 $0x1, s9;
	v38 =	vlaneseq.u32;
	[tilespmem:s13+$0x24] =	vst v0;
	s13 =	sadd.s32 $0x64, s13  }
0x194: {  	s8 =	sadd.s32 s5, s12  }
0x195: {  	p1 =	seq.s32 s10, $0x1F;
	s8 =	smul.u32 $0x64, s8  }
.Ltmp1:
0x196: {  	_ = 	snop;
	(pc) =	sbr.rel @p1 .LBB2_6-.Ltmp1, $4  }
0x197: {  	_ = 	snop  }
0x198: {  	v0 =	vimm.s32 $0x1;
	v1 =	vimm.s32 $0x2;
	v8 =	vimm.s32 $0x3;
	s8 =	sshrl.u32 s8, $0x3  }
0x199: {  	v9 =	vimm.s32 $0x4;
	v10 =	vimm.s32 $0x5;
	v11 =	vimm.s32 $0x6;
	s8 =	sadd.s32 s3, s8  }
0x19a: {  	v12 =	vimm.s32 $0x7;
	v13 =	vimm.s32 $0x8;
	v3 =	vimm.s32 $0x0;
	[hbm4b:s8+s4] =	stream.linear.scatter [tilespmem:s0], [sflag:$0x3], $0x640, $0x38;
	[tilespmem:$0x19B00] =	vst v63  }
0x19b: {  	_ =	sdelay $0x3  }
0x19c: {  	v0 =	vld.idx.msk [tilespmem:v0+s15+$0x0], $0xffff  }
0x19d: {  	v1 =	vld.idx.msk [tilespmem:v1+s15+$0x0], $0xffff  }
0x19e: {  	v2 =	vld.idx.msk [tilespmem:v8+s15+$0x0], $0xffff  }
0x19f: {  	s8 =	sadd.s32 $0x20, s12;
	v4 =	vld.idx.msk [tilespmem:v9+s15+$0x0], $0xffff  }
0x1a0: {  	v5 =	vld.idx.msk [tilespmem:v10+s15+$0x0], $0xffff;
	s8 =	sadd.s32 s5, s8  }
0x1a1: {  	v6 =	vor.u32 s8, v38  }
0x1a2: {  	vm0 =	vge.s32 v6, v0;
	v0 =	vld.idx.msk [tilespmem:v12+s15+$0x0], $0xffff  }
0x1a3: {  	vm12 =	vge.s32 v6, v2;
	v2 =	vld.idx.msk [tilespmem:v13+s15+$0x0], $0xffff  }
0x1a4: {  	vm13 =	vge.s32 v6, v4;
	v4 =	vld.idx.msk [tilespmem:v39+s15+$0x0], $0xffff  }
0x1a5: {  	vm1 =	vge.s32 v6, v1;
	vm14 =	vge.s32 v6, v5;
	v5 =	vld.idx.msk [tilespmem:v40+s15+$0x0], $0xffff  }
0x1a6: {  	v14 =	vld.idx.msk [tilespmem:v11+s15+$0x0], $0xffff;
	v7 =	vimm.s32 $0x10;
	v1 =	vsel vm0, $0x1, v3;
	v15 =	vsel vm1, $0x1, v3  }
0x1a7: {  	v1 =	vadd.s32 v1, v15;
	vm4 =	vge.s32 v6, v0;
	v0 =	vimm.s32 $0xC  }
0x1a8: {  	v15 =	vsel vm12, $0x1, v3;
	vm5 =	vge.s32 v6, v2;
	v2 =	vimm.s32 $0xD  }
0x1a9: {  	v1 =	vadd.s32 v15, v1;
	vm6 =	vge.s32 v6, v4;
	v4 =	vimm.s32 $0xE  }
0x1aa: {  	v15 =	vsel vm13, $0x1, v3;
	vm7 =	vge.s32 v6, v5;
	v5 =	vimm.s32 $0xF  }
0x1ab: {  	vm15 =	vge.s32 v6, v14;
	v14 =	vld.idx.msk [tilespmem:v41+s15+$0x0], $0xffff;
	v1 =	vadd.s32 v15, v1;
	v15 =	vsel vm14, $0x1, v3  }
0x1ac: {  	v1 =	vadd.s32 v15, v1;
	v15 =	vsel vm15, $0x1, v3;
	v0 =	vld.idx.msk [tilespmem:v0+s15+$0x0], $0xffff  }
0x1ad: {  	v1 =	vadd.s32 v15, v1;
	v15 =	vsel vm4, $0x1, v3;
	v2 =	vld.idx.msk [tilespmem:v2+s15+$0x0], $0xffff  }
0x1ae: {  	v1 =	vadd.s32 v15, v1;
	v15 =	vsel vm5, $0x1, v3;
	v4 =	vld.idx.msk [tilespmem:v4+s15+$0x0], $0xffff  }
0x1af: {  	v1 =	vadd.s32 v15, v1;
	v15 =	vsel vm6, $0x1, v3;
	v5 =	vld.idx.msk [tilespmem:v5+s15+$0x0], $0xffff  }
0x1b0: {  	vm8 =	vge.s32 v6, v14;
	v14 =	vld.idx.msk [tilespmem:v7+s15+$0x0], $0xffff;
	v1 =	vadd.s32 v15, v1;
	v15 =	vsel vm7, $0x1, v3  }
0x1b1: {  	v1 =	vadd.s32 v15, v1;
	v15 =	vsel vm8, $0x1, v3;
	vm9 =	vge.s32 v6, v0  }
0x1b2: {  	v0 =	vadd.s32 v15, v1;
	vm10 =	vge.s32 v6, v2;
	v2 =	vld [tilespmem:s12+$0x20];
	v1 =	vsel vm9, $0x1, v3  }
0x1b3: {  	vm11 =	vge.s32 v6, v4;
	v0 =	vadd.s32 v1, v0;
	v1 =	vsel vm10, $0x1, v3  }
0x1b4: {  	vm12 =	vge.s32 v6, v5;
	v0 =	vadd.s32 v1, v0;
	v1 =	vsel vm11, $0x1, v3  }
0x1b5: {  	vm13 =	vge.s32 v6, v14;
	v0 =	vadd.s32 v1, v0;
	v1 =	vsel vm12, $0x1, v3  }
0x1b6: {  	v0 =	vadd.s32 v1, v0;
	v1 =	vsel vm13, $0x1, v3  }
0x1b7: {  	vm14 =	vgt.s32 v2, $0xFFFE7960;
	v0 =	vadd.s32 v1, v0  }
0x1b8: {  	v1 =	vnsel vm14, $0xFFFE7960, v2;
	v0 =	vmin.u32 v0, $0xF  }
0x1b9: {  	vm0 =	vlt.s32 v1, $0x1869F  }
0x1ba: {  	v1 =	vnsel vm0, $0x1869F, v1  }
0x1bb: {  	v1 =	vadd.s32 $0x186A0, v1  }
0x1bc: {  	v2 =	vmulhi.u32 $0x51EB851F, v1  }
0x1bd: {  	v0 =	vld.idx.msk [tilespmem:v0+s16+$0x0], $0xffff  }
0x1be: {  	v4 =	vshrl.u32 v2, $0x5  }
0x1bf: {  	v5 =	vmul.u32 $0xFFFFFF9C, v4;
	_ =	sdelay $0x1  }
0x1c0: {  	v15 =	vmulhi.u32 $0x10624DD3, v1;
	v2 =	vshrl.u32 v2, $0x6;
	v5 =	vadd.s32 v1, v5  }
0x1c1: {  	v14 =	vmul.u32 $0xFFFFFF38, v2;
	v5 =	vcvt.s32.f32 v5;
	v0 =	vmul.u32 $0xEA2, v0  }
0x1c2: {  	v23 =	vmulhi.u32 $0xD1B71759, v1;
	v17 =	vshrl.u32 v15, $0x5  }
0x1c3: {  	v14 =	vadd.s32 v1, v14;
	v5 =	vmul.f32 $9.999999770e-03, v5;
	v16 =	vadd.s32 v0, v4  }
0x1c4: {  	v58 =	vshrl.u32 v23, $0xC;
	v14 =	vcvt.s32.f32 v14;
	v6 =	vor.u32 $0x1, v0;
	[tilespmem:$0x900] =	vst v16  }
0x1c5: {  	v18 =	vmul.u32 $0xFFFFFE0C, v17;
	v4 =	vadd.s32 v4, v6;
	v16 =	vadd.s32 $0x7D1, v0;
	[tilespmem:$0xC00] =	vst v5  }
0x1c6: {  	v20 =	vadd.s32 $0x7D2, v0;
	v5 =	vmul.f32 $4.999999890e-03, v14;
	[tilespmem:$0x910] =	vst v4;
	v4 =	vadd.s32 v2, v16  }
0x1c7: {  	v14 =	vadd.s32 v1, v18;
	v18 =	vshrl.u32 v15, $0x6;
	v2 =	vadd.s32 v2, v20;
	[tilespmem:$0x940] =	vst v4  }
0x1c8: {  	v21 =	vadd.s32 $0xBBB, v0;
	v14 =	vcvt.s32.f32 v14;
	v22 =	vmul.u32 $0xFFFFFC18, v18;
	[tilespmem:$0x950] =	vst v2  }
0x1c9: {  	v15 =	vshrl.u32 v15, $0x7;
	v4 =	vadd.s32 $0xBBA, v0;
	[tilespmem:$0xC20] =	vst v5;
	v5 =	vadd.s32 v17, v21  }
0x1ca: {  	v2 =	vadd.s32 v17, v4;
	v14 =	vmul.f32 $2.000000090e-03, v14;
	v22 =	vadd.s32 v1, v22;
	[tilespmem:$0x990] =	vst v5  }
0x1cb: {  	v57 =	vmul.u32 $0xFFFFF830, v15;
	v17 =	vadd.s32 $0xD4B, v0;
	[tilespmem:$0x980] =	vst v2;
	v5 =	vcvt.s32.f32 v22  }
0x1cc: {  	v23 =	vmul.u32 $0xFFFFEC78, v58;
	v2 =	vadd.s32 $0xD4C, v0;
	[tilespmem:$0xC40] =	vst v14;
	v14 =	vadd.s32 v18, v17  }
0x1cd: {  	v18 =	vadd.s32 v18, v2;
	[tilespmem:$0x9C0] =	vst v14;
	v5 =	vmul.f32 $1.000000050e-03, v5;
	v14 =	vadd.s32 v1, v57  }
0x1ce: {  	[tilespmem:$0x9D0] =	vst v18;
	v18 =	vadd.s32 $0xE14, v0;
	v1 =	vadd.s32 v1, v23;
	v14 =	vcvt.s32.f32 v14  }
0x1cf: {  	v24 =	vadd.s32 $0xE15, v0;
	v1 =	vcvt.s32.f32 v1;
	[tilespmem:$0xC60] =	vst v5;
	v5 =	vadd.s32 v15, v18  }
0x1d0: {  	[tilespmem:$0xA00] =	vst v5;
	v5 =	vadd.s32 v15, v24;
	v14 =	vmul.f32 $5.000000240e-04, v14  }
0x1d1: {  	v1 =	vmul.f32 $1.999999950e-04, v1;
	[tilespmem:$0xA10] =	vst v5  }
0x1d2: {  	v5 =	vadd.s32 $0xE79, v0;
	[tilespmem:$0xC80] =	vst v14  }
0x1d3: {  	v15 =	vadd.s32 $0xE7A, v0;
	v14 =	vadd.s32 v58, v5;
	[tilespmem:$0xCA0] =	vst v1  }
0x1d4: {  	[tilespmem:$0xA40] =	vst v14;
	v14 =	vadd.s32 v58, v15  }
0x1d5: {  	[tilespmem:$0xA50] =	vst v14  }
0x1d6: {  	v1 =	vld [tilespmem:s12+$0x420];
	_ =	sdelay $0x4  }
0x1d7: {  	vm15 =	vgt.s32 v1, $0xFFFE7960  }
0x1d8: {  	v1 =	vnsel vm15, $0xFFFE7960, v1  }
0x1d9: {  	vm0 =	vlt.s32 v1, $0x1869F  }
0x1da: {  	v1 =	vnsel vm0, $0x1869F, v1  }
0x1db: {  	v1 =	vadd.s32 $0x186A0, v1  }
0x1dc: {  	v14 =	vmulhi.u32 $0x51EB851F, v1;
	_ =	sdelay $0x1  }
0x1dd: {  	v59 =	vshrl.u32 v14, $0x5  }
0x1de: {  	v60 =	vmul.u32 $0xFFFFFF9C, v59;
	_ =	sdelay $0x1  }
0x1df: {  	v26 =	vmulhi.u32 $0x10624DD3, v1;
	v14 =	vshrl.u32 v14, $0x6;
	v23 =	vadd.s32 v1, v60  }
0x1e0: {  	v25 =	vmul.u32 $0xFFFFFF38, v14;
	v23 =	vcvt.s32.f32 v23  }
0x1e1: {  	v62 =	vshrl.u32 v26, $0x5;
	v0 =	vadd.s32 v0, v59  }
0x1e2: {  	v6 =	vadd.s32 v59, v6;
	[tilespmem:$0x920] =	vst v0;
	v61 =	vadd.s32 v1, v25;
	v0 =	vmul.f32 $9.999999770e-03, v23  }
0x1e3: {  	v63 =	vmul.u32 $0xFFFFFE0C, v62;
	[tilespmem:$0x930] =	vst v6;
	v6 =	vcvt.s32.f32 v61  }
0x1e4: {  	[tilespmem:$0xC10] =	vst v0;
	v0 =	vadd.s32 v14, v16;
	v14 =	vadd.s32 v14, v20  }
0x1e5: {  	v16 =	vshrl.u32 v26, $0x6;
	[tilespmem:$0x960] =	vst v0;
	v0 =	vmul.f32 $4.999999890e-03, v6;
	v6 =	vadd.s32 v1, v63  }
0x1e6: {  	[tilespmem:$0x970] =	vst v14;
	v14 =	vmul.u32 $0xFFFFFC18, v16;
	v6 =	vcvt.s32.f32 v6  }
0x1e7: {  	[tilespmem:$0xC30] =	vst v0;
	v0 =	vadd.s32 v62, v4;
	v4 =	vadd.s32 v62, v21  }
0x1e8: {  	[tilespmem:$0x9A0] =	vst v0;
	v0 =	vmul.f32 $2.000000090e-03, v6;
	v6 =	vadd.s32 v1, v14;
	v14 =	vshrl.u32 v26, $0x7  }
0x1e9: {  	v20 =	vmulhi.u32 $0xD1B71759, v1;
	[tilespmem:$0x9B0] =	vst v4;
	v4 =	vcvt.s32.f32 v6;
	v6 =	vmul.u32 $0xFFFFF830, v14  }
0x1ea: {  	v2 =	vadd.s32 v16, v2;
	[tilespmem:$0xC50] =	vst v0;
	v0 =	vadd.s32 v16, v17  }
0x1eb: {  	[tilespmem:$0x9E0] =	vst v0;
	v0 =	vmul.f32 $1.000000050e-03, v4;
	v4 =	vadd.s32 v1, v6;
	v6 =	vshrl.u32 v20, $0xC  }
0x1ec: {  	[tilespmem:$0x9F0] =	vst v2;
	v2 =	vcvt.s32.f32 v4;
	v4 =	vmul.u32 $0xFFFFEC78, v6  }
0x1ed: {  	[tilespmem:$0xC70] =	vst v0;
	v0 =	vadd.s32 v14, v18  }
0x1ee: {  	[tilespmem:$0xA20] =	vst v0;
	v0 =	vadd.s32 v14, v24;
	v2 =	vmul.f32 $5.000000240e-04, v2;
	v1 =	vadd.s32 v1, v4  }
0x1ef: {  	[tilespmem:$0xA30] =	vst v0;
	v0 =	vcvt.s32.f32 v1  }
0x1f0: {  	v1 =	vadd.s32 v6, v5;
	[tilespmem:$0xC90] =	vst v2  }
0x1f1: {  	[tilespmem:$0xA60] =	vst v1;
	v1 =	vadd.s32 v6, v15;
	v0 =	vmul.f32 $1.999999950e-04, v0  }
0x1f2: {  	[tilespmem:$0xA70] =	vst v1  }
0x1f3: {  	s17 =	simm.s32 $0x900;
	[tilespmem:$0xCB0] =	vst v0  }
0x1f4: {  	[tilespmem:s18], [sflag:$0x1] =	stream.indirect.gather [hbm4b:s6+s11], $0x80, s17, s11, $0xb8;
	[tilespmem:$0x19B00] =	vst v63  }
0x1f5: {  	_ = 	snop  }
0x1f6: {  	[tilespmem:s20], [sflag:$0x1] =	stream.indirect.gather [hbm4b:s6+s11], $0x80, s19, s11, $0xb8;
	[tilespmem:$0x19B00] =	vst v63  }
0x1f7: {  	_ = 	snop  }
0x1f8: {  	[tilespmem:s22], [sflag:$0x1] =	stream.indirect.gather [hbm4b:s6+s11], $0x80, s21, s11, $0xb8;
	[tilespmem:$0x19B00] =	vst v63  }
.LBB2_6:
0x1f9: {  	_ =	swait.ge [sflag:s1], $0x4000  }
0x1fa: {  	[sflag:s1] =	ssyncset.done $0x0  }
0x1fb: {  	[sflag:s1] =	ssyncadd.s32 $0xFFFFC000  }
0x1fc: {  	_ =	swait.ge [sflag:s1], $0x4000  }
0x1fd: {  	[sflag:s1] =	ssyncset.done $0x0  }
0x1fe: {  	[sflag:s1] =	ssyncadd.s32 $0xFFFFC000  }
0x1ff: {  	_ =	swait.ge [sflag:s1], $0x4000  }
0x200: {  	[sflag:s1] =	ssyncset.done $0x0  }
0x201: {  	s8 =	simm.s32 @!p0 $0x4;
	[sflag:s1] =	ssyncadd.s32 $0xFFFFC000  }
0x202: {  	_ =	swait.ge @!p0 [sflag:s8], $0x640  }
0x203: {  	s9 =	simm.s32 $0x194B0;
	[sflag:s8] =	ssyncset.done @!p0 $0x0  }
0x204: {  	s12 =	simm.s32 $0x0;
	[sflag:s8] =	ssyncadd.s32 @!p0 $0xFFFFF9C0;
	s8 =	simm.s32 $0x0  }
.LBB2_7:
0x205: {  	s13 =	sshra.s32 s8, $0x2  }
0x206: {  	v1 =	vld [tilespmem:s13+$0xD600]  }
0x207: {  	v2 =	vld [tilespmem:s13+$0xCE10]  }
0x208: {  	v4 =	vld [tilespmem:s13+$0xD610]  }
0x209: {  	v5 =	vld [tilespmem:s13+$0xCE20]  }
0x20a: {  	v6 =	vld [tilespmem:s13+$0xD620]  }
0x20b: {  	v14 =	vld [tilespmem:s13+$0xCE30]  }
0x20c: {  	v15 =	vld [tilespmem:s13+$0xD630]  }
0x20d: {  	v16 =	vld [tilespmem:s13+$0xCE40]  }
0x20e: {  	v17 =	vld [tilespmem:s13+$0xD640]  }
0x20f: {  	v18 =	vld [tilespmem:s13+$0xCE50]  }
0x210: {  	v23 =	vld [tilespmem:s13+$0xD650]  }
0x211: {  	v24 =	vld [tilespmem:s13+$0xCE54]  }
0x212: {  	v25 =	vld [tilespmem:s13+$0xD654]  }
0x213: {  	v26 =	vld [tilespmem:s13+$0xDE00]  }
0x214: {  	v27 =	vld [tilespmem:s13+$0xE600]  }
0x215: {  	v28 =	vld [tilespmem:s13+$0xDE10]  }
0x216: {  	v29 =	vld [tilespmem:s13+$0xE610]  }
0x217: {  	v30 =	vld [tilespmem:s13+$0xDE20]  }
0x218: {  	v31 =	vld [tilespmem:s13+$0xE620]  }
0x219: {  	v32 =	vld [tilespmem:s13+$0xDE30]  }
0x21a: {  	v33 =	vld [tilespmem:s13+$0xE630]  }
0x21b: {  	v34 =	vld [tilespmem:s13+$0xDE40]  }
0x21c: {  	v35 =	vld [tilespmem:s13+$0xE640]  }
0x21d: {  	v36 =	vld [tilespmem:s13+$0xDE50]  }
0x21e: {  	v37 =	vld [tilespmem:s13+$0xE650]  }
0x21f: {  	v38 =	vld [tilespmem:s13+$0xDE54]  }
0x220: {  	v39 =	vld [tilespmem:s13+$0xE654]  }
0x221: {  	v40 =	vld [tilespmem:s13+$0xEE00]  }
0x222: {  	v41 =	vld [tilespmem:s13+$0xF600]  }
0x223: {  	v42 =	vld [tilespmem:s13+$0xEE10]  }
0x224: {  	v43 =	vld [tilespmem:s13+$0xF610]  }
0x225: {  	v44 =	vld [tilespmem:s13+$0xEE20]  }
0x226: {  	v45 =	vld [tilespmem:s13+$0xF620]  }
0x227: {  	v46 =	vld [tilespmem:s13+$0xEE30]  }
0x228: {  	v47 =	vld [tilespmem:s13+$0xF630]  }
0x229: {  	v48 =	vld [tilespmem:s13+$0xEE40]  }
0x22a: {  	v49 =	vld [tilespmem:s13+$0xF640]  }
0x22b: {  	v50 =	vld [tilespmem:s13+$0xEE50]  }
0x22c: {  	v0 =	vor.u32 s12, v19;
	v51 =	vld [tilespmem:s13+$0xF650]  }
0x22d: {  	v52 =	vld [tilespmem:s13+$0xEE54]  }
0x22e: {  	v53 =	vld [tilespmem:s13+$0xF654]  }
0x22f: {  	v54 =	vld [tilespmem:s13+$0xFE00]  }
0x230: {  	v55 =	vld [tilespmem:s13+$0x10600]  }
0x231: {  	v20 =	vld.idx.msk [tilespmem:v0+s2+$0x0], $0xffff  }
0x232: {  	v0 =	vld [tilespmem:s13+$0xCE00]  }
0x233: {  	v56 =	vld [tilespmem:s13+$0xFE10]  }
0x234: {  	v57 =	vld [tilespmem:s13+$0x10610]  }
0x235: {  	v21 =	vld [tilespmem:s13+$0xFE20]  }
0x236: {  	v59 =	vld [tilespmem:s13+$0x10620];
	v4 =	vsub.f32 v4, v2;
	v6 =	vsub.f32 v6, v5  }
0x237: {  	v60 =	vld [tilespmem:s13+$0xFE30];
	v15 =	vsub.f32 v15, v14;
	v58 =	vperm.xlane v20, v3;
	v1 =	vsub.f32 v1, v0  }
0x238: {  	v61 =	vld [tilespmem:s13+$0x10630];
	v27 =	vsub.f32 v27, v26;
	v29 =	vsub.f32 v29, v28  }
0x239: {  	v22 =	vld [tilespmem:s13+$0xFE40];
	v37 =	vsub.f32 v37, v36;
	v1 =	vmul.f32 v1, v58;
	v4 =	vmul.f32 v4, v58  }
0x23a: {  	v63 =	vld [tilespmem:s13+$0x10654];
	v43 =	vsub.f32 v43, v42;
	v51 =	vsub.f32 v51, v50;
	v6 =	vmul.f32 v6, v58  }
0x23b: {  	v0 =	vadd.f32 v1, v0;
	v1 =	vmul.f32 v15, v58;
	v15 =	vld [tilespmem:s13+$0x10640];
	v2 =	vadd.f32 v4, v2  }
0x23c: {  	v4 =	vadd.f32 v6, v5;
	v5 =	vld [tilespmem:s13+$0xFE50];
	v6 =	vsub.f32 v17, v16  }
0x23d: {  	v7 =	vimm.s32 $0x1;
	v17 =	vsub.f32 v23, v18;
	v23 =	vsub.f32 v25, v24;
	v25 =	vld [tilespmem:s13+$0xFE54]  }
0x23e: {  	v62 =	vperm.xlane v20, v7;
	v1 =	vadd.f32 v1, v14;
	v14 =	vld [tilespmem:s13+$0x10650];
	v6 =	vmul.f32 v6, v58  }
0x23f: {  	v53 =	vsub.f32 v53, v52;
	v17 =	vmul.f32 v17, v58;
	v23 =	vmul.f32 v23, v58;
	v58 =	vld [tilespmem:s13+$0x10E00]  }
0x240: {  	v6 =	vadd.f32 v6, v16;
	v16 =	vmul.f32 v27, v62;
	v27 =	vsub.f32 v31, v30;
	v31 =	vld [tilespmem:s13+$0x11600]  }
0x241: {  	v17 =	vadd.f32 v17, v18;
	v18 =	vadd.f32 v23, v24;
	v23 =	vmul.f32 v29, v62;
	v24 =	vld [tilespmem:s13+$0x10E10]  }
0x242: {  	v55 =	vsub.f32 v55, v54;
	v29 =	vld [tilespmem:s13+$0x11610];
	v16 =	vadd.f32 v16, v26  }
0x243: {  	v26 =	vmul.f32 v27, v62;
	v27 =	vsub.f32 v33, v32;
	v23 =	vadd.f32 v23, v28;
	v33 =	vld [tilespmem:s13+$0x10E20]  }
0x244: {  	v61 =	vsub.f32 v61, v60;
	v28 =	vsub.f32 v35, v34;
	v35 =	vld [tilespmem:s13+$0x11620]  }
0x245: {  	v26 =	vadd.f32 v26, v30;
	v2 =	vadd.f32 v23, v2;
	v23 =	vld [tilespmem:s13+$0x10E30]  }
0x246: {  	v27 =	vmul.f32 v27, v62;
	v0 =	vadd.f32 v16, v0;
	v16 =	vmul.f32 v28, v62;
	v28 =	vld [tilespmem:s13+$0x11630]  }
0x247: {  	v37 =	vmul.f32 v37, v62;
	v15 =	vsub.f32 v15, v22;
	v30 =	vsub.f32 v39, v38;
	v39 =	vld [tilespmem:s13+$0x10E50]  }
0x248: {  	v4 =	vadd.f32 v26, v4;
	v26 =	vadd.f32 v27, v32;
	v32 =	vld [tilespmem:s13+$0x10E40]  }
0x249: {  	v7 =	vimm.s32 $0x2;
	v16 =	vadd.f32 v16, v34;
	v27 =	vadd.f32 v37, v36;
	v37 =	vld [tilespmem:s13+$0x11640]  }
0x24a: {  	v34 =	vperm.xlane v20, v7;
	v36 =	vsub.f32 v41, v40;
	v41 =	vld [tilespmem:s13+$0x11654];
	v1 =	vadd.f32 v26, v1  }
0x24b: {  	v26 =	vmul.f32 v30, v62;
	v6 =	vadd.f32 v16, v6;
	v16 =	vadd.f32 v27, v17;
	v27 =	vld [tilespmem:s13+$0x11650]  }
0x24c: {  	v17 =	vmul.f32 v36, v34;
	v30 =	vmul.f32 v43, v34;
	v36 =	vsub.f32 v45, v44;
	v43 =	vld [tilespmem:s13+$0x11E00]  }
0x24d: {  	v45 =	vsub.f32 v47, v46;
	v26 =	vadd.f32 v26, v38;
	v38 =	vld [tilespmem:s13+$0x10E54]  }
0x24e: {  	v47 =	vsub.f32 v49, v48;
	v17 =	vadd.f32 v17, v40;
	v40 =	vld [tilespmem:s13+$0x11E10]  }
0x24f: {  	v30 =	vadd.f32 v30, v42;
	v36 =	vmul.f32 v36, v34;
	v42 =	vmul.f32 v51, v34;
	v51 =	vld [tilespmem:s13+$0x12640]  }
0x250: {  	v14 =	vsub.f32 v14, v5;
	v49 =	vmul.f32 v47, v34;
	v18 =	vadd.f32 v26, v18;
	v26 =	vld [tilespmem:s13+$0x12600]  }
0x251: {  	v47 =	vperm.xlane v20, v8;
	v2 =	vadd.f32 v30, v2;
	v30 =	vadd.f32 v36, v44;
	v44 =	vld [tilespmem:s13+$0x12610]  }
0x252: {  	v0 =	vadd.f32 v17, v0;
	v17 =	vmul.f32 v45, v34;
	v36 =	vadd.f32 v49, v48;
	v49 =	vld [tilespmem:s13+$0x12620]  }
0x253: {  	v31 =	vsub.f32 v31, v58;
	v48 =	vld [tilespmem:s13+$0x11E40];
	v45 =	vmul.f32 v61, v47;
	v15 =	vmul.f32 v15, v47  }
0x254: {  	v14 =	vmul.f32 v14, v47;
	v61 =	vsub.f32 v37, v32;
	v37 =	vld [tilespmem:s13+$0x12E40];
	v17 =	vadd.f32 v17, v46  }
0x255: {  	v46 =	vld [tilespmem:s13+$0x11E20];
	v4 =	vadd.f32 v30, v4;
	v6 =	vadd.f32 v36, v6  }
0x256: {  	v30 =	vld [tilespmem:s13+$0x11E30];
	v15 =	vadd.f32 v15, v22;
	v5 =	vadd.f32 v14, v5;
	v14 =	vperm.xlane v20, v9  }
0x257: {  	v1 =	vadd.f32 v17, v1;
	v17 =	vmul.f32 v53, v34;
	v34 =	vadd.f32 v42, v50;
	v42 =	vld [tilespmem:s13+$0x12630]  }
0x258: {  	v28 =	vsub.f32 v28, v23;
	v50 =	vld [tilespmem:s13+$0x11E54]  }
0x259: {  	v53 =	vmul.f32 v55, v47;
	v6 =	vadd.f32 v15, v6;
	v15 =	vmul.f32 v31, v14;
	v31 =	vld [tilespmem:s13+$0x13630]  }
0x25a: {  	v45 =	vadd.f32 v45, v60;
	v17 =	vadd.f32 v17, v52;
	v52 =	vld [tilespmem:s13+$0x11E50]  }
0x25b: {  	v63 =	vsub.f32 v63, v25;
	v28 =	vmul.f32 v28, v14;
	v36 =	vadd.f32 v53, v54;
	v54 =	vld [tilespmem:s13+$0x12E00]  }
0x25c: {  	v27 =	vsub.f32 v27, v39;
	v1 =	vadd.f32 v45, v1;
	v45 =	vld [tilespmem:s13+$0x13610]  }
0x25d: {  	v55 =	vsub.f32 v57, v56;
	v23 =	vadd.f32 v28, v23;
	v28 =	vld [tilespmem:s13+$0x12E54]  }
0x25e: {  	v57 =	vsub.f32 v59, v21;
	v53 =	vsub.f32 v44, v40;
	v44 =	vld [tilespmem:s13+$0x17600]  }
0x25f: {  	v16 =	vadd.f32 v34, v16;
	v59 =	vmul.f32 v55, v47;
	v0 =	vadd.f32 v36, v0;
	v36 =	vld [tilespmem:s13+$0x12650]  }
0x260: {  	v17 =	vadd.f32 v17, v18;
	v18 =	vmul.f32 v57, v47;
	v57 =	vsub.f32 v29, v24;
	v29 =	vld [tilespmem:s13+$0x12E20]  }
0x261: {  	v34 =	vadd.f32 v59, v56;
	v59 =	vsub.f32 v35, v33;
	v35 =	vld [tilespmem:s13+$0x13620]  }
0x262: {  	v56 =	vmul.f32 v63, v47;
	v63 =	vmul.f32 v27, v14;
	v27 =	vld [tilespmem:s13+$0x13E00]  }
0x263: {  	v26 =	vsub.f32 v26, v43;
	v47 =	vsub.f32 v41, v38;
	v41 =	vld [tilespmem:s13+$0x13E40]  }
0x264: {  	v15 =	vadd.f32 v15, v58;
	v18 =	vadd.f32 v18, v21;
	v21 =	vld [tilespmem:s13+$0x12654]  }
0x265: {  	v55 =	vsub.f32 v49, v46;
	v2 =	vadd.f32 v34, v2;
	v34 =	vld [tilespmem:s13+$0x12E10]  }
0x266: {  	v22 =	vadd.f32 v56, v25;
	v56 =	vsub.f32 v42, v30;
	v42 =	vld [tilespmem:s13+$0x14610]  }
0x267: {  	v60 =	vmul.f32 v59, v14;
	v0 =	vadd.f32 v15, v0;
	v15 =	vmul.f32 v61, v14;
	v61 =	vld [tilespmem:s13+$0x14630]  }
0x268: {  	v5 =	vadd.f32 v5, v16;
	v4 =	vadd.f32 v18, v4;
	v18 =	vld [tilespmem:s13+$0x13600]  }
0x269: {  	v16 =	vadd.f32 v22, v17;
	v22 =	vld [tilespmem:s13+$0x12E30];
	v25 =	vadd.f32 v60, v33  }
0x26a: {  	v1 =	vadd.f32 v23, v1;
	v17 =	vmul.f32 v57, v14;
	v33 =	vld [tilespmem:s13+$0x13640];
	v15 =	vadd.f32 v15, v32  }
0x26b: {  	v14 =	vmul.f32 v47, v14;
	v57 =	vsub.f32 v51, v48;
	v4 =	vadd.f32 v25, v4;
	v25 =	vld [tilespmem:s13+$0x13650]  }
0x26c: {  	v17 =	vadd.f32 v17, v24;
	v24 =	vadd.f32 v63, v39;
	v39 =	vld [tilespmem:s13+$0x13654]  }
0x26d: {  	v32 =	vperm.xlane v20, v10;
	v60 =	vsub.f32 v36, v52;
	v14 =	vadd.f32 v14, v38;
	v38 =	vld [tilespmem:s13+$0x13E10]  }
0x26e: {  	v35 =	vsub.f32 v35, v29;
	v51 =	vsub.f32 v45, v34;
	v45 =	vld [tilespmem:s13+$0x14654]  }
0x26f: {  	v6 =	vadd.f32 v15, v6;
	v15 =	vmul.f32 v26, v32;
	v2 =	vadd.f32 v17, v2;
	v17 =	vld [tilespmem:s13+$0x12E50]  }
0x270: {  	v23 =	vmul.f32 v53, v32;
	v26 =	vmul.f32 v55, v32;
	v5 =	vadd.f32 v24, v5;
	v24 =	vld [tilespmem:s13+$0x14600]  }
0x271: {  	v59 =	vmul.f32 v57, v32;
	v21 =	vsub.f32 v21, v50;
	v15 =	vadd.f32 v15, v43;
	v43 =	vld [tilespmem:s13+$0x13E20]  }
0x272: {  	v23 =	vadd.f32 v23, v40;
	v14 =	vadd.f32 v14, v16;
	v16 =	vld [tilespmem:s13+$0x14620]  }
0x273: {  	v58 =	vadd.f32 v26, v46;
	v40 =	vld [tilespmem:s13+$0x13E30];
	v26 =	vadd.f32 v59, v48  }
0x274: {  	v63 =	vperm.xlane v20, v11;
	v48 =	vld [tilespmem:s13+$0x14640];
	v18 =	vsub.f32 v18, v54;
	v53 =	vsub.f32 v31, v22  }
0x275: {  	v31 =	vld [tilespmem:s13+$0x14E00];
	v33 =	vsub.f32 v33, v37;
	v0 =	vadd.f32 v15, v0;
	v15 =	vmul.f32 v56, v32  }
0x276: {  	v2 =	vadd.f32 v23, v2;
	v6 =	vadd.f32 v26, v6;
	v26 =	vld [tilespmem:s13+$0x14650];
	v18 =	vmul.f32 v18, v63  }
0x277: {  	v4 =	vadd.f32 v58, v4;
	v15 =	vadd.f32 v15, v30;
	v30 =	vmul.f32 v60, v32;
	v60 =	vld [tilespmem:s13+$0x15640]  }
0x278: {  	v55 =	vsub.f32 v39, v28;
	v18 =	vadd.f32 v18, v54;
	v54 =	vmul.f32 v33, v63;
	v33 =	vld [tilespmem:s13+$0x15630]  }
0x279: {  	v58 =	vsub.f32 v42, v38;
	v47 =	vsub.f32 v48, v41;
	v48 =	vld [tilespmem:s13+$0x14E54]  }
0x27a: {  	v25 =	vsub.f32 v25, v17;
	v57 =	vmul.f32 v55, v63;
	v24 =	vsub.f32 v24, v27;
	v55 =	vld [tilespmem:s13+$0x16610]  }
0x27b: {  	v16 =	vsub.f32 v16, v43;
	v1 =	vadd.f32 v15, v1;
	v15 =	vmul.f32 v21, v32;
	v21 =	vld [tilespmem:s13+$0x13E50]  }
0x27c: {  	v61 =	vsub.f32 v61, v40;
	v49 =	vadd.f32 v30, v52;
	v32 =	vld [tilespmem:s13+$0x13E54]  }
0x27d: {  	v52 =	vmul.f32 v51, v63;
	v30 =	vmul.f32 v53, v63;
	v53 =	vld [tilespmem:s13+$0x15E10];
	v15 =	vadd.f32 v15, v50  }
0x27e: {  	v0 =	vadd.f32 v18, v0;
	v18 =	vld [tilespmem:s13+$0x15600];
	v56 =	vadd.f32 v54, v37  }
0x27f: {  	v23 =	vadd.f32 v52, v34;
	v34 =	vld [tilespmem:s13+$0x14E10];
	v14 =	vadd.f32 v15, v14;
	v15 =	vmul.f32 v35, v63  }
0x280: {  	v5 =	vadd.f32 v49, v5;
	v22 =	vadd.f32 v30, v22;
	v35 =	vld [tilespmem:s13+$0x14E20]  }
0x281: {  	v2 =	vadd.f32 v23, v2;
	v23 =	vld [tilespmem:s13+$0x15620];
	v15 =	vadd.f32 v15, v29  }
0x282: {  	v6 =	vadd.f32 v56, v6;
	v1 =	vadd.f32 v22, v1;
	v29 =	vld [tilespmem:s13+$0x15610]  }
0x283: {  	v37 =	vld [tilespmem:s13+$0x14E40];
	v26 =	vsub.f32 v26, v21;
	v4 =	vadd.f32 v15, v4;
	v15 =	vmul.f32 v25, v63  }
0x284: {  	v30 =	vld [tilespmem:s13+$0x14E30];
	v52 =	vsub.f32 v45, v32;
	v46 =	vsub.f32 v55, v53  }
0x285: {  	v50 =	vld [tilespmem:s13+$0x15654];
	v25 =	vadd.f32 v57, v28;
	v15 =	vadd.f32 v15, v17;
	v17 =	vperm.xlane v20, v12  }
0x286: {  	v39 =	vimm.s32 $0x9;
	v18 =	vsub.f32 v18, v31;
	v63 =	vld [tilespmem:s13+$0x15650];
	v23 =	vsub.f32 v23, v35  }
0x287: {  	v14 =	vadd.f32 v25, v14;
	v25 =	vld [tilespmem:s13+$0x14E50];
	v29 =	vsub.f32 v29, v34;
	v59 =	vmul.f32 v24, v17  }
0x288: {  	v36 =	vld [tilespmem:s13+$0x15E00];
	v5 =	vadd.f32 v15, v5;
	v15 =	vmul.f32 v58, v17;
	v16 =	vmul.f32 v16, v17  }
0x289: {  	v51 =	vld [tilespmem:s13+$0x16600];
	v54 =	vperm.xlane v20, v13;
	v24 =	vsub.f32 v60, v37;
	v22 =	vadd.f32 v59, v27  }
0x28a: {  	v56 =	vld [tilespmem:s13+$0x15E20];
	v45 =	vperm.xlane v20, v39;
	v15 =	vadd.f32 v15, v38;
	v16 =	vadd.f32 v16, v43  }
0x28b: {  	v57 =	vld [tilespmem:s13+$0x16620];
	v49 =	vmul.f32 v61, v17;
	v59 =	vsub.f32 v33, v30;
	v27 =	vsub.f32 v50, v48  }
0x28c: {  	v55 =	vld [tilespmem:s13+$0x16E40];
	v26 =	vmul.f32 v26, v17;
	v28 =	vsub.f32 v63, v25;
	v2 =	vadd.f32 v15, v2  }
0x28d: {  	v58 =	vld [tilespmem:s13+$0x16630];
	v15 =	vmul.f32 v47, v17;
	v4 =	vadd.f32 v16, v4;
	v16 =	vadd.f32 v49, v40  }
0x28e: {  	v60 =	vld [tilespmem:s13+$0x16650];
	v0 =	vadd.f32 v22, v0;
	v17 =	vmul.f32 v52, v17;
	v22 =	vsub.f32 v51, v36  }
0x28f: {  	v61 =	vld [tilespmem:s13+$0x16654];
	v28 =	vmul.f32 v28, v54;
	v15 =	vadd.f32 v15, v41;
	v1 =	vadd.f32 v16, v1  }
0x290: {  	v50 =	vld [tilespmem:s13+$0x17620];
	v16 =	vadd.f32 v26, v21;
	v22 =	vmul.f32 v22, v45;
	v26 =	vsub.f32 v57, v56  }
0x291: {  	v38 =	vld [tilespmem:s13+$0x17654];
	v63 =	vadd.f32 v28, v25;
	v6 =	vadd.f32 v15, v6;
	v15 =	vmul.f32 v18, v54  }
0x292: {  	v18 =	vmul.f32 v29, v54;
	v5 =	vadd.f32 v16, v5;
	v16 =	vadd.f32 v17, v32;
	v17 =	vld [tilespmem:s13+$0x15E30]  }
0x293: {  	v49 =	vld [tilespmem:s13+$0x16E20];
	v22 =	vadd.f32 v22, v36;
	v52 =	vmul.f32 v26, v45;
	v15 =	vadd.f32 v15, v31  }
0x294: {  	v18 =	vadd.f32 v18, v34;
	v14 =	vadd.f32 v16, v14;
	v16 =	vmul.f32 v23, v54;
	v23 =	vld [tilespmem:s13+$0x15E50]  }
0x295: {  	v32 =	vld [tilespmem:s13+$0x15E40];
	v5 =	vadd.f32 v63, v5;
	v21 =	vadd.f32 v52, v56  }
0x296: {  	v56 =	vld [tilespmem:s13+$0x17640];
	v2 =	vadd.f32 v18, v2;
	v18 =	vmul.f32 v59, v54;
	v16 =	vadd.f32 v16, v35  }
0x297: {  	v0 =	vadd.f32 v15, v0;
	v15 =	vld [tilespmem:s13+$0x16640];
	v29 =	vsub.f32 v58, v17  }
0x298: {  	v24 =	vmul.f32 v24, v54;
	v18 =	vadd.f32 v18, v30;
	v30 =	vld [tilespmem:s13+$0x15E54];
	v4 =	vadd.f32 v16, v4  }
0x299: {  	v16 =	vld [tilespmem:s13+$0x16E00];
	v0 =	vadd.f32 v22, v0;
	v57 =	vsub.f32 v60, v23  }
0x29a: {  	v58 =	vld [tilespmem:s13+$0x16E50];
	v1 =	vadd.f32 v18, v1;
	v18 =	vadd.f32 v24, v37  }
0x29b: {  	v60 =	vld [tilespmem:s13+$0x17650];
	v37 =	vmul.f32 v27, v54;
	v4 =	vadd.f32 v21, v4;
	v24 =	vsub.f32 v56, v55  }
0x29c: {  	v40 =	vimm.s32 $0xA;
	v51 =	vld [tilespmem:s13+$0x16E30];
	v15 =	vsub.f32 v15, v32;
	v6 =	vadd.f32 v18, v6  }
0x29d: {  	v35 =	vld [tilespmem:s13+$0x16E10];
	v47 =	vadd.f32 v37, v48;
	v48 =	vmul.f32 v46, v45;
	v59 =	vsub.f32 v61, v30  }
0x29e: {  	v63 =	vperm.xlane v20, v40;
	v18 =	vld [tilespmem:s13+$0x17610];
	v27 =	vsub.f32 v44, v16;
	v44 =	vsub.f32 v50, v49  }
0x29f: {  	v54 =	vld [tilespmem:s13+$0x17630];
	v15 =	vmul.f32 v15, v45;
	v25 =	vadd.f32 v48, v53;
	v14 =	vadd.f32 v47, v14  }
0x2a0: {  	v61 =	vld [tilespmem:s13+$0x16E54];
	v53 =	vmul.f32 v29, v45;
	v31 =	vsub.f32 v60, v58;
	v21 =	vmul.f32 v59, v45  }
0x2a1: {  	v42 =	vld [tilespmem:s13+$0x17E00];
	v15 =	vadd.f32 v15, v32;
	v2 =	vadd.f32 v25, v2  }
0x2a2: {  	v43 =	vld [tilespmem:s13+$0x18600];
	v27 =	vmul.f32 v27, v63;
	v17 =	vadd.f32 v53, v17;
	v21 =	vadd.f32 v21, v30  }
0x2a3: {  	v46 =	vld [tilespmem:s13+$0x17E20];
	v50 =	vmul.f32 v31, v63;
	v18 =	vsub.f32 v18, v35;
	v6 =	vadd.f32 v15, v6  }
0x2a4: {  	v47 =	vld [tilespmem:s13+$0x18620];
	v16 =	vadd.f32 v27, v16;
	v1 =	vadd.f32 v17, v1;
	v17 =	vmul.f32 v57, v45  }
0x2a5: {  	v41 =	vimm.s32 $0xB;
	v48 =	vld [tilespmem:s13+$0x17E30];
	v45 =	vsub.f32 v54, v51;
	v52 =	vsub.f32 v38, v61  }
0x2a6: {  	v20 =	vperm.xlane v20, v41;
	v59 =	vld [tilespmem:s13+$0x18654];
	v26 =	vadd.f32 v50, v58;
	v17 =	vadd.f32 v17, v23  }
0x2a7: {  	v53 =	vld [tilespmem:s13+$0x18640];
	v14 =	vadd.f32 v21, v14;
	v0 =	vadd.f32 v16, v0;
	v16 =	vmul.f32 v24, v63  }
0x2a8: {  	v15 =	vld [tilespmem:s13+$0x17E10];
	v21 =	vmul.f32 v44, v63;
	v5 =	vadd.f32 v17, v5;
	v17 =	vmul.f32 v18, v63  }
0x2a9: {  	v54 =	vsub.f32 v43, v42;
	v27 =	vmul.f32 v45, v63;
	v16 =	vadd.f32 v16, v55;
	v18 =	vld [tilespmem:s13+$0x18610]  }
0x2aa: {  	v58 =	vld [tilespmem:s13+$0x17E54];
	v21 =	vadd.f32 v21, v49;
	v17 =	vadd.f32 v17, v35  }
0x2ab: {  	v49 =	vadd.f32 v27, v51;
	v51 =	vld [tilespmem:s13+$0x17E40];
	v6 =	vadd.f32 v16, v6;
	v16 =	vmul.f32 v54, v20  }
0x2ac: {  	v2 =	vadd.f32 v17, v2;
	v17 =	vld [tilespmem:s13+$0x18630]  }
0x2ad: {  	v57 =	vld [tilespmem:s13+$0x18650];
	v60 =	vsub.f32 v47, v46;
	v56 =	vmul.f32 v52, v63;
	v16 =	vadd.f32 v16, v42  }
0x2ae: {  	v55 =	vld [tilespmem:s13+$0x17E50];
	v4 =	vadd.f32 v21, v4;
	v18 =	vsub.f32 v18, v15  }
0x2af: {  	v21 =	vadd.f32 v56, v61;
	v0 =	vadd.f32 v16, v0;
	v16 =	vmul.f32 v60, v20  }
0x2b0: {  	v63 =	vsub.f32 v59, v58;
	v61 =	vsub.f32 v53, v51;
	v18 =	vmul.f32 v18, v20  }
0x2b1: {  	v16 =	vadd.f32 v16, v46;
	v17 =	vsub.f32 v17, v48  }
0x2b2: {  	v14 =	vadd.f32 v21, v14;
	v21 =	vmul.f32 v61, v20;
	v15 =	vadd.f32 v18, v15  }
0x2b3: {  	v18 =	vsub.f32 v57, v55;
	v4 =	vadd.f32 v16, v4;
	v17 =	vmul.f32 v17, v20  }
0x2b4: {  	v16 =	vadd.f32 v21, v51;
	v2 =	vadd.f32 v15, v2  }
0x2b5: {  	v1 =	vadd.f32 v49, v1;
	v15 =	vadd.f32 v17, v48;
	v17 =	vmul.f32 v18, v20  }
0x2b6: {  	v5 =	vadd.f32 v26, v5;
	v18 =	vmul.f32 v63, v20;
	[tilespmem:s9+$0xFFFFFFE0] =	vst v2;
	v2 =	vadd.f32 v16, v6  }
0x2b7: {  	p0 =	sne.s32 s8, $0x1E00;
	[tilespmem:s9+$0xFFFFFFD0] =	vst v0;
	v0 =	vadd.f32 v15, v1;
	v1 =	vadd.f32 v17, v55  }
.Ltmp2:
0x2b8: {  	[tilespmem:s9+$0xFFFFFFF0] =	vst v4;
	v6 =	vadd.f32 v18, v58;
	(pc) =	sbr.rel @p0 .LBB2_7-.Ltmp2, $4  }
0x2b9: {  	[tilespmem:s9+$0x10] =	vst v2;
	v1 =	vadd.f32 v1, v5  }
0x2ba: {  	[tilespmem:s9+$0x0] =	vst v0;
	v0 =	vadd.f32 v6, v14  }
0x2bb: {  	[tilespmem:s9+$0x20] =	vst v1  }
0x2bc: {  	s12 =	sadd.s32 $0x1, s12;
	s8 =	sadd.s32 $0x200, s8;
	v62 =	vimm.s32 $0x1;
	[tilespmem:s9+$0x24] =	vst v0;
	s9 =	sadd.s32 $0x64, s9  }
0x2bd: {  	s10 =	sadd.s32 $0x1, s10  }
0x2be: {  	s7 =	smul.u32 $0x64, s7;
	p0 =	sne.s32 s10, $0x20  }
.Ltmp3:
0x2bf: {  	_ = 	snop;
	(pc) =	sbr.rel @p0 .LBB2_2-.Ltmp3, $4  }
0x2c0: {  	_ = 	snop  }
0x2c1: {  	s7 =	sshrl.u32 s7, $0x3  }
0x2c2: {  	s7 =	sadd.s32 s3, s7  }
0x2c3: {  	v38 =	vlaneseq.u32;
	[hbm4b:s7+s4] =	stream.linear.scatter [tilespmem:s14], [sflag:$0x4], $0x640, $0x38;
	[tilespmem:$0x19B00] =	vst v63  }
0x2c4: {  	s7 =	simm.s32 $0x3  }
0x2c5: {  	_ =	swait.ge [sflag:s7], $0x640  }
0x2c6: {  	[sflag:s7] =	ssyncset.done $0x0  }
0x2c7: {  	s8 =	simm.s32 $0x4;
	[sflag:s7] =	ssyncadd.s32 $0xFFFFF9C0  }
0x2c8: {  	_ =	swait.ge [sflag:s8], $0x640  }
0x2c9: {  	s9 =	rddreg [dreg:$0x9]  }
0x2ca: {  	s17 =	rddreg [dreg:$0x8];
	s9 =	sadd.s32 $0x1, s9  }
0x2cb: {  	p0 =	sne.s32 s9, s17  }
.Ltmp4:
0x2cc: {  	_ = 	snop;
	(pc) =	sbr.rel @p0 .LBB2_1-.Ltmp4, $3  }
0x2cd: {  	_ =	sdelay $0x1  }
0x2ce: {  	[sflag:s8] =	ssyncset.done $0x0  }
0x2cf: {  	[sflag:s8] =	ssyncadd.s32 $0xFFFFF9C0  }
0x2d0: {  	_ =	sfence.sel $0x180000  }
0x2d1: {  	[bflag:$0x0] =	sbarrier.arrive $0xFFFF  }
0x2d2: {  	_ =	strace $0x9000004A  }
0x2d3: {  	s0 =	stileid.u32;
	[bflag:$0x2] =	sbarrier.arrive $0xFFFF  }
0x2d4: {  	p0 =	sne.s32 s0, $0x0;
	s0 =	rddreg [dreg:$0x4]  }
0x2d5: {  	s0 =	sadd.s32 @!p0 $0x100000, s0  }
0x2d6: {  	[sflag:s0] =	ssyncadd.tile.s32 @!p0 $0x1;
	_ =	shalt  }
.Lfunc_end2:
_tile_overlayer_lowered:
.L_overlay_start_2:
0x2d7: {  	(tag) =	ssettag $0x2  }
0x2d8: {  	s0 =	rddreg [dreg:$0x0];
	s2 =	stileid.u32  }
0x2d9: {  	s1 =	rddreg [dreg:$0x1];
	p0 =	sne.s32 s2, $0x0  }
0x2da: {  	s3 =	rddreg [dreg:$0x2];
	[bflag:$0x3] =	sbarrier.arrive $0xFFFF;
	s2 =	simm.s32 @!p0 $0x1C05  }
0x2db: {  	[timem:s3], [sflag:s2] =	dma.local @!p0 [hbm:s0], s1  }
0x2dc: {  	s0 =	simm.s32 @!p0 $0x5  }
0x2dd: {  	_ =	swait.ge @!p0 [sflag:s0], s1  }
0x2de: {  	s1 =	ssub.s32 @!p0 $0x0, s1;
	[sflag:s0] =	ssyncset.done @!p0 $0x0  }
0x2df: {  	[sflag:s0] =	ssyncadd.s32 @!p0 s1  }
0x2e0: {  	[bflag:$0x3] =	sbarrier.arrive $0xFFFF  }
0x2e1: {  	_ =	shalt  }

// kernel: sparse-core-data-format-call.cloned.1.call-start
scs
called_computation_lowered:
.L_overlay_start_0:
0x0: {  	s1 =	sld [smem:$0x3FD9]  }
0x1: {  	s2 =	sld [smem:$0x3FFE];
	_ =	sdelay $0x1  }
0x2: {  	s3 =	srdreg.scid  }
0x3: {  	s0 =	sand.u32 $0x1, s3  }
0x4: {  	s17 =	sshll.u32 s0, $0xA;
	s1 =	sadd.s32 s2, s1  }
0x5: {  	s1 =	sadd.s32 s1, s17  }
0x6: {  	[smem:$0x3FC4] =	sst s1  }
0x7: {  	_ = 	snop  }
0x8: {  	(tm) =	ssettm $0x1  }
0x9: {  	s18 =	sld [smem:$0x3FFB];
	_ =	sdelay $0x3  }
0xa: {  	_ =	strace s18  }
0xb: {  	s1 =	sld [smem:$0x3FFC];
	_ =	sdelay $0x3  }
0xc: {  	_ =	strace s1  }
0xd: {  	s1 =	sld [smem:$0x3FFD];
	_ =	sdelay $0x3  }
0xe: {  	_ =	strace s1  }
0xf: {  	_ =	strace $0x8FFFFFFF  }
0x10: {  	s19 =	sld [smem:$0x3FDB];
	_ =	sdelay $0x1  }
0x11: {  	s20 =	simm.s32 $_scs_section_size  }
0x12: {  	s4 =	simm.s32 $_size__tile_overlayer_lowered;
	s5 =	simm.s32 $_tile_overlayer_lowered  }
0x13: {  	s23 =	simm.s32 $0x1BFF;
	s22 =	sshll.u32 s5, $0x1;
	s1 =	sadd.s32 s20, s19  }
0x14: {  	s6 =	simm.s32 $0x0;
	s21 =	sshll.u32 s4, $0x1;
	s4 =	sadd.s32 s22, s1  }
0x15: {  	[timem:s6], [sflag:s23] =	dma.local [hbm:s4], s21  }
0x16: {  	_ =	swait.ge [sflag:s23], s21  }
0x17: {  	s2 =	ssub.s32 $0x0, s21;
	[sflag:s23] =	ssyncset.done $0x0  }
0x18: {  	[sflag:s23] =	ssyncadd.s32 s2;
	_ =	sdelay $0x1  }
0x19: {  	s24 =	simm.s32 $0x1B8B  }
0x1a: {  	_ =	swait.ge [sflag:s24], $0x1  }
0x1b: {  	[sflag:s24] =	ssyncset.done $0x0  }
0x1c: {  	s26 =	simm.s32 $0x1B8E;
	s25 =	sld [smem:$0x3FFE];
	[sflag:s24] =	ssyncadd.s32 $0xFFFFFFFF  }
0x1d: {  	s27 =	simm.s32 $execute0_lowered;
	[smem:$0x3FD2] =	sst s26  }
0x1e: {  	s4 =	sshll.u32 s27, $0x1;
	_ =	strace $0x80000046;
	[dreg:$0x1] =	wrdreg $0xFFFFFFFF  }
0x1f: {  	s28 =	simm.s32 $_size_execute0_lowered;
	s1 =	sadd.s32 s1, s4;
	[dreg:$0x0] =	wrdreg $0x0  }
0x20: {  	s4 =	sshll.u32 s28, $0x1;
	[dreg:$0x2] =	wrdreg s1  }
0x21: {  	[dreg:$0x3] =	wrdreg s4  }
0x22: {  	[dreg:$0x4] =	wrdreg $0xC0  }
0x23: {  	_ =	task [dreg:s6], $0x5FFFF  }
0x24: {  	[dreg:$0x1] =	wrdreg $0xFFFFFFFF  }
0x25: {  	[dreg:$0x0] =	wrdreg $0x60  }
0x26: {  	[dreg:$0x2] =	wrdreg s25  }
0x27: {  	[dreg:$0x3] =	wrdreg $0x9  }
0x28: {  	_ =	task.clear_ibuf [dreg:s6], $0x4FFFF;
	_ =	strace $0x90000046  }
0x29: {  	s29 =	simm.s32 $0x9;
	_ =	strace $0x80000048  }
0x2a: {  	_ =	swait.ge [sflag:s29], $0x1  }
0x2b: {  	[sflag:s29] =	ssyncadd.s32 $0xFFFFFFFF  }
0x2c: {  	_ =	strace $0x90000048  }
0x2d: {  	_ =	sfence  }
0x2e: {  	s30 =	sld [smem:$0x0];
	_ =	sdelay $0x2  }
0x2f: {  	s31 =	sshll.u32 s3, $0xD;
	s3 =	sshrl.u32 s3, $0x2  }
0x30: {  	s2 =	sand.u32 $0x4000, s31;
	s1 =	sadd.s32 s3, s30  }
0x31: {  	s0 =	sor.u32 s2, s0;
	s1 =	sshll.u32 s1, $0x11  }
0x32: {  	s0 =	sor.u32 s1, s0  }
0x33: {  	s0 =	sadd.s32 $0x8F2B, s0  }
0x34: {  	[sflag:s0] =	ssyncadd.remote.s32 $0x1  }
0x35: {  	_ =	sfence.sel $0xFFFF  }
0x36: {  	[dreg:$0x0] =	wrdreg $0xFFFFFFFF;
	(pc) =	sbr.abs _section_cstart, $3  }
0x37: {  	[dreg:$0x1] =	wrdreg $0xFFFFFFFF  }
0x38: {  	_ =	task.clear_ibuf [dreg:s6], $0x2FFFF;
	_ =	strace $0x9FFFFFFF  }
0x39: {  	(tm) =	ssettm $0x7FFFFFFF  }
tec
execute0_lowered:
.L_overlay_start_1:
0x0: {  	(tag) =	ssettag $0x1  }
0x1: {  	s0 =	srdreg.scid  }
0x2: {  	s5 =	rddreg [dreg:$0x0];
	s1 =	sshll.u32 s0, $0x4  }
0x3: {  	s4 =	simm.s32 $0x1;
	s0 =	stileid.u32;
	s1 =	sand.u32 $0x10, s1  }
0x4: {  	s8 =	simm.s32 $0x2;
	s12 =	simm.s32 $0x0;
	s2 =	sor.u32 s0, s1  }
0x5: {  	s11 =	simm.s32 $0x0;
	s9 =	simm.s32 $0x0;
	s2 =	sshll.u32 s2, $0x7  }
0x6: {  	s10 =	simm.s32 $0x0;
	s3 =	sadd.s32 $0xA00, s5;
	s6 =	ssub.s32 $0x3A880, s2  }
.Ltmp0:
0x7: {  	s1 =	rddreg [dreg:$0x1];
	s7 =	sand.u32 $0xF80, s6;
	(pc) =	sbr.rel .LBB1_1-.Ltmp0, $4  }
0x8: {  	_ =	strace $0x80000047;
	p0 =	sne.s32 s7, $0x0;
	s7 =	simm.s32 $0x1  }
0x9: {  	[sflag:s4] =	ssyncpa.u1 $0x0;
	s6 =	sshrl.u32 s6, $0xC;
	s7 =	simm.s32 @!p0 $0x0  }
0xa: {  	s5 =	sadd.s32 $0x2F9A00, s5;
	[sflag:s8] =	ssyncpa.u1 $0x0;
	s6 =	sadd.s32 s7, s6  }
0xb: {  	s8 =	smov.u32 s2;
	p0 =	por $0x0, $0x0;
	s7 =	sadd.s32 $0x1, s6  }
.LBB1_4:
0xc: {  	s12 =	sshll.u32 s12, $0x7;
	s18 =	sshll.u32 s11, $0x3  }
0xd: {  	v5 =	vld [tilespmem:s16+$0xFFFFFFD0];
	[tilespmem:s15+$0x2040 ss:$0x81] =	vst.msk $0xffff, v4;
	s19 =	sand.u32 $0xFFFFFC00, s12;
	s18 =	sand.u32 $0xFFFFFC00, s18  }
0xe: {  	v58 =	vld [tilespmem:s16+$0xFFFFFFE0];
	[tilespmem:s15+$0x2850 ss:$0x81] =	vst.msk $0xffff, v3;
	s12 =	sand.u32 $0x380, s12;
	s18 =	sadd.s32 s18, s19  }
0xf: {  	s17 =	sshra.s32 s17, $0x2;
	v59 =	vld [tilespmem:s16+$0xFFFFFFF0];
	[tilespmem:s15+$0x3060 ss:$0x81] =	vst.msk $0xffff, v2;
	s12 =	sor.u32 s12, s18  }
0x10: {  	v60 =	vld [tilespmem:s16+$0x0];
	[tilespmem:s15+$0x0 ss:$0x81] =	vst.msk $0xffff, v0;
	s14 =	sadd.s32 s17, s14;
	s12 =	sshrl.u32 s12, $0x7  }
0x11: {  	v61 =	vld [tilespmem:s16+$0x10];
	[tilespmem:s14+$0x3870 ss:$0x81] =	vst.msk $0xffff, v1;
	s28 =	smulhi.u32 $0x8BF59D, s12  }
0x12: {  	v62 =	vld [tilespmem:s16+$0x20];
	[tilespmem:s14+$0x810 ss:$0x81] =	vst.msk $0xffff, v5  }
0x13: {  	v63 =	vld [tilespmem:s16+$0xFFFFFFC0];
	[tilespmem:s14+$0x1020 ss:$0x81] =	vst.msk $0xffff, v58;
	s15 =	sshrl.u32 s28, $0x9  }
0x14: {  	[tilespmem:s14+$0x1830 ss:$0x81] =	vst.msk $0xffff, v59;
	s15 =	smul.u32 $0x3A880, s15  }
0x15: {  	s29 =	sshrl.u32 s11, $0x3;
	[tilespmem:s14+$0x2040 ss:$0x81] =	vst.msk $0xffff, v60  }
0x16: {  	s30 =	sand.u32 $0xF, s29;
	[tilespmem:s14+$0x2850 ss:$0x81] =	vst.msk $0xffff, v61;
	s12 =	ssub.s32 s12, s15  }
0x17: {  	[tilespmem:s14+$0x3060 ss:$0x81] =	vst.msk $0xffff, v62;
	s15 =	sadd.s32 s5, s30;
	s12 =	sshll.u32 s12, $0x4  }
0x18: {  	s31 =	sand.u32 $0x7, s11;
	[tilespmem:s14+$0x0 ss:$0x81] =	vst.msk $0xffff, v63;
	s12 =	sadd.s32 s12, s15  }
0x19: {  	[hbm4b:s12+s31] =	stream.linear.scatter [tilespmem:s13], [sflag:$0x2], $0x4000, $0x20;
	[tilespmem:$0x10100] =	vst v63  }
.LBB1_5:
0x1a: {  	s13 =	sadd.s32 $0x1000, s8  }
0x1b: {  	s11 =	sadd.s32 $0x80, s9;
	s15 =	smov.u32 s9;
	p2 =	sgt.s32 s13, $0x3A87F  }
0x1c: {  	s15 =	smov.u32 @p2 s11  }
0x1d: {  	s13 =	smov.u32 @p2 s2;
	p2 =	sgt.s32 s15, $0x63  }
0x1e: {  	s15 =	simm.s32 @p2 $0x0;
	p2 =	sne.s32 s10, s7  }
.Ltmp1:
0x1f: {  	p1 =	slt.u32 s10, $0x2;
	(pc) =	sbr.rel @!p2 .LBB1_6-.Ltmp1, $4  }
0x20: {  	s14 =	simm.s32 @!p1 $0x2  }
0x21: {  	s12 =	smov.u32 s8;
	p0 =	por !p0, !p0;
	_ =	swait.ge @!p1 [sflag:s14], $0x4000  }
0x22: {  	s11 =	smov.u32 s9;
	[sflag:s14] =	ssyncset.done @!p1 $0x0;
	s8 =	smov.u32 s13  }
0x23: {  	s10 =	sadd.s32 $0x1, s10;
	[sflag:s14] =	ssyncadd.s32 @!p1 $0xFFFFC000;
	s9 =	smov.u32 s15  }
.LBB1_1:
0x24: {  	p1 =	sge.u32 s10, s6  }
0x25: {  	s13 =	sshrl.u32 @!p1 s9, $0x3  }
0x26: {  	s19 =	smov.u32 s8;
	s14 =	sshll.u32 @!p1 s8, $0x3;
	s13 =	smul.u32 @!p1 $0x1D4400, s13  }
0x27: {  	s31 =	sadd.s32 $0xFFFFFFFF, s10;
	s15 =	sshll.u32 @!p1 s9, $0x7;
	s14 =	sand.u32 @!p1 $0xFFFFFC00, s14  }
0x28: {  	s16 =	sand.u32 @!p1 $0x7F, s8;
	s13 =	sadd.s32 @!p1 s13, s14;
	s14 =	sand.u32 @!p1 $0x380, s15  }
0x29: {  	p2 =	sgt.s32 @!p1 s9, $0xFFFFFFE8;
	s18 =	sshra.s32 @!p1 s9, $0x1F;
	s13 =	sor.u32 @!p1 s14, s13  }
0x2a: {  	s20 =	sshra.s32 @!p1 s8, $0x1F;
	p2 =	por !p2, p1;
	s14 =	sshrl.u32 @!p1 s13, $0x7  }
0x2b: {  	s13 =	sor.u32 @!p1 s16, s13;
	s16 =	smov.u32 s9;
	s14 =	smulhi.u32 @!p1 $0x8BF59D, s14  }
0x2c: {  	s18 =	sand.u32 @!p1 s18, s9;
	s16 =	simm.s32 @p2 $0xFFFFFFE8;
	p2 =	sgt.s32 @!p1 s8, $0x3A800  }
0x2d: {  	s20 =	sand.u32 @!p1 s20, s8;
	p2 =	por !p2, p1;
	s14 =	sshrl.u32 @!p1 s14, $0x2  }
0x2e: {  	s15 =	sxor.u32 @!p1 $0xFFFFFFFF, s10;
	s19 =	simm.s32 @p2 $0x3A800;
	s17 =	smul.u32 @!p1 $0x4EC5, s14  }
0x2f: {  	s15 =	sshll.u32 @!p1 s15, $0xE;
	s16 =	ssub.s32 @!p1 s16, s18;
	s18 =	ssub.s32 @!p1 s19, s20  }
0x30: {  	s19 =	sadd.s32 @!p1 $0x18, s16;
	s16 =	ssub.s32 @!p1 $0x68, s16;
	s17 =	sshrl.u32 @!p1 s17, $0x15  }
0x31: {  	s20 =	sadd.s32 @!p1 $0xFFFC5800, s18;
	p2 =	sgt.s32 @!p1 s19, $0x7F;
	s17 =	smul.u32 @!p1 $0x68, s17  }
0x32: {  	s18 =	ssub.s32 @!p1 $0x3A880, s18;
	p3 =	sgt.s32 @!p1 s20, $0x7F;
	p2 =	por !p2, p1  }
0x33: {  	p3 =	por !p3, p1;
	s17 =	ssub.s32 @!p1 s14, s17;
	s14 =	smul.u32 @!p1 $0x3A880, s14  }
0x34: {  	s15 =	sand.u32 @!p1 $0x4000, s15;
	s16 =	simm.s32 @!p2 $0x0;
	s18 =	simm.s32 @!p3 $0x0  }
0x35: {  	s16 =	smul.u32 @!p1 s16, s18;
	s13 =	ssub.s32 @!p1 s13, s14;
	s14 =	sand.u32 @!p1 $0xFFFF, s17  }
0x36: {  	s14 =	smul.u32 @!p1 $0x7510, s14;
	s17 =	sshrl.u32 @!p1 s13, $0x3;
	s13 =	sand.u32 @!p1 $0x7, s13  }
0x37: {  	s16 =	sand.u32 @!p1 $0x3FFFFFFF, s16;
	s17 =	sadd.s32 @!p1 s3, s17;
	s13 =	sshll.u32 @!p1 s13, $0x12  }
0x38: {  	s14 =	sadd.s32 @!p1 s14, s17;
	s13 =	sor.u32 @!p1 $0x400, s13;
	s17 =	simm.s32 @!p1 $0x1D4400  }
0x39: {  	[tilespmem:s15], [sflag:$0x1] =	stream.strided.gather @!p1 [hbm4b:s14+s13], s16, s17, s13, $0x38;
	[tilespmem:$0x10100] =	vst v63  }
0x3a: {  	p1 =	sge.u32 s31, s6  }
.Ltmp2:
0x3b: {  	_ = 	snop;
	(pc) =	sbr.rel @p1 .LBB1_5-.Ltmp2, $1  }
0x3c: {  	_ =	sdelay $0x3  }
0x3d: {  	p1 =	sgt.s32 s11, $0xFFFFFFE8  }
0x3e: {  	s13 =	smov.u32 s11;
	s14 =	sshra.s32 s11, $0x1F;
	s15 =	smov.u32 s12  }
0x3f: {  	s16 =	sshra.s32 s12, $0x1F;
	s13 =	simm.s32 @!p1 $0xFFFFFFE8;
	p1 =	sgt.s32 s12, $0x3A800  }
0x40: {  	s14 =	sand.u32 s14, s11;
	s26 =	sand.u32 s16, s12;
	s15 =	simm.s32 @!p1 $0x3A800  }
0x41: {  	s13 =	ssub.s32 s13, s14;
	s14 =	ssub.s32 s15, s26  }
0x42: {  	s27 =	sadd.s32 $0x18, s13;
	s13 =	ssub.s32 $0x68, s13;
	s15 =	sadd.s32 $0xFFFC5800, s14  }
0x43: {  	p1 =	sgt.s32 s27, $0x7F;
	s14 =	ssub.s32 $0x3A880, s14;
	p2 =	sgt.s32 s15, $0x7F  }
0x44: {  	s13 =	simm.s32 @p1 $0x0;
	s14 =	simm.s32 @p2 $0x0  }
0x45: {  	s13 =	smul.u32 s13, s14;
	_ =	sdelay $0x1  }
0x46: {  	s14 =	simm.s32 $0x1;
	s13 =	sand.u32 $0x3FFFFFFF, s13  }
0x47: {  	s14 =	simm.s32 @!p0 $0x0;
	_ =	swait.ge [sflag:s4], s13  }
0x48: {  	s28 =	sshll.u32 s14, $0xE;
	s13 =	ssub.s32 $0x0, s13;
	[sflag:s4] =	ssyncset.done $0x0  }
0x49: {  	s29 =	sor.u32 $0x40, s28;
	[sflag:s4] =	ssyncadd.s32 s13  }
0x4a: {  	s30 =	smul.u32 $0x10200, s14;
	v0 =	vld [tilespmem:s29+$0x30]  }
0x4b: {  	v1 =	vld [tilespmem:s29+$0xFFFFFFD0]  }
0x4c: {  	s13 =	sshrl.u32 s30, $0x2;
	v5 =	vld [tilespmem:s29+$0xFFFFFFE0]  }
0x4d: {  	s14 =	sor.u32 $0x8000, s13;
	v6 =	vld [tilespmem:s29+$0xFFFFFFF0]  }
0x4e: {  	s31 =	sand.u32 $0x1, s10;
	v4 =	vld [tilespmem:s29+$0x0];
	s15 =	sadd.s32 $0x0, s14  }
0x4f: {  	s13 =	smul.u32 $0x10200, s31;
	v3 =	vld [tilespmem:s29+$0x10];
	[tilespmem:s15+$0x3870 ss:$0x81] =	vst.msk $0xffff, v0  }
0x50: {  	v2 =	vld [tilespmem:s29+$0x20];
	[tilespmem:s15+$0x810 ss:$0x81] =	vst.msk $0xffff, v1  }
0x51: {  	s16 =	sadd.s32 $0x80, s29;
	s13 =	sshrl.u32 s13, $0x2;
	v0 =	vld [tilespmem:s29+$0xFFFFFFC0];
	[tilespmem:s15+$0x1020 ss:$0x81] =	vst.msk $0xffff, v5  }
0x52: {  	s17 =	simm.s32 $0x4;
	s18 =	simm.s32 $0x8;
	s13 =	sor.u32 $0x8000, s13;
	v1 =	vld [tilespmem:s16+$0x30];
	[tilespmem:s15+$0x1830 ss:$0x81] =	vst.msk $0xffff, v6  }
.LBB1_3:
0x53: {  	p1 =	sne.s32 s18, $0x1FC;
	v5 =	vld [tilespmem:s16+$0xFFFFFFD0];
	[tilespmem:s15+$0x2040 ss:$0x81] =	vst.msk $0xffff, v4  }
0x54: {  	v6 =	vld [tilespmem:s16+$0xFFFFFFE0];
	[tilespmem:s15+$0x2850 ss:$0x81] =	vst.msk $0xffff, v3  }
0x55: {  	s19 =	sshra.s32 s17, $0x2;
	s17 =	smov.u32 s18;
	v7 =	vld [tilespmem:s16+$0xFFFFFFF0];
	[tilespmem:s15+$0x3060 ss:$0x81] =	vst.msk $0xffff, v2  }
.Ltmp3:
0x56: {  	v4 =	vld [tilespmem:s16+$0x0];
	[tilespmem:s15+$0x0 ss:$0x81] =	vst.msk $0xffff, v0;
	s15 =	sadd.s32 s19, s14;
	(pc) =	sbr.rel @p1 .LBB1_3-.Ltmp3, $4  }
0x57: {  	v3 =	vld [tilespmem:s16+$0x10];
	[tilespmem:s15+$0x3870 ss:$0x81] =	vst.msk $0xffff, v1  }
0x58: {  	[tilespmem:s15+$0x810 ss:$0x81] =	vst.msk $0xffff, v5;
	v2 =	vld [tilespmem:s16+$0x20]  }
0x59: {  	v0 =	vld [tilespmem:s16+$0xFFFFFFC0];
	[tilespmem:s15+$0x1020 ss:$0x81] =	vst.msk $0xffff, v6;
	s16 =	sadd.s32 $0x80, s16  }
0x5a: {  	s18 =	sadd.s32 $0x4, s18;
	v1 =	vld [tilespmem:s16+$0x30];
	[tilespmem:s15+$0x1830 ss:$0x81] =	vst.msk $0xffff, v7  }
.Ltmp4:
0x5b: {  	_ = 	snop;
	(pc) =	sbr.rel .LBB1_4-.Ltmp4, $1  }
0x5c: {  	_ =	sdelay $0x3  }
.LBB1_6:
0x5d: {  	_ =	sfence.sel $0x180000  }
0x5e: {  	s2 =	simm.s32 $0x1;
	[bflag:$0x0] =	sbarrier.arrive $0xFFFF  }
0x5f: {  	s31 =	simm.s32 $0x2;
	[sflag:s2] =	ssyncpa.u1 $0x1  }
0x60: {  	[sflag:s31] =	ssyncpa.u1 $0x1  }
0x61: {  	p0 =	sne.s32 s0, $0x0;
	_ =	strace $0x90000047  }
0x62: {  	s0 =	sadd.s32 @!p0 $0x100000, s1;
	[bflag:$0x2] =	sbarrier.arrive $0xFFFF  }
0x63: {  	[sflag:s0] =	ssyncadd.tile.s32 @!p0 $0x1;
	_ =	shalt  }
.Lfunc_end1:
_tile_overlayer_lowered:
.L_overlay_start_2:
0x64: {  	(tag) =	ssettag $0x2  }
0x65: {  	s0 =	rddreg [dreg:$0x0];
	s2 =	stileid.u32  }
0x66: {  	s1 =	rddreg [dreg:$0x1];
	p0 =	sne.s32 s2, $0x0  }
0x67: {  	s3 =	rddreg [dreg:$0x2];
	[bflag:$0x3] =	sbarrier.arrive $0xFFFF;
	s2 =	simm.s32 @!p0 $0x1C01  }
0x68: {  	[timem:s3], [sflag:s2] =	dma.local @!p0 [hbm:s0], s1  }
0x69: {  	s0 =	simm.s32 @!p0 $0x1  }
0x6a: {  	_ =	swait.ge @!p0 [sflag:s0], s1  }
0x6b: {  	s1 =	ssub.s32 @!p0 $0x0, s1;
	[sflag:s0] =	ssyncset.done @!p0 $0x0  }
0x6c: {  	[sflag:s0] =	ssyncadd.s32 @!p0 s1  }
0x6d: {  	[bflag:$0x3] =	sbarrier.arrive $0xFFFF  }
0x6e: {  	_ =	shalt  }

</sc_bundles>
